<compile_context>
chip_gen: v7x
topology: tpu7x:2x2x1
jax: 0.10.2.dev20260603
libtpu: 0.0.44.dev20260713+nightly
codegen_flags: <defaults>
</compile_context>

<pallas_src>
import functools

import jax
import jax.numpy as jnp
from jax import lax
from jax.experimental import pallas as pl
from jax.experimental.pallas import tpu as pltpu
from jax.experimental.pallas import tpu_sc as plsc

_N = 50000
_C = 128
_FE = 9
_G = 32
_EPS = 1e-5

_NC = 2
_NS = 16
_NW = _NC * _NS
_VS = 14
_SPI = 2
_VPI = _VS * _SPI
_ITERS = 32
_PW = _VPI * _ITERS
_NP = _PW * _NW
_BV = 512
_MT = 42 * _BV


def _stats_call(lv):
    rows = 5000
    grid = _N // rows

    def kern(x_ref, o_ref, acc_ref):
        i = pl.program_id(0)

        @pl.when(i == 0)
        def _init():
            acc_ref[...] = jnp.zeros_like(acc_ref)

        x = x_ref[...]
        acc_ref[0:1, :] = acc_ref[0:1, :] + jnp.sum(x, axis=0, keepdims=True)
        acc_ref[1:2, :] = acc_ref[1:2, :] + jnp.sum(x * x, axis=0, keepdims=True)

        @pl.when(i == grid - 1)
        def _out():
            o_ref[...] = acc_ref[...]

    return pl.pallas_call(
        kern,
        grid=(grid,),
        in_specs=[pl.BlockSpec((rows, _C), lambda i: (i, 0))],
        out_specs=pl.BlockSpec((2, _C), lambda i: (0, 0)),
        out_shape=jax.ShapeDtypeStruct((2, _C), jnp.float32),
        scratch_shapes=[pltpu.VMEM((2, _C), jnp.float32)],
    )(lv)


def _sc_conv(lv, idx_p, params):
    mesh = plsc.VectorSubcoreMesh(core_axis_name="c", subcore_axis_name="s")

    @functools.partial(
        pl.kernel,
        mesh=mesh,
        out_type=jax.ShapeDtypeStruct((_NP, _C), jnp.float32),
        scratch_types=[
            pltpu.VMEM((_ITERS, _SPI, 128), jnp.int32),
            pltpu.VMEM((2, _SPI * 128, _C), jnp.float32),
            pltpu.VMEM((12, _C), jnp.float32),
            pltpu.VMEM((2, 2 * _VPI, _C), jnp.float32),
            pltpu.SemaphoreType.DMA,
            pltpu.SemaphoreType.DMA,
            pltpu.SemaphoreType.DMA,
            pltpu.SemaphoreType.DMA,
        ],
    )
    def k(lv_hbm, idx_hbm, par_hbm, out_hbm, idx_v, rows_v, par_v, out_v,
          sem_g0, sem_g1, sem_o0, sem_o1):
        wid = lax.axis_index("s") * _NC + lax.axis_index("c")
        base = wid * _PW
        sems = (sem_g0, sem_g1)
        pltpu.sync_copy(par_hbm, par_v)
        pltpu.sync_copy(idx_hbm.at[wid], idx_v)

        def fire_gathers(step, buf, sem):
            for s in range(_SPI):
                pltpu.async_copy(
                    lv_hbm.at[idx_v.at[step, s]],
                    rows_v.at[buf, pl.ds(s * 128, 128)],
                    sem,
                )

        def wait_gathers(buf, sem):
            pltpu.make_async_copy(
                lv_hbm.at[pl.ds(0, _SPI * 128)], rows_v.at[buf], sem
            ).wait()

        def out_slice(k_step):
            off = pl.multiple_of(base + (k_step - 1) * _VPI, 2 * _VPI)
            return out_hbm.at[pl.ds(off, 2 * _VPI)]

        def wait_out(sem):
            pltpu.make_async_copy(out_v.at[0], out_slice(1), sem).wait()

        def compute(k_step):
            kbd = k_step % 2
            pbd = (k_step // 2) % 2
            for ch in range(_C // 16):
                sl = pl.ds(ch * 16, 16)
                wv = [par_v[t, sl] for t in range(_FE)]
                sc = par_v[9, sl]
                of = par_v[10, sl]
                bi = par_v[11, sl]
                for s in range(_SPI):

                    def vbody(u, c, s=s, sl=sl, wv=wv, sc=sc, of=of, bi=bi):
                        rbase = s * 128 + u * _FE
                        acc = bi
                        for t in range(_FE):
                            r = rows_v[kbd, rbase + t, sl]
                            xr = jnp.maximum(r * sc + of, 0.0)
                            acc = acc + xr * wv[t]
                        out_v[pbd, kbd * _VPI + s * _VS + u, sl] = acc
                        return c

                    lax.fori_loop(0, _VS, vbody, 0)

        fire_gathers(0, 0, sem_g0)

        def body(k_step, carry):
            kb = k_step % 2
            for cur in range(2):
                nxt = 1 - cur

                @pl.when(kb == cur)
                def _(cur=cur, nxt=nxt):
                    @pl.when(k_step < _ITERS - 1)
                    def _():
                        fire_gathers(k_step + 1, nxt, sems[nxt])

                    wait_gathers(cur, sems[cur])

            @pl.when((k_step % 4 == 0) & (k_step >= 4))
            def _():
                wait_out(sem_o0)

            @pl.when((k_step % 4 == 2) & (k_step >= 6))
            def _():
                wait_out(sem_o1)

            compute(k_step)

            @pl.when(k_step % 4 == 1)
            def _():
                pltpu.async_copy(out_v.at[0], out_slice(k_step), sem_o0)

            @pl.when(k_step % 4 == 3)
            def _():
                pltpu.async_copy(out_v.at[1], out_slice(k_step), sem_o1)

            return carry

        lax.fori_loop(0, _ITERS, body, 0)
        wait_out(sem_o0)
        wait_out(sem_o1)

    return k(lv, idx_p, params)


def _tc_gather_call(lv, par, idx_tc):
    grid = _MT // _BV

    def kern(idx_ref, lv_ref, p_ref, o_ref):
        sc = p_ref[9:10, :]
        of = p_ref[10:11, :]

        def vb(g, c):
            base = pl.multiple_of(g * 8, 8)
            acc = jnp.broadcast_to(p_ref[11:12, :], (8, _C))
            for t in range(_FE):
                rows = [lv_ref[pl.ds(idx_ref[base + j, t], 1), :]
                        for j in range(8)]
                r8 = jnp.concatenate(rows, axis=0)
                acc = acc + jnp.maximum(r8 * sc + of, 0.0) * p_ref[t:t + 1, :]
            o_ref[pl.ds(base, 8), :] = acc
            return c

        lax.fori_loop(0, _BV // 8, vb, 0)

    return pl.pallas_call(
        kern,
        grid=(grid,),
        in_specs=[
            pl.BlockSpec((_BV, _FE), lambda i: (i, 0),
                         memory_space=pltpu.SMEM),
            pl.BlockSpec((_N, _C), lambda i: (0, 0)),
            pl.BlockSpec((12, _C), lambda i: (0, 0)),
        ],
        out_specs=pl.BlockSpec((_BV, _C), lambda i: (i, 0)),
        out_shape=jax.ShapeDtypeStruct((_MT, _C), jnp.float32),
    )(idx_tc, lv, par)


def kernel(lv, gamma, beta, weight, bias, neighbor_idx):
    stats = _stats_call(lv)
    cnt = jnp.float32(_N * (_C // _G))
    s = stats[0].reshape(_G, _C // _G).sum(axis=1)
    ss = stats[1].reshape(_G, _C // _G).sum(axis=1)
    mean = s / cnt
    var = jnp.maximum(ss / cnt - mean * mean, 0.0)
    inv = lax.rsqrt(var + _EPS)
    rep = _C // _G
    scale_c = gamma * jnp.repeat(inv, rep)
    offset_c = beta - jnp.repeat(mean * inv, rep) * gamma
    params = jnp.concatenate(
        [weight, scale_c[None], offset_c[None], bias[None]], axis=0)

    idx = neighbor_idx.astype(jnp.int32)
    idx_p = idx[:_NP].reshape(_NW, _ITERS, _SPI, _VS * _FE)
    idx_p = jnp.pad(idx_p, ((0, 0), (0, 0), (0, 0), (0, 2)))
    idx_tc = jnp.pad(idx[_NP:], ((0, _MT - (_N - _NP)), (0, 0)))

    out_sc = _sc_conv(lv, idx_p, params)
    out_tc = _tc_gather_call(lv, params, idx_tc)
    return jnp.concatenate([out_sc, out_tc[:_N - _NP]], axis=0)

# --- scband reference (transcript-rebuilt; emitter-appended) ---
"""Pipeline reference for scband-gn-relu-depthwise-conv-25400436588652 (READ-ONLY COPY).

The authoritative reference and input builder live on the scoring server;
editing this copy changes nothing except your own understanding.
"""

import jax, jax.numpy as jnp
import numpy as np

N = 50000
C = 128
FE = 9  # filter extent for neighbourhood_size=1 on a pos_dim=3 permutohedral lattice: 2*(3+1)+1
G = 32  # GroupNorm groups (128 % 32 == 0)


def setup_inputs(seed: int = 0) -> dict:
    key = jax.random.key(seed)
    k1, k2, k3, k4 = jax.random.split(key, 4)
    lv = jax.random.normal(k1, (N, C), dtype=jnp.float32)
    neighbor_idx = jax.random.randint(k2, (N, FE), 0, N)
    # kaiming_uniform_(mode='fan_out', nonlinearity='relu') on weight [FE, C]: fan_out = FE
    bound_w = float(np.sqrt(2.0) * np.sqrt(3.0 / FE))
    weight = jax.random.uniform(k3, (FE, C), dtype=jnp.float32, minval=-bound_w, maxval=bound_w)
    # bias uniform(-1/sqrt(fan_in), 1/sqrt(fan_in)), fan_in = C
    bound_b = float(1.0 / np.sqrt(C))
    bias = jax.random.uniform(k4, (C,), dtype=jnp.float32, minval=-bound_b, maxval=bound_b)
    gamma = jnp.ones((C,), dtype=jnp.float32)
    beta = jnp.zeros((C,), dtype=jnp.float32)
    return {"lv": lv, "gamma": gamma, "beta": beta, "weight": weight, "bias": bias, "neighbor_idx": neighbor_idx}


def _group_norm(x, gamma, beta, groups=G, eps=1e-5):
    # x: [N, C]; torch GroupNorm on [1, C, N] normalizes each group over (C//groups, N)
    n, c = x.shape
    xt = x.T.reshape(groups, c // groups, n)
    mean = jnp.mean(xt, axis=(1, 2), keepdims=True)
    var = jnp.var(xt, axis=(1, 2), keepdims=True)
    xn = (xt - mean) / jnp.sqrt(var + eps)
    xn = xn.reshape(c, n).T
    return xn * gamma[None, :] + beta[None, :]


def reference(lv, gamma, beta, weight, bias, neighbor_idx):
    # GroupNormLatticeModule
    x = _group_norm(lv, gamma, beta)
    # ReLU
    x = jax.nn.relu(x)
    # DepthwiseConvLatticeModule: gather neighbourhood values per vertex,
    # elementwise per-channel weight over filter extent, sum over taps, add bias
    gathered = jnp.take(x, neighbor_idx, axis=0)  # [N, FE, C]
    lv_1 = jnp.sum(gathered * weight[None, :, :], axis=1) + bias[None, :]
    return lv_1

if __name__ == "__main__":
    import jax
    _d = setup_inputs()
    print(jax.jit(kernel)(*tuple(_d.values())))

</pallas_src>

<mosaic_0001>
#map = affine_map<(d0, d1) -> (0, 0)>
#map1 = affine_map<(d0, d1) -> (0, 0, 0, 0)>
module attributes {stable_mosaic.version = 14 : i64} {
  func.func @k(%arg0: i32, %arg1: i32, %arg2: memref<50000x128xf32, #tpu.memory_space<hbm>>, %arg3: memref<32x32x2x128xi32, #tpu.memory_space<hbm>>, %arg4: memref<12x128xf32, #tpu.memory_space<hbm>>, %arg5: memref<28672x128xf32, #tpu.memory_space<hbm>>, %arg6: memref<32x2x128xi32, #tpu.memory_space<vmem>>, %arg7: memref<2x256x128xf32, #tpu.memory_space<vmem>>, %arg8: memref<12x128xf32, #tpu.memory_space<vmem>>, %arg9: memref<2x56x128xf32, #tpu.memory_space<vmem>>, %arg10: memref<!tpu.dma_semaphore, #tpu.memory_space<semaphore_mem>>, %arg11: memref<!tpu.dma_semaphore, #tpu.memory_space<semaphore_mem>>, %arg12: memref<!tpu.dma_semaphore, #tpu.memory_space<semaphore_mem>>, %arg13: memref<!tpu.dma_semaphore, #tpu.memory_space<semaphore_mem>>) attributes {dimension_semantics = [#tpu.dimension_semantics<core_parallel>, #tpu.dimension_semantics<subcore_parallel>], iteration_bounds = array<i64: 2, 16>, scalar_prefetch = 0 : i64, scratch_operands = 8 : i64, tpu.core_type = #tpu.core_type<sc_vector_subcore>, window_params = [{transform_indices = #map}, {transform_indices = #map1}, {transform_indices = #map}, {transform_indices = #map}]} {
    %mul3A = arith.constant 2 : i32
    %mul3A_0 = arith.muli %arg1, %mul3A : i32
    %add3A = arith.addi %mul3A_0, %arg0 : i32
    %mul3A_1 = arith.constant 896 : i32
    %mul3A_2 = arith.muli %add3A, %mul3A_1 : i32
    "tpu.region"() ({
      %run_scoped3A = tpu.sem_alloc : memref<!tpu.dma_semaphore, #tpu.memory_space<semaphore_mem>>
      tpu.enqueue_dma source(%arg4 : memref<12x128xf32, #tpu.memory_space<hbm>>) target(%arg8 : memref<12x128xf32, #tpu.memory_space<vmem>>) target_semaphore(%run_scoped3A : memref<!tpu.dma_semaphore, #tpu.memory_space<semaphore_mem>>)
      tpu.wait_dma2 semaphore(%run_scoped3A : memref<!tpu.dma_semaphore, #tpu.memory_space<semaphore_mem>>) src(%arg4 : memref<12x128xf32, #tpu.memory_space<hbm>>) dst(%arg8 : memref<12x128xf32, #tpu.memory_space<vmem>>)
      tpu.yield
    }) : () -> ()
    "tpu.region"() ({
      %run_scoped3A = tpu.sem_alloc : memref<!tpu.dma_semaphore, #tpu.memory_space<semaphore_mem>>
      %dma_start3A_63 = arith.constant 0 : i32
      %dma_start3A_64 = arith.constant 0 : i32
      %dma_start3A_65 = arith.constant 0 : i32
      %dma_start3A_66 = tpu.memref_slice %arg3[%add3A, %dma_start3A_63, %dma_start3A_64, %dma_start3A_65] : memref<32x32x2x128xi32, #tpu.memory_space<hbm>> -> memref<1x32x2x128xi32, #tpu.memory_space<hbm>>
      %dma_start3A_67 = tpu.memref_squeeze %dma_start3A_66 : memref<1x32x2x128xi32, #tpu.memory_space<hbm>> -> memref<32x2x128xi32, #tpu.memory_space<hbm>>
      %dma_start3A_68 = arith.constant 0 : i32
      %dma_start3A_69 = arith.constant 0 : i32
      %dma_start3A_70 = arith.constant 0 : i32
      %dma_start3A_71 = tpu.memref_slice %arg3[%add3A, %dma_start3A_68, %dma_start3A_69, %dma_start3A_70] : memref<32x32x2x128xi32, #tpu.memory_space<hbm>> -> memref<1x32x2x128xi32, #tpu.memory_space<hbm>>
      %dma_start3A_72 = tpu.memref_squeeze %dma_start3A_71 : memref<1x32x2x128xi32, #tpu.memory_space<hbm>> -> memref<32x2x128xi32, #tpu.memory_space<hbm>>
      tpu.enqueue_dma source(%dma_start3A_72 : memref<32x2x128xi32, #tpu.memory_space<hbm>>) target(%arg6 : memref<32x2x128xi32, #tpu.memory_space<vmem>>) target_semaphore(%run_scoped3A : memref<!tpu.dma_semaphore, #tpu.memory_space<semaphore_mem>>)
      %dma_wait3A_73 = arith.constant 0 : i32
      %dma_wait3A_74 = arith.constant 0 : i32
      %dma_wait3A_75 = arith.constant 0 : i32
      %dma_wait3A_76 = tpu.memref_slice %arg3[%add3A, %dma_wait3A_73, %dma_wait3A_74, %dma_wait3A_75] : memref<32x32x2x128xi32, #tpu.memory_space<hbm>> -> memref<1x32x2x128xi32, #tpu.memory_space<hbm>>
      %dma_wait3A_77 = tpu.memref_squeeze %dma_wait3A_76 : memref<1x32x2x128xi32, #tpu.memory_space<hbm>> -> memref<32x2x128xi32, #tpu.memory_space<hbm>>
      %dma_wait3A_78 = arith.constant 0 : i32
      %dma_wait3A_79 = arith.constant 0 : i32
      %dma_wait3A_80 = arith.constant 0 : i32
      %dma_wait3A_81 = tpu.memref_slice %arg3[%add3A, %dma_wait3A_78, %dma_wait3A_79, %dma_wait3A_80] : memref<32x32x2x128xi32, #tpu.memory_space<hbm>> -> memref<1x32x2x128xi32, #tpu.memory_space<hbm>>
      %dma_wait3A_82 = tpu.memref_squeeze %dma_wait3A_81 : memref<1x32x2x128xi32, #tpu.memory_space<hbm>> -> memref<32x2x128xi32, #tpu.memory_space<hbm>>
      tpu.wait_dma2 semaphore(%run_scoped3A : memref<!tpu.dma_semaphore, #tpu.memory_space<semaphore_mem>>) src(%dma_wait3A_82 : memref<32x2x128xi32, #tpu.memory_space<hbm>>) dst(%arg6 : memref<32x2x128xi32, #tpu.memory_space<vmem>>)
      tpu.yield
    }) : () -> ()
    %dma_start3A = arith.constant 0 : i32
    %dma_start3A_3 = arith.constant 0 : i32
    %dma_start3A_4 = arith.constant 0 : i32
    %dma_start3A_5 = arith.constant 0 : i32
    %dma_start3A_6 = arith.constant 0 : i32
    %dma_start3A_7 = tpu.memref_slice %arg7[%dma_start3A_4, %dma_start3A_5, %dma_start3A_6] : memref<2x256x128xf32, #tpu.memory_space<vmem>> -> memref<1x128x128xf32, #tpu.memory_space<vmem>>
    %dma_start3A_8 = tpu.memref_squeeze %dma_start3A_7 : memref<1x128x128xf32, #tpu.memory_space<vmem>> -> memref<128x128xf32, #tpu.memory_space<vmem>>
    %dma_start3A_9 = arith.constant 0 : i32
    %dma_start3A_10 = tpu.memref_slice %arg6[%dma_start3A, %dma_start3A_3, %dma_start3A_9] : memref<32x2x128xi32, #tpu.memory_space<vmem>> -> memref<1x1x128xi32, #tpu.memory_space<vmem>>
    %dma_start3A_11 = tpu.memref_squeeze %dma_start3A_10 : memref<1x1x128xi32, #tpu.memory_space<vmem>> -> memref<128xi32, #tpu.memory_space<vmem>>
    %dma_start3A_12 = arith.constant 0 : i32
    %dma_start3A_13 = arith.constant 0 : i32
    %dma_start3A_14 = tpu.memref_slice %arg2[%dma_start3A_12, %dma_start3A_13] : memref<50000x128xf32, #tpu.memory_space<hbm>> -> memref<50000x128xf32, #tpu.memory_space<hbm>>
    tpu.enqueue_indirect_dma source(%dma_start3A_14 : memref<50000x128xf32, #tpu.memory_space<hbm>>) target(%dma_start3A_8 : memref<128x128xf32, #tpu.memory_space<vmem>>) offsets(%dma_start3A_11 : memref<128xi32, #tpu.memory_space<vmem>>) semaphore(%arg10 : memref<!tpu.dma_semaphore, #tpu.memory_space<semaphore_mem>>)
    %dma_start3A_15 = arith.constant 0 : i32
    %dma_start3A_16 = arith.constant 1 : i32
    %dma_start3A_17 = arith.constant 0 : i32
    %dma_start3A_18 = arith.constant 128 : i32
    %dma_start3A_19 = arith.constant 0 : i32
    %dma_start3A_20 = tpu.memref_slice %arg7[%dma_start3A_17, %dma_start3A_18, %dma_start3A_19] : memref<2x256x128xf32, #tpu.memory_space<vmem>> -> memref<1x128x128xf32, #tpu.memory_space<vmem>>
    %dma_start3A_21 = tpu.memref_squeeze %dma_start3A_20 : memref<1x128x128xf32, #tpu.memory_space<vmem>> -> memref<128x128xf32, #tpu.memory_space<vmem>>
    %dma_start3A_22 = arith.constant 0 : i32
    %dma_start3A_23 = tpu.memref_slice %arg6[%dma_start3A_15, %dma_start3A_16, %dma_start3A_22] : memref<32x2x128xi32, #tpu.memory_space<vmem>> -> memref<1x1x128xi32, #tpu.memory_space<vmem>>
    %dma_start3A_24 = tpu.memref_squeeze %dma_start3A_23 : memref<1x1x128xi32, #tpu.memory_space<vmem>> -> memref<128xi32, #tpu.memory_space<vmem>>
    %dma_start3A_25 = arith.constant 0 : i32
    %dma_start3A_26 = arith.constant 0 : i32
    %dma_start3A_27 = tpu.memref_slice %arg2[%dma_start3A_25, %dma_start3A_26] : memref<50000x128xf32, #tpu.memory_space<hbm>> -> memref<50000x128xf32, #tpu.memory_space<hbm>>
    tpu.enqueue_indirect_dma source(%dma_start3A_27 : memref<50000x128xf32, #tpu.memory_space<hbm>>) target(%dma_start3A_21 : memref<128x128xf32, #tpu.memory_space<vmem>>) offsets(%dma_start3A_24 : memref<128xi32, #tpu.memory_space<vmem>>) semaphore(%arg10 : memref<!tpu.dma_semaphore, #tpu.memory_space<semaphore_mem>>)
    %scan3A = arith.constant 0 : i32
    %scan3A_28 = arith.constant 0 : i32
    %scan3A_29 = arith.constant 32 : i32
    %scan3A_30 = arith.addi %scan3A_28, %scan3A_29 : i32
    %scan3A_31 = arith.constant 1 : i32
    scf.for %scan3A_63 = %scan3A_28 to %scan3A_30 step %scan3A_31  : i32 {
      %jit3A = arith.constant 2 : i32
      %eq3A = arith.constant 0 : i32
      %eq3A_64 = arith.cmpi eq, %jit3A, %eq3A : i32
      %jit3A_65 = arith.constant 1 : i32
      %select_n3A = arith.select %eq3A_64, %jit3A_65, %jit3A : i32
      %rem3A = arith.remsi %scan3A_63, %select_n3A : i32
      %ne3A = arith.constant 0 : i32
      %ne3A_66 = arith.cmpi ne, %rem3A, %ne3A : i32
      %lt3A = arith.constant 0 : i32
      %lt3A_67 = arith.cmpi slt, %rem3A, %lt3A : i32
      %lt3A_68 = arith.constant 0 : i32
      %lt3A_69 = arith.cmpi slt, %select_n3A, %lt3A_68 : i32
      %ne3A_70 = arith.xori %lt3A_67, %lt3A_69 : i1
      %and3A = arith.andi %ne3A_70, %ne3A_66 : i1
      %add3A_71 = arith.addi %rem3A, %select_n3A : i32
      %select_n3A_72 = arith.select %and3A, %add3A_71, %rem3A : i32
      %eq3A_73 = arith.constant 0 : i32
      %eq3A_74 = arith.cmpi eq, %select_n3A_72, %eq3A_73 : i32
      %convert_element_type3A = arith.extui %eq3A_74 : i1 to i32
      %cond3A = arith.constant 0 : i32
      %cond3A_75 = arith.cmpi ne, %convert_element_type3A, %cond3A : i32
      scf.if %cond3A_75 {
        %lt3A_798 = arith.constant 31 : i32
        %lt3A_799 = arith.cmpi slt, %scan3A_63, %lt3A_798 : i32
        %convert_element_type3A_800 = arith.extui %lt3A_799 : i1 to i32
        %cond3A_801 = arith.constant 0 : i32
        %cond3A_802 = arith.cmpi ne, %convert_element_type3A_800, %cond3A_801 : i32
        scf.if %cond3A_802 {
          %add3A_818 = arith.constant 1 : i32
          %add3A_819 = arith.addi %scan3A_63, %add3A_818 : i32
          %dma_start3A_820 = arith.constant 0 : i32
          %dma_start3A_821 = arith.constant 1 : i32
          %dma_start3A_822 = arith.constant 0 : i32
          %dma_start3A_823 = arith.constant 0 : i32
          %dma_start3A_824 = tpu.memref_slice %arg7[%dma_start3A_821, %dma_start3A_822, %dma_start3A_823] : memref<2x256x128xf32, #tpu.memory_space<vmem>> -> memref<1x128x128xf32, #tpu.memory_space<vmem>>
          %dma_start3A_825 = tpu.memref_squeeze %dma_start3A_824 : memref<1x128x128xf32, #tpu.memory_space<vmem>> -> memref<128x128xf32, #tpu.memory_space<vmem>>
          %dma_start3A_826 = arith.constant 0 : i32
          %dma_start3A_827 = tpu.memref_slice %arg6[%add3A_819, %dma_start3A_820, %dma_start3A_826] : memref<32x2x128xi32, #tpu.memory_space<vmem>> -> memref<1x1x128xi32, #tpu.memory_space<vmem>>
          %dma_start3A_828 = tpu.memref_squeeze %dma_start3A_827 : memref<1x1x128xi32, #tpu.memory_space<vmem>> -> memref<128xi32, #tpu.memory_space<vmem>>
          %dma_start3A_829 = arith.constant 0 : i32
          %dma_start3A_830 = arith.constant 0 : i32
          %dma_start3A_831 = tpu.memref_slice %arg2[%dma_start3A_829, %dma_start3A_830] : memref<50000x128xf32, #tpu.memory_space<hbm>> -> memref<50000x128xf32, #tpu.memory_space<hbm>>
          tpu.enqueue_indirect_dma source(%dma_start3A_831 : memref<50000x128xf32, #tpu.memory_space<hbm>>) target(%dma_start3A_825 : memref<128x128xf32, #tpu.memory_space<vmem>>) offsets(%dma_start3A_828 : memref<128xi32, #tpu.memory_space<vmem>>) semaphore(%arg11 : memref<!tpu.dma_semaphore, #tpu.memory_space<semaphore_mem>>)
          %dma_start3A_832 = arith.constant 1 : i32
          %dma_start3A_833 = arith.constant 1 : i32
          %dma_start3A_834 = arith.constant 128 : i32
          %dma_start3A_835 = arith.constant 0 : i32
          %dma_start3A_836 = tpu.memref_slice %arg7[%dma_start3A_833, %dma_start3A_834, %dma_start3A_835] : memref<2x256x128xf32, #tpu.memory_space<vmem>> -> memref<1x128x128xf32, #tpu.memory_space<vmem>>
          %dma_start3A_837 = tpu.memref_squeeze %dma_start3A_836 : memref<1x128x128xf32, #tpu.memory_space<vmem>> -> memref<128x128xf32, #tpu.memory_space<vmem>>
          %dma_start3A_838 = arith.constant 0 : i32
          %dma_start3A_839 = tpu.memref_slice %arg6[%add3A_819, %dma_start3A_832, %dma_start3A_838] : memref<32x2x128xi32, #tpu.memory_space<vmem>> -> memref<1x1x128xi32, #tpu.memory_space<vmem>>
          %dma_start3A_840 = tpu.memref_squeeze %dma_start3A_839 : memref<1x1x128xi32, #tpu.memory_space<vmem>> -> memref<128xi32, #tpu.memory_space<vmem>>
          %dma_start3A_841 = arith.constant 0 : i32
          %dma_start3A_842 = arith.constant 0 : i32
          %dma_start3A_843 = tpu.memref_slice %arg2[%dma_start3A_841, %dma_start3A_842] : memref<50000x128xf32, #tpu.memory_space<hbm>> -> memref<50000x128xf32, #tpu.memory_space<hbm>>
          tpu.enqueue_indirect_dma source(%dma_start3A_843 : memref<50000x128xf32, #tpu.memory_space<hbm>>) target(%dma_start3A_837 : memref<128x128xf32, #tpu.memory_space<vmem>>) offsets(%dma_start3A_840 : memref<128xi32, #tpu.memory_space<vmem>>) semaphore(%arg11 : memref<!tpu.dma_semaphore, #tpu.memory_space<semaphore_mem>>)
        } else {
        }
        %dma_wait3A_803 = arith.constant 0 : i32
        %dma_wait3A_804 = arith.constant 0 : i32
        %dma_wait3A_805 = arith.constant 0 : i32
        %dma_wait3A_806 = tpu.memref_slice %arg7[%dma_wait3A_803, %dma_wait3A_804, %dma_wait3A_805] : memref<2x256x128xf32, #tpu.memory_space<vmem>> -> memref<1x256x128xf32, #tpu.memory_space<vmem>>
        %dma_wait3A_807 = tpu.memref_squeeze %dma_wait3A_806 : memref<1x256x128xf32, #tpu.memory_space<vmem>> -> memref<256x128xf32, #tpu.memory_space<vmem>>
        %dma_wait3A_808 = arith.constant 0 : i32
        %dma_wait3A_809 = arith.constant 0 : i32
        %dma_wait3A_810 = tpu.memref_slice %arg2[%dma_wait3A_808, %dma_wait3A_809] : memref<50000x128xf32, #tpu.memory_space<hbm>> -> memref<256x128xf32, #tpu.memory_space<hbm>>
        %dma_wait3A_811 = arith.constant 0 : i32
        %dma_wait3A_812 = arith.constant 0 : i32
        %dma_wait3A_813 = tpu.memref_slice %arg7[%dma_wait3A_803, %dma_wait3A_811, %dma_wait3A_812] : memref<2x256x128xf32, #tpu.memory_space<vmem>> -> memref<1x256x128xf32, #tpu.memory_space<vmem>>
        %dma_wait3A_814 = tpu.memref_squeeze %dma_wait3A_813 : memref<1x256x128xf32, #tpu.memory_space<vmem>> -> memref<256x128xf32, #tpu.memory_space<vmem>>
        %dma_wait3A_815 = arith.constant 0 : i32
        %dma_wait3A_816 = arith.constant 0 : i32
        %dma_wait3A_817 = tpu.memref_slice %arg2[%dma_wait3A_815, %dma_wait3A_816] : memref<50000x128xf32, #tpu.memory_space<hbm>> -> memref<256x128xf32, #tpu.memory_space<hbm>>
        tpu.wait_dma2 semaphore(%arg10 : memref<!tpu.dma_semaphore, #tpu.memory_space<semaphore_mem>>) src(%dma_wait3A_817 : memref<256x128xf32, #tpu.memory_space<hbm>>) dst(%dma_wait3A_814 : memref<256x128xf32, #tpu.memory_space<vmem>>)
      } else {
      }
      %eq3A_76 = arith.constant 1 : i32
      %eq3A_77 = arith.cmpi eq, %select_n3A_72, %eq3A_76 : i32
      %convert_element_type3A_78 = arith.extui %eq3A_77 : i1 to i32
      %cond3A_79 = arith.constant 0 : i32
      %cond3A_80 = arith.cmpi ne, %convert_element_type3A_78, %cond3A_79 : i32
      scf.if %cond3A_80 {
        %lt3A_798 = arith.constant 31 : i32
        %lt3A_799 = arith.cmpi slt, %scan3A_63, %lt3A_798 : i32
        %convert_element_type3A_800 = arith.extui %lt3A_799 : i1 to i32
        %cond3A_801 = arith.constant 0 : i32
        %cond3A_802 = arith.cmpi ne, %convert_element_type3A_800, %cond3A_801 : i32
        scf.if %cond3A_802 {
          %add3A_818 = arith.constant 1 : i32
          %add3A_819 = arith.addi %scan3A_63, %add3A_818 : i32
          %dma_start3A_820 = arith.constant 0 : i32
          %dma_start3A_821 = arith.constant 0 : i32
          %dma_start3A_822 = arith.constant 0 : i32
          %dma_start3A_823 = arith.constant 0 : i32
          %dma_start3A_824 = tpu.memref_slice %arg7[%dma_start3A_821, %dma_start3A_822, %dma_start3A_823] : memref<2x256x128xf32, #tpu.memory_space<vmem>> -> memref<1x128x128xf32, #tpu.memory_space<vmem>>
          %dma_start3A_825 = tpu.memref_squeeze %dma_start3A_824 : memref<1x128x128xf32, #tpu.memory_space<vmem>> -> memref<128x128xf32, #tpu.memory_space<vmem>>
          %dma_start3A_826 = arith.constant 0 : i32
          %dma_start3A_827 = tpu.memref_slice %arg6[%add3A_819, %dma_start3A_820, %dma_start3A_826] : memref<32x2x128xi32, #tpu.memory_space<vmem>> -> memref<1x1x128xi32, #tpu.memory_space<vmem>>
          %dma_start3A_828 = tpu.memref_squeeze %dma_start3A_827 : memref<1x1x128xi32, #tpu.memory_space<vmem>> -> memref<128xi32, #tpu.memory_space<vmem>>
          %dma_start3A_829 = arith.constant 0 : i32
          %dma_start3A_830 = arith.constant 0 : i32
          %dma_start3A_831 = tpu.memref_slice %arg2[%dma_start3A_829, %dma_start3A_830] : memref<50000x128xf32, #tpu.memory_space<hbm>> -> memref<50000x128xf32, #tpu.memory_space<hbm>>
          tpu.enqueue_indirect_dma source(%dma_start3A_831 : memref<50000x128xf32, #tpu.memory_space<hbm>>) target(%dma_start3A_825 : memref<128x128xf32, #tpu.memory_space<vmem>>) offsets(%dma_start3A_828 : memref<128xi32, #tpu.memory_space<vmem>>) semaphore(%arg10 : memref<!tpu.dma_semaphore, #tpu.memory_space<semaphore_mem>>)
          %dma_start3A_832 = arith.constant 1 : i32
          %dma_start3A_833 = arith.constant 0 : i32
          %dma_start3A_834 = arith.constant 128 : i32
          %dma_start3A_835 = arith.constant 0 : i32
          %dma_start3A_836 = tpu.memref_slice %arg7[%dma_start3A_833, %dma_start3A_834, %dma_start3A_835] : memref<2x256x128xf32, #tpu.memory_space<vmem>> -> memref<1x128x128xf32, #tpu.memory_space<vmem>>
          %dma_start3A_837 = tpu.memref_squeeze %dma_start3A_836 : memref<1x128x128xf32, #tpu.memory_space<vmem>> -> memref<128x128xf32, #tpu.memory_space<vmem>>
          %dma_start3A_838 = arith.constant 0 : i32
          %dma_start3A_839 = tpu.memref_slice %arg6[%add3A_819, %dma_start3A_832, %dma_start3A_838] : memref<32x2x128xi32, #tpu.memory_space<vmem>> -> memref<1x1x128xi32, #tpu.memory_space<vmem>>
          %dma_start3A_840 = tpu.memref_squeeze %dma_start3A_839 : memref<1x1x128xi32, #tpu.memory_space<vmem>> -> memref<128xi32, #tpu.memory_space<vmem>>
          %dma_start3A_841 = arith.constant 0 : i32
          %dma_start3A_842 = arith.constant 0 : i32
          %dma_start3A_843 = tpu.memref_slice %arg2[%dma_start3A_841, %dma_start3A_842] : memref<50000x128xf32, #tpu.memory_space<hbm>> -> memref<50000x128xf32, #tpu.memory_space<hbm>>
          tpu.enqueue_indirect_dma source(%dma_start3A_843 : memref<50000x128xf32, #tpu.memory_space<hbm>>) target(%dma_start3A_837 : memref<128x128xf32, #tpu.memory_space<vmem>>) offsets(%dma_start3A_840 : memref<128xi32, #tpu.memory_space<vmem>>) semaphore(%arg10 : memref<!tpu.dma_semaphore, #tpu.memory_space<semaphore_mem>>)
        } else {
        }
        %dma_wait3A_803 = arith.constant 1 : i32
        %dma_wait3A_804 = arith.constant 0 : i32
        %dma_wait3A_805 = arith.constant 0 : i32
        %dma_wait3A_806 = tpu.memref_slice %arg7[%dma_wait3A_803, %dma_wait3A_804, %dma_wait3A_805] : memref<2x256x128xf32, #tpu.memory_space<vmem>> -> memref<1x256x128xf32, #tpu.memory_space<vmem>>
        %dma_wait3A_807 = tpu.memref_squeeze %dma_wait3A_806 : memref<1x256x128xf32, #tpu.memory_space<vmem>> -> memref<256x128xf32, #tpu.memory_space<vmem>>
        %dma_wait3A_808 = arith.constant 0 : i32
        %dma_wait3A_809 = arith.constant 0 : i32
        %dma_wait3A_810 = tpu.memref_slice %arg2[%dma_wait3A_808, %dma_wait3A_809] : memref<50000x128xf32, #tpu.memory_space<hbm>> -> memref<256x128xf32, #tpu.memory_space<hbm>>
        %dma_wait3A_811 = arith.constant 0 : i32
        %dma_wait3A_812 = arith.constant 0 : i32
        %dma_wait3A_813 = tpu.memref_slice %arg7[%dma_wait3A_803, %dma_wait3A_811, %dma_wait3A_812] : memref<2x256x128xf32, #tpu.memory_space<vmem>> -> memref<1x256x128xf32, #tpu.memory_space<vmem>>
        %dma_wait3A_814 = tpu.memref_squeeze %dma_wait3A_813 : memref<1x256x128xf32, #tpu.memory_space<vmem>> -> memref<256x128xf32, #tpu.memory_space<vmem>>
        %dma_wait3A_815 = arith.constant 0 : i32
        %dma_wait3A_816 = arith.constant 0 : i32
        %dma_wait3A_817 = tpu.memref_slice %arg2[%dma_wait3A_815, %dma_wait3A_816] : memref<50000x128xf32, #tpu.memory_space<hbm>> -> memref<256x128xf32, #tpu.memory_space<hbm>>
        tpu.wait_dma2 semaphore(%arg11 : memref<!tpu.dma_semaphore, #tpu.memory_space<semaphore_mem>>) src(%dma_wait3A_817 : memref<256x128xf32, #tpu.memory_space<hbm>>) dst(%dma_wait3A_814 : memref<256x128xf32, #tpu.memory_space<vmem>>)
      } else {
      }
      %jit3A_81 = arith.constant 4 : i32
      %eq3A_82 = arith.constant 0 : i32
      %eq3A_83 = arith.cmpi eq, %jit3A_81, %eq3A_82 : i32
      %jit3A_84 = arith.constant 1 : i32
      %select_n3A_85 = arith.select %eq3A_83, %jit3A_84, %jit3A_81 : i32
      %rem3A_86 = arith.remsi %scan3A_63, %select_n3A_85 : i32
      %ne3A_87 = arith.constant 0 : i32
      %ne3A_88 = arith.cmpi ne, %rem3A_86, %ne3A_87 : i32
      %lt3A_89 = arith.constant 0 : i32
      %lt3A_90 = arith.cmpi slt, %rem3A_86, %lt3A_89 : i32
      %lt3A_91 = arith.constant 0 : i32
      %lt3A_92 = arith.cmpi slt, %select_n3A_85, %lt3A_91 : i32
      %ne3A_93 = arith.xori %lt3A_90, %lt3A_92 : i1
      %and3A_94 = arith.andi %ne3A_93, %ne3A_88 : i1
      %add3A_95 = arith.addi %rem3A_86, %select_n3A_85 : i32
      %select_n3A_96 = arith.select %and3A_94, %add3A_95, %rem3A_86 : i32
      %eq3A_97 = arith.constant 0 : i32
      %eq3A_98 = arith.cmpi eq, %select_n3A_96, %eq3A_97 : i32
      %ge3A = arith.constant 4 : i32
      %ge3A_99 = arith.cmpi sge, %scan3A_63, %ge3A : i32
      %and3A_100 = arith.andi %eq3A_98, %ge3A_99 : i1
      %convert_element_type3A_101 = arith.extui %and3A_100 : i1 to i32
      %cond3A_102 = arith.constant 0 : i32
      %cond3A_103 = arith.cmpi ne, %convert_element_type3A_101, %cond3A_102 : i32
      scf.if %cond3A_103 {
        %add3A_798 = arith.constant 0 : i32
        %add3A_799 = arith.addi %mul3A_2, %add3A_798 : i32
        %multiple_of3A_800 = tpu.assume_multiple %add3A_799, 56 : i32
        %dma_wait3A_801 = arith.constant 0 : i32
        %dma_wait3A_802 = arith.constant 0 : i32
        %dma_wait3A_803 = arith.constant 0 : i32
        %dma_wait3A_804 = tpu.memref_slice %arg9[%dma_wait3A_801, %dma_wait3A_802, %dma_wait3A_803] : memref<2x56x128xf32, #tpu.memory_space<vmem>> -> memref<1x56x128xf32, #tpu.memory_space<vmem>>
        %dma_wait3A_805 = tpu.memref_squeeze %dma_wait3A_804 : memref<1x56x128xf32, #tpu.memory_space<vmem>> -> memref<56x128xf32, #tpu.memory_space<vmem>>
        %dma_wait3A_806 = arith.constant 0 : i32
        %dma_wait3A_807 = tpu.memref_slice %arg5[%multiple_of3A_800, %dma_wait3A_806] : memref<28672x128xf32, #tpu.memory_space<hbm>> -> memref<56x128xf32, #tpu.memory_space<hbm>>
        %dma_wait3A_808 = arith.constant 0 : i32
        %dma_wait3A_809 = tpu.memref_slice %arg5[%multiple_of3A_800, %dma_wait3A_808] : memref<28672x128xf32, #tpu.memory_space<hbm>> -> memref<56x128xf32, #tpu.memory_space<hbm>>
        %dma_wait3A_810 = arith.constant 0 : i32
        %dma_wait3A_811 = arith.constant 0 : i32
        %dma_wait3A_812 = tpu.memref_slice %arg9[%dma_wait3A_801, %dma_wait3A_810, %dma_wait3A_811] : memref<2x56x128xf32, #tpu.memory_space<vmem>> -> memref<1x56x128xf32, #tpu.memory_space<vmem>>
        %dma_wait3A_813 = tpu.memref_squeeze %dma_wait3A_812 : memref<1x56x128xf32, #tpu.memory_space<vmem>> -> memref<56x128xf32, #tpu.memory_space<vmem>>
        tpu.wait_dma2 semaphore(%arg12 : memref<!tpu.dma_semaphore, #tpu.memory_space<semaphore_mem>>) src(%dma_wait3A_813 : memref<56x128xf32, #tpu.memory_space<vmem>>) dst(%dma_wait3A_809 : memref<56x128xf32, #tpu.memory_space<hbm>>)
      } else {
      }
      %jit3A_104 = arith.constant 4 : i32
      %eq3A_105 = arith.constant 0 : i32
      %eq3A_106 = arith.cmpi eq, %jit3A_104, %eq3A_105 : i32
      %jit3A_107 = arith.constant 1 : i32
      %select_n3A_108 = arith.select %eq3A_106, %jit3A_107, %jit3A_104 : i32
      %rem3A_109 = arith.remsi %scan3A_63, %select_n3A_108 : i32
      %ne3A_110 = arith.constant 0 : i32
      %ne3A_111 = arith.cmpi ne, %rem3A_109, %ne3A_110 : i32
      %lt3A_112 = arith.constant 0 : i32
      %lt3A_113 = arith.cmpi slt, %rem3A_109, %lt3A_112 : i32
      %lt3A_114 = arith.constant 0 : i32
      %lt3A_115 = arith.cmpi slt, %select_n3A_108, %lt3A_114 : i32
      %ne3A_116 = arith.xori %lt3A_113, %lt3A_115 : i1
      %and3A_117 = arith.andi %ne3A_116, %ne3A_111 : i1
      %add3A_118 = arith.addi %rem3A_109, %select_n3A_108 : i32
      %select_n3A_119 = arith.select %and3A_117, %add3A_118, %rem3A_109 : i32
      %eq3A_120 = arith.constant 2 : i32
      %eq3A_121 = arith.cmpi eq, %select_n3A_119, %eq3A_120 : i32
      %ge3A_122 = arith.constant 6 : i32
      %ge3A_123 = arith.cmpi sge, %scan3A_63, %ge3A_122 : i32
      %and3A_124 = arith.andi %eq3A_121, %ge3A_123 : i1
      %convert_element_type3A_125 = arith.extui %and3A_124 : i1 to i32
      %cond3A_126 = arith.constant 0 : i32
      %cond3A_127 = arith.cmpi ne, %convert_element_type3A_125, %cond3A_126 : i32
      scf.if %cond3A_127 {
        %add3A_798 = arith.constant 0 : i32
        %add3A_799 = arith.addi %mul3A_2, %add3A_798 : i32
        %multiple_of3A_800 = tpu.assume_multiple %add3A_799, 56 : i32
        %dma_wait3A_801 = arith.constant 0 : i32
        %dma_wait3A_802 = arith.constant 0 : i32
        %dma_wait3A_803 = arith.constant 0 : i32
        %dma_wait3A_804 = tpu.memref_slice %arg9[%dma_wait3A_801, %dma_wait3A_802, %dma_wait3A_803] : memref<2x56x128xf32, #tpu.memory_space<vmem>> -> memref<1x56x128xf32, #tpu.memory_space<vmem>>
        %dma_wait3A_805 = tpu.memref_squeeze %dma_wait3A_804 : memref<1x56x128xf32, #tpu.memory_space<vmem>> -> memref<56x128xf32, #tpu.memory_space<vmem>>
        %dma_wait3A_806 = arith.constant 0 : i32
        %dma_wait3A_807 = tpu.memref_slice %arg5[%multiple_of3A_800, %dma_wait3A_806] : memref<28672x128xf32, #tpu.memory_space<hbm>> -> memref<56x128xf32, #tpu.memory_space<hbm>>
        %dma_wait3A_808 = arith.constant 0 : i32
        %dma_wait3A_809 = tpu.memref_slice %arg5[%multiple_of3A_800, %dma_wait3A_808] : memref<28672x128xf32, #tpu.memory_space<hbm>> -> memref<56x128xf32, #tpu.memory_space<hbm>>
        %dma_wait3A_810 = arith.constant 0 : i32
        %dma_wait3A_811 = arith.constant 0 : i32
        %dma_wait3A_812 = tpu.memref_slice %arg9[%dma_wait3A_801, %dma_wait3A_810, %dma_wait3A_811] : memref<2x56x128xf32, #tpu.memory_space<vmem>> -> memref<1x56x128xf32, #tpu.memory_space<vmem>>
        %dma_wait3A_813 = tpu.memref_squeeze %dma_wait3A_812 : memref<1x56x128xf32, #tpu.memory_space<vmem>> -> memref<56x128xf32, #tpu.memory_space<vmem>>
        tpu.wait_dma2 semaphore(%arg13 : memref<!tpu.dma_semaphore, #tpu.memory_space<semaphore_mem>>) src(%dma_wait3A_813 : memref<56x128xf32, #tpu.memory_space<vmem>>) dst(%dma_wait3A_809 : memref<56x128xf32, #tpu.memory_space<hbm>>)
      } else {
      }
      %jit3A_128 = arith.constant 2 : i32
      %eq3A_129 = arith.constant 0 : i32
      %eq3A_130 = arith.cmpi eq, %jit3A_128, %eq3A_129 : i32
      %jit3A_131 = arith.constant 1 : i32
      %select_n3A_132 = arith.select %eq3A_130, %jit3A_131, %jit3A_128 : i32
      %rem3A_133 = arith.remsi %scan3A_63, %select_n3A_132 : i32
      %ne3A_134 = arith.constant 0 : i32
      %ne3A_135 = arith.cmpi ne, %rem3A_133, %ne3A_134 : i32
      %lt3A_136 = arith.constant 0 : i32
      %lt3A_137 = arith.cmpi slt, %rem3A_133, %lt3A_136 : i32
      %lt3A_138 = arith.constant 0 : i32
      %lt3A_139 = arith.cmpi slt, %select_n3A_132, %lt3A_138 : i32
      %ne3A_140 = arith.xori %lt3A_137, %lt3A_139 : i1
      %and3A_141 = arith.andi %ne3A_140, %ne3A_135 : i1
      %add3A_142 = arith.addi %rem3A_133, %select_n3A_132 : i32
      %select_n3A_143 = arith.select %and3A_141, %add3A_142, %rem3A_133 : i32
      %jit3A_144 = arith.constant 2 : i32
      %div3A = arith.divsi %scan3A_63, %jit3A_144 : i32
      %sign3A = arith.constant 0 : i32
      %sign3A_145 = arith.cmpi sgt, %scan3A_63, %sign3A : i32
      %sign3A_146 = arith.extui %sign3A_145 : i1 to i32
      %sign3A_147 = arith.constant 0 : i32
      %sign3A_148 = arith.cmpi slt, %scan3A_63, %sign3A_147 : i32
      %sign3A_149 = arith.extui %sign3A_148 : i1 to i32
      %sign3A_150 = arith.subi %sign3A_146, %sign3A_149 : i32
      %sign3A_151 = arith.constant 0 : i32
      %sign3A_152 = arith.cmpi sgt, %jit3A_144, %sign3A_151 : i32
      %sign3A_153 = arith.extui %sign3A_152 : i1 to i32
      %sign3A_154 = arith.constant 0 : i32
      %sign3A_155 = arith.cmpi slt, %jit3A_144, %sign3A_154 : i32
      %sign3A_156 = arith.extui %sign3A_155 : i1 to i32
      %sign3A_157 = arith.subi %sign3A_153, %sign3A_156 : i32
      %ne3A_158 = arith.cmpi ne, %sign3A_150, %sign3A_157 : i32
      %rem3A_159 = arith.remsi %scan3A_63, %jit3A_144 : i32
      %ne3A_160 = arith.constant 0 : i32
      %ne3A_161 = arith.cmpi ne, %rem3A_159, %ne3A_160 : i32
      %and3A_162 = arith.andi %ne3A_158, %ne3A_161 : i1
      %sub3A = arith.constant 1 : i32
      %sub3A_163 = arith.subi %div3A, %sub3A : i32
      %select_n3A_164 = arith.select %and3A_162, %sub3A_163, %div3A : i32
      %jit3A_165 = arith.constant 2 : i32
      %eq3A_166 = arith.constant 0 : i32
      %eq3A_167 = arith.cmpi eq, %jit3A_165, %eq3A_166 : i32
      %jit3A_168 = arith.constant 1 : i32
      %select_n3A_169 = arith.select %eq3A_167, %jit3A_168, %jit3A_165 : i32
      %rem3A_170 = arith.remsi %select_n3A_164, %select_n3A_169 : i32
      %ne3A_171 = arith.constant 0 : i32
      %ne3A_172 = arith.cmpi ne, %rem3A_170, %ne3A_171 : i32
      %lt3A_173 = arith.constant 0 : i32
      %lt3A_174 = arith.cmpi slt, %rem3A_170, %lt3A_173 : i32
      %lt3A_175 = arith.constant 0 : i32
      %lt3A_176 = arith.cmpi slt, %select_n3A_169, %lt3A_175 : i32
      %ne3A_177 = arith.xori %lt3A_174, %lt3A_176 : i1
      %and3A_178 = arith.andi %ne3A_177, %ne3A_172 : i1
      %add3A_179 = arith.addi %rem3A_170, %select_n3A_169 : i32
      %select_n3A_180 = arith.select %and3A_178, %add3A_179, %rem3A_170 : i32
      %get3A = arith.constant 0 : i32
      %get3A_181 = arith.index_cast %get3A : i32 to index
      %get3A_182 = arith.constant 0 : index
      %get3A_183 = tpu.vector_load %arg8[%get3A_181, %get3A_182] {strides = array<i32>} : memref<12x128xf32, #tpu.memory_space<vmem>>, vector<1x16xf32>,
      %get3A_184 = vector.shape_cast %get3A_183 : vector<1x16xf32> to vector<16xf32>
      %get3A_185 = arith.constant 1 : i32
      %get3A_186 = arith.index_cast %get3A_185 : i32 to index
      %get3A_187 = arith.constant 0 : index
      %get3A_188 = tpu.vector_load %arg8[%get3A_186, %get3A_187] {strides = array<i32>} : memref<12x128xf32, #tpu.memory_space<vmem>>, vector<1x16xf32>,
      %get3A_189 = vector.shape_cast %get3A_188 : vector<1x16xf32> to vector<16xf32>
      %get3A_190 = arith.constant 2 : i32
      %get3A_191 = arith.index_cast %get3A_190 : i32 to index
      %get3A_192 = arith.constant 0 : index
      %get3A_193 = tpu.vector_load %arg8[%get3A_191, %get3A_192] {strides = array<i32>} : memref<12x128xf32, #tpu.memory_space<vmem>>, vector<1x16xf32>,
      %get3A_194 = vector.shape_cast %get3A_193 : vector<1x16xf32> to vector<16xf32>
      %get3A_195 = arith.constant 3 : i32
      %get3A_196 = arith.index_cast %get3A_195 : i32 to index
      %get3A_197 = arith.constant 0 : index
      %get3A_198 = tpu.vector_load %arg8[%get3A_196, %get3A_197] {strides = array<i32>} : memref<12x128xf32, #tpu.memory_space<vmem>>, vector<1x16xf32>,
      %get3A_199 = vector.shape_cast %get3A_198 : vector<1x16xf32> to vector<16xf32>
      %get3A_200 = arith.constant 4 : i32
      %get3A_201 = arith.index_cast %get3A_200 : i32 to index
      %get3A_202 = arith.constant 0 : index
      %get3A_203 = tpu.vector_load %arg8[%get3A_201, %get3A_202] {strides = array<i32>} : memref<12x128xf32, #tpu.memory_space<vmem>>, vector<1x16xf32>,
      %get3A_204 = vector.shape_cast %get3A_203 : vector<1x16xf32> to vector<16xf32>
      %get3A_205 = arith.constant 5 : i32
      %get3A_206 = arith.index_cast %get3A_205 : i32 to index
      %get3A_207 = arith.constant 0 : index
      %get3A_208 = tpu.vector_load %arg8[%get3A_206, %get3A_207] {strides = array<i32>} : memref<12x128xf32, #tpu.memory_space<vmem>>, vector<1x16xf32>,
      %get3A_209 = vector.shape_cast %get3A_208 : vector<1x16xf32> to vector<16xf32>
      %get3A_210 = arith.constant 6 : i32
      %get3A_211 = arith.index_cast %get3A_210 : i32 to index
      %get3A_212 = arith.constant 0 : index
      %get3A_213 = tpu.vector_load %arg8[%get3A_211, %get3A_212] {strides = array<i32>} : memref<12x128xf32, #tpu.memory_space<vmem>>, vector<1x16xf32>,
      %get3A_214 = vector.shape_cast %get3A_213 : vector<1x16xf32> to vector<16xf32>
      %get3A_215 = arith.constant 7 : i32
      %get3A_216 = arith.index_cast %get3A_215 : i32 to index
      %get3A_217 = arith.constant 0 : index
      %get3A_218 = tpu.vector_load %arg8[%get3A_216, %get3A_217] {strides = array<i32>} : memref<12x128xf32, #tpu.memory_space<vmem>>, vector<1x16xf32>,
      %get3A_219 = vector.shape_cast %get3A_218 : vector<1x16xf32> to vector<16xf32>
      %get3A_220 = arith.constant 8 : i32
      %get3A_221 = arith.index_cast %get3A_220 : i32 to index
      %get3A_222 = arith.constant 0 : index
      %get3A_223 = tpu.vector_load %arg8[%get3A_221, %get3A_222] {strides = array<i32>} : memref<12x128xf32, #tpu.memory_space<vmem>>, vector<1x16xf32>,
      %get3A_224 = vector.shape_cast %get3A_223 : vector<1x16xf32> to vector<16xf32>
      %get3A_225 = arith.constant 9 : i32
      %get3A_226 = arith.index_cast %get3A_225 : i32 to index
      %get3A_227 = arith.constant 0 : index
      %get3A_228 = tpu.vector_load %arg8[%get3A_226, %get3A_227] {strides = array<i32>} : memref<12x128xf32, #tpu.memory_space<vmem>>, vector<1x16xf32>,
      %get3A_229 = vector.shape_cast %get3A_228 : vector<1x16xf32> to vector<16xf32>
      %get3A_230 = arith.constant 10 : i32
      %get3A_231 = arith.index_cast %get3A_230 : i32 to index
      %get3A_232 = arith.constant 0 : index
      %get3A_233 = tpu.vector_load %arg8[%get3A_231, %get3A_232] {strides = array<i32>} : memref<12x128xf32, #tpu.memory_space<vmem>>, vector<1x16xf32>,
      %get3A_234 = vector.shape_cast %get3A_233 : vector<1x16xf32> to vector<16xf32>
      %get3A_235 = arith.constant 11 : i32
      %get3A_236 = arith.index_cast %get3A_235 : i32 to index
      %get3A_237 = arith.constant 0 : index
      %get3A_238 = tpu.vector_load %arg8[%get3A_236, %get3A_237] {strides = array<i32>} : memref<12x128xf32, #tpu.memory_space<vmem>>, vector<1x16xf32>,
      %get3A_239 = vector.shape_cast %get3A_238 : vector<1x16xf32> to vector<16xf32>
      %scan3A_240 = arith.constant 0 : i32
      %scan3A_241 = arith.constant 0 : i32
      %scan3A_242 = arith.constant 14 : i32
      %scan3A_243 = arith.addi %scan3A_241, %scan3A_242 : i32
      %scan3A_244 = arith.constant 1 : i32
      scf.for %scan3A_798 = %scan3A_241 to %scan3A_243 step %scan3A_244  : i32 {
        %mul3A_799 = arith.constant 9 : i32
        %mul3A_800 = arith.muli %scan3A_798, %mul3A_799 : i32
        %add3A_801 = arith.constant 0 : i32
        %add3A_802 = arith.addi %add3A_801, %mul3A_800 : i32
        %add3A_803 = arith.constant 0 : i32
        %add3A_804 = arith.addi %add3A_802, %add3A_803 : i32
        %get3A_805 = arith.index_cast %select_n3A_143 : i32 to index
        %get3A_806 = arith.index_cast %add3A_804 : i32 to index
        %get3A_807 = arith.constant 0 : index
        %get3A_808 = tpu.vector_load %arg7[%get3A_805, %get3A_806, %get3A_807] {strides = array<i32>} : memref<2x256x128xf32, #tpu.memory_space<vmem>>, vector<1x1x16xf32>,
        %get3A_809 = vector.shape_cast %get3A_808 : vector<1x1x16xf32> to vector<16xf32>
        %mul3A_810 = arith.mulf %get3A_809, %get3A_229 : vector<16xf32>
        %add3A_811 = arith.addf %mul3A_810, %get3A_234 : vector<16xf32>
        %max3A = arith.constant 0.000000e+00 : f32
        %max3A_812 = vector.broadcast %max3A : f32 to vector<16xf32>
        %max3A_813 = arith.maximumf %add3A_811, %max3A_812 : vector<16xf32>
        %mul3A_814 = arith.mulf %max3A_813, %get3A_184 : vector<16xf32>
        %add3A_815 = arith.addf %get3A_239, %mul3A_814 : vector<16xf32>
        %add3A_816 = arith.constant 1 : i32
        %add3A_817 = arith.addi %add3A_802, %add3A_816 : i32
        %get3A_818 = arith.index_cast %select_n3A_143 : i32 to index
        %get3A_819 = arith.index_cast %add3A_817 : i32 to index
        %get3A_820 = arith.constant 0 : index
        %get3A_821 = tpu.vector_load %arg7[%get3A_818, %get3A_819, %get3A_820] {strides = array<i32>} : memref<2x256x128xf32, #tpu.memory_space<vmem>>, vector<1x1x16xf32>,
        %get3A_822 = vector.shape_cast %get3A_821 : vector<1x1x16xf32> to vector<16xf32>
        %mul3A_823 = arith.mulf %get3A_822, %get3A_229 : vector<16xf32>
        %add3A_824 = arith.addf %mul3A_823, %get3A_234 : vector<16xf32>
        %max3A_825 = arith.constant 0.000000e+00 : f32
        %max3A_826 = vector.broadcast %max3A_825 : f32 to vector<16xf32>
        %max3A_827 = arith.maximumf %add3A_824, %max3A_826 : vector<16xf32>
        %mul3A_828 = arith.mulf %max3A_827, %get3A_189 : vector<16xf32>
        %add3A_829 = arith.addf %add3A_815, %mul3A_828 : vector<16xf32>
        %add3A_830 = arith.constant 2 : i32
        %add3A_831 = arith.addi %add3A_802, %add3A_830 : i32
        %get3A_832 = arith.index_cast %select_n3A_143 : i32 to index
        %get3A_833 = arith.index_cast %add3A_831 : i32 to index
        %get3A_834 = arith.constant 0 : index
        %get3A_835 = tpu.vector_load %arg7[%get3A_832, %get3A_833, %get3A_834] {strides = array<i32>} : memref<2x256x128xf32, #tpu.memory_space<vmem>>, vector<1x1x16xf32>,
        %get3A_836 = vector.shape_cast %get3A_835 : vector<1x1x16xf32> to vector<16xf32>
        %mul3A_837 = arith.mulf %get3A_836, %get3A_229 : vector<16xf32>
        %add3A_838 = arith.addf %mul3A_837, %get3A_234 : vector<16xf32>
        %max3A_839 = arith.constant 0.000000e+00 : f32
        %max3A_840 = vector.broadcast %max3A_839 : f32 to vector<16xf32>
        %max3A_841 = arith.maximumf %add3A_838, %max3A_840 : vector<16xf32>
        %mul3A_842 = arith.mulf %max3A_841, %get3A_194 : vector<16xf32>
        %add3A_843 = arith.addf %add3A_829, %mul3A_842 : vector<16xf32>
        %add3A_844 = arith.constant 3 : i32
        %add3A_845 = arith.addi %add3A_802, %add3A_844 : i32
        %get3A_846 = arith.index_cast %select_n3A_143 : i32 to index
        %get3A_847 = arith.index_cast %add3A_845 : i32 to index
        %get3A_848 = arith.constant 0 : index
        %get3A_849 = tpu.vector_load %arg7[%get3A_846, %get3A_847, %get3A_848] {strides = array<i32>} : memref<2x256x128xf32, #tpu.memory_space<vmem>>, vector<1x1x16xf32>,
        %get3A_850 = vector.shape_cast %get3A_849 : vector<1x1x16xf32> to vector<16xf32>
        %mul3A_851 = arith.mulf %get3A_850, %get3A_229 : vector<16xf32>
        %add3A_852 = arith.addf %mul3A_851, %get3A_234 : vector<16xf32>
        %max3A_853 = arith.constant 0.000000e+00 : f32
        %max3A_854 = vector.broadcast %max3A_853 : f32 to vector<16xf32>
        %max3A_855 = arith.maximumf %add3A_852, %max3A_854 : vector<16xf32>
        %mul3A_856 = arith.mulf %max3A_855, %get3A_199 : vector<16xf32>
        %add3A_857 = arith.addf %add3A_843, %mul3A_856 : vector<16xf32>
        %add3A_858 = arith.constant 4 : i32
        %add3A_859 = arith.addi %add3A_802, %add3A_858 : i32
        %get3A_860 = arith.index_cast %select_n3A_143 : i32 to index
        %get3A_861 = arith.index_cast %add3A_859 : i32 to index
        %get3A_862 = arith.constant 0 : index
        %get3A_863 = tpu.vector_load %arg7[%get3A_860, %get3A_861, %get3A_862] {strides = array<i32>} : memref<2x256x128xf32, #tpu.memory_space<vmem>>, vector<1x1x16xf32>,
        %get3A_864 = vector.shape_cast %get3A_863 : vector<1x1x16xf32> to vector<16xf32>
        %mul3A_865 = arith.mulf %get3A_864, %get3A_229 : vector<16xf32>
        %add3A_866 = arith.addf %mul3A_865, %get3A_234 : vector<16xf32>
        %max3A_867 = arith.constant 0.000000e+00 : f32
        %max3A_868 = vector.broadcast %max3A_867 : f32 to vector<16xf32>
        %max3A_869 = arith.maximumf %add3A_866, %max3A_868 : vector<16xf32>
        %mul3A_870 = arith.mulf %max3A_869, %get3A_204 : vector<16xf32>
        %add3A_871 = arith.addf %add3A_857, %mul3A_870 : vector<16xf32>
        %add3A_872 = arith.constant 5 : i32
        %add3A_873 = arith.addi %add3A_802, %add3A_872 : i32
        %get3A_874 = arith.index_cast %select_n3A_143 : i32 to index
        %get3A_875 = arith.index_cast %add3A_873 : i32 to index
        %get3A_876 = arith.constant 0 : index
        %get3A_877 = tpu.vector_load %arg7[%get3A_874, %get3A_875, %get3A_876] {strides = array<i32>} : memref<2x256x128xf32, #tpu.memory_space<vmem>>, vector<1x1x16xf32>,
        %get3A_878 = vector.shape_cast %get3A_877 : vector<1x1x16xf32> to vector<16xf32>
        %mul3A_879 = arith.mulf %get3A_878, %get3A_229 : vector<16xf32>
        %add3A_880 = arith.addf %mul3A_879, %get3A_234 : vector<16xf32>
        %max3A_881 = arith.constant 0.000000e+00 : f32
        %max3A_882 = vector.broadcast %max3A_881 : f32 to vector<16xf32>
        %max3A_883 = arith.maximumf %add3A_880, %max3A_882 : vector<16xf32>
        %mul3A_884 = arith.mulf %max3A_883, %get3A_209 : vector<16xf32>
        %add3A_885 = arith.addf %add3A_871, %mul3A_884 : vector<16xf32>
        %add3A_886 = arith.constant 6 : i32
        %add3A_887 = arith.addi %add3A_802, %add3A_886 : i32
        %get3A_888 = arith.index_cast %select_n3A_143 : i32 to index
        %get3A_889 = arith.index_cast %add3A_887 : i32 to index
        %get3A_890 = arith.constant 0 : index
        %get3A_891 = tpu.vector_load %arg7[%get3A_888, %get3A_889, %get3A_890] {strides = array<i32>} : memref<2x256x128xf32, #tpu.memory_space<vmem>>, vector<1x1x16xf32>,
        %get3A_892 = vector.shape_cast %get3A_891 : vector<1x1x16xf32> to vector<16xf32>
        %mul3A_893 = arith.mulf %get3A_892, %get3A_229 : vector<16xf32>
        %add3A_894 = arith.addf %mul3A_893, %get3A_234 : vector<16xf32>
        %max3A_895 = arith.constant 0.000000e+00 : f32
        %max3A_896 = vector.broadcast %max3A_895 : f32 to vector<16xf32>
        %max3A_897 = arith.maximumf %add3A_894, %max3A_896 : vector<16xf32>
        %mul3A_898 = arith.mulf %max3A_897, %get3A_214 : vector<16xf32>
        %add3A_899 = arith.addf %add3A_885, %mul3A_898 : vector<16xf32>
        %add3A_900 = arith.constant 7 : i32
        %add3A_901 = arith.addi %add3A_802, %add3A_900 : i32
        %get3A_902 = arith.index_cast %select_n3A_143 : i32 to index
        %get3A_903 = arith.index_cast %add3A_901 : i32 to index
        %get3A_904 = arith.constant 0 : index
        %get3A_905 = tpu.vector_load %arg7[%get3A_902, %get3A_903, %get3A_904] {strides = array<i32>} : memref<2x256x128xf32, #tpu.memory_space<vmem>>, vector<1x1x16xf32>,
        %get3A_906 = vector.shape_cast %get3A_905 : vector<1x1x16xf32> to vector<16xf32>
        %mul3A_907 = arith.mulf %get3A_906, %get3A_229 : vector<16xf32>
        %add3A_908 = arith.addf %mul3A_907, %get3A_234 : vector<16xf32>
        %max3A_909 = arith.constant 0.000000e+00 : f32
        %max3A_910 = vector.broadcast %max3A_909 : f32 to vector<16xf32>
        %max3A_911 = arith.maximumf %add3A_908, %max3A_910 : vector<16xf32>
        %mul3A_912 = arith.mulf %max3A_911, %get3A_219 : vector<16xf32>
        %add3A_913 = arith.addf %add3A_899, %mul3A_912 : vector<16xf32>
        %add3A_914 = arith.constant 8 : i32
        %add3A_915 = arith.addi %add3A_802, %add3A_914 : i32
        %get3A_916 = arith.index_cast %select_n3A_143 : i32 to index
        %get3A_917 = arith.index_cast %add3A_915 : i32 to index
        %get3A_918 = arith.constant 0 : index
        %get3A_919 = tpu.vector_load %arg7[%get3A_916, %get3A_917, %get3A_918] {strides = array<i32>} : memref<2x256x128xf32, #tpu.memory_space<vmem>>, vector<1x1x16xf32>,
        %get3A_920 = vector.shape_cast %get3A_919 : vector<1x1x16xf32> to vector<16xf32>
        %mul3A_921 = arith.mulf %get3A_920, %get3A_229 : vector<16xf32>
        %add3A_922 = arith.addf %mul3A_921, %get3A_234 : vector<16xf32>
        %max3A_923 = arith.constant 0.000000e+00 : f32
        %max3A_924 = vector.broadcast %max3A_923 : f32 to vector<16xf32>
        %max3A_925 = arith.maximumf %add3A_922, %max3A_924 : vector<16xf32>
        %mul3A_926 = arith.mulf %max3A_925, %get3A_224 : vector<16xf32>
        %add3A_927 = arith.addf %add3A_913, %mul3A_926 : vector<16xf32>
        %mul3A_928 = arith.constant 28 : i32
        %mul3A_929 = arith.muli %select_n3A_143, %mul3A_928 : i32
        %add3A_930 = arith.constant 0 : i32
        %add3A_931 = arith.addi %mul3A_929, %add3A_930 : i32
        %add3A_932 = arith.addi %add3A_931, %scan3A_798 : i32
        %swap3A = arith.index_cast %select_n3A_180 : i32 to index
        %swap3A_933 = arith.index_cast %add3A_932 : i32 to index
        %swap3A_934 = arith.constant 0 : index
        %swap3A_935 = tpu.vector_load %arg9[%swap3A, %swap3A_933, %swap3A_934] {strides = array<i32>} : memref<2x56x128xf32, #tpu.memory_space<vmem>>, vector<1x1x16xf32>,
        %swap3A_936 = vector.shape_cast %swap3A_935 : vector<1x1x16xf32> to vector<16xf32>
        %swap3A_937 = vector.shape_cast %add3A_927 : vector<16xf32> to vector<1x1x16xf32>
        tpu.vector_store %arg9[%swap3A, %swap3A_933, %swap3A_934], %swap3A_937 {strides = array<i32>} : memref<2x56x128xf32, #tpu.memory_space<vmem>>, vector<1x1x16xf32>,
      }
      %scan3A_245 = arith.constant 14 : i32
      %scan3A_246 = arith.constant 0 : i32
      %scan3A_247 = arith.constant 0 : i32
      %scan3A_248 = arith.constant 14 : i32
      %scan3A_249 = arith.addi %scan3A_247, %scan3A_248 : i32
      %scan3A_250 = arith.constant 1 : i32
      scf.for %scan3A_798 = %scan3A_247 to %scan3A_249 step %scan3A_250  : i32 {
        %mul3A_799 = arith.constant 9 : i32
        %mul3A_800 = arith.muli %scan3A_798, %mul3A_799 : i32
        %add3A_801 = arith.constant 128 : i32
        %add3A_802 = arith.addi %add3A_801, %mul3A_800 : i32
        %add3A_803 = arith.constant 0 : i32
        %add3A_804 = arith.addi %add3A_802, %add3A_803 : i32
        %get3A_805 = arith.index_cast %select_n3A_143 : i32 to index
        %get3A_806 = arith.index_cast %add3A_804 : i32 to index
        %get3A_807 = arith.constant 0 : index
        %get3A_808 = tpu.vector_load %arg7[%get3A_805, %get3A_806, %get3A_807] {strides = array<i32>} : memref<2x256x128xf32, #tpu.memory_space<vmem>>, vector<1x1x16xf32>,
        %get3A_809 = vector.shape_cast %get3A_808 : vector<1x1x16xf32> to vector<16xf32>
        %mul3A_810 = arith.mulf %get3A_809, %get3A_229 : vector<16xf32>
        %add3A_811 = arith.addf %mul3A_810, %get3A_234 : vector<16xf32>
        %max3A = arith.constant 0.000000e+00 : f32
        %max3A_812 = vector.broadcast %max3A : f32 to vector<16xf32>
        %max3A_813 = arith.maximumf %add3A_811, %max3A_812 : vector<16xf32>
        %mul3A_814 = arith.mulf %max3A_813, %get3A_184 : vector<16xf32>
        %add3A_815 = arith.addf %get3A_239, %mul3A_814 : vector<16xf32>
        %add3A_816 = arith.constant 1 : i32
        %add3A_817 = arith.addi %add3A_802, %add3A_816 : i32
        %get3A_818 = arith.index_cast %select_n3A_143 : i32 to index
        %get3A_819 = arith.index_cast %add3A_817 : i32 to index
        %get3A_820 = arith.constant 0 : index
        %get3A_821 = tpu.vector_load %arg7[%get3A_818, %get3A_819, %get3A_820] {strides = array<i32>} : memref<2x256x128xf32, #tpu.memory_space<vmem>>, vector<1x1x16xf32>,
        %get3A_822 = vector.shape_cast %get3A_821 : vector<1x1x16xf32> to vector<16xf32>
        %mul3A_823 = arith.mulf %get3A_822, %get3A_229 : vector<16xf32>
        %add3A_824 = arith.addf %mul3A_823, %get3A_234 : vector<16xf32>
        %max3A_825 = arith.constant 0.000000e+00 : f32
        %max3A_826 = vector.broadcast %max3A_825 : f32 to vector<16xf32>
        %max3A_827 = arith.maximumf %add3A_824, %max3A_826 : vector<16xf32>
        %mul3A_828 = arith.mulf %max3A_827, %get3A_189 : vector<16xf32>
        %add3A_829 = arith.addf %add3A_815, %mul3A_828 : vector<16xf32>
        %add3A_830 = arith.constant 2 : i32
        %add3A_831 = arith.addi %add3A_802, %add3A_830 : i32
        %get3A_832 = arith.index_cast %select_n3A_143 : i32 to index
        %get3A_833 = arith.index_cast %add3A_831 : i32 to index
        %get3A_834 = arith.constant 0 : index
        %get3A_835 = tpu.vector_load %arg7[%get3A_832, %get3A_833, %get3A_834] {strides = array<i32>} : memref<2x256x128xf32, #tpu.memory_space<vmem>>, vector<1x1x16xf32>,
        %get3A_836 = vector.shape_cast %get3A_835 : vector<1x1x16xf32> to vector<16xf32>
        %mul3A_837 = arith.mulf %get3A_836, %get3A_229 : vector<16xf32>
        %add3A_838 = arith.addf %mul3A_837, %get3A_234 : vector<16xf32>
        %max3A_839 = arith.constant 0.000000e+00 : f32
        %max3A_840 = vector.broadcast %max3A_839 : f32 to vector<16xf32>
        %max3A_841 = arith.maximumf %add3A_838, %max3A_840 : vector<16xf32>
        %mul3A_842 = arith.mulf %max3A_841, %get3A_194 : vector<16xf32>
        %add3A_843 = arith.addf %add3A_829, %mul3A_842 : vector<16xf32>
        %add3A_844 = arith.constant 3 : i32
        %add3A_845 = arith.addi %add3A_802, %add3A_844 : i32
        %get3A_846 = arith.index_cast %select_n3A_143 : i32 to index
        %get3A_847 = arith.index_cast %add3A_845 : i32 to index
        %get3A_848 = arith.constant 0 : index
        %get3A_849 = tpu.vector_load %arg7[%get3A_846, %get3A_847, %get3A_848] {strides = array<i32>} : memref<2x256x128xf32, #tpu.memory_space<vmem>>, vector<1x1x16xf32>,
        %get3A_850 = vector.shape_cast %get3A_849 : vector<1x1x16xf32> to vector<16xf32>
        %mul3A_851 = arith.mulf %get3A_850, %get3A_229 : vector<16xf32>
        %add3A_852 = arith.addf %mul3A_851, %get3A_234 : vector<16xf32>
        %max3A_853 = arith.constant 0.000000e+00 : f32
        %max3A_854 = vector.broadcast %max3A_853 : f32 to vector<16xf32>
        %max3A_855 = arith.maximumf %add3A_852, %max3A_854 : vector<16xf32>
        %mul3A_856 = arith.mulf %max3A_855, %get3A_199 : vector<16xf32>
        %add3A_857 = arith.addf %add3A_843, %mul3A_856 : vector<16xf32>
        %add3A_858 = arith.constant 4 : i32
        %add3A_859 = arith.addi %add3A_802, %add3A_858 : i32
        %get3A_860 = arith.index_cast %select_n3A_143 : i32 to index
        %get3A_861 = arith.index_cast %add3A_859 : i32 to index
        %get3A_862 = arith.constant 0 : index
        %get3A_863 = tpu.vector_load %arg7[%get3A_860, %get3A_861, %get3A_862] {strides = array<i32>} : memref<2x256x128xf32, #tpu.memory_space<vmem>>, vector<1x1x16xf32>,
        %get3A_864 = vector.shape_cast %get3A_863 : vector<1x1x16xf32> to vector<16xf32>
        %mul3A_865 = arith.mulf %get3A_864, %get3A_229 : vector<16xf32>
        %add3A_866 = arith.addf %mul3A_865, %get3A_234 : vector<16xf32>
        %max3A_867 = arith.constant 0.000000e+00 : f32
        %max3A_868 = vector.broadcast %max3A_867 : f32 to vector<16xf32>
        %max3A_869 = arith.maximumf %add3A_866, %max3A_868 : vector<16xf32>
        %mul3A_870 = arith.mulf %max3A_869, %get3A_204 : vector<16xf32>
        %add3A_871 = arith.addf %add3A_857, %mul3A_870 : vector<16xf32>
        %add3A_872 = arith.constant 5 : i32
        %add3A_873 = arith.addi %add3A_802, %add3A_872 : i32
        %get3A_874 = arith.index_cast %select_n3A_143 : i32 to index
        %get3A_875 = arith.index_cast %add3A_873 : i32 to index
        %get3A_876 = arith.constant 0 : index
        %get3A_877 = tpu.vector_load %arg7[%get3A_874, %get3A_875, %get3A_876] {strides = array<i32>} : memref<2x256x128xf32, #tpu.memory_space<vmem>>, vector<1x1x16xf32>,
        %get3A_878 = vector.shape_cast %get3A_877 : vector<1x1x16xf32> to vector<16xf32>
        %mul3A_879 = arith.mulf %get3A_878, %get3A_229 : vector<16xf32>
        %add3A_880 = arith.addf %mul3A_879, %get3A_234 : vector<16xf32>
        %max3A_881 = arith.constant 0.000000e+00 : f32
        %max3A_882 = vector.broadcast %max3A_881 : f32 to vector<16xf32>
        %max3A_883 = arith.maximumf %add3A_880, %max3A_882 : vector<16xf32>
        %mul3A_884 = arith.mulf %max3A_883, %get3A_209 : vector<16xf32>
        %add3A_885 = arith.addf %add3A_871, %mul3A_884 : vector<16xf32>
        %add3A_886 = arith.constant 6 : i32
        %add3A_887 = arith.addi %add3A_802, %add3A_886 : i32
        %get3A_888 = arith.index_cast %select_n3A_143 : i32 to index
        %get3A_889 = arith.index_cast %add3A_887 : i32 to index
        %get3A_890 = arith.constant 0 : index
        %get3A_891 = tpu.vector_load %arg7[%get3A_888, %get3A_889, %get3A_890] {strides = array<i32>} : memref<2x256x128xf32, #tpu.memory_space<vmem>>, vector<1x1x16xf32>,
        %get3A_892 = vector.shape_cast %get3A_891 : vector<1x1x16xf32> to vector<16xf32>
        %mul3A_893 = arith.mulf %get3A_892, %get3A_229 : vector<16xf32>
        %add3A_894 = arith.addf %mul3A_893, %get3A_234 : vector<16xf32>
        %max3A_895 = arith.constant 0.000000e+00 : f32
        %max3A_896 = vector.broadcast %max3A_895 : f32 to vector<16xf32>
        %max3A_897 = arith.maximumf %add3A_894, %max3A_896 : vector<16xf32>
        %mul3A_898 = arith.mulf %max3A_897, %get3A_214 : vector<16xf32>
        %add3A_899 = arith.addf %add3A_885, %mul3A_898 : vector<16xf32>
        %add3A_900 = arith.constant 7 : i32
        %add3A_901 = arith.addi %add3A_802, %add3A_900 : i32
        %get3A_902 = arith.index_cast %select_n3A_143 : i32 to index
        %get3A_903 = arith.index_cast %add3A_901 : i32 to index
        %get3A_904 = arith.constant 0 : index
        %get3A_905 = tpu.vector_load %arg7[%get3A_902, %get3A_903, %get3A_904] {strides = array<i32>} : memref<2x256x128xf32, #tpu.memory_space<vmem>>, vector<1x1x16xf32>,
        %get3A_906 = vector.shape_cast %get3A_905 : vector<1x1x16xf32> to vector<16xf32>
        %mul3A_907 = arith.mulf %get3A_906, %get3A_229 : vector<16xf32>
        %add3A_908 = arith.addf %mul3A_907, %get3A_234 : vector<16xf32>
        %max3A_909 = arith.constant 0.000000e+00 : f32
        %max3A_910 = vector.broadcast %max3A_909 : f32 to vector<16xf32>
        %max3A_911 = arith.maximumf %add3A_908, %max3A_910 : vector<16xf32>
        %mul3A_912 = arith.mulf %max3A_911, %get3A_219 : vector<16xf32>
        %add3A_913 = arith.addf %add3A_899, %mul3A_912 : vector<16xf32>
        %add3A_914 = arith.constant 8 : i32
        %add3A_915 = arith.addi %add3A_802, %add3A_914 : i32
        %get3A_916 = arith.index_cast %select_n3A_143 : i32 to index
        %get3A_917 = arith.index_cast %add3A_915 : i32 to index
        %get3A_918 = arith.constant 0 : index
        %get3A_919 = tpu.vector_load %arg7[%get3A_916, %get3A_917, %get3A_918] {strides = array<i32>} : memref<2x256x128xf32, #tpu.memory_space<vmem>>, vector<1x1x16xf32>,
        %get3A_920 = vector.shape_cast %get3A_919 : vector<1x1x16xf32> to vector<16xf32>
        %mul3A_921 = arith.mulf %get3A_920, %get3A_229 : vector<16xf32>
        %add3A_922 = arith.addf %mul3A_921, %get3A_234 : vector<16xf32>
        %max3A_923 = arith.constant 0.000000e+00 : f32
        %max3A_924 = vector.broadcast %max3A_923 : f32 to vector<16xf32>
        %max3A_925 = arith.maximumf %add3A_922, %max3A_924 : vector<16xf32>
        %mul3A_926 = arith.mulf %max3A_925, %get3A_224 : vector<16xf32>
        %add3A_927 = arith.addf %add3A_913, %mul3A_926 : vector<16xf32>
        %mul3A_928 = arith.constant 28 : i32
        %mul3A_929 = arith.muli %select_n3A_143, %mul3A_928 : i32
        %add3A_930 = arith.constant 14 : i32
        %add3A_931 = arith.addi %mul3A_929, %add3A_930 : i32
        %add3A_932 = arith.addi %add3A_931, %scan3A_798 : i32
        %swap3A = arith.index_cast %select_n3A_180 : i32 to index
        %swap3A_933 = arith.index_cast %add3A_932 : i32 to index
        %swap3A_934 = arith.constant 0 : index
        %swap3A_935 = tpu.vector_load %arg9[%swap3A, %swap3A_933, %swap3A_934] {strides = array<i32>} : memref<2x56x128xf32, #tpu.memory_space<vmem>>, vector<1x1x16xf32>,
        %swap3A_936 = vector.shape_cast %swap3A_935 : vector<1x1x16xf32> to vector<16xf32>
        %swap3A_937 = vector.shape_cast %add3A_927 : vector<16xf32> to vector<1x1x16xf32>
        tpu.vector_store %arg9[%swap3A, %swap3A_933, %swap3A_934], %swap3A_937 {strides = array<i32>} : memref<2x56x128xf32, #tpu.memory_space<vmem>>, vector<1x1x16xf32>,
      }
      %scan3A_251 = arith.constant 14 : i32
      %get3A_252 = arith.constant 0 : i32
      %get3A_253 = arith.index_cast %get3A_252 : i32 to index
      %get3A_254 = arith.constant 16 : index
      %get3A_255 = tpu.vector_load %arg8[%get3A_253, %get3A_254] {strides = array<i32>} : memref<12x128xf32, #tpu.memory_space<vmem>>, vector<1x16xf32>,
      %get3A_256 = vector.shape_cast %get3A_255 : vector<1x16xf32> to vector<16xf32>
      %get3A_257 = arith.constant 1 : i32
      %get3A_258 = arith.index_cast %get3A_257 : i32 to index
      %get3A_259 = arith.constant 16 : index
      %get3A_260 = tpu.vector_load %arg8[%get3A_258, %get3A_259] {strides = array<i32>} : memref<12x128xf32, #tpu.memory_space<vmem>>, vector<1x16xf32>,
      %get3A_261 = vector.shape_cast %get3A_260 : vector<1x16xf32> to vector<16xf32>
      %get3A_262 = arith.constant 2 : i32
      %get3A_263 = arith.index_cast %get3A_262 : i32 to index
      %get3A_264 = arith.constant 16 : index
      %get3A_265 = tpu.vector_load %arg8[%get3A_263, %get3A_264] {strides = array<i32>} : memref<12x128xf32, #tpu.memory_space<vmem>>, vector<1x16xf32>,
      %get3A_266 = vector.shape_cast %get3A_265 : vector<1x16xf32> to vector<16xf32>
      %get3A_267 = arith.constant 3 : i32
      %get3A_268 = arith.index_cast %get3A_267 : i32 to index
      %get3A_269 = arith.constant 16 : index
      %get3A_270 = tpu.vector_load %arg8[%get3A_268, %get3A_269] {strides = array<i32>} : memref<12x128xf32, #tpu.memory_space<vmem>>, vector<1x16xf32>,
      %get3A_271 = vector.shape_cast %get3A_270 : vector<1x16xf32> to vector<16xf32>
      %get3A_272 = arith.constant 4 : i32
      %get3A_273 = arith.index_cast %get3A_272 : i32 to index
      %get3A_274 = arith.constant 16 : index
      %get3A_275 = tpu.vector_load %arg8[%get3A_273, %get3A_274] {strides = array<i32>} : memref<12x128xf32, #tpu.memory_space<vmem>>, vector<1x16xf32>,
      %get3A_276 = vector.shape_cast %get3A_275 : vector<1x16xf32> to vector<16xf32>
      %get3A_277 = arith.constant 5 : i32
      %get3A_278 = arith.index_cast %get3A_277 : i32 to index
      %get3A_279 = arith.constant 16 : index
      %get3A_280 = tpu.vector_load %arg8[%get3A_278, %get3A_279] {strides = array<i32>} : memref<12x128xf32, #tpu.memory_space<vmem>>, vector<1x16xf32>,
      %get3A_281 = vector.shape_cast %get3A_280 : vector<1x16xf32> to vector<16xf32>
      %get3A_282 = arith.constant 6 : i32
      %get3A_283 = arith.index_cast %get3A_282 : i32 to index
      %get3A_284 = arith.constant 16 : index
      %get3A_285 = tpu.vector_load %arg8[%get3A_283, %get3A_284] {strides = array<i32>} : memref<12x128xf32, #tpu.memory_space<vmem>>, vector<1x16xf32>,
      %get3A_286 = vector.shape_cast %get3A_285 : vector<1x16xf32> to vector<16xf32>
      %get3A_287 = arith.constant 7 : i32
      %get3A_288 = arith.index_cast %get3A_287 : i32 to index
      %get3A_289 = arith.constant 16 : index
      %get3A_290 = tpu.vector_load %arg8[%get3A_288, %get3A_289] {strides = array<i32>} : memref<12x128xf32, #tpu.memory_space<vmem>>, vector<1x16xf32>,
      %get3A_291 = vector.shape_cast %get3A_290 : vector<1x16xf32> to vector<16xf32>
      %get3A_292 = arith.constant 8 : i32
      %get3A_293 = arith.index_cast %get3A_292 : i32 to index
      %get3A_294 = arith.constant 16 : index
      %get3A_295 = tpu.vector_load %arg8[%get3A_293, %get3A_294] {strides = array<i32>} : memref<12x128xf32, #tpu.memory_space<vmem>>, vector<1x16xf32>,
      %get3A_296 = vector.shape_cast %get3A_295 : vector<1x16xf32> to vector<16xf32>
      %get3A_297 = arith.constant 9 : i32
      %get3A_298 = arith.index_cast %get3A_297 : i32 to index
      %get3A_299 = arith.constant 16 : index
      %get3A_300 = tpu.vector_load %arg8[%get3A_298, %get3A_299] {strides = array<i32>} : memref<12x128xf32, #tpu.memory_space<vmem>>, vector<1x16xf32>,
      %get3A_301 = vector.shape_cast %get3A_300 : vector<1x16xf32> to vector<16xf32>
      %get3A_302 = arith.constant 10 : i32
      %get3A_303 = arith.index_cast %get3A_302 : i32 to index
      %get3A_304 = arith.constant 16 : index
      %get3A_305 = tpu.vector_load %arg8[%get3A_303, %get3A_304] {strides = array<i32>} : memref<12x128xf32, #tpu.memory_space<vmem>>, vector<1x16xf32>,
      %get3A_306 = vector.shape_cast %get3A_305 : vector<1x16xf32> to vector<16xf32>
      %get3A_307 = arith.constant 11 : i32
      %get3A_308 = arith.index_cast %get3A_307 : i32 to index
      %get3A_309 = arith.constant 16 : index
      %get3A_310 = tpu.vector_load %arg8[%get3A_308, %get3A_309] {strides = array<i32>} : memref<12x128xf32, #tpu.memory_space<vmem>>, vector<1x16xf32>,
      %get3A_311 = vector.shape_cast %get3A_310 : vector<1x16xf32> to vector<16xf32>
      %scan3A_312 = arith.constant 0 : i32
      %scan3A_313 = arith.constant 0 : i32
      %scan3A_314 = arith.constant 14 : i32
      %scan3A_315 = arith.addi %scan3A_313, %scan3A_314 : i32
      %scan3A_316 = arith.constant 1 : i32
      scf.for %scan3A_798 = %scan3A_313 to %scan3A_315 step %scan3A_316  : i32 {
        %mul3A_799 = arith.constant 9 : i32
        %mul3A_800 = arith.muli %scan3A_798, %mul3A_799 : i32
        %add3A_801 = arith.constant 0 : i32
        %add3A_802 = arith.addi %add3A_801, %mul3A_800 : i32
        %add3A_803 = arith.constant 0 : i32
        %add3A_804 = arith.addi %add3A_802, %add3A_803 : i32
        %get3A_805 = arith.index_cast %select_n3A_143 : i32 to index
        %get3A_806 = arith.index_cast %add3A_804 : i32 to index
        %get3A_807 = arith.constant 16 : index
        %get3A_808 = tpu.vector_load %arg7[%get3A_805, %get3A_806, %get3A_807] {strides = array<i32>} : memref<2x256x128xf32, #tpu.memory_space<vmem>>, vector<1x1x16xf32>,
        %get3A_809 = vector.shape_cast %get3A_808 : vector<1x1x16xf32> to vector<16xf32>
        %mul3A_810 = arith.mulf %get3A_809, %get3A_301 : vector<16xf32>
        %add3A_811 = arith.addf %mul3A_810, %get3A_306 : vector<16xf32>
        %max3A = arith.constant 0.000000e+00 : f32
        %max3A_812 = vector.broadcast %max3A : f32 to vector<16xf32>
        %max3A_813 = arith.maximumf %add3A_811, %max3A_812 : vector<16xf32>
        %mul3A_814 = arith.mulf %max3A_813, %get3A_256 : vector<16xf32>
        %add3A_815 = arith.addf %get3A_311, %mul3A_814 : vector<16xf32>
        %add3A_816 = arith.constant 1 : i32
        %add3A_817 = arith.addi %add3A_802, %add3A_816 : i32
        %get3A_818 = arith.index_cast %select_n3A_143 : i32 to index
        %get3A_819 = arith.index_cast %add3A_817 : i32 to index
        %get3A_820 = arith.constant 16 : index
        %get3A_821 = tpu.vector_load %arg7[%get3A_818, %get3A_819, %get3A_820] {strides = array<i32>} : memref<2x256x128xf32, #tpu.memory_space<vmem>>, vector<1x1x16xf32>,
        %get3A_822 = vector.shape_cast %get3A_821 : vector<1x1x16xf32> to vector<16xf32>
        %mul3A_823 = arith.mulf %get3A_822, %get3A_301 : vector<16xf32>
        %add3A_824 = arith.addf %mul3A_823, %get3A_306 : vector<16xf32>
        %max3A_825 = arith.constant 0.000000e+00 : f32
        %max3A_826 = vector.broadcast %max3A_825 : f32 to vector<16xf32>
        %max3A_827 = arith.maximumf %add3A_824, %max3A_826 : vector<16xf32>
        %mul3A_828 = arith.mulf %max3A_827, %get3A_261 : vector<16xf32>
        %add3A_829 = arith.addf %add3A_815, %mul3A_828 : vector<16xf32>
        %add3A_830 = arith.constant 2 : i32
        %add3A_831 = arith.addi %add3A_802, %add3A_830 : i32
        %get3A_832 = arith.index_cast %select_n3A_143 : i32 to index
        %get3A_833 = arith.index_cast %add3A_831 : i32 to index
        %get3A_834 = arith.constant 16 : index
        %get3A_835 = tpu.vector_load %arg7[%get3A_832, %get3A_833, %get3A_834] {strides = array<i32>} : memref<2x256x128xf32, #tpu.memory_space<vmem>>, vector<1x1x16xf32>,
        %get3A_836 = vector.shape_cast %get3A_835 : vector<1x1x16xf32> to vector<16xf32>
        %mul3A_837 = arith.mulf %get3A_836, %get3A_301 : vector<16xf32>
        %add3A_838 = arith.addf %mul3A_837, %get3A_306 : vector<16xf32>
        %max3A_839 = arith.constant 0.000000e+00 : f32
        %max3A_840 = vector.broadcast %max3A_839 : f32 to vector<16xf32>
        %max3A_841 = arith.maximumf %add3A_838, %max3A_840 : vector<16xf32>
        %mul3A_842 = arith.mulf %max3A_841, %get3A_266 : vector<16xf32>
        %add3A_843 = arith.addf %add3A_829, %mul3A_842 : vector<16xf32>
        %add3A_844 = arith.constant 3 : i32
        %add3A_845 = arith.addi %add3A_802, %add3A_844 : i32
        %get3A_846 = arith.index_cast %select_n3A_143 : i32 to index
        %get3A_847 = arith.index_cast %add3A_845 : i32 to index
        %get3A_848 = arith.constant 16 : index
        %get3A_849 = tpu.vector_load %arg7[%get3A_846, %get3A_847, %get3A_848] {strides = array<i32>} : memref<2x256x128xf32, #tpu.memory_space<vmem>>, vector<1x1x16xf32>,
        %get3A_850 = vector.shape_cast %get3A_849 : vector<1x1x16xf32> to vector<16xf32>
        %mul3A_851 = arith.mulf %get3A_850, %get3A_301 : vector<16xf32>
        %add3A_852 = arith.addf %mul3A_851, %get3A_306 : vector<16xf32>
        %max3A_853 = arith.constant 0.000000e+00 : f32
        %max3A_854 = vector.broadcast %max3A_853 : f32 to vector<16xf32>
        %max3A_855 = arith.maximumf %add3A_852, %max3A_854 : vector<16xf32>
        %mul3A_856 = arith.mulf %max3A_855, %get3A_271 : vector<16xf32>
        %add3A_857 = arith.addf %add3A_843, %mul3A_856 : vector<16xf32>
        %add3A_858 = arith.constant 4 : i32
        %add3A_859 = arith.addi %add3A_802, %add3A_858 : i32
        %get3A_860 = arith.index_cast %select_n3A_143 : i32 to index
        %get3A_861 = arith.index_cast %add3A_859 : i32 to index
        %get3A_862 = arith.constant 16 : index
        %get3A_863 = tpu.vector_load %arg7[%get3A_860, %get3A_861, %get3A_862] {strides = array<i32>} : memref<2x256x128xf32, #tpu.memory_space<vmem>>, vector<1x1x16xf32>,
        %get3A_864 = vector.shape_cast %get3A_863 : vector<1x1x16xf32> to vector<16xf32>
        %mul3A_865 = arith.mulf %get3A_864, %get3A_301 : vector<16xf32>
        %add3A_866 = arith.addf %mul3A_865, %get3A_306 : vector<16xf32>
        %max3A_867 = arith.constant 0.000000e+00 : f32
        %max3A_868 = vector.broadcast %max3A_867 : f32 to vector<16xf32>
        %max3A_869 = arith.maximumf %add3A_866, %max3A_868 : vector<16xf32>
        %mul3A_870 = arith.mulf %max3A_869, %get3A_276 : vector<16xf32>
        %add3A_871 = arith.addf %add3A_857, %mul3A_870 : vector<16xf32>
        %add3A_872 = arith.constant 5 : i32
        %add3A_873 = arith.addi %add3A_802, %add3A_872 : i32
        %get3A_874 = arith.index_cast %select_n3A_143 : i32 to index
        %get3A_875 = arith.index_cast %add3A_873 : i32 to index
        %get3A_876 = arith.constant 16 : index
        %get3A_877 = tpu.vector_load %arg7[%get3A_874, %get3A_875, %get3A_876] {strides = array<i32>} : memref<2x256x128xf32, #tpu.memory_space<vmem>>, vector<1x1x16xf32>,
        %get3A_878 = vector.shape_cast %get3A_877 : vector<1x1x16xf32> to vector<16xf32>
        %mul3A_879 = arith.mulf %get3A_878, %get3A_301 : vector<16xf32>
        %add3A_880 = arith.addf %mul3A_879, %get3A_306 : vector<16xf32>
        %max3A_881 = arith.constant 0.000000e+00 : f32
        %max3A_882 = vector.broadcast %max3A_881 : f32 to vector<16xf32>
        %max3A_883 = arith.maximumf %add3A_880, %max3A_882 : vector<16xf32>
        %mul3A_884 = arith.mulf %max3A_883, %get3A_281 : vector<16xf32>
        %add3A_885 = arith.addf %add3A_871, %mul3A_884 : vector<16xf32>
        %add3A_886 = arith.constant 6 : i32
        %add3A_887 = arith.addi %add3A_802, %add3A_886 : i32
        %get3A_888 = arith.index_cast %select_n3A_143 : i32 to index
        %get3A_889 = arith.index_cast %add3A_887 : i32 to index
        %get3A_890 = arith.constant 16 : index
        %get3A_891 = tpu.vector_load %arg7[%get3A_888, %get3A_889, %get3A_890] {strides = array<i32>} : memref<2x256x128xf32, #tpu.memory_space<vmem>>, vector<1x1x16xf32>,
        %get3A_892 = vector.shape_cast %get3A_891 : vector<1x1x16xf32> to vector<16xf32>
        %mul3A_893 = arith.mulf %get3A_892, %get3A_301 : vector<16xf32>
        %add3A_894 = arith.addf %mul3A_893, %get3A_306 : vector<16xf32>
        %max3A_895 = arith.constant 0.000000e+00 : f32
        %max3A_896 = vector.broadcast %max3A_895 : f32 to vector<16xf32>
        %max3A_897 = arith.maximumf %add3A_894, %max3A_896 : vector<16xf32>
        %mul3A_898 = arith.mulf %max3A_897, %get3A_286 : vector<16xf32>
        %add3A_899 = arith.addf %add3A_885, %mul3A_898 : vector<16xf32>
        %add3A_900 = arith.constant 7 : i32
        %add3A_901 = arith.addi %add3A_802, %add3A_900 : i32
        %get3A_902 = arith.index_cast %select_n3A_143 : i32 to index
        %get3A_903 = arith.index_cast %add3A_901 : i32 to index
        %get3A_904 = arith.constant 16 : index
        %get3A_905 = tpu.vector_load %arg7[%get3A_902, %get3A_903, %get3A_904] {strides = array<i32>} : memref<2x256x128xf32, #tpu.memory_space<vmem>>, vector<1x1x16xf32>,
        %get3A_906 = vector.shape_cast %get3A_905 : vector<1x1x16xf32> to vector<16xf32>
        %mul3A_907 = arith.mulf %get3A_906, %get3A_301 : vector<16xf32>
        %add3A_908 = arith.addf %mul3A_907, %get3A_306 : vector<16xf32>
        %max3A_909 = arith.constant 0.000000e+00 : f32
        %max3A_910 = vector.broadcast %max3A_909 : f32 to vector<16xf32>
        %max3A_911 = arith.maximumf %add3A_908, %max3A_910 : vector<16xf32>
        %mul3A_912 = arith.mulf %max3A_911, %get3A_291 : vector<16xf32>
        %add3A_913 = arith.addf %add3A_899, %mul3A_912 : vector<16xf32>
        %add3A_914 = arith.constant 8 : i32
        %add3A_915 = arith.addi %add3A_802, %add3A_914 : i32
        %get3A_916 = arith.index_cast %select_n3A_143 : i32 to index
        %get3A_917 = arith.index_cast %add3A_915 : i32 to index
        %get3A_918 = arith.constant 16 : index
        %get3A_919 = tpu.vector_load %arg7[%get3A_916, %get3A_917, %get3A_918] {strides = array<i32>} : memref<2x256x128xf32, #tpu.memory_space<vmem>>, vector<1x1x16xf32>,
        %get3A_920 = vector.shape_cast %get3A_919 : vector<1x1x16xf32> to vector<16xf32>
        %mul3A_921 = arith.mulf %get3A_920, %get3A_301 : vector<16xf32>
        %add3A_922 = arith.addf %mul3A_921, %get3A_306 : vector<16xf32>
        %max3A_923 = arith.constant 0.000000e+00 : f32
        %max3A_924 = vector.broadcast %max3A_923 : f32 to vector<16xf32>
        %max3A_925 = arith.maximumf %add3A_922, %max3A_924 : vector<16xf32>
        %mul3A_926 = arith.mulf %max3A_925, %get3A_296 : vector<16xf32>
        %add3A_927 = arith.addf %add3A_913, %mul3A_926 : vector<16xf32>
        %mul3A_928 = arith.constant 28 : i32
        %mul3A_929 = arith.muli %select_n3A_143, %mul3A_928 : i32
        %add3A_930 = arith.constant 0 : i32
        %add3A_931 = arith.addi %mul3A_929, %add3A_930 : i32
        %add3A_932 = arith.addi %add3A_931, %scan3A_798 : i32
        %swap3A = arith.index_cast %select_n3A_180 : i32 to index
        %swap3A_933 = arith.index_cast %add3A_932 : i32 to index
        %swap3A_934 = arith.constant 16 : index
        %swap3A_935 = tpu.vector_load %arg9[%swap3A, %swap3A_933, %swap3A_934] {strides = array<i32>} : memref<2x56x128xf32, #tpu.memory_space<vmem>>, vector<1x1x16xf32>,
        %swap3A_936 = vector.shape_cast %swap3A_935 : vector<1x1x16xf32> to vector<16xf32>
        %swap3A_937 = vector.shape_cast %add3A_927 : vector<16xf32> to vector<1x1x16xf32>
        tpu.vector_store %arg9[%swap3A, %swap3A_933, %swap3A_934], %swap3A_937 {strides = array<i32>} : memref<2x56x128xf32, #tpu.memory_space<vmem>>, vector<1x1x16xf32>,
      }
      %scan3A_317 = arith.constant 14 : i32
      %scan3A_318 = arith.constant 0 : i32
      %scan3A_319 = arith.constant 0 : i32
      %scan3A_320 = arith.constant 14 : i32
      %scan3A_321 = arith.addi %scan3A_319, %scan3A_320 : i32
      %scan3A_322 = arith.constant 1 : i32
      scf.for %scan3A_798 = %scan3A_319 to %scan3A_321 step %scan3A_322  : i32 {
        %mul3A_799 = arith.constant 9 : i32
        %mul3A_800 = arith.muli %scan3A_798, %mul3A_799 : i32
        %add3A_801 = arith.constant 128 : i32
        %add3A_802 = arith.addi %add3A_801, %mul3A_800 : i32
        %add3A_803 = arith.constant 0 : i32
        %add3A_804 = arith.addi %add3A_802, %add3A_803 : i32
        %get3A_805 = arith.index_cast %select_n3A_143 : i32 to index
        %get3A_806 = arith.index_cast %add3A_804 : i32 to index
        %get3A_807 = arith.constant 16 : index
        %get3A_808 = tpu.vector_load %arg7[%get3A_805, %get3A_806, %get3A_807] {strides = array<i32>} : memref<2x256x128xf32, #tpu.memory_space<vmem>>, vector<1x1x16xf32>,
        %get3A_809 = vector.shape_cast %get3A_808 : vector<1x1x16xf32> to vector<16xf32>
        %mul3A_810 = arith.mulf %get3A_809, %get3A_301 : vector<16xf32>
        %add3A_811 = arith.addf %mul3A_810, %get3A_306 : vector<16xf32>
        %max3A = arith.constant 0.000000e+00 : f32
        %max3A_812 = vector.broadcast %max3A : f32 to vector<16xf32>
        %max3A_813 = arith.maximumf %add3A_811, %max3A_812 : vector<16xf32>
        %mul3A_814 = arith.mulf %max3A_813, %get3A_256 : vector<16xf32>
        %add3A_815 = arith.addf %get3A_311, %mul3A_814 : vector<16xf32>
        %add3A_816 = arith.constant 1 : i32
        %add3A_817 = arith.addi %add3A_802, %add3A_816 : i32
        %get3A_818 = arith.index_cast %select_n3A_143 : i32 to index
        %get3A_819 = arith.index_cast %add3A_817 : i32 to index
        %get3A_820 = arith.constant 16 : index
        %get3A_821 = tpu.vector_load %arg7[%get3A_818, %get3A_819, %get3A_820] {strides = array<i32>} : memref<2x256x128xf32, #tpu.memory_space<vmem>>, vector<1x1x16xf32>,
        %get3A_822 = vector.shape_cast %get3A_821 : vector<1x1x16xf32> to vector<16xf32>
        %mul3A_823 = arith.mulf %get3A_822, %get3A_301 : vector<16xf32>
        %add3A_824 = arith.addf %mul3A_823, %get3A_306 : vector<16xf32>
        %max3A_825 = arith.constant 0.000000e+00 : f32
        %max3A_826 = vector.broadcast %max3A_825 : f32 to vector<16xf32>
        %max3A_827 = arith.maximumf %add3A_824, %max3A_826 : vector<16xf32>
        %mul3A_828 = arith.mulf %max3A_827, %get3A_261 : vector<16xf32>
        %add3A_829 = arith.addf %add3A_815, %mul3A_828 : vector<16xf32>
        %add3A_830 = arith.constant 2 : i32
        %add3A_831 = arith.addi %add3A_802, %add3A_830 : i32
        %get3A_832 = arith.index_cast %select_n3A_143 : i32 to index
        %get3A_833 = arith.index_cast %add3A_831 : i32 to index
        %get3A_834 = arith.constant 16 : index
        %get3A_835 = tpu.vector_load %arg7[%get3A_832, %get3A_833, %get3A_834] {strides = array<i32>} : memref<2x256x128xf32, #tpu.memory_space<vmem>>, vector<1x1x16xf32>,
        %get3A_836 = vector.shape_cast %get3A_835 : vector<1x1x16xf32> to vector<16xf32>
        %mul3A_837 = arith.mulf %get3A_836, %get3A_301 : vector<16xf32>
        %add3A_838 = arith.addf %mul3A_837, %get3A_306 : vector<16xf32>
        %max3A_839 = arith.constant 0.000000e+00 : f32
        %max3A_840 = vector.broadcast %max3A_839 : f32 to vector<16xf32>
        %max3A_841 = arith.maximumf %add3A_838, %max3A_840 : vector<16xf32>
        %mul3A_842 = arith.mulf %max3A_841, %get3A_266 : vector<16xf32>
        %add3A_843 = arith.addf %add3A_829, %mul3A_842 : vector<16xf32>
        %add3A_844 = arith.constant 3 : i32
        %add3A_845 = arith.addi %add3A_802, %add3A_844 : i32
        %get3A_846 = arith.index_cast %select_n3A_143 : i32 to index
        %get3A_847 = arith.index_cast %add3A_845 : i32 to index
        %get3A_848 = arith.constant 16 : index
        %get3A_849 = tpu.vector_load %arg7[%get3A_846, %get3A_847, %get3A_848] {strides = array<i32>} : memref<2x256x128xf32, #tpu.memory_space<vmem>>, vector<1x1x16xf32>,
        %get3A_850 = vector.shape_cast %get3A_849 : vector<1x1x16xf32> to vector<16xf32>
        %mul3A_851 = arith.mulf %get3A_850, %get3A_301 : vector<16xf32>
        %add3A_852 = arith.addf %mul3A_851, %get3A_306 : vector<16xf32>
        %max3A_853 = arith.constant 0.000000e+00 : f32
        %max3A_854 = vector.broadcast %max3A_853 : f32 to vector<16xf32>
        %max3A_855 = arith.maximumf %add3A_852, %max3A_854 : vector<16xf32>
        %mul3A_856 = arith.mulf %max3A_855, %get3A_271 : vector<16xf32>
        %add3A_857 = arith.addf %add3A_843, %mul3A_856 : vector<16xf32>
        %add3A_858 = arith.constant 4 : i32
        %add3A_859 = arith.addi %add3A_802, %add3A_858 : i32
        %get3A_860 = arith.index_cast %select_n3A_143 : i32 to index
        %get3A_861 = arith.index_cast %add3A_859 : i32 to index
        %get3A_862 = arith.constant 16 : index
        %get3A_863 = tpu.vector_load %arg7[%get3A_860, %get3A_861, %get3A_862] {strides = array<i32>} : memref<2x256x128xf32, #tpu.memory_space<vmem>>, vector<1x1x16xf32>,
        %get3A_864 = vector.shape_cast %get3A_863 : vector<1x1x16xf32> to vector<16xf32>
        %mul3A_865 = arith.mulf %get3A_864, %get3A_301 : vector<16xf32>
        %add3A_866 = arith.addf %mul3A_865, %get3A_306 : vector<16xf32>
        %max3A_867 = arith.constant 0.000000e+00 : f32
        %max3A_868 = vector.broadcast %max3A_867 : f32 to vector<16xf32>
        %max3A_869 = arith.maximumf %add3A_866, %max3A_868 : vector<16xf32>
        %mul3A_870 = arith.mulf %max3A_869, %get3A_276 : vector<16xf32>
        %add3A_871 = arith.addf %add3A_857, %mul3A_870 : vector<16xf32>
        %add3A_872 = arith.constant 5 : i32
        %add3A_873 = arith.addi %add3A_802, %add3A_872 : i32
        %get3A_874 = arith.index_cast %select_n3A_143 : i32 to index
        %get3A_875 = arith.index_cast %add3A_873 : i32 to index
        %get3A_876 = arith.constant 16 : index
        %get3A_877 = tpu.vector_load %arg7[%get3A_874, %get3A_875, %get3A_876] {strides = array<i32>} : memref<2x256x128xf32, #tpu.memory_space<vmem>>, vector<1x1x16xf32>,
        %get3A_878 = vector.shape_cast %get3A_877 : vector<1x1x16xf32> to vector<16xf32>
        %mul3A_879 = arith.mulf %get3A_878, %get3A_301 : vector<16xf32>
        %add3A_880 = arith.addf %mul3A_879, %get3A_306 : vector<16xf32>
        %max3A_881 = arith.constant 0.000000e+00 : f32
        %max3A_882 = vector.broadcast %max3A_881 : f32 to vector<16xf32>
        %max3A_883 = arith.maximumf %add3A_880, %max3A_882 : vector<16xf32>
        %mul3A_884 = arith.mulf %max3A_883, %get3A_281 : vector<16xf32>
        %add3A_885 = arith.addf %add3A_871, %mul3A_884 : vector<16xf32>
        %add3A_886 = arith.constant 6 : i32
        %add3A_887 = arith.addi %add3A_802, %add3A_886 : i32
        %get3A_888 = arith.index_cast %select_n3A_143 : i32 to index
        %get3A_889 = arith.index_cast %add3A_887 : i32 to index
        %get3A_890 = arith.constant 16 : index
        %get3A_891 = tpu.vector_load %arg7[%get3A_888, %get3A_889, %get3A_890] {strides = array<i32>} : memref<2x256x128xf32, #tpu.memory_space<vmem>>, vector<1x1x16xf32>,
        %get3A_892 = vector.shape_cast %get3A_891 : vector<1x1x16xf32> to vector<16xf32>
        %mul3A_893 = arith.mulf %get3A_892, %get3A_301 : vector<16xf32>
        %add3A_894 = arith.addf %mul3A_893, %get3A_306 : vector<16xf32>
        %max3A_895 = arith.constant 0.000000e+00 : f32
        %max3A_896 = vector.broadcast %max3A_895 : f32 to vector<16xf32>
        %max3A_897 = arith.maximumf %add3A_894, %max3A_896 : vector<16xf32>
        %mul3A_898 = arith.mulf %max3A_897, %get3A_286 : vector<16xf32>
        %add3A_899 = arith.addf %add3A_885, %mul3A_898 : vector<16xf32>
        %add3A_900 = arith.constant 7 : i32
        %add3A_901 = arith.addi %add3A_802, %add3A_900 : i32
        %get3A_902 = arith.index_cast %select_n3A_143 : i32 to index
        %get3A_903 = arith.index_cast %add3A_901 : i32 to index
        %get3A_904 = arith.constant 16 : index
        %get3A_905 = tpu.vector_load %arg7[%get3A_902, %get3A_903, %get3A_904] {strides = array<i32>} : memref<2x256x128xf32, #tpu.memory_space<vmem>>, vector<1x1x16xf32>,
        %get3A_906 = vector.shape_cast %get3A_905 : vector<1x1x16xf32> to vector<16xf32>
        %mul3A_907 = arith.mulf %get3A_906, %get3A_301 : vector<16xf32>
        %add3A_908 = arith.addf %mul3A_907, %get3A_306 : vector<16xf32>
        %max3A_909 = arith.constant 0.000000e+00 : f32
        %max3A_910 = vector.broadcast %max3A_909 : f32 to vector<16xf32>
        %max3A_911 = arith.maximumf %add3A_908, %max3A_910 : vector<16xf32>
        %mul3A_912 = arith.mulf %max3A_911, %get3A_291 : vector<16xf32>
        %add3A_913 = arith.addf %add3A_899, %mul3A_912 : vector<16xf32>
        %add3A_914 = arith.constant 8 : i32
        %add3A_915 = arith.addi %add3A_802, %add3A_914 : i32
        %get3A_916 = arith.index_cast %select_n3A_143 : i32 to index
        %get3A_917 = arith.index_cast %add3A_915 : i32 to index
        %get3A_918 = arith.constant 16 : index
        %get3A_919 = tpu.vector_load %arg7[%get3A_916, %get3A_917, %get3A_918] {strides = array<i32>} : memref<2x256x128xf32, #tpu.memory_space<vmem>>, vector<1x1x16xf32>,
        %get3A_920 = vector.shape_cast %get3A_919 : vector<1x1x16xf32> to vector<16xf32>
        %mul3A_921 = arith.mulf %get3A_920, %get3A_301 : vector<16xf32>
        %add3A_922 = arith.addf %mul3A_921, %get3A_306 : vector<16xf32>
        %max3A_923 = arith.constant 0.000000e+00 : f32
        %max3A_924 = vector.broadcast %max3A_923 : f32 to vector<16xf32>
        %max3A_925 = arith.maximumf %add3A_922, %max3A_924 : vector<16xf32>
        %mul3A_926 = arith.mulf %max3A_925, %get3A_296 : vector<16xf32>
        %add3A_927 = arith.addf %add3A_913, %mul3A_926 : vector<16xf32>
        %mul3A_928 = arith.constant 28 : i32
        %mul3A_929 = arith.muli %select_n3A_143, %mul3A_928 : i32
        %add3A_930 = arith.constant 14 : i32
        %add3A_931 = arith.addi %mul3A_929, %add3A_930 : i32
        %add3A_932 = arith.addi %add3A_931, %scan3A_798 : i32
        %swap3A = arith.index_cast %select_n3A_180 : i32 to index
        %swap3A_933 = arith.index_cast %add3A_932 : i32 to index
        %swap3A_934 = arith.constant 16 : index
        %swap3A_935 = tpu.vector_load %arg9[%swap3A, %swap3A_933, %swap3A_934] {strides = array<i32>} : memref<2x56x128xf32, #tpu.memory_space<vmem>>, vector<1x1x16xf32>,
        %swap3A_936 = vector.shape_cast %swap3A_935 : vector<1x1x16xf32> to vector<16xf32>
        %swap3A_937 = vector.shape_cast %add3A_927 : vector<16xf32> to vector<1x1x16xf32>
        tpu.vector_store %arg9[%swap3A, %swap3A_933, %swap3A_934], %swap3A_937 {strides = array<i32>} : memref<2x56x128xf32, #tpu.memory_space<vmem>>, vector<1x1x16xf32>,
      }
      %scan3A_323 = arith.constant 14 : i32
      %get3A_324 = arith.constant 0 : i32
      %get3A_325 = arith.index_cast %get3A_324 : i32 to index
      %get3A_326 = arith.constant 32 : index
      %get3A_327 = tpu.vector_load %arg8[%get3A_325, %get3A_326] {strides = array<i32>} : memref<12x128xf32, #tpu.memory_space<vmem>>, vector<1x16xf32>,
      %get3A_328 = vector.shape_cast %get3A_327 : vector<1x16xf32> to vector<16xf32>
      %get3A_329 = arith.constant 1 : i32
      %get3A_330 = arith.index_cast %get3A_329 : i32 to index
      %get3A_331 = arith.constant 32 : index
      %get3A_332 = tpu.vector_load %arg8[%get3A_330, %get3A_331] {strides = array<i32>} : memref<12x128xf32, #tpu.memory_space<vmem>>, vector<1x16xf32>,
      %get3A_333 = vector.shape_cast %get3A_332 : vector<1x16xf32> to vector<16xf32>
      %get3A_334 = arith.constant 2 : i32
      %get3A_335 = arith.index_cast %get3A_334 : i32 to index
      %get3A_336 = arith.constant 32 : index
      %get3A_337 = tpu.vector_load %arg8[%get3A_335, %get3A_336] {strides = array<i32>} : memref<12x128xf32, #tpu.memory_space<vmem>>, vector<1x16xf32>,
      %get3A_338 = vector.shape_cast %get3A_337 : vector<1x16xf32> to vector<16xf32>
      %get3A_339 = arith.constant 3 : i32
      %get3A_340 = arith.index_cast %get3A_339 : i32 to index
      %get3A_341 = arith.constant 32 : index
      %get3A_342 = tpu.vector_load %arg8[%get3A_340, %get3A_341] {strides = array<i32>} : memref<12x128xf32, #tpu.memory_space<vmem>>, vector<1x16xf32>,
      %get3A_343 = vector.shape_cast %get3A_342 : vector<1x16xf32> to vector<16xf32>
      %get3A_344 = arith.constant 4 : i32
      %get3A_345 = arith.index_cast %get3A_344 : i32 to index
      %get3A_346 = arith.constant 32 : index
      %get3A_347 = tpu.vector_load %arg8[%get3A_345, %get3A_346] {strides = array<i32>} : memref<12x128xf32, #tpu.memory_space<vmem>>, vector<1x16xf32>,
      %get3A_348 = vector.shape_cast %get3A_347 : vector<1x16xf32> to vector<16xf32>
      %get3A_349 = arith.constant 5 : i32
      %get3A_350 = arith.index_cast %get3A_349 : i32 to index
      %get3A_351 = arith.constant 32 : index
      %get3A_352 = tpu.vector_load %arg8[%get3A_350, %get3A_351] {strides = array<i32>} : memref<12x128xf32, #tpu.memory_space<vmem>>, vector<1x16xf32>,
      %get3A_353 = vector.shape_cast %get3A_352 : vector<1x16xf32> to vector<16xf32>
      %get3A_354 = arith.constant 6 : i32
      %get3A_355 = arith.index_cast %get3A_354 : i32 to index
      %get3A_356 = arith.constant 32 : index
      %get3A_357 = tpu.vector_load %arg8[%get3A_355, %get3A_356] {strides = array<i32>} : memref<12x128xf32, #tpu.memory_space<vmem>>, vector<1x16xf32>,
      %get3A_358 = vector.shape_cast %get3A_357 : vector<1x16xf32> to vector<16xf32>
      %get3A_359 = arith.constant 7 : i32
      %get3A_360 = arith.index_cast %get3A_359 : i32 to index
      %get3A_361 = arith.constant 32 : index
      %get3A_362 = tpu.vector_load %arg8[%get3A_360, %get3A_361] {strides = array<i32>} : memref<12x128xf32, #tpu.memory_space<vmem>>, vector<1x16xf32>,
      %get3A_363 = vector.shape_cast %get3A_362 : vector<1x16xf32> to vector<16xf32>
      %get3A_364 = arith.constant 8 : i32
      %get3A_365 = arith.index_cast %get3A_364 : i32 to index
      %get3A_366 = arith.constant 32 : index
      %get3A_367 = tpu.vector_load %arg8[%get3A_365, %get3A_366] {strides = array<i32>} : memref<12x128xf32, #tpu.memory_space<vmem>>, vector<1x16xf32>,
      %get3A_368 = vector.shape_cast %get3A_367 : vector<1x16xf32> to vector<16xf32>
      %get3A_369 = arith.constant 9 : i32
      %get3A_370 = arith.index_cast %get3A_369 : i32 to index
      %get3A_371 = arith.constant 32 : index
      %get3A_372 = tpu.vector_load %arg8[%get3A_370, %get3A_371] {strides = array<i32>} : memref<12x128xf32, #tpu.memory_space<vmem>>, vector<1x16xf32>,
      %get3A_373 = vector.shape_cast %get3A_372 : vector<1x16xf32> to vector<16xf32>
      %get3A_374 = arith.constant 10 : i32
      %get3A_375 = arith.index_cast %get3A_374 : i32 to index
      %get3A_376 = arith.constant 32 : index
      %get3A_377 = tpu.vector_load %arg8[%get3A_375, %get3A_376] {strides = array<i32>} : memref<12x128xf32, #tpu.memory_space<vmem>>, vector<1x16xf32>,
      %get3A_378 = vector.shape_cast %get3A_377 : vector<1x16xf32> to vector<16xf32>
      %get3A_379 = arith.constant 11 : i32
      %get3A_380 = arith.index_cast %get3A_379 : i32 to index
      %get3A_381 = arith.constant 32 : index
      %get3A_382 = tpu.vector_load %arg8[%get3A_380, %get3A_381] {strides = array<i32>} : memref<12x128xf32, #tpu.memory_space<vmem>>, vector<1x16xf32>,
      %get3A_383 = vector.shape_cast %get3A_382 : vector<1x16xf32> to vector<16xf32>
      %scan3A_384 = arith.constant 0 : i32
      %scan3A_385 = arith.constant 0 : i32
      %scan3A_386 = arith.constant 14 : i32
      %scan3A_387 = arith.addi %scan3A_385, %scan3A_386 : i32
      %scan3A_388 = arith.constant 1 : i32
      scf.for %scan3A_798 = %scan3A_385 to %scan3A_387 step %scan3A_388  : i32 {
        %mul3A_799 = arith.constant 9 : i32
        %mul3A_800 = arith.muli %scan3A_798, %mul3A_799 : i32
        %add3A_801 = arith.constant 0 : i32
        %add3A_802 = arith.addi %add3A_801, %mul3A_800 : i32
        %add3A_803 = arith.constant 0 : i32
        %add3A_804 = arith.addi %add3A_802, %add3A_803 : i32
        %get3A_805 = arith.index_cast %select_n3A_143 : i32 to index
        %get3A_806 = arith.index_cast %add3A_804 : i32 to index
        %get3A_807 = arith.constant 32 : index
        %get3A_808 = tpu.vector_load %arg7[%get3A_805, %get3A_806, %get3A_807] {strides = array<i32>} : memref<2x256x128xf32, #tpu.memory_space<vmem>>, vector<1x1x16xf32>,
        %get3A_809 = vector.shape_cast %get3A_808 : vector<1x1x16xf32> to vector<16xf32>
        %mul3A_810 = arith.mulf %get3A_809, %get3A_373 : vector<16xf32>
        %add3A_811 = arith.addf %mul3A_810, %get3A_378 : vector<16xf32>
        %max3A = arith.constant 0.000000e+00 : f32
        %max3A_812 = vector.broadcast %max3A : f32 to vector<16xf32>
        %max3A_813 = arith.maximumf %add3A_811, %max3A_812 : vector<16xf32>
        %mul3A_814 = arith.mulf %max3A_813, %get3A_328 : vector<16xf32>
        %add3A_815 = arith.addf %get3A_383, %mul3A_814 : vector<16xf32>
        %add3A_816 = arith.constant 1 : i32
        %add3A_817 = arith.addi %add3A_802, %add3A_816 : i32
        %get3A_818 = arith.index_cast %select_n3A_143 : i32 to index
        %get3A_819 = arith.index_cast %add3A_817 : i32 to index
        %get3A_820 = arith.constant 32 : index
        %get3A_821 = tpu.vector_load %arg7[%get3A_818, %get3A_819, %get3A_820] {strides = array<i32>} : memref<2x256x128xf32, #tpu.memory_space<vmem>>, vector<1x1x16xf32>,
        %get3A_822 = vector.shape_cast %get3A_821 : vector<1x1x16xf32> to vector<16xf32>
        %mul3A_823 = arith.mulf %get3A_822, %get3A_373 : vector<16xf32>
        %add3A_824 = arith.addf %mul3A_823, %get3A_378 : vector<16xf32>
        %max3A_825 = arith.constant 0.000000e+00 : f32
        %max3A_826 = vector.broadcast %max3A_825 : f32 to vector<16xf32>
        %max3A_827 = arith.maximumf %add3A_824, %max3A_826 : vector<16xf32>
        %mul3A_828 = arith.mulf %max3A_827, %get3A_333 : vector<16xf32>
        %add3A_829 = arith.addf %add3A_815, %mul3A_828 : vector<16xf32>
        %add3A_830 = arith.constant 2 : i32
        %add3A_831 = arith.addi %add3A_802, %add3A_830 : i32
        %get3A_832 = arith.index_cast %select_n3A_143 : i32 to index
        %get3A_833 = arith.index_cast %add3A_831 : i32 to index
        %get3A_834 = arith.constant 32 : index
        %get3A_835 = tpu.vector_load %arg7[%get3A_832, %get3A_833, %get3A_834] {strides = array<i32>} : memref<2x256x128xf32, #tpu.memory_space<vmem>>, vector<1x1x16xf32>,
        %get3A_836 = vector.shape_cast %get3A_835 : vector<1x1x16xf32> to vector<16xf32>
        %mul3A_837 = arith.mulf %get3A_836, %get3A_373 : vector<16xf32>
        %add3A_838 = arith.addf %mul3A_837, %get3A_378 : vector<16xf32>
        %max3A_839 = arith.constant 0.000000e+00 : f32
        %max3A_840 = vector.broadcast %max3A_839 : f32 to vector<16xf32>
        %max3A_841 = arith.maximumf %add3A_838, %max3A_840 : vector<16xf32>
        %mul3A_842 = arith.mulf %max3A_841, %get3A_338 : vector<16xf32>
        %add3A_843 = arith.addf %add3A_829, %mul3A_842 : vector<16xf32>
        %add3A_844 = arith.constant 3 : i32
        %add3A_845 = arith.addi %add3A_802, %add3A_844 : i32
        %get3A_846 = arith.index_cast %select_n3A_143 : i32 to index
        %get3A_847 = arith.index_cast %add3A_845 : i32 to index
        %get3A_848 = arith.constant 32 : index
        %get3A_849 = tpu.vector_load %arg7[%get3A_846, %get3A_847, %get3A_848] {strides = array<i32>} : memref<2x256x128xf32, #tpu.memory_space<vmem>>, vector<1x1x16xf32>,
        %get3A_850 = vector.shape_cast %get3A_849 : vector<1x1x16xf32> to vector<16xf32>
        %mul3A_851 = arith.mulf %get3A_850, %get3A_373 : vector<16xf32>
        %add3A_852 = arith.addf %mul3A_851, %get3A_378 : vector<16xf32>
        %max3A_853 = arith.constant 0.000000e+00 : f32
        %max3A_854 = vector.broadcast %max3A_853 : f32 to vector<16xf32>
        %max3A_855 = arith.maximumf %add3A_852, %max3A_854 : vector<16xf32>
        %mul3A_856 = arith.mulf %max3A_855, %get3A_343 : vector<16xf32>
        %add3A_857 = arith.addf %add3A_843, %mul3A_856 : vector<16xf32>
        %add3A_858 = arith.constant 4 : i32
        %add3A_859 = arith.addi %add3A_802, %add3A_858 : i32
        %get3A_860 = arith.index_cast %select_n3A_143 : i32 to index
        %get3A_861 = arith.index_cast %add3A_859 : i32 to index
        %get3A_862 = arith.constant 32 : index
        %get3A_863 = tpu.vector_load %arg7[%get3A_860, %get3A_861, %get3A_862] {strides = array<i32>} : memref<2x256x128xf32, #tpu.memory_space<vmem>>, vector<1x1x16xf32>,
        %get3A_864 = vector.shape_cast %get3A_863 : vector<1x1x16xf32> to vector<16xf32>
        %mul3A_865 = arith.mulf %get3A_864, %get3A_373 : vector<16xf32>
        %add3A_866 = arith.addf %mul3A_865, %get3A_378 : vector<16xf32>
        %max3A_867 = arith.constant 0.000000e+00 : f32
        %max3A_868 = vector.broadcast %max3A_867 : f32 to vector<16xf32>
        %max3A_869 = arith.maximumf %add3A_866, %max3A_868 : vector<16xf32>
        %mul3A_870 = arith.mulf %max3A_869, %get3A_348 : vector<16xf32>
        %add3A_871 = arith.addf %add3A_857, %mul3A_870 : vector<16xf32>
        %add3A_872 = arith.constant 5 : i32
        %add3A_873 = arith.addi %add3A_802, %add3A_872 : i32
        %get3A_874 = arith.index_cast %select_n3A_143 : i32 to index
        %get3A_875 = arith.index_cast %add3A_873 : i32 to index
        %get3A_876 = arith.constant 32 : index
        %get3A_877 = tpu.vector_load %arg7[%get3A_874, %get3A_875, %get3A_876] {strides = array<i32>} : memref<2x256x128xf32, #tpu.memory_space<vmem>>, vector<1x1x16xf32>,
        %get3A_878 = vector.shape_cast %get3A_877 : vector<1x1x16xf32> to vector<16xf32>
        %mul3A_879 = arith.mulf %get3A_878, %get3A_373 : vector<16xf32>
        %add3A_880 = arith.addf %mul3A_879, %get3A_378 : vector<16xf32>
        %max3A_881 = arith.constant 0.000000e+00 : f32
        %max3A_882 = vector.broadcast %max3A_881 : f32 to vector<16xf32>
        %max3A_883 = arith.maximumf %add3A_880, %max3A_882 : vector<16xf32>
        %mul3A_884 = arith.mulf %max3A_883, %get3A_353 : vector<16xf32>
        %add3A_885 = arith.addf %add3A_871, %mul3A_884 : vector<16xf32>
        %add3A_886 = arith.constant 6 : i32
        %add3A_887 = arith.addi %add3A_802, %add3A_886 : i32
        %get3A_888 = arith.index_cast %select_n3A_143 : i32 to index
        %get3A_889 = arith.index_cast %add3A_887 : i32 to index
        %get3A_890 = arith.constant 32 : index
        %get3A_891 = tpu.vector_load %arg7[%get3A_888, %get3A_889, %get3A_890] {strides = array<i32>} : memref<2x256x128xf32, #tpu.memory_space<vmem>>, vector<1x1x16xf32>,
        %get3A_892 = vector.shape_cast %get3A_891 : vector<1x1x16xf32> to vector<16xf32>
        %mul3A_893 = arith.mulf %get3A_892, %get3A_373 : vector<16xf32>
        %add3A_894 = arith.addf %mul3A_893, %get3A_378 : vector<16xf32>
        %max3A_895 = arith.constant 0.000000e+00 : f32
        %max3A_896 = vector.broadcast %max3A_895 : f32 to vector<16xf32>
        %max3A_897 = arith.maximumf %add3A_894, %max3A_896 : vector<16xf32>
        %mul3A_898 = arith.mulf %max3A_897, %get3A_358 : vector<16xf32>
        %add3A_899 = arith.addf %add3A_885, %mul3A_898 : vector<16xf32>
        %add3A_900 = arith.constant 7 : i32
        %add3A_901 = arith.addi %add3A_802, %add3A_900 : i32
        %get3A_902 = arith.index_cast %select_n3A_143 : i32 to index
        %get3A_903 = arith.index_cast %add3A_901 : i32 to index
        %get3A_904 = arith.constant 32 : index
        %get3A_905 = tpu.vector_load %arg7[%get3A_902, %get3A_903, %get3A_904] {strides = array<i32>} : memref<2x256x128xf32, #tpu.memory_space<vmem>>, vector<1x1x16xf32>,
        %get3A_906 = vector.shape_cast %get3A_905 : vector<1x1x16xf32> to vector<16xf32>
        %mul3A_907 = arith.mulf %get3A_906, %get3A_373 : vector<16xf32>
        %add3A_908 = arith.addf %mul3A_907, %get3A_378 : vector<16xf32>
        %max3A_909 = arith.constant 0.000000e+00 : f32
        %max3A_910 = vector.broadcast %max3A_909 : f32 to vector<16xf32>
        %max3A_911 = arith.maximumf %add3A_908, %max3A_910 : vector<16xf32>
        %mul3A_912 = arith.mulf %max3A_911, %get3A_363 : vector<16xf32>
        %add3A_913 = arith.addf %add3A_899, %mul3A_912 : vector<16xf32>
        %add3A_914 = arith.constant 8 : i32
        %add3A_915 = arith.addi %add3A_802, %add3A_914 : i32
        %get3A_916 = arith.index_cast %select_n3A_143 : i32 to index
        %get3A_917 = arith.index_cast %add3A_915 : i32 to index
        %get3A_918 = arith.constant 32 : index
        %get3A_919 = tpu.vector_load %arg7[%get3A_916, %get3A_917, %get3A_918] {strides = array<i32>} : memref<2x256x128xf32, #tpu.memory_space<vmem>>, vector<1x1x16xf32>,
        %get3A_920 = vector.shape_cast %get3A_919 : vector<1x1x16xf32> to vector<16xf32>
        %mul3A_921 = arith.mulf %get3A_920, %get3A_373 : vector<16xf32>
        %add3A_922 = arith.addf %mul3A_921, %get3A_378 : vector<16xf32>
        %max3A_923 = arith.constant 0.000000e+00 : f32
        %max3A_924 = vector.broadcast %max3A_923 : f32 to vector<16xf32>
        %max3A_925 = arith.maximumf %add3A_922, %max3A_924 : vector<16xf32>
        %mul3A_926 = arith.mulf %max3A_925, %get3A_368 : vector<16xf32>
        %add3A_927 = arith.addf %add3A_913, %mul3A_926 : vector<16xf32>
        %mul3A_928 = arith.constant 28 : i32
        %mul3A_929 = arith.muli %select_n3A_143, %mul3A_928 : i32
        %add3A_930 = arith.constant 0 : i32
        %add3A_931 = arith.addi %mul3A_929, %add3A_930 : i32
        %add3A_932 = arith.addi %add3A_931, %scan3A_798 : i32
        %swap3A = arith.index_cast %select_n3A_180 : i32 to index
        %swap3A_933 = arith.index_cast %add3A_932 : i32 to index
        %swap3A_934 = arith.constant 32 : index
        %swap3A_935 = tpu.vector_load %arg9[%swap3A, %swap3A_933, %swap3A_934] {strides = array<i32>} : memref<2x56x128xf32, #tpu.memory_space<vmem>>, vector<1x1x16xf32>,
        %swap3A_936 = vector.shape_cast %swap3A_935 : vector<1x1x16xf32> to vector<16xf32>
        %swap3A_937 = vector.shape_cast %add3A_927 : vector<16xf32> to vector<1x1x16xf32>
        tpu.vector_store %arg9[%swap3A, %swap3A_933, %swap3A_934], %swap3A_937 {strides = array<i32>} : memref<2x56x128xf32, #tpu.memory_space<vmem>>, vector<1x1x16xf32>,
      }
      %scan3A_389 = arith.constant 14 : i32
      %scan3A_390 = arith.constant 0 : i32
      %scan3A_391 = arith.constant 0 : i32
      %scan3A_392 = arith.constant 14 : i32
      %scan3A_393 = arith.addi %scan3A_391, %scan3A_392 : i32
      %scan3A_394 = arith.constant 1 : i32
      scf.for %scan3A_798 = %scan3A_391 to %scan3A_393 step %scan3A_394  : i32 {
        %mul3A_799 = arith.constant 9 : i32
        %mul3A_800 = arith.muli %scan3A_798, %mul3A_799 : i32
        %add3A_801 = arith.constant 128 : i32
        %add3A_802 = arith.addi %add3A_801, %mul3A_800 : i32
        %add3A_803 = arith.constant 0 : i32
        %add3A_804 = arith.addi %add3A_802, %add3A_803 : i32
        %get3A_805 = arith.index_cast %select_n3A_143 : i32 to index
        %get3A_806 = arith.index_cast %add3A_804 : i32 to index
        %get3A_807 = arith.constant 32 : index
        %get3A_808 = tpu.vector_load %arg7[%get3A_805, %get3A_806, %get3A_807] {strides = array<i32>} : memref<2x256x128xf32, #tpu.memory_space<vmem>>, vector<1x1x16xf32>,
        %get3A_809 = vector.shape_cast %get3A_808 : vector<1x1x16xf32> to vector<16xf32>
        %mul3A_810 = arith.mulf %get3A_809, %get3A_373 : vector<16xf32>
        %add3A_811 = arith.addf %mul3A_810, %get3A_378 : vector<16xf32>
        %max3A = arith.constant 0.000000e+00 : f32
        %max3A_812 = vector.broadcast %max3A : f32 to vector<16xf32>
        %max3A_813 = arith.maximumf %add3A_811, %max3A_812 : vector<16xf32>
        %mul3A_814 = arith.mulf %max3A_813, %get3A_328 : vector<16xf32>
        %add3A_815 = arith.addf %get3A_383, %mul3A_814 : vector<16xf32>
        %add3A_816 = arith.constant 1 : i32
        %add3A_817 = arith.addi %add3A_802, %add3A_816 : i32
        %get3A_818 = arith.index_cast %select_n3A_143 : i32 to index
        %get3A_819 = arith.index_cast %add3A_817 : i32 to index
        %get3A_820 = arith.constant 32 : index
        %get3A_821 = tpu.vector_load %arg7[%get3A_818, %get3A_819, %get3A_820] {strides = array<i32>} : memref<2x256x128xf32, #tpu.memory_space<vmem>>, vector<1x1x16xf32>,
        %get3A_822 = vector.shape_cast %get3A_821 : vector<1x1x16xf32> to vector<16xf32>
        %mul3A_823 = arith.mulf %get3A_822, %get3A_373 : vector<16xf32>
        %add3A_824 = arith.addf %mul3A_823, %get3A_378 : vector<16xf32>
        %max3A_825 = arith.constant 0.000000e+00 : f32
        %max3A_826 = vector.broadcast %max3A_825 : f32 to vector<16xf32>
        %max3A_827 = arith.maximumf %add3A_824, %max3A_826 : vector<16xf32>
        %mul3A_828 = arith.mulf %max3A_827, %get3A_333 : vector<16xf32>
        %add3A_829 = arith.addf %add3A_815, %mul3A_828 : vector<16xf32>
        %add3A_830 = arith.constant 2 : i32
        %add3A_831 = arith.addi %add3A_802, %add3A_830 : i32
        %get3A_832 = arith.index_cast %select_n3A_143 : i32 to index
        %get3A_833 = arith.index_cast %add3A_831 : i32 to index
        %get3A_834 = arith.constant 32 : index
        %get3A_835 = tpu.vector_load %arg7[%get3A_832, %get3A_833, %get3A_834] {strides = array<i32>} : memref<2x256x128xf32, #tpu.memory_space<vmem>>, vector<1x1x16xf32>,
        %get3A_836 = vector.shape_cast %get3A_835 : vector<1x1x16xf32> to vector<16xf32>
        %mul3A_837 = arith.mulf %get3A_836, %get3A_373 : vector<16xf32>
        %add3A_838 = arith.addf %mul3A_837, %get3A_378 : vector<16xf32>
        %max3A_839 = arith.constant 0.000000e+00 : f32
        %max3A_840 = vector.broadcast %max3A_839 : f32 to vector<16xf32>
        %max3A_841 = arith.maximumf %add3A_838, %max3A_840 : vector<16xf32>
        %mul3A_842 = arith.mulf %max3A_841, %get3A_338 : vector<16xf32>
        %add3A_843 = arith.addf %add3A_829, %mul3A_842 : vector<16xf32>
        %add3A_844 = arith.constant 3 : i32
        %add3A_845 = arith.addi %add3A_802, %add3A_844 : i32
        %get3A_846 = arith.index_cast %select_n3A_143 : i32 to index
        %get3A_847 = arith.index_cast %add3A_845 : i32 to index
        %get3A_848 = arith.constant 32 : index
        %get3A_849 = tpu.vector_load %arg7[%get3A_846, %get3A_847, %get3A_848] {strides = array<i32>} : memref<2x256x128xf32, #tpu.memory_space<vmem>>, vector<1x1x16xf32>,
        %get3A_850 = vector.shape_cast %get3A_849 : vector<1x1x16xf32> to vector<16xf32>
        %mul3A_851 = arith.mulf %get3A_850, %get3A_373 : vector<16xf32>
        %add3A_852 = arith.addf %mul3A_851, %get3A_378 : vector<16xf32>
        %max3A_853 = arith.constant 0.000000e+00 : f32
        %max3A_854 = vector.broadcast %max3A_853 : f32 to vector<16xf32>
        %max3A_855 = arith.maximumf %add3A_852, %max3A_854 : vector<16xf32>
        %mul3A_856 = arith.mulf %max3A_855, %get3A_343 : vector<16xf32>
        %add3A_857 = arith.addf %add3A_843, %mul3A_856 : vector<16xf32>
        %add3A_858 = arith.constant 4 : i32
        %add3A_859 = arith.addi %add3A_802, %add3A_858 : i32
        %get3A_860 = arith.index_cast %select_n3A_143 : i32 to index
        %get3A_861 = arith.index_cast %add3A_859 : i32 to index
        %get3A_862 = arith.constant 32 : index
        %get3A_863 = tpu.vector_load %arg7[%get3A_860, %get3A_861, %get3A_862] {strides = array<i32>} : memref<2x256x128xf32, #tpu.memory_space<vmem>>, vector<1x1x16xf32>,
        %get3A_864 = vector.shape_cast %get3A_863 : vector<1x1x16xf32> to vector<16xf32>
        %mul3A_865 = arith.mulf %get3A_864, %get3A_373 : vector<16xf32>
        %add3A_866 = arith.addf %mul3A_865, %get3A_378 : vector<16xf32>
        %max3A_867 = arith.constant 0.000000e+00 : f32
        %max3A_868 = vector.broadcast %max3A_867 : f32 to vector<16xf32>
        %max3A_869 = arith.maximumf %add3A_866, %max3A_868 : vector<16xf32>
        %mul3A_870 = arith.mulf %max3A_869, %get3A_348 : vector<16xf32>
        %add3A_871 = arith.addf %add3A_857, %mul3A_870 : vector<16xf32>
        %add3A_872 = arith.constant 5 : i32
        %add3A_873 = arith.addi %add3A_802, %add3A_872 : i32
        %get3A_874 = arith.index_cast %select_n3A_143 : i32 to index
        %get3A_875 = arith.index_cast %add3A_873 : i32 to index
        %get3A_876 = arith.constant 32 : index
        %get3A_877 = tpu.vector_load %arg7[%get3A_874, %get3A_875, %get3A_876] {strides = array<i32>} : memref<2x256x128xf32, #tpu.memory_space<vmem>>, vector<1x1x16xf32>,
        %get3A_878 = vector.shape_cast %get3A_877 : vector<1x1x16xf32> to vector<16xf32>
        %mul3A_879 = arith.mulf %get3A_878, %get3A_373 : vector<16xf32>
        %add3A_880 = arith.addf %mul3A_879, %get3A_378 : vector<16xf32>
        %max3A_881 = arith.constant 0.000000e+00 : f32
        %max3A_882 = vector.broadcast %max3A_881 : f32 to vector<16xf32>
        %max3A_883 = arith.maximumf %add3A_880, %max3A_882 : vector<16xf32>
        %mul3A_884 = arith.mulf %max3A_883, %get3A_353 : vector<16xf32>
        %add3A_885 = arith.addf %add3A_871, %mul3A_884 : vector<16xf32>
        %add3A_886 = arith.constant 6 : i32
        %add3A_887 = arith.addi %add3A_802, %add3A_886 : i32
        %get3A_888 = arith.index_cast %select_n3A_143 : i32 to index
        %get3A_889 = arith.index_cast %add3A_887 : i32 to index
        %get3A_890 = arith.constant 32 : index
        %get3A_891 = tpu.vector_load %arg7[%get3A_888, %get3A_889, %get3A_890] {strides = array<i32>} : memref<2x256x128xf32, #tpu.memory_space<vmem>>, vector<1x1x16xf32>,
        %get3A_892 = vector.shape_cast %get3A_891 : vector<1x1x16xf32> to vector<16xf32>
        %mul3A_893 = arith.mulf %get3A_892, %get3A_373 : vector<16xf32>
        %add3A_894 = arith.addf %mul3A_893, %get3A_378 : vector<16xf32>
        %max3A_895 = arith.constant 0.000000e+00 : f32
        %max3A_896 = vector.broadcast %max3A_895 : f32 to vector<16xf32>
        %max3A_897 = arith.maximumf %add3A_894, %max3A_896 : vector<16xf32>
        %mul3A_898 = arith.mulf %max3A_897, %get3A_358 : vector<16xf32>
        %add3A_899 = arith.addf %add3A_885, %mul3A_898 : vector<16xf32>
        %add3A_900 = arith.constant 7 : i32
        %add3A_901 = arith.addi %add3A_802, %add3A_900 : i32
        %get3A_902 = arith.index_cast %select_n3A_143 : i32 to index
        %get3A_903 = arith.index_cast %add3A_901 : i32 to index
        %get3A_904 = arith.constant 32 : index
        %get3A_905 = tpu.vector_load %arg7[%get3A_902, %get3A_903, %get3A_904] {strides = array<i32>} : memref<2x256x128xf32, #tpu.memory_space<vmem>>, vector<1x1x16xf32>,
        %get3A_906 = vector.shape_cast %get3A_905 : vector<1x1x16xf32> to vector<16xf32>
        %mul3A_907 = arith.mulf %get3A_906, %get3A_373 : vector<16xf32>
        %add3A_908 = arith.addf %mul3A_907, %get3A_378 : vector<16xf32>
        %max3A_909 = arith.constant 0.000000e+00 : f32
        %max3A_910 = vector.broadcast %max3A_909 : f32 to vector<16xf32>
        %max3A_911 = arith.maximumf %add3A_908, %max3A_910 : vector<16xf32>
        %mul3A_912 = arith.mulf %max3A_911, %get3A_363 : vector<16xf32>
        %add3A_913 = arith.addf %add3A_899, %mul3A_912 : vector<16xf32>
        %add3A_914 = arith.constant 8 : i32
        %add3A_915 = arith.addi %add3A_802, %add3A_914 : i32
        %get3A_916 = arith.index_cast %select_n3A_143 : i32 to index
        %get3A_917 = arith.index_cast %add3A_915 : i32 to index
        %get3A_918 = arith.constant 32 : index
        %get3A_919 = tpu.vector_load %arg7[%get3A_916, %get3A_917, %get3A_918] {strides = array<i32>} : memref<2x256x128xf32, #tpu.memory_space<vmem>>, vector<1x1x16xf32>,
        %get3A_920 = vector.shape_cast %get3A_919 : vector<1x1x16xf32> to vector<16xf32>
        %mul3A_921 = arith.mulf %get3A_920, %get3A_373 : vector<16xf32>
        %add3A_922 = arith.addf %mul3A_921, %get3A_378 : vector<16xf32>
        %max3A_923 = arith.constant 0.000000e+00 : f32
        %max3A_924 = vector.broadcast %max3A_923 : f32 to vector<16xf32>
        %max3A_925 = arith.maximumf %add3A_922, %max3A_924 : vector<16xf32>
        %mul3A_926 = arith.mulf %max3A_925, %get3A_368 : vector<16xf32>
        %add3A_927 = arith.addf %add3A_913, %mul3A_926 : vector<16xf32>
        %mul3A_928 = arith.constant 28 : i32
        %mul3A_929 = arith.muli %select_n3A_143, %mul3A_928 : i32
        %add3A_930 = arith.constant 14 : i32
        %add3A_931 = arith.addi %mul3A_929, %add3A_930 : i32
        %add3A_932 = arith.addi %add3A_931, %scan3A_798 : i32
        %swap3A = arith.index_cast %select_n3A_180 : i32 to index
        %swap3A_933 = arith.index_cast %add3A_932 : i32 to index
        %swap3A_934 = arith.constant 32 : index
        %swap3A_935 = tpu.vector_load %arg9[%swap3A, %swap3A_933, %swap3A_934] {strides = array<i32>} : memref<2x56x128xf32, #tpu.memory_space<vmem>>, vector<1x1x16xf32>,
        %swap3A_936 = vector.shape_cast %swap3A_935 : vector<1x1x16xf32> to vector<16xf32>
        %swap3A_937 = vector.shape_cast %add3A_927 : vector<16xf32> to vector<1x1x16xf32>
        tpu.vector_store %arg9[%swap3A, %swap3A_933, %swap3A_934], %swap3A_937 {strides = array<i32>} : memref<2x56x128xf32, #tpu.memory_space<vmem>>, vector<1x1x16xf32>,
      }
      %scan3A_395 = arith.constant 14 : i32
      %get3A_396 = arith.constant 0 : i32
      %get3A_397 = arith.index_cast %get3A_396 : i32 to index
      %get3A_398 = arith.constant 48 : index
      %get3A_399 = tpu.vector_load %arg8[%get3A_397, %get3A_398] {strides = array<i32>} : memref<12x128xf32, #tpu.memory_space<vmem>>, vector<1x16xf32>,
      %get3A_400 = vector.shape_cast %get3A_399 : vector<1x16xf32> to vector<16xf32>
      %get3A_401 = arith.constant 1 : i32
      %get3A_402 = arith.index_cast %get3A_401 : i32 to index
      %get3A_403 = arith.constant 48 : index
      %get3A_404 = tpu.vector_load %arg8[%get3A_402, %get3A_403] {strides = array<i32>} : memref<12x128xf32, #tpu.memory_space<vmem>>, vector<1x16xf32>,
      %get3A_405 = vector.shape_cast %get3A_404 : vector<1x16xf32> to vector<16xf32>
      %get3A_406 = arith.constant 2 : i32
      %get3A_407 = arith.index_cast %get3A_406 : i32 to index
      %get3A_408 = arith.constant 48 : index
      %get3A_409 = tpu.vector_load %arg8[%get3A_407, %get3A_408] {strides = array<i32>} : memref<12x128xf32, #tpu.memory_space<vmem>>, vector<1x16xf32>,
      %get3A_410 = vector.shape_cast %get3A_409 : vector<1x16xf32> to vector<16xf32>
      %get3A_411 = arith.constant 3 : i32
      %get3A_412 = arith.index_cast %get3A_411 : i32 to index
      %get3A_413 = arith.constant 48 : index
      %get3A_414 = tpu.vector_load %arg8[%get3A_412, %get3A_413] {strides = array<i32>} : memref<12x128xf32, #tpu.memory_space<vmem>>, vector<1x16xf32>,
      %get3A_415 = vector.shape_cast %get3A_414 : vector<1x16xf32> to vector<16xf32>
      %get3A_416 = arith.constant 4 : i32
      %get3A_417 = arith.index_cast %get3A_416 : i32 to index
      %get3A_418 = arith.constant 48 : index
      %get3A_419 = tpu.vector_load %arg8[%get3A_417, %get3A_418] {strides = array<i32>} : memref<12x128xf32, #tpu.memory_space<vmem>>, vector<1x16xf32>,
      %get3A_420 = vector.shape_cast %get3A_419 : vector<1x16xf32> to vector<16xf32>
      %get3A_421 = arith.constant 5 : i32
      %get3A_422 = arith.index_cast %get3A_421 : i32 to index
      %get3A_423 = arith.constant 48 : index
      %get3A_424 = tpu.vector_load %arg8[%get3A_422, %get3A_423] {strides = array<i32>} : memref<12x128xf32, #tpu.memory_space<vmem>>, vector<1x16xf32>,
      %get3A_425 = vector.shape_cast %get3A_424 : vector<1x16xf32> to vector<16xf32>
      %get3A_426 = arith.constant 6 : i32
      %get3A_427 = arith.index_cast %get3A_426 : i32 to index
      %get3A_428 = arith.constant 48 : index
      %get3A_429 = tpu.vector_load %arg8[%get3A_427, %get3A_428] {strides = array<i32>} : memref<12x128xf32, #tpu.memory_space<vmem>>, vector<1x16xf32>,
      %get3A_430 = vector.shape_cast %get3A_429 : vector<1x16xf32> to vector<16xf32>
      %get3A_431 = arith.constant 7 : i32
      %get3A_432 = arith.index_cast %get3A_431 : i32 to index
      %get3A_433 = arith.constant 48 : index
      %get3A_434 = tpu.vector_load %arg8[%get3A_432, %get3A_433] {strides = array<i32>} : memref<12x128xf32, #tpu.memory_space<vmem>>, vector<1x16xf32>,
      %get3A_435 = vector.shape_cast %get3A_434 : vector<1x16xf32> to vector<16xf32>
      %get3A_436 = arith.constant 8 : i32
      %get3A_437 = arith.index_cast %get3A_436 : i32 to index
      %get3A_438 = arith.constant 48 : index
      %get3A_439 = tpu.vector_load %arg8[%get3A_437, %get3A_438] {strides = array<i32>} : memref<12x128xf32, #tpu.memory_space<vmem>>, vector<1x16xf32>,
      %get3A_440 = vector.shape_cast %get3A_439 : vector<1x16xf32> to vector<16xf32>
      %get3A_441 = arith.constant 9 : i32
      %get3A_442 = arith.index_cast %get3A_441 : i32 to index
      %get3A_443 = arith.constant 48 : index
      %get3A_444 = tpu.vector_load %arg8[%get3A_442, %get3A_443] {strides = array<i32>} : memref<12x128xf32, #tpu.memory_space<vmem>>, vector<1x16xf32>,
      %get3A_445 = vector.shape_cast %get3A_444 : vector<1x16xf32> to vector<16xf32>
      %get3A_446 = arith.constant 10 : i32
      %get3A_447 = arith.index_cast %get3A_446 : i32 to index
      %get3A_448 = arith.constant 48 : index
      %get3A_449 = tpu.vector_load %arg8[%get3A_447, %get3A_448] {strides = array<i32>} : memref<12x128xf32, #tpu.memory_space<vmem>>, vector<1x16xf32>,
      %get3A_450 = vector.shape_cast %get3A_449 : vector<1x16xf32> to vector<16xf32>
      %get3A_451 = arith.constant 11 : i32
      %get3A_452 = arith.index_cast %get3A_451 : i32 to index
      %get3A_453 = arith.constant 48 : index
      %get3A_454 = tpu.vector_load %arg8[%get3A_452, %get3A_453] {strides = array<i32>} : memref<12x128xf32, #tpu.memory_space<vmem>>, vector<1x16xf32>,
      %get3A_455 = vector.shape_cast %get3A_454 : vector<1x16xf32> to vector<16xf32>
      %scan3A_456 = arith.constant 0 : i32
      %scan3A_457 = arith.constant 0 : i32
      %scan3A_458 = arith.constant 14 : i32
      %scan3A_459 = arith.addi %scan3A_457, %scan3A_458 : i32
      %scan3A_460 = arith.constant 1 : i32
      scf.for %scan3A_798 = %scan3A_457 to %scan3A_459 step %scan3A_460  : i32 {
        %mul3A_799 = arith.constant 9 : i32
        %mul3A_800 = arith.muli %scan3A_798, %mul3A_799 : i32
        %add3A_801 = arith.constant 0 : i32
        %add3A_802 = arith.addi %add3A_801, %mul3A_800 : i32
        %add3A_803 = arith.constant 0 : i32
        %add3A_804 = arith.addi %add3A_802, %add3A_803 : i32
        %get3A_805 = arith.index_cast %select_n3A_143 : i32 to index
        %get3A_806 = arith.index_cast %add3A_804 : i32 to index
        %get3A_807 = arith.constant 48 : index
        %get3A_808 = tpu.vector_load %arg7[%get3A_805, %get3A_806, %get3A_807] {strides = array<i32>} : memref<2x256x128xf32, #tpu.memory_space<vmem>>, vector<1x1x16xf32>,
        %get3A_809 = vector.shape_cast %get3A_808 : vector<1x1x16xf32> to vector<16xf32>
        %mul3A_810 = arith.mulf %get3A_809, %get3A_445 : vector<16xf32>
        %add3A_811 = arith.addf %mul3A_810, %get3A_450 : vector<16xf32>
        %max3A = arith.constant 0.000000e+00 : f32
        %max3A_812 = vector.broadcast %max3A : f32 to vector<16xf32>
        %max3A_813 = arith.maximumf %add3A_811, %max3A_812 : vector<16xf32>
        %mul3A_814 = arith.mulf %max3A_813, %get3A_400 : vector<16xf32>
        %add3A_815 = arith.addf %get3A_455, %mul3A_814 : vector<16xf32>
        %add3A_816 = arith.constant 1 : i32
        %add3A_817 = arith.addi %add3A_802, %add3A_816 : i32
        %get3A_818 = arith.index_cast %select_n3A_143 : i32 to index
        %get3A_819 = arith.index_cast %add3A_817 : i32 to index
        %get3A_820 = arith.constant 48 : index
        %get3A_821 = tpu.vector_load %arg7[%get3A_818, %get3A_819, %get3A_820] {strides = array<i32>} : memref<2x256x128xf32, #tpu.memory_space<vmem>>, vector<1x1x16xf32>,
        %get3A_822 = vector.shape_cast %get3A_821 : vector<1x1x16xf32> to vector<16xf32>
        %mul3A_823 = arith.mulf %get3A_822, %get3A_445 : vector<16xf32>
        %add3A_824 = arith.addf %mul3A_823, %get3A_450 : vector<16xf32>
        %max3A_825 = arith.constant 0.000000e+00 : f32
        %max3A_826 = vector.broadcast %max3A_825 : f32 to vector<16xf32>
        %max3A_827 = arith.maximumf %add3A_824, %max3A_826 : vector<16xf32>
        %mul3A_828 = arith.mulf %max3A_827, %get3A_405 : vector<16xf32>
        %add3A_829 = arith.addf %add3A_815, %mul3A_828 : vector<16xf32>
        %add3A_830 = arith.constant 2 : i32
        %add3A_831 = arith.addi %add3A_802, %add3A_830 : i32
        %get3A_832 = arith.index_cast %select_n3A_143 : i32 to index
        %get3A_833 = arith.index_cast %add3A_831 : i32 to index
        %get3A_834 = arith.constant 48 : index
        %get3A_835 = tpu.vector_load %arg7[%get3A_832, %get3A_833, %get3A_834] {strides = array<i32>} : memref<2x256x128xf32, #tpu.memory_space<vmem>>, vector<1x1x16xf32>,
        %get3A_836 = vector.shape_cast %get3A_835 : vector<1x1x16xf32> to vector<16xf32>
        %mul3A_837 = arith.mulf %get3A_836, %get3A_445 : vector<16xf32>
        %add3A_838 = arith.addf %mul3A_837, %get3A_450 : vector<16xf32>
        %max3A_839 = arith.constant 0.000000e+00 : f32
        %max3A_840 = vector.broadcast %max3A_839 : f32 to vector<16xf32>
        %max3A_841 = arith.maximumf %add3A_838, %max3A_840 : vector<16xf32>
        %mul3A_842 = arith.mulf %max3A_841, %get3A_410 : vector<16xf32>
        %add3A_843 = arith.addf %add3A_829, %mul3A_842 : vector<16xf32>
        %add3A_844 = arith.constant 3 : i32
        %add3A_845 = arith.addi %add3A_802, %add3A_844 : i32
        %get3A_846 = arith.index_cast %select_n3A_143 : i32 to index
        %get3A_847 = arith.index_cast %add3A_845 : i32 to index
        %get3A_848 = arith.constant 48 : index
        %get3A_849 = tpu.vector_load %arg7[%get3A_846, %get3A_847, %get3A_848] {strides = array<i32>} : memref<2x256x128xf32, #tpu.memory_space<vmem>>, vector<1x1x16xf32>,
        %get3A_850 = vector.shape_cast %get3A_849 : vector<1x1x16xf32> to vector<16xf32>
        %mul3A_851 = arith.mulf %get3A_850, %get3A_445 : vector<16xf32>
        %add3A_852 = arith.addf %mul3A_851, %get3A_450 : vector<16xf32>
        %max3A_853 = arith.constant 0.000000e+00 : f32
        %max3A_854 = vector.broadcast %max3A_853 : f32 to vector<16xf32>
        %max3A_855 = arith.maximumf %add3A_852, %max3A_854 : vector<16xf32>
        %mul3A_856 = arith.mulf %max3A_855, %get3A_415 : vector<16xf32>
        %add3A_857 = arith.addf %add3A_843, %mul3A_856 : vector<16xf32>
        %add3A_858 = arith.constant 4 : i32
        %add3A_859 = arith.addi %add3A_802, %add3A_858 : i32
        %get3A_860 = arith.index_cast %select_n3A_143 : i32 to index
        %get3A_861 = arith.index_cast %add3A_859 : i32 to index
        %get3A_862 = arith.constant 48 : index
        %get3A_863 = tpu.vector_load %arg7[%get3A_860, %get3A_861, %get3A_862] {strides = array<i32>} : memref<2x256x128xf32, #tpu.memory_space<vmem>>, vector<1x1x16xf32>,
        %get3A_864 = vector.shape_cast %get3A_863 : vector<1x1x16xf32> to vector<16xf32>
        %mul3A_865 = arith.mulf %get3A_864, %get3A_445 : vector<16xf32>
        %add3A_866 = arith.addf %mul3A_865, %get3A_450 : vector<16xf32>
        %max3A_867 = arith.constant 0.000000e+00 : f32
        %max3A_868 = vector.broadcast %max3A_867 : f32 to vector<16xf32>
        %max3A_869 = arith.maximumf %add3A_866, %max3A_868 : vector<16xf32>
        %mul3A_870 = arith.mulf %max3A_869, %get3A_420 : vector<16xf32>
        %add3A_871 = arith.addf %add3A_857, %mul3A_870 : vector<16xf32>
        %add3A_872 = arith.constant 5 : i32
        %add3A_873 = arith.addi %add3A_802, %add3A_872 : i32
        %get3A_874 = arith.index_cast %select_n3A_143 : i32 to index
        %get3A_875 = arith.index_cast %add3A_873 : i32 to index
        %get3A_876 = arith.constant 48 : index
        %get3A_877 = tpu.vector_load %arg7[%get3A_874, %get3A_875, %get3A_876] {strides = array<i32>} : memref<2x256x128xf32, #tpu.memory_space<vmem>>, vector<1x1x16xf32>,
        %get3A_878 = vector.shape_cast %get3A_877 : vector<1x1x16xf32> to vector<16xf32>
        %mul3A_879 = arith.mulf %get3A_878, %get3A_445 : vector<16xf32>
        %add3A_880 = arith.addf %mul3A_879, %get3A_450 : vector<16xf32>
        %max3A_881 = arith.constant 0.000000e+00 : f32
        %max3A_882 = vector.broadcast %max3A_881 : f32 to vector<16xf32>
        %max3A_883 = arith.maximumf %add3A_880, %max3A_882 : vector<16xf32>
        %mul3A_884 = arith.mulf %max3A_883, %get3A_425 : vector<16xf32>
        %add3A_885 = arith.addf %add3A_871, %mul3A_884 : vector<16xf32>
        %add3A_886 = arith.constant 6 : i32
        %add3A_887 = arith.addi %add3A_802, %add3A_886 : i32
        %get3A_888 = arith.index_cast %select_n3A_143 : i32 to index
        %get3A_889 = arith.index_cast %add3A_887 : i32 to index
        %get3A_890 = arith.constant 48 : index
        %get3A_891 = tpu.vector_load %arg7[%get3A_888, %get3A_889, %get3A_890] {strides = array<i32>} : memref<2x256x128xf32, #tpu.memory_space<vmem>>, vector<1x1x16xf32>,
        %get3A_892 = vector.shape_cast %get3A_891 : vector<1x1x16xf32> to vector<16xf32>
        %mul3A_893 = arith.mulf %get3A_892, %get3A_445 : vector<16xf32>
        %add3A_894 = arith.addf %mul3A_893, %get3A_450 : vector<16xf32>
        %max3A_895 = arith.constant 0.000000e+00 : f32
        %max3A_896 = vector.broadcast %max3A_895 : f32 to vector<16xf32>
        %max3A_897 = arith.maximumf %add3A_894, %max3A_896 : vector<16xf32>
        %mul3A_898 = arith.mulf %max3A_897, %get3A_430 : vector<16xf32>
        %add3A_899 = arith.addf %add3A_885, %mul3A_898 : vector<16xf32>
        %add3A_900 = arith.constant 7 : i32
        %add3A_901 = arith.addi %add3A_802, %add3A_900 : i32
        %get3A_902 = arith.index_cast %select_n3A_143 : i32 to index
        %get3A_903 = arith.index_cast %add3A_901 : i32 to index
        %get3A_904 = arith.constant 48 : index
        %get3A_905 = tpu.vector_load %arg7[%get3A_902, %get3A_903, %get3A_904] {strides = array<i32>} : memref<2x256x128xf32, #tpu.memory_space<vmem>>, vector<1x1x16xf32>,
        %get3A_906 = vector.shape_cast %get3A_905 : vector<1x1x16xf32> to vector<16xf32>
        %mul3A_907 = arith.mulf %get3A_906, %get3A_445 : vector<16xf32>
        %add3A_908 = arith.addf %mul3A_907, %get3A_450 : vector<16xf32>
        %max3A_909 = arith.constant 0.000000e+00 : f32
        %max3A_910 = vector.broadcast %max3A_909 : f32 to vector<16xf32>
        %max3A_911 = arith.maximumf %add3A_908, %max3A_910 : vector<16xf32>
        %mul3A_912 = arith.mulf %max3A_911, %get3A_435 : vector<16xf32>
        %add3A_913 = arith.addf %add3A_899, %mul3A_912 : vector<16xf32>
        %add3A_914 = arith.constant 8 : i32
        %add3A_915 = arith.addi %add3A_802, %add3A_914 : i32
        %get3A_916 = arith.index_cast %select_n3A_143 : i32 to index
        %get3A_917 = arith.index_cast %add3A_915 : i32 to index
        %get3A_918 = arith.constant 48 : index
        %get3A_919 = tpu.vector_load %arg7[%get3A_916, %get3A_917, %get3A_918] {strides = array<i32>} : memref<2x256x128xf32, #tpu.memory_space<vmem>>, vector<1x1x16xf32>,
        %get3A_920 = vector.shape_cast %get3A_919 : vector<1x1x16xf32> to vector<16xf32>
        %mul3A_921 = arith.mulf %get3A_920, %get3A_445 : vector<16xf32>
        %add3A_922 = arith.addf %mul3A_921, %get3A_450 : vector<16xf32>
        %max3A_923 = arith.constant 0.000000e+00 : f32
        %max3A_924 = vector.broadcast %max3A_923 : f32 to vector<16xf32>
        %max3A_925 = arith.maximumf %add3A_922, %max3A_924 : vector<16xf32>
        %mul3A_926 = arith.mulf %max3A_925, %get3A_440 : vector<16xf32>
        %add3A_927 = arith.addf %add3A_913, %mul3A_926 : vector<16xf32>
        %mul3A_928 = arith.constant 28 : i32
        %mul3A_929 = arith.muli %select_n3A_143, %mul3A_928 : i32
        %add3A_930 = arith.constant 0 : i32
        %add3A_931 = arith.addi %mul3A_929, %add3A_930 : i32
        %add3A_932 = arith.addi %add3A_931, %scan3A_798 : i32
        %swap3A = arith.index_cast %select_n3A_180 : i32 to index
        %swap3A_933 = arith.index_cast %add3A_932 : i32 to index
        %swap3A_934 = arith.constant 48 : index
        %swap3A_935 = tpu.vector_load %arg9[%swap3A, %swap3A_933, %swap3A_934] {strides = array<i32>} : memref<2x56x128xf32, #tpu.memory_space<vmem>>, vector<1x1x16xf32>,
        %swap3A_936 = vector.shape_cast %swap3A_935 : vector<1x1x16xf32> to vector<16xf32>
        %swap3A_937 = vector.shape_cast %add3A_927 : vector<16xf32> to vector<1x1x16xf32>
        tpu.vector_store %arg9[%swap3A, %swap3A_933, %swap3A_934], %swap3A_937 {strides = array<i32>} : memref<2x56x128xf32, #tpu.memory_space<vmem>>, vector<1x1x16xf32>,
      }
      %scan3A_461 = arith.constant 14 : i32
      %scan3A_462 = arith.constant 0 : i32
      %scan3A_463 = arith.constant 0 : i32
      %scan3A_464 = arith.constant 14 : i32
      %scan3A_465 = arith.addi %scan3A_463, %scan3A_464 : i32
      %scan3A_466 = arith.constant 1 : i32
      scf.for %scan3A_798 = %scan3A_463 to %scan3A_465 step %scan3A_466  : i32 {
        %mul3A_799 = arith.constant 9 : i32
        %mul3A_800 = arith.muli %scan3A_798, %mul3A_799 : i32
        %add3A_801 = arith.constant 128 : i32
        %add3A_802 = arith.addi %add3A_801, %mul3A_800 : i32
        %add3A_803 = arith.constant 0 : i32
        %add3A_804 = arith.addi %add3A_802, %add3A_803 : i32
        %get3A_805 = arith.index_cast %select_n3A_143 : i32 to index
        %get3A_806 = arith.index_cast %add3A_804 : i32 to index
        %get3A_807 = arith.constant 48 : index
        %get3A_808 = tpu.vector_load %arg7[%get3A_805, %get3A_806, %get3A_807] {strides = array<i32>} : memref<2x256x128xf32, #tpu.memory_space<vmem>>, vector<1x1x16xf32>,
        %get3A_809 = vector.shape_cast %get3A_808 : vector<1x1x16xf32> to vector<16xf32>
        %mul3A_810 = arith.mulf %get3A_809, %get3A_445 : vector<16xf32>
        %add3A_811 = arith.addf %mul3A_810, %get3A_450 : vector<16xf32>
        %max3A = arith.constant 0.000000e+00 : f32
        %max3A_812 = vector.broadcast %max3A : f32 to vector<16xf32>
        %max3A_813 = arith.maximumf %add3A_811, %max3A_812 : vector<16xf32>
        %mul3A_814 = arith.mulf %max3A_813, %get3A_400 : vector<16xf32>
        %add3A_815 = arith.addf %get3A_455, %mul3A_814 : vector<16xf32>
        %add3A_816 = arith.constant 1 : i32
        %add3A_817 = arith.addi %add3A_802, %add3A_816 : i32
        %get3A_818 = arith.index_cast %select_n3A_143 : i32 to index
        %get3A_819 = arith.index_cast %add3A_817 : i32 to index
        %get3A_820 = arith.constant 48 : index
        %get3A_821 = tpu.vector_load %arg7[%get3A_818, %get3A_819, %get3A_820] {strides = array<i32>} : memref<2x256x128xf32, #tpu.memory_space<vmem>>, vector<1x1x16xf32>,
        %get3A_822 = vector.shape_cast %get3A_821 : vector<1x1x16xf32> to vector<16xf32>
        %mul3A_823 = arith.mulf %get3A_822, %get3A_445 : vector<16xf32>
        %add3A_824 = arith.addf %mul3A_823, %get3A_450 : vector<16xf32>
        %max3A_825 = arith.constant 0.000000e+00 : f32
        %max3A_826 = vector.broadcast %max3A_825 : f32 to vector<16xf32>
        %max3A_827 = arith.maximumf %add3A_824, %max3A_826 : vector<16xf32>
        %mul3A_828 = arith.mulf %max3A_827, %get3A_405 : vector<16xf32>
        %add3A_829 = arith.addf %add3A_815, %mul3A_828 : vector<16xf32>
        %add3A_830 = arith.constant 2 : i32
        %add3A_831 = arith.addi %add3A_802, %add3A_830 : i32
        %get3A_832 = arith.index_cast %select_n3A_143 : i32 to index
        %get3A_833 = arith.index_cast %add3A_831 : i32 to index
        %get3A_834 = arith.constant 48 : index
        %get3A_835 = tpu.vector_load %arg7[%get3A_832, %get3A_833, %get3A_834] {strides = array<i32>} : memref<2x256x128xf32, #tpu.memory_space<vmem>>, vector<1x1x16xf32>,
        %get3A_836 = vector.shape_cast %get3A_835 : vector<1x1x16xf32> to vector<16xf32>
        %mul3A_837 = arith.mulf %get3A_836, %get3A_445 : vector<16xf32>
        %add3A_838 = arith.addf %mul3A_837, %get3A_450 : vector<16xf32>
        %max3A_839 = arith.constant 0.000000e+00 : f32
        %max3A_840 = vector.broadcast %max3A_839 : f32 to vector<16xf32>
        %max3A_841 = arith.maximumf %add3A_838, %max3A_840 : vector<16xf32>
        %mul3A_842 = arith.mulf %max3A_841, %get3A_410 : vector<16xf32>
        %add3A_843 = arith.addf %add3A_829, %mul3A_842 : vector<16xf32>
        %add3A_844 = arith.constant 3 : i32
        %add3A_845 = arith.addi %add3A_802, %add3A_844 : i32
        %get3A_846 = arith.index_cast %select_n3A_143 : i32 to index
        %get3A_847 = arith.index_cast %add3A_845 : i32 to index
        %get3A_848 = arith.constant 48 : index
        %get3A_849 = tpu.vector_load %arg7[%get3A_846, %get3A_847, %get3A_848] {strides = array<i32>} : memref<2x256x128xf32, #tpu.memory_space<vmem>>, vector<1x1x16xf32>,
        %get3A_850 = vector.shape_cast %get3A_849 : vector<1x1x16xf32> to vector<16xf32>
        %mul3A_851 = arith.mulf %get3A_850, %get3A_445 : vector<16xf32>
        %add3A_852 = arith.addf %mul3A_851, %get3A_450 : vector<16xf32>
        %max3A_853 = arith.constant 0.000000e+00 : f32
        %max3A_854 = vector.broadcast %max3A_853 : f32 to vector<16xf32>
        %max3A_855 = arith.maximumf %add3A_852, %max3A_854 : vector<16xf32>
        %mul3A_856 = arith.mulf %max3A_855, %get3A_415 : vector<16xf32>
        %add3A_857 = arith.addf %add3A_843, %mul3A_856 : vector<16xf32>
        %add3A_858 = arith.constant 4 : i32
        %add3A_859 = arith.addi %add3A_802, %add3A_858 : i32
        %get3A_860 = arith.index_cast %select_n3A_143 : i32 to index
        %get3A_861 = arith.index_cast %add3A_859 : i32 to index
        %get3A_862 = arith.constant 48 : index
        %get3A_863 = tpu.vector_load %arg7[%get3A_860, %get3A_861, %get3A_862] {strides = array<i32>} : memref<2x256x128xf32, #tpu.memory_space<vmem>>, vector<1x1x16xf32>,
        %get3A_864 = vector.shape_cast %get3A_863 : vector<1x1x16xf32> to vector<16xf32>
        %mul3A_865 = arith.mulf %get3A_864, %get3A_445 : vector<16xf32>
        %add3A_866 = arith.addf %mul3A_865, %get3A_450 : vector<16xf32>
        %max3A_867 = arith.constant 0.000000e+00 : f32
        %max3A_868 = vector.broadcast %max3A_867 : f32 to vector<16xf32>
        %max3A_869 = arith.maximumf %add3A_866, %max3A_868 : vector<16xf32>
        %mul3A_870 = arith.mulf %max3A_869, %get3A_420 : vector<16xf32>
        %add3A_871 = arith.addf %add3A_857, %mul3A_870 : vector<16xf32>
        %add3A_872 = arith.constant 5 : i32
        %add3A_873 = arith.addi %add3A_802, %add3A_872 : i32
        %get3A_874 = arith.index_cast %select_n3A_143 : i32 to index
        %get3A_875 = arith.index_cast %add3A_873 : i32 to index
        %get3A_876 = arith.constant 48 : index
        %get3A_877 = tpu.vector_load %arg7[%get3A_874, %get3A_875, %get3A_876] {strides = array<i32>} : memref<2x256x128xf32, #tpu.memory_space<vmem>>, vector<1x1x16xf32>,
        %get3A_878 = vector.shape_cast %get3A_877 : vector<1x1x16xf32> to vector<16xf32>
        %mul3A_879 = arith.mulf %get3A_878, %get3A_445 : vector<16xf32>
        %add3A_880 = arith.addf %mul3A_879, %get3A_450 : vector<16xf32>
        %max3A_881 = arith.constant 0.000000e+00 : f32
        %max3A_882 = vector.broadcast %max3A_881 : f32 to vector<16xf32>
        %max3A_883 = arith.maximumf %add3A_880, %max3A_882 : vector<16xf32>
        %mul3A_884 = arith.mulf %max3A_883, %get3A_425 : vector<16xf32>
        %add3A_885 = arith.addf %add3A_871, %mul3A_884 : vector<16xf32>
        %add3A_886 = arith.constant 6 : i32
        %add3A_887 = arith.addi %add3A_802, %add3A_886 : i32
        %get3A_888 = arith.index_cast %select_n3A_143 : i32 to index
        %get3A_889 = arith.index_cast %add3A_887 : i32 to index
        %get3A_890 = arith.constant 48 : index
        %get3A_891 = tpu.vector_load %arg7[%get3A_888, %get3A_889, %get3A_890] {strides = array<i32>} : memref<2x256x128xf32, #tpu.memory_space<vmem>>, vector<1x1x16xf32>,
        %get3A_892 = vector.shape_cast %get3A_891 : vector<1x1x16xf32> to vector<16xf32>
        %mul3A_893 = arith.mulf %get3A_892, %get3A_445 : vector<16xf32>
        %add3A_894 = arith.addf %mul3A_893, %get3A_450 : vector<16xf32>
        %max3A_895 = arith.constant 0.000000e+00 : f32
        %max3A_896 = vector.broadcast %max3A_895 : f32 to vector<16xf32>
        %max3A_897 = arith.maximumf %add3A_894, %max3A_896 : vector<16xf32>
        %mul3A_898 = arith.mulf %max3A_897, %get3A_430 : vector<16xf32>
        %add3A_899 = arith.addf %add3A_885, %mul3A_898 : vector<16xf32>
        %add3A_900 = arith.constant 7 : i32
        %add3A_901 = arith.addi %add3A_802, %add3A_900 : i32
        %get3A_902 = arith.index_cast %select_n3A_143 : i32 to index
        %get3A_903 = arith.index_cast %add3A_901 : i32 to index
        %get3A_904 = arith.constant 48 : index
        %get3A_905 = tpu.vector_load %arg7[%get3A_902, %get3A_903, %get3A_904] {strides = array<i32>} : memref<2x256x128xf32, #tpu.memory_space<vmem>>, vector<1x1x16xf32>,
        %get3A_906 = vector.shape_cast %get3A_905 : vector<1x1x16xf32> to vector<16xf32>
        %mul3A_907 = arith.mulf %get3A_906, %get3A_445 : vector<16xf32>
        %add3A_908 = arith.addf %mul3A_907, %get3A_450 : vector<16xf32>
        %max3A_909 = arith.constant 0.000000e+00 : f32
        %max3A_910 = vector.broadcast %max3A_909 : f32 to vector<16xf32>
        %max3A_911 = arith.maximumf %add3A_908, %max3A_910 : vector<16xf32>
        %mul3A_912 = arith.mulf %max3A_911, %get3A_435 : vector<16xf32>
        %add3A_913 = arith.addf %add3A_899, %mul3A_912 : vector<16xf32>
        %add3A_914 = arith.constant 8 : i32
        %add3A_915 = arith.addi %add3A_802, %add3A_914 : i32
        %get3A_916 = arith.index_cast %select_n3A_143 : i32 to index
        %get3A_917 = arith.index_cast %add3A_915 : i32 to index
        %get3A_918 = arith.constant 48 : index
        %get3A_919 = tpu.vector_load %arg7[%get3A_916, %get3A_917, %get3A_918] {strides = array<i32>} : memref<2x256x128xf32, #tpu.memory_space<vmem>>, vector<1x1x16xf32>,
        %get3A_920 = vector.shape_cast %get3A_919 : vector<1x1x16xf32> to vector<16xf32>
        %mul3A_921 = arith.mulf %get3A_920, %get3A_445 : vector<16xf32>
        %add3A_922 = arith.addf %mul3A_921, %get3A_450 : vector<16xf32>
        %max3A_923 = arith.constant 0.000000e+00 : f32
        %max3A_924 = vector.broadcast %max3A_923 : f32 to vector<16xf32>
        %max3A_925 = arith.maximumf %add3A_922, %max3A_924 : vector<16xf32>
        %mul3A_926 = arith.mulf %max3A_925, %get3A_440 : vector<16xf32>
        %add3A_927 = arith.addf %add3A_913, %mul3A_926 : vector<16xf32>
        %mul3A_928 = arith.constant 28 : i32
        %mul3A_929 = arith.muli %select_n3A_143, %mul3A_928 : i32
        %add3A_930 = arith.constant 14 : i32
        %add3A_931 = arith.addi %mul3A_929, %add3A_930 : i32
        %add3A_932 = arith.addi %add3A_931, %scan3A_798 : i32
        %swap3A = arith.index_cast %select_n3A_180 : i32 to index
        %swap3A_933 = arith.index_cast %add3A_932 : i32 to index
        %swap3A_934 = arith.constant 48 : index
        %swap3A_935 = tpu.vector_load %arg9[%swap3A, %swap3A_933, %swap3A_934] {strides = array<i32>} : memref<2x56x128xf32, #tpu.memory_space<vmem>>, vector<1x1x16xf32>,
        %swap3A_936 = vector.shape_cast %swap3A_935 : vector<1x1x16xf32> to vector<16xf32>
        %swap3A_937 = vector.shape_cast %add3A_927 : vector<16xf32> to vector<1x1x16xf32>
        tpu.vector_store %arg9[%swap3A, %swap3A_933, %swap3A_934], %swap3A_937 {strides = array<i32>} : memref<2x56x128xf32, #tpu.memory_space<vmem>>, vector<1x1x16xf32>,
      }
      %scan3A_467 = arith.constant 14 : i32
      %get3A_468 = arith.constant 0 : i32
      %get3A_469 = arith.index_cast %get3A_468 : i32 to index
      %get3A_470 = arith.constant 64 : index
      %get3A_471 = tpu.vector_load %arg8[%get3A_469, %get3A_470] {strides = array<i32>} : memref<12x128xf32, #tpu.memory_space<vmem>>, vector<1x16xf32>,
      %get3A_472 = vector.shape_cast %get3A_471 : vector<1x16xf32> to vector<16xf32>
      %get3A_473 = arith.constant 1 : i32
      %get3A_474 = arith.index_cast %get3A_473 : i32 to index
      %get3A_475 = arith.constant 64 : index
      %get3A_476 = tpu.vector_load %arg8[%get3A_474, %get3A_475] {strides = array<i32>} : memref<12x128xf32, #tpu.memory_space<vmem>>, vector<1x16xf32>,
      %get3A_477 = vector.shape_cast %get3A_476 : vector<1x16xf32> to vector<16xf32>
      %get3A_478 = arith.constant 2 : i32
      %get3A_479 = arith.index_cast %get3A_478 : i32 to index
      %get3A_480 = arith.constant 64 : index
      %get3A_481 = tpu.vector_load %arg8[%get3A_479, %get3A_480] {strides = array<i32>} : memref<12x128xf32, #tpu.memory_space<vmem>>, vector<1x16xf32>,
      %get3A_482 = vector.shape_cast %get3A_481 : vector<1x16xf32> to vector<16xf32>
      %get3A_483 = arith.constant 3 : i32
      %get3A_484 = arith.index_cast %get3A_483 : i32 to index
      %get3A_485 = arith.constant 64 : index
      %get3A_486 = tpu.vector_load %arg8[%get3A_484, %get3A_485] {strides = array<i32>} : memref<12x128xf32, #tpu.memory_space<vmem>>, vector<1x16xf32>,
      %get3A_487 = vector.shape_cast %get3A_486 : vector<1x16xf32> to vector<16xf32>
      %get3A_488 = arith.constant 4 : i32
      %get3A_489 = arith.index_cast %get3A_488 : i32 to index
      %get3A_490 = arith.constant 64 : index
      %get3A_491 = tpu.vector_load %arg8[%get3A_489, %get3A_490] {strides = array<i32>} : memref<12x128xf32, #tpu.memory_space<vmem>>, vector<1x16xf32>,
      %get3A_492 = vector.shape_cast %get3A_491 : vector<1x16xf32> to vector<16xf32>
      %get3A_493 = arith.constant 5 : i32
      %get3A_494 = arith.index_cast %get3A_493 : i32 to index
      %get3A_495 = arith.constant 64 : index
      %get3A_496 = tpu.vector_load %arg8[%get3A_494, %get3A_495] {strides = array<i32>} : memref<12x128xf32, #tpu.memory_space<vmem>>, vector<1x16xf32>,
      %get3A_497 = vector.shape_cast %get3A_496 : vector<1x16xf32> to vector<16xf32>
      %get3A_498 = arith.constant 6 : i32
      %get3A_499 = arith.index_cast %get3A_498 : i32 to index
      %get3A_500 = arith.constant 64 : index
      %get3A_501 = tpu.vector_load %arg8[%get3A_499, %get3A_500] {strides = array<i32>} : memref<12x128xf32, #tpu.memory_space<vmem>>, vector<1x16xf32>,
      %get3A_502 = vector.shape_cast %get3A_501 : vector<1x16xf32> to vector<16xf32>
      %get3A_503 = arith.constant 7 : i32
      %get3A_504 = arith.index_cast %get3A_503 : i32 to index
      %get3A_505 = arith.constant 64 : index
      %get3A_506 = tpu.vector_load %arg8[%get3A_504, %get3A_505] {strides = array<i32>} : memref<12x128xf32, #tpu.memory_space<vmem>>, vector<1x16xf32>,
      %get3A_507 = vector.shape_cast %get3A_506 : vector<1x16xf32> to vector<16xf32>
      %get3A_508 = arith.constant 8 : i32
      %get3A_509 = arith.index_cast %get3A_508 : i32 to index
      %get3A_510 = arith.constant 64 : index
      %get3A_511 = tpu.vector_load %arg8[%get3A_509, %get3A_510] {strides = array<i32>} : memref<12x128xf32, #tpu.memory_space<vmem>>, vector<1x16xf32>,
      %get3A_512 = vector.shape_cast %get3A_511 : vector<1x16xf32> to vector<16xf32>
      %get3A_513 = arith.constant 9 : i32
      %get3A_514 = arith.index_cast %get3A_513 : i32 to index
      %get3A_515 = arith.constant 64 : index
      %get3A_516 = tpu.vector_load %arg8[%get3A_514, %get3A_515] {strides = array<i32>} : memref<12x128xf32, #tpu.memory_space<vmem>>, vector<1x16xf32>,
      %get3A_517 = vector.shape_cast %get3A_516 : vector<1x16xf32> to vector<16xf32>
      %get3A_518 = arith.constant 10 : i32
      %get3A_519 = arith.index_cast %get3A_518 : i32 to index
      %get3A_520 = arith.constant 64 : index
      %get3A_521 = tpu.vector_load %arg8[%get3A_519, %get3A_520] {strides = array<i32>} : memref<12x128xf32, #tpu.memory_space<vmem>>, vector<1x16xf32>,
      %get3A_522 = vector.shape_cast %get3A_521 : vector<1x16xf32> to vector<16xf32>
      %get3A_523 = arith.constant 11 : i32
      %get3A_524 = arith.index_cast %get3A_523 : i32 to index
      %get3A_525 = arith.constant 64 : index
      %get3A_526 = tpu.vector_load %arg8[%get3A_524, %get3A_525] {strides = array<i32>} : memref<12x128xf32, #tpu.memory_space<vmem>>, vector<1x16xf32>,
      %get3A_527 = vector.shape_cast %get3A_526 : vector<1x16xf32> to vector<16xf32>
      %scan3A_528 = arith.constant 0 : i32
      %scan3A_529 = arith.constant 0 : i32
      %scan3A_530 = arith.constant 14 : i32
      %scan3A_531 = arith.addi %scan3A_529, %scan3A_530 : i32
      %scan3A_532 = arith.constant 1 : i32
      scf.for %scan3A_798 = %scan3A_529 to %scan3A_531 step %scan3A_532  : i32 {
        %mul3A_799 = arith.constant 9 : i32
        %mul3A_800 = arith.muli %scan3A_798, %mul3A_799 : i32
        %add3A_801 = arith.constant 0 : i32
        %add3A_802 = arith.addi %add3A_801, %mul3A_800 : i32
        %add3A_803 = arith.constant 0 : i32
        %add3A_804 = arith.addi %add3A_802, %add3A_803 : i32
        %get3A_805 = arith.index_cast %select_n3A_143 : i32 to index
        %get3A_806 = arith.index_cast %add3A_804 : i32 to index
        %get3A_807 = arith.constant 64 : index
        %get3A_808 = tpu.vector_load %arg7[%get3A_805, %get3A_806, %get3A_807] {strides = array<i32>} : memref<2x256x128xf32, #tpu.memory_space<vmem>>, vector<1x1x16xf32>,
        %get3A_809 = vector.shape_cast %get3A_808 : vector<1x1x16xf32> to vector<16xf32>
        %mul3A_810 = arith.mulf %get3A_809, %get3A_517 : vector<16xf32>
        %add3A_811 = arith.addf %mul3A_810, %get3A_522 : vector<16xf32>
        %max3A = arith.constant 0.000000e+00 : f32
        %max3A_812 = vector.broadcast %max3A : f32 to vector<16xf32>
        %max3A_813 = arith.maximumf %add3A_811, %max3A_812 : vector<16xf32>
        %mul3A_814 = arith.mulf %max3A_813, %get3A_472 : vector<16xf32>
        %add3A_815 = arith.addf %get3A_527, %mul3A_814 : vector<16xf32>
        %add3A_816 = arith.constant 1 : i32
        %add3A_817 = arith.addi %add3A_802, %add3A_816 : i32
        %get3A_818 = arith.index_cast %select_n3A_143 : i32 to index
        %get3A_819 = arith.index_cast %add3A_817 : i32 to index
        %get3A_820 = arith.constant 64 : index
        %get3A_821 = tpu.vector_load %arg7[%get3A_818, %get3A_819, %get3A_820] {strides = array<i32>} : memref<2x256x128xf32, #tpu.memory_space<vmem>>, vector<1x1x16xf32>,
        %get3A_822 = vector.shape_cast %get3A_821 : vector<1x1x16xf32> to vector<16xf32>
        %mul3A_823 = arith.mulf %get3A_822, %get3A_517 : vector<16xf32>
        %add3A_824 = arith.addf %mul3A_823, %get3A_522 : vector<16xf32>
        %max3A_825 = arith.constant 0.000000e+00 : f32
        %max3A_826 = vector.broadcast %max3A_825 : f32 to vector<16xf32>
        %max3A_827 = arith.maximumf %add3A_824, %max3A_826 : vector<16xf32>
        %mul3A_828 = arith.mulf %max3A_827, %get3A_477 : vector<16xf32>
        %add3A_829 = arith.addf %add3A_815, %mul3A_828 : vector<16xf32>
        %add3A_830 = arith.constant 2 : i32
        %add3A_831 = arith.addi %add3A_802, %add3A_830 : i32
        %get3A_832 = arith.index_cast %select_n3A_143 : i32 to index
        %get3A_833 = arith.index_cast %add3A_831 : i32 to index
        %get3A_834 = arith.constant 64 : index
        %get3A_835 = tpu.vector_load %arg7[%get3A_832, %get3A_833, %get3A_834] {strides = array<i32>} : memref<2x256x128xf32, #tpu.memory_space<vmem>>, vector<1x1x16xf32>,
        %get3A_836 = vector.shape_cast %get3A_835 : vector<1x1x16xf32> to vector<16xf32>
        %mul3A_837 = arith.mulf %get3A_836, %get3A_517 : vector<16xf32>
        %add3A_838 = arith.addf %mul3A_837, %get3A_522 : vector<16xf32>
        %max3A_839 = arith.constant 0.000000e+00 : f32
        %max3A_840 = vector.broadcast %max3A_839 : f32 to vector<16xf32>
        %max3A_841 = arith.maximumf %add3A_838, %max3A_840 : vector<16xf32>
        %mul3A_842 = arith.mulf %max3A_841, %get3A_482 : vector<16xf32>
        %add3A_843 = arith.addf %add3A_829, %mul3A_842 : vector<16xf32>
        %add3A_844 = arith.constant 3 : i32
        %add3A_845 = arith.addi %add3A_802, %add3A_844 : i32
        %get3A_846 = arith.index_cast %select_n3A_143 : i32 to index
        %get3A_847 = arith.index_cast %add3A_845 : i32 to index
        %get3A_848 = arith.constant 64 : index
        %get3A_849 = tpu.vector_load %arg7[%get3A_846, %get3A_847, %get3A_848] {strides = array<i32>} : memref<2x256x128xf32, #tpu.memory_space<vmem>>, vector<1x1x16xf32>,
        %get3A_850 = vector.shape_cast %get3A_849 : vector<1x1x16xf32> to vector<16xf32>
        %mul3A_851 = arith.mulf %get3A_850, %get3A_517 : vector<16xf32>
        %add3A_852 = arith.addf %mul3A_851, %get3A_522 : vector<16xf32>
        %max3A_853 = arith.constant 0.000000e+00 : f32
        %max3A_854 = vector.broadcast %max3A_853 : f32 to vector<16xf32>
        %max3A_855 = arith.maximumf %add3A_852, %max3A_854 : vector<16xf32>
        %mul3A_856 = arith.mulf %max3A_855, %get3A_487 : vector<16xf32>
        %add3A_857 = arith.addf %add3A_843, %mul3A_856 : vector<16xf32>
        %add3A_858 = arith.constant 4 : i32
        %add3A_859 = arith.addi %add3A_802, %add3A_858 : i32
        %get3A_860 = arith.index_cast %select_n3A_143 : i32 to index
        %get3A_861 = arith.index_cast %add3A_859 : i32 to index
        %get3A_862 = arith.constant 64 : index
        %get3A_863 = tpu.vector_load %arg7[%get3A_860, %get3A_861, %get3A_862] {strides = array<i32>} : memref<2x256x128xf32, #tpu.memory_space<vmem>>, vector<1x1x16xf32>,
        %get3A_864 = vector.shape_cast %get3A_863 : vector<1x1x16xf32> to vector<16xf32>
        %mul3A_865 = arith.mulf %get3A_864, %get3A_517 : vector<16xf32>
        %add3A_866 = arith.addf %mul3A_865, %get3A_522 : vector<16xf32>
        %max3A_867 = arith.constant 0.000000e+00 : f32
        %max3A_868 = vector.broadcast %max3A_867 : f32 to vector<16xf32>
        %max3A_869 = arith.maximumf %add3A_866, %max3A_868 : vector<16xf32>
        %mul3A_870 = arith.mulf %max3A_869, %get3A_492 : vector<16xf32>
        %add3A_871 = arith.addf %add3A_857, %mul3A_870 : vector<16xf32>
        %add3A_872 = arith.constant 5 : i32
        %add3A_873 = arith.addi %add3A_802, %add3A_872 : i32
        %get3A_874 = arith.index_cast %select_n3A_143 : i32 to index
        %get3A_875 = arith.index_cast %add3A_873 : i32 to index
        %get3A_876 = arith.constant 64 : index
        %get3A_877 = tpu.vector_load %arg7[%get3A_874, %get3A_875, %get3A_876] {strides = array<i32>} : memref<2x256x128xf32, #tpu.memory_space<vmem>>, vector<1x1x16xf32>,
        %get3A_878 = vector.shape_cast %get3A_877 : vector<1x1x16xf32> to vector<16xf32>
        %mul3A_879 = arith.mulf %get3A_878, %get3A_517 : vector<16xf32>
        %add3A_880 = arith.addf %mul3A_879, %get3A_522 : vector<16xf32>
        %max3A_881 = arith.constant 0.000000e+00 : f32
        %max3A_882 = vector.broadcast %max3A_881 : f32 to vector<16xf32>
        %max3A_883 = arith.maximumf %add3A_880, %max3A_882 : vector<16xf32>
        %mul3A_884 = arith.mulf %max3A_883, %get3A_497 : vector<16xf32>
        %add3A_885 = arith.addf %add3A_871, %mul3A_884 : vector<16xf32>
        %add3A_886 = arith.constant 6 : i32
        %add3A_887 = arith.addi %add3A_802, %add3A_886 : i32
        %get3A_888 = arith.index_cast %select_n3A_143 : i32 to index
        %get3A_889 = arith.index_cast %add3A_887 : i32 to index
        %get3A_890 = arith.constant 64 : index
        %get3A_891 = tpu.vector_load %arg7[%get3A_888, %get3A_889, %get3A_890] {strides = array<i32>} : memref<2x256x128xf32, #tpu.memory_space<vmem>>, vector<1x1x16xf32>,
        %get3A_892 = vector.shape_cast %get3A_891 : vector<1x1x16xf32> to vector<16xf32>
        %mul3A_893 = arith.mulf %get3A_892, %get3A_517 : vector<16xf32>
        %add3A_894 = arith.addf %mul3A_893, %get3A_522 : vector<16xf32>
        %max3A_895 = arith.constant 0.000000e+00 : f32
        %max3A_896 = vector.broadcast %max3A_895 : f32 to vector<16xf32>
        %max3A_897 = arith.maximumf %add3A_894, %max3A_896 : vector<16xf32>
        %mul3A_898 = arith.mulf %max3A_897, %get3A_502 : vector<16xf32>
        %add3A_899 = arith.addf %add3A_885, %mul3A_898 : vector<16xf32>
        %add3A_900 = arith.constant 7 : i32
        %add3A_901 = arith.addi %add3A_802, %add3A_900 : i32
        %get3A_902 = arith.index_cast %select_n3A_143 : i32 to index
        %get3A_903 = arith.index_cast %add3A_901 : i32 to index
        %get3A_904 = arith.constant 64 : index
        %get3A_905 = tpu.vector_load %arg7[%get3A_902, %get3A_903, %get3A_904] {strides = array<i32>} : memref<2x256x128xf32, #tpu.memory_space<vmem>>, vector<1x1x16xf32>,
        %get3A_906 = vector.shape_cast %get3A_905 : vector<1x1x16xf32> to vector<16xf32>
        %mul3A_907 = arith.mulf %get3A_906, %get3A_517 : vector<16xf32>
        %add3A_908 = arith.addf %mul3A_907, %get3A_522 : vector<16xf32>
        %max3A_909 = arith.constant 0.000000e+00 : f32
        %max3A_910 = vector.broadcast %max3A_909 : f32 to vector<16xf32>
        %max3A_911 = arith.maximumf %add3A_908, %max3A_910 : vector<16xf32>
        %mul3A_912 = arith.mulf %max3A_911, %get3A_507 : vector<16xf32>
        %add3A_913 = arith.addf %add3A_899, %mul3A_912 : vector<16xf32>
        %add3A_914 = arith.constant 8 : i32
        %add3A_915 = arith.addi %add3A_802, %add3A_914 : i32
        %get3A_916 = arith.index_cast %select_n3A_143 : i32 to index
        %get3A_917 = arith.index_cast %add3A_915 : i32 to index
        %get3A_918 = arith.constant 64 : index
        %get3A_919 = tpu.vector_load %arg7[%get3A_916, %get3A_917, %get3A_918] {strides = array<i32>} : memref<2x256x128xf32, #tpu.memory_space<vmem>>, vector<1x1x16xf32>,
        %get3A_920 = vector.shape_cast %get3A_919 : vector<1x1x16xf32> to vector<16xf32>
        %mul3A_921 = arith.mulf %get3A_920, %get3A_517 : vector<16xf32>
        %add3A_922 = arith.addf %mul3A_921, %get3A_522 : vector<16xf32>
        %max3A_923 = arith.constant 0.000000e+00 : f32
        %max3A_924 = vector.broadcast %max3A_923 : f32 to vector<16xf32>
        %max3A_925 = arith.maximumf %add3A_922, %max3A_924 : vector<16xf32>
        %mul3A_926 = arith.mulf %max3A_925, %get3A_512 : vector<16xf32>
        %add3A_927 = arith.addf %add3A_913, %mul3A_926 : vector<16xf32>
        %mul3A_928 = arith.constant 28 : i32
        %mul3A_929 = arith.muli %select_n3A_143, %mul3A_928 : i32
        %add3A_930 = arith.constant 0 : i32
        %add3A_931 = arith.addi %mul3A_929, %add3A_930 : i32
        %add3A_932 = arith.addi %add3A_931, %scan3A_798 : i32
        %swap3A = arith.index_cast %select_n3A_180 : i32 to index
        %swap3A_933 = arith.index_cast %add3A_932 : i32 to index
        %swap3A_934 = arith.constant 64 : index
        %swap3A_935 = tpu.vector_load %arg9[%swap3A, %swap3A_933, %swap3A_934] {strides = array<i32>} : memref<2x56x128xf32, #tpu.memory_space<vmem>>, vector<1x1x16xf32>,
        %swap3A_936 = vector.shape_cast %swap3A_935 : vector<1x1x16xf32> to vector<16xf32>
        %swap3A_937 = vector.shape_cast %add3A_927 : vector<16xf32> to vector<1x1x16xf32>
        tpu.vector_store %arg9[%swap3A, %swap3A_933, %swap3A_934], %swap3A_937 {strides = array<i32>} : memref<2x56x128xf32, #tpu.memory_space<vmem>>, vector<1x1x16xf32>,
      }
      %scan3A_533 = arith.constant 14 : i32
      %scan3A_534 = arith.constant 0 : i32
      %scan3A_535 = arith.constant 0 : i32
      %scan3A_536 = arith.constant 14 : i32
      %scan3A_537 = arith.addi %scan3A_535, %scan3A_536 : i32
      %scan3A_538 = arith.constant 1 : i32
      scf.for %scan3A_798 = %scan3A_535 to %scan3A_537 step %scan3A_538  : i32 {
        %mul3A_799 = arith.constant 9 : i32
        %mul3A_800 = arith.muli %scan3A_798, %mul3A_799 : i32
        %add3A_801 = arith.constant 128 : i32
        %add3A_802 = arith.addi %add3A_801, %mul3A_800 : i32
        %add3A_803 = arith.constant 0 : i32
        %add3A_804 = arith.addi %add3A_802, %add3A_803 : i32
        %get3A_805 = arith.index_cast %select_n3A_143 : i32 to index
        %get3A_806 = arith.index_cast %add3A_804 : i32 to index
        %get3A_807 = arith.constant 64 : index
        %get3A_808 = tpu.vector_load %arg7[%get3A_805, %get3A_806, %get3A_807] {strides = array<i32>} : memref<2x256x128xf32, #tpu.memory_space<vmem>>, vector<1x1x16xf32>,
        %get3A_809 = vector.shape_cast %get3A_808 : vector<1x1x16xf32> to vector<16xf32>
        %mul3A_810 = arith.mulf %get3A_809, %get3A_517 : vector<16xf32>
        %add3A_811 = arith.addf %mul3A_810, %get3A_522 : vector<16xf32>
        %max3A = arith.constant 0.000000e+00 : f32
        %max3A_812 = vector.broadcast %max3A : f32 to vector<16xf32>
        %max3A_813 = arith.maximumf %add3A_811, %max3A_812 : vector<16xf32>
        %mul3A_814 = arith.mulf %max3A_813, %get3A_472 : vector<16xf32>
        %add3A_815 = arith.addf %get3A_527, %mul3A_814 : vector<16xf32>
        %add3A_816 = arith.constant 1 : i32
        %add3A_817 = arith.addi %add3A_802, %add3A_816 : i32
        %get3A_818 = arith.index_cast %select_n3A_143 : i32 to index
        %get3A_819 = arith.index_cast %add3A_817 : i32 to index
        %get3A_820 = arith.constant 64 : index
        %get3A_821 = tpu.vector_load %arg7[%get3A_818, %get3A_819, %get3A_820] {strides = array<i32>} : memref<2x256x128xf32, #tpu.memory_space<vmem>>, vector<1x1x16xf32>,
        %get3A_822 = vector.shape_cast %get3A_821 : vector<1x1x16xf32> to vector<16xf32>
        %mul3A_823 = arith.mulf %get3A_822, %get3A_517 : vector<16xf32>
        %add3A_824 = arith.addf %mul3A_823, %get3A_522 : vector<16xf32>
        %max3A_825 = arith.constant 0.000000e+00 : f32
        %max3A_826 = vector.broadcast %max3A_825 : f32 to vector<16xf32>
        %max3A_827 = arith.maximumf %add3A_824, %max3A_826 : vector<16xf32>
        %mul3A_828 = arith.mulf %max3A_827, %get3A_477 : vector<16xf32>
        %add3A_829 = arith.addf %add3A_815, %mul3A_828 : vector<16xf32>
        %add3A_830 = arith.constant 2 : i32
        %add3A_831 = arith.addi %add3A_802, %add3A_830 : i32
        %get3A_832 = arith.index_cast %select_n3A_143 : i32 to index
        %get3A_833 = arith.index_cast %add3A_831 : i32 to index
        %get3A_834 = arith.constant 64 : index
        %get3A_835 = tpu.vector_load %arg7[%get3A_832, %get3A_833, %get3A_834] {strides = array<i32>} : memref<2x256x128xf32, #tpu.memory_space<vmem>>, vector<1x1x16xf32>,
        %get3A_836 = vector.shape_cast %get3A_835 : vector<1x1x16xf32> to vector<16xf32>
        %mul3A_837 = arith.mulf %get3A_836, %get3A_517 : vector<16xf32>
        %add3A_838 = arith.addf %mul3A_837, %get3A_522 : vector<16xf32>
        %max3A_839 = arith.constant 0.000000e+00 : f32
        %max3A_840 = vector.broadcast %max3A_839 : f32 to vector<16xf32>
        %max3A_841 = arith.maximumf %add3A_838, %max3A_840 : vector<16xf32>
        %mul3A_842 = arith.mulf %max3A_841, %get3A_482 : vector<16xf32>
        %add3A_843 = arith.addf %add3A_829, %mul3A_842 : vector<16xf32>
        %add3A_844 = arith.constant 3 : i32
        %add3A_845 = arith.addi %add3A_802, %add3A_844 : i32
        %get3A_846 = arith.index_cast %select_n3A_143 : i32 to index
        %get3A_847 = arith.index_cast %add3A_845 : i32 to index
        %get3A_848 = arith.constant 64 : index
        %get3A_849 = tpu.vector_load %arg7[%get3A_846, %get3A_847, %get3A_848] {strides = array<i32>} : memref<2x256x128xf32, #tpu.memory_space<vmem>>, vector<1x1x16xf32>,
        %get3A_850 = vector.shape_cast %get3A_849 : vector<1x1x16xf32> to vector<16xf32>
        %mul3A_851 = arith.mulf %get3A_850, %get3A_517 : vector<16xf32>
        %add3A_852 = arith.addf %mul3A_851, %get3A_522 : vector<16xf32>
        %max3A_853 = arith.constant 0.000000e+00 : f32
        %max3A_854 = vector.broadcast %max3A_853 : f32 to vector<16xf32>
        %max3A_855 = arith.maximumf %add3A_852, %max3A_854 : vector<16xf32>
        %mul3A_856 = arith.mulf %max3A_855, %get3A_487 : vector<16xf32>
        %add3A_857 = arith.addf %add3A_843, %mul3A_856 : vector<16xf32>
        %add3A_858 = arith.constant 4 : i32
        %add3A_859 = arith.addi %add3A_802, %add3A_858 : i32
        %get3A_860 = arith.index_cast %select_n3A_143 : i32 to index
        %get3A_861 = arith.index_cast %add3A_859 : i32 to index
        %get3A_862 = arith.constant 64 : index
        %get3A_863 = tpu.vector_load %arg7[%get3A_860, %get3A_861, %get3A_862] {strides = array<i32>} : memref<2x256x128xf32, #tpu.memory_space<vmem>>, vector<1x1x16xf32>,
        %get3A_864 = vector.shape_cast %get3A_863 : vector<1x1x16xf32> to vector<16xf32>
        %mul3A_865 = arith.mulf %get3A_864, %get3A_517 : vector<16xf32>
        %add3A_866 = arith.addf %mul3A_865, %get3A_522 : vector<16xf32>
        %max3A_867 = arith.constant 0.000000e+00 : f32
        %max3A_868 = vector.broadcast %max3A_867 : f32 to vector<16xf32>
        %max3A_869 = arith.maximumf %add3A_866, %max3A_868 : vector<16xf32>
        %mul3A_870 = arith.mulf %max3A_869, %get3A_492 : vector<16xf32>
        %add3A_871 = arith.addf %add3A_857, %mul3A_870 : vector<16xf32>
        %add3A_872 = arith.constant 5 : i32
        %add3A_873 = arith.addi %add3A_802, %add3A_872 : i32
        %get3A_874 = arith.index_cast %select_n3A_143 : i32 to index
        %get3A_875 = arith.index_cast %add3A_873 : i32 to index
        %get3A_876 = arith.constant 64 : index
        %get3A_877 = tpu.vector_load %arg7[%get3A_874, %get3A_875, %get3A_876] {strides = array<i32>} : memref<2x256x128xf32, #tpu.memory_space<vmem>>, vector<1x1x16xf32>,
        %get3A_878 = vector.shape_cast %get3A_877 : vector<1x1x16xf32> to vector<16xf32>
        %mul3A_879 = arith.mulf %get3A_878, %get3A_517 : vector<16xf32>
        %add3A_880 = arith.addf %mul3A_879, %get3A_522 : vector<16xf32>
        %max3A_881 = arith.constant 0.000000e+00 : f32
        %max3A_882 = vector.broadcast %max3A_881 : f32 to vector<16xf32>
        %max3A_883 = arith.maximumf %add3A_880, %max3A_882 : vector<16xf32>
        %mul3A_884 = arith.mulf %max3A_883, %get3A_497 : vector<16xf32>
        %add3A_885 = arith.addf %add3A_871, %mul3A_884 : vector<16xf32>
        %add3A_886 = arith.constant 6 : i32
        %add3A_887 = arith.addi %add3A_802, %add3A_886 : i32
        %get3A_888 = arith.index_cast %select_n3A_143 : i32 to index
        %get3A_889 = arith.index_cast %add3A_887 : i32 to index
        %get3A_890 = arith.constant 64 : index
        %get3A_891 = tpu.vector_load %arg7[%get3A_888, %get3A_889, %get3A_890] {strides = array<i32>} : memref<2x256x128xf32, #tpu.memory_space<vmem>>, vector<1x1x16xf32>,
        %get3A_892 = vector.shape_cast %get3A_891 : vector<1x1x16xf32> to vector<16xf32>
        %mul3A_893 = arith.mulf %get3A_892, %get3A_517 : vector<16xf32>
        %add3A_894 = arith.addf %mul3A_893, %get3A_522 : vector<16xf32>
        %max3A_895 = arith.constant 0.000000e+00 : f32
        %max3A_896 = vector.broadcast %max3A_895 : f32 to vector<16xf32>
        %max3A_897 = arith.maximumf %add3A_894, %max3A_896 : vector<16xf32>
        %mul3A_898 = arith.mulf %max3A_897, %get3A_502 : vector<16xf32>
        %add3A_899 = arith.addf %add3A_885, %mul3A_898 : vector<16xf32>
        %add3A_900 = arith.constant 7 : i32
        %add3A_901 = arith.addi %add3A_802, %add3A_900 : i32
        %get3A_902 = arith.index_cast %select_n3A_143 : i32 to index
        %get3A_903 = arith.index_cast %add3A_901 : i32 to index
        %get3A_904 = arith.constant 64 : index
        %get3A_905 = tpu.vector_load %arg7[%get3A_902, %get3A_903, %get3A_904] {strides = array<i32>} : memref<2x256x128xf32, #tpu.memory_space<vmem>>, vector<1x1x16xf32>,
        %get3A_906 = vector.shape_cast %get3A_905 : vector<1x1x16xf32> to vector<16xf32>
        %mul3A_907 = arith.mulf %get3A_906, %get3A_517 : vector<16xf32>
        %add3A_908 = arith.addf %mul3A_907, %get3A_522 : vector<16xf32>
        %max3A_909 = arith.constant 0.000000e+00 : f32
        %max3A_910 = vector.broadcast %max3A_909 : f32 to vector<16xf32>
        %max3A_911 = arith.maximumf %add3A_908, %max3A_910 : vector<16xf32>
        %mul3A_912 = arith.mulf %max3A_911, %get3A_507 : vector<16xf32>
        %add3A_913 = arith.addf %add3A_899, %mul3A_912 : vector<16xf32>
        %add3A_914 = arith.constant 8 : i32
        %add3A_915 = arith.addi %add3A_802, %add3A_914 : i32
        %get3A_916 = arith.index_cast %select_n3A_143 : i32 to index
        %get3A_917 = arith.index_cast %add3A_915 : i32 to index
        %get3A_918 = arith.constant 64 : index
        %get3A_919 = tpu.vector_load %arg7[%get3A_916, %get3A_917, %get3A_918] {strides = array<i32>} : memref<2x256x128xf32, #tpu.memory_space<vmem>>, vector<1x1x16xf32>,
        %get3A_920 = vector.shape_cast %get3A_919 : vector<1x1x16xf32> to vector<16xf32>
        %mul3A_921 = arith.mulf %get3A_920, %get3A_517 : vector<16xf32>
        %add3A_922 = arith.addf %mul3A_921, %get3A_522 : vector<16xf32>
        %max3A_923 = arith.constant 0.000000e+00 : f32
        %max3A_924 = vector.broadcast %max3A_923 : f32 to vector<16xf32>
        %max3A_925 = arith.maximumf %add3A_922, %max3A_924 : vector<16xf32>
        %mul3A_926 = arith.mulf %max3A_925, %get3A_512 : vector<16xf32>
        %add3A_927 = arith.addf %add3A_913, %mul3A_926 : vector<16xf32>
        %mul3A_928 = arith.constant 28 : i32
        %mul3A_929 = arith.muli %select_n3A_143, %mul3A_928 : i32
        %add3A_930 = arith.constant 14 : i32
        %add3A_931 = arith.addi %mul3A_929, %add3A_930 : i32
        %add3A_932 = arith.addi %add3A_931, %scan3A_798 : i32
        %swap3A = arith.index_cast %select_n3A_180 : i32 to index
        %swap3A_933 = arith.index_cast %add3A_932 : i32 to index
        %swap3A_934 = arith.constant 64 : index
        %swap3A_935 = tpu.vector_load %arg9[%swap3A, %swap3A_933, %swap3A_934] {strides = array<i32>} : memref<2x56x128xf32, #tpu.memory_space<vmem>>, vector<1x1x16xf32>,
        %swap3A_936 = vector.shape_cast %swap3A_935 : vector<1x1x16xf32> to vector<16xf32>
        %swap3A_937 = vector.shape_cast %add3A_927 : vector<16xf32> to vector<1x1x16xf32>
        tpu.vector_store %arg9[%swap3A, %swap3A_933, %swap3A_934], %swap3A_937 {strides = array<i32>} : memref<2x56x128xf32, #tpu.memory_space<vmem>>, vector<1x1x16xf32>,
      }
      %scan3A_539 = arith.constant 14 : i32
      %get3A_540 = arith.constant 0 : i32
      %get3A_541 = arith.index_cast %get3A_540 : i32 to index
      %get3A_542 = arith.constant 80 : index
      %get3A_543 = tpu.vector_load %arg8[%get3A_541, %get3A_542] {strides = array<i32>} : memref<12x128xf32, #tpu.memory_space<vmem>>, vector<1x16xf32>,
      %get3A_544 = vector.shape_cast %get3A_543 : vector<1x16xf32> to vector<16xf32>
      %get3A_545 = arith.constant 1 : i32
      %get3A_546 = arith.index_cast %get3A_545 : i32 to index
      %get3A_547 = arith.constant 80 : index
      %get3A_548 = tpu.vector_load %arg8[%get3A_546, %get3A_547] {strides = array<i32>} : memref<12x128xf32, #tpu.memory_space<vmem>>, vector<1x16xf32>,
      %get3A_549 = vector.shape_cast %get3A_548 : vector<1x16xf32> to vector<16xf32>
      %get3A_550 = arith.constant 2 : i32
      %get3A_551 = arith.index_cast %get3A_550 : i32 to index
      %get3A_552 = arith.constant 80 : index
      %get3A_553 = tpu.vector_load %arg8[%get3A_551, %get3A_552] {strides = array<i32>} : memref<12x128xf32, #tpu.memory_space<vmem>>, vector<1x16xf32>,
      %get3A_554 = vector.shape_cast %get3A_553 : vector<1x16xf32> to vector<16xf32>
      %get3A_555 = arith.constant 3 : i32
      %get3A_556 = arith.index_cast %get3A_555 : i32 to index
      %get3A_557 = arith.constant 80 : index
      %get3A_558 = tpu.vector_load %arg8[%get3A_556, %get3A_557] {strides = array<i32>} : memref<12x128xf32, #tpu.memory_space<vmem>>, vector<1x16xf32>,
      %get3A_559 = vector.shape_cast %get3A_558 : vector<1x16xf32> to vector<16xf32>
      %get3A_560 = arith.constant 4 : i32
      %get3A_561 = arith.index_cast %get3A_560 : i32 to index
      %get3A_562 = arith.constant 80 : index
      %get3A_563 = tpu.vector_load %arg8[%get3A_561, %get3A_562] {strides = array<i32>} : memref<12x128xf32, #tpu.memory_space<vmem>>, vector<1x16xf32>,
      %get3A_564 = vector.shape_cast %get3A_563 : vector<1x16xf32> to vector<16xf32>
      %get3A_565 = arith.constant 5 : i32
      %get3A_566 = arith.index_cast %get3A_565 : i32 to index
      %get3A_567 = arith.constant 80 : index
      %get3A_568 = tpu.vector_load %arg8[%get3A_566, %get3A_567] {strides = array<i32>} : memref<12x128xf32, #tpu.memory_space<vmem>>, vector<1x16xf32>,
      %get3A_569 = vector.shape_cast %get3A_568 : vector<1x16xf32> to vector<16xf32>
      %get3A_570 = arith.constant 6 : i32
      %get3A_571 = arith.index_cast %get3A_570 : i32 to index
      %get3A_572 = arith.constant 80 : index
      %get3A_573 = tpu.vector_load %arg8[%get3A_571, %get3A_572] {strides = array<i32>} : memref<12x128xf32, #tpu.memory_space<vmem>>, vector<1x16xf32>,
      %get3A_574 = vector.shape_cast %get3A_573 : vector<1x16xf32> to vector<16xf32>
      %get3A_575 = arith.constant 7 : i32
      %get3A_576 = arith.index_cast %get3A_575 : i32 to index
      %get3A_577 = arith.constant 80 : index
      %get3A_578 = tpu.vector_load %arg8[%get3A_576, %get3A_577] {strides = array<i32>} : memref<12x128xf32, #tpu.memory_space<vmem>>, vector<1x16xf32>,
      %get3A_579 = vector.shape_cast %get3A_578 : vector<1x16xf32> to vector<16xf32>
      %get3A_580 = arith.constant 8 : i32
      %get3A_581 = arith.index_cast %get3A_580 : i32 to index
      %get3A_582 = arith.constant 80 : index
      %get3A_583 = tpu.vector_load %arg8[%get3A_581, %get3A_582] {strides = array<i32>} : memref<12x128xf32, #tpu.memory_space<vmem>>, vector<1x16xf32>,
      %get3A_584 = vector.shape_cast %get3A_583 : vector<1x16xf32> to vector<16xf32>
      %get3A_585 = arith.constant 9 : i32
      %get3A_586 = arith.index_cast %get3A_585 : i32 to index
      %get3A_587 = arith.constant 80 : index
      %get3A_588 = tpu.vector_load %arg8[%get3A_586, %get3A_587] {strides = array<i32>} : memref<12x128xf32, #tpu.memory_space<vmem>>, vector<1x16xf32>,
      %get3A_589 = vector.shape_cast %get3A_588 : vector<1x16xf32> to vector<16xf32>
      %get3A_590 = arith.constant 10 : i32
      %get3A_591 = arith.index_cast %get3A_590 : i32 to index
      %get3A_592 = arith.constant 80 : index
      %get3A_593 = tpu.vector_load %arg8[%get3A_591, %get3A_592] {strides = array<i32>} : memref<12x128xf32, #tpu.memory_space<vmem>>, vector<1x16xf32>,
      %get3A_594 = vector.shape_cast %get3A_593 : vector<1x16xf32> to vector<16xf32>
      %get3A_595 = arith.constant 11 : i32
      %get3A_596 = arith.index_cast %get3A_595 : i32 to index
      %get3A_597 = arith.constant 80 : index
      %get3A_598 = tpu.vector_load %arg8[%get3A_596, %get3A_597] {strides = array<i32>} : memref<12x128xf32, #tpu.memory_space<vmem>>, vector<1x16xf32>,
      %get3A_599 = vector.shape_cast %get3A_598 : vector<1x16xf32> to vector<16xf32>
      %scan3A_600 = arith.constant 0 : i32
      %scan3A_601 = arith.constant 0 : i32
      %scan3A_602 = arith.constant 14 : i32
      %scan3A_603 = arith.addi %scan3A_601, %scan3A_602 : i32
      %scan3A_604 = arith.constant 1 : i32
      scf.for %scan3A_798 = %scan3A_601 to %scan3A_603 step %scan3A_604  : i32 {
        %mul3A_799 = arith.constant 9 : i32
        %mul3A_800 = arith.muli %scan3A_798, %mul3A_799 : i32
        %add3A_801 = arith.constant 0 : i32
        %add3A_802 = arith.addi %add3A_801, %mul3A_800 : i32
        %add3A_803 = arith.constant 0 : i32
        %add3A_804 = arith.addi %add3A_802, %add3A_803 : i32
        %get3A_805 = arith.index_cast %select_n3A_143 : i32 to index
        %get3A_806 = arith.index_cast %add3A_804 : i32 to index
        %get3A_807 = arith.constant 80 : index
        %get3A_808 = tpu.vector_load %arg7[%get3A_805, %get3A_806, %get3A_807] {strides = array<i32>} : memref<2x256x128xf32, #tpu.memory_space<vmem>>, vector<1x1x16xf32>,
        %get3A_809 = vector.shape_cast %get3A_808 : vector<1x1x16xf32> to vector<16xf32>
        %mul3A_810 = arith.mulf %get3A_809, %get3A_589 : vector<16xf32>
        %add3A_811 = arith.addf %mul3A_810, %get3A_594 : vector<16xf32>
        %max3A = arith.constant 0.000000e+00 : f32
        %max3A_812 = vector.broadcast %max3A : f32 to vector<16xf32>
        %max3A_813 = arith.maximumf %add3A_811, %max3A_812 : vector<16xf32>
        %mul3A_814 = arith.mulf %max3A_813, %get3A_544 : vector<16xf32>
        %add3A_815 = arith.addf %get3A_599, %mul3A_814 : vector<16xf32>
        %add3A_816 = arith.constant 1 : i32
        %add3A_817 = arith.addi %add3A_802, %add3A_816 : i32
        %get3A_818 = arith.index_cast %select_n3A_143 : i32 to index
        %get3A_819 = arith.index_cast %add3A_817 : i32 to index
        %get3A_820 = arith.constant 80 : index
        %get3A_821 = tpu.vector_load %arg7[%get3A_818, %get3A_819, %get3A_820] {strides = array<i32>} : memref<2x256x128xf32, #tpu.memory_space<vmem>>, vector<1x1x16xf32>,
        %get3A_822 = vector.shape_cast %get3A_821 : vector<1x1x16xf32> to vector<16xf32>
        %mul3A_823 = arith.mulf %get3A_822, %get3A_589 : vector<16xf32>
        %add3A_824 = arith.addf %mul3A_823, %get3A_594 : vector<16xf32>
        %max3A_825 = arith.constant 0.000000e+00 : f32
        %max3A_826 = vector.broadcast %max3A_825 : f32 to vector<16xf32>
        %max3A_827 = arith.maximumf %add3A_824, %max3A_826 : vector<16xf32>
        %mul3A_828 = arith.mulf %max3A_827, %get3A_549 : vector<16xf32>
        %add3A_829 = arith.addf %add3A_815, %mul3A_828 : vector<16xf32>
        %add3A_830 = arith.constant 2 : i32
        %add3A_831 = arith.addi %add3A_802, %add3A_830 : i32
        %get3A_832 = arith.index_cast %select_n3A_143 : i32 to index
        %get3A_833 = arith.index_cast %add3A_831 : i32 to index
        %get3A_834 = arith.constant 80 : index
        %get3A_835 = tpu.vector_load %arg7[%get3A_832, %get3A_833, %get3A_834] {strides = array<i32>} : memref<2x256x128xf32, #tpu.memory_space<vmem>>, vector<1x1x16xf32>,
        %get3A_836 = vector.shape_cast %get3A_835 : vector<1x1x16xf32> to vector<16xf32>
        %mul3A_837 = arith.mulf %get3A_836, %get3A_589 : vector<16xf32>
        %add3A_838 = arith.addf %mul3A_837, %get3A_594 : vector<16xf32>
        %max3A_839 = arith.constant 0.000000e+00 : f32
        %max3A_840 = vector.broadcast %max3A_839 : f32 to vector<16xf32>
        %max3A_841 = arith.maximumf %add3A_838, %max3A_840 : vector<16xf32>
        %mul3A_842 = arith.mulf %max3A_841, %get3A_554 : vector<16xf32>
        %add3A_843 = arith.addf %add3A_829, %mul3A_842 : vector<16xf32>
        %add3A_844 = arith.constant 3 : i32
        %add3A_845 = arith.addi %add3A_802, %add3A_844 : i32
        %get3A_846 = arith.index_cast %select_n3A_143 : i32 to index
        %get3A_847 = arith.index_cast %add3A_845 : i32 to index
        %get3A_848 = arith.constant 80 : index
        %get3A_849 = tpu.vector_load %arg7[%get3A_846, %get3A_847, %get3A_848] {strides = array<i32>} : memref<2x256x128xf32, #tpu.memory_space<vmem>>, vector<1x1x16xf32>,
        %get3A_850 = vector.shape_cast %get3A_849 : vector<1x1x16xf32> to vector<16xf32>
        %mul3A_851 = arith.mulf %get3A_850, %get3A_589 : vector<16xf32>
        %add3A_852 = arith.addf %mul3A_851, %get3A_594 : vector<16xf32>
        %max3A_853 = arith.constant 0.000000e+00 : f32
        %max3A_854 = vector.broadcast %max3A_853 : f32 to vector<16xf32>
        %max3A_855 = arith.maximumf %add3A_852, %max3A_854 : vector<16xf32>
        %mul3A_856 = arith.mulf %max3A_855, %get3A_559 : vector<16xf32>
        %add3A_857 = arith.addf %add3A_843, %mul3A_856 : vector<16xf32>
        %add3A_858 = arith.constant 4 : i32
        %add3A_859 = arith.addi %add3A_802, %add3A_858 : i32
        %get3A_860 = arith.index_cast %select_n3A_143 : i32 to index
        %get3A_861 = arith.index_cast %add3A_859 : i32 to index
        %get3A_862 = arith.constant 80 : index
        %get3A_863 = tpu.vector_load %arg7[%get3A_860, %get3A_861, %get3A_862] {strides = array<i32>} : memref<2x256x128xf32, #tpu.memory_space<vmem>>, vector<1x1x16xf32>,
        %get3A_864 = vector.shape_cast %get3A_863 : vector<1x1x16xf32> to vector<16xf32>
        %mul3A_865 = arith.mulf %get3A_864, %get3A_589 : vector<16xf32>
        %add3A_866 = arith.addf %mul3A_865, %get3A_594 : vector<16xf32>
        %max3A_867 = arith.constant 0.000000e+00 : f32
        %max3A_868 = vector.broadcast %max3A_867 : f32 to vector<16xf32>
        %max3A_869 = arith.maximumf %add3A_866, %max3A_868 : vector<16xf32>
        %mul3A_870 = arith.mulf %max3A_869, %get3A_564 : vector<16xf32>
        %add3A_871 = arith.addf %add3A_857, %mul3A_870 : vector<16xf32>
        %add3A_872 = arith.constant 5 : i32
        %add3A_873 = arith.addi %add3A_802, %add3A_872 : i32
        %get3A_874 = arith.index_cast %select_n3A_143 : i32 to index
        %get3A_875 = arith.index_cast %add3A_873 : i32 to index
        %get3A_876 = arith.constant 80 : index
        %get3A_877 = tpu.vector_load %arg7[%get3A_874, %get3A_875, %get3A_876] {strides = array<i32>} : memref<2x256x128xf32, #tpu.memory_space<vmem>>, vector<1x1x16xf32>,
        %get3A_878 = vector.shape_cast %get3A_877 : vector<1x1x16xf32> to vector<16xf32>
        %mul3A_879 = arith.mulf %get3A_878, %get3A_589 : vector<16xf32>
        %add3A_880 = arith.addf %mul3A_879, %get3A_594 : vector<16xf32>
        %max3A_881 = arith.constant 0.000000e+00 : f32
        %max3A_882 = vector.broadcast %max3A_881 : f32 to vector<16xf32>
        %max3A_883 = arith.maximumf %add3A_880, %max3A_882 : vector<16xf32>
        %mul3A_884 = arith.mulf %max3A_883, %get3A_569 : vector<16xf32>
        %add3A_885 = arith.addf %add3A_871, %mul3A_884 : vector<16xf32>
        %add3A_886 = arith.constant 6 : i32
        %add3A_887 = arith.addi %add3A_802, %add3A_886 : i32
        %get3A_888 = arith.index_cast %select_n3A_143 : i32 to index
        %get3A_889 = arith.index_cast %add3A_887 : i32 to index
        %get3A_890 = arith.constant 80 : index
        %get3A_891 = tpu.vector_load %arg7[%get3A_888, %get3A_889, %get3A_890] {strides = array<i32>} : memref<2x256x128xf32, #tpu.memory_space<vmem>>, vector<1x1x16xf32>,
        %get3A_892 = vector.shape_cast %get3A_891 : vector<1x1x16xf32> to vector<16xf32>
        %mul3A_893 = arith.mulf %get3A_892, %get3A_589 : vector<16xf32>
        %add3A_894 = arith.addf %mul3A_893, %get3A_594 : vector<16xf32>
        %max3A_895 = arith.constant 0.000000e+00 : f32
        %max3A_896 = vector.broadcast %max3A_895 : f32 to vector<16xf32>
        %max3A_897 = arith.maximumf %add3A_894, %max3A_896 : vector<16xf32>
        %mul3A_898 = arith.mulf %max3A_897, %get3A_574 : vector<16xf32>
        %add3A_899 = arith.addf %add3A_885, %mul3A_898 : vector<16xf32>
        %add3A_900 = arith.constant 7 : i32
        %add3A_901 = arith.addi %add3A_802, %add3A_900 : i32
        %get3A_902 = arith.index_cast %select_n3A_143 : i32 to index
        %get3A_903 = arith.index_cast %add3A_901 : i32 to index
        %get3A_904 = arith.constant 80 : index
        %get3A_905 = tpu.vector_load %arg7[%get3A_902, %get3A_903, %get3A_904] {strides = array<i32>} : memref<2x256x128xf32, #tpu.memory_space<vmem>>, vector<1x1x16xf32>,
        %get3A_906 = vector.shape_cast %get3A_905 : vector<1x1x16xf32> to vector<16xf32>
        %mul3A_907 = arith.mulf %get3A_906, %get3A_589 : vector<16xf32>
        %add3A_908 = arith.addf %mul3A_907, %get3A_594 : vector<16xf32>
        %max3A_909 = arith.constant 0.000000e+00 : f32
        %max3A_910 = vector.broadcast %max3A_909 : f32 to vector<16xf32>
        %max3A_911 = arith.maximumf %add3A_908, %max3A_910 : vector<16xf32>
        %mul3A_912 = arith.mulf %max3A_911, %get3A_579 : vector<16xf32>
        %add3A_913 = arith.addf %add3A_899, %mul3A_912 : vector<16xf32>
        %add3A_914 = arith.constant 8 : i32
        %add3A_915 = arith.addi %add3A_802, %add3A_914 : i32
        %get3A_916 = arith.index_cast %select_n3A_143 : i32 to index
        %get3A_917 = arith.index_cast %add3A_915 : i32 to index
        %get3A_918 = arith.constant 80 : index
        %get3A_919 = tpu.vector_load %arg7[%get3A_916, %get3A_917, %get3A_918] {strides = array<i32>} : memref<2x256x128xf32, #tpu.memory_space<vmem>>, vector<1x1x16xf32>,
        %get3A_920 = vector.shape_cast %get3A_919 : vector<1x1x16xf32> to vector<16xf32>
        %mul3A_921 = arith.mulf %get3A_920, %get3A_589 : vector<16xf32>
        %add3A_922 = arith.addf %mul3A_921, %get3A_594 : vector<16xf32>
        %max3A_923 = arith.constant 0.000000e+00 : f32
        %max3A_924 = vector.broadcast %max3A_923 : f32 to vector<16xf32>
        %max3A_925 = arith.maximumf %add3A_922, %max3A_924 : vector<16xf32>
        %mul3A_926 = arith.mulf %max3A_925, %get3A_584 : vector<16xf32>
        %add3A_927 = arith.addf %add3A_913, %mul3A_926 : vector<16xf32>
        %mul3A_928 = arith.constant 28 : i32
        %mul3A_929 = arith.muli %select_n3A_143, %mul3A_928 : i32
        %add3A_930 = arith.constant 0 : i32
        %add3A_931 = arith.addi %mul3A_929, %add3A_930 : i32
        %add3A_932 = arith.addi %add3A_931, %scan3A_798 : i32
        %swap3A = arith.index_cast %select_n3A_180 : i32 to index
        %swap3A_933 = arith.index_cast %add3A_932 : i32 to index
        %swap3A_934 = arith.constant 80 : index
        %swap3A_935 = tpu.vector_load %arg9[%swap3A, %swap3A_933, %swap3A_934] {strides = array<i32>} : memref<2x56x128xf32, #tpu.memory_space<vmem>>, vector<1x1x16xf32>,
        %swap3A_936 = vector.shape_cast %swap3A_935 : vector<1x1x16xf32> to vector<16xf32>
        %swap3A_937 = vector.shape_cast %add3A_927 : vector<16xf32> to vector<1x1x16xf32>
        tpu.vector_store %arg9[%swap3A, %swap3A_933, %swap3A_934], %swap3A_937 {strides = array<i32>} : memref<2x56x128xf32, #tpu.memory_space<vmem>>, vector<1x1x16xf32>,
      }
      %scan3A_605 = arith.constant 14 : i32
      %scan3A_606 = arith.constant 0 : i32
      %scan3A_607 = arith.constant 0 : i32
      %scan3A_608 = arith.constant 14 : i32
      %scan3A_609 = arith.addi %scan3A_607, %scan3A_608 : i32
      %scan3A_610 = arith.constant 1 : i32
      scf.for %scan3A_798 = %scan3A_607 to %scan3A_609 step %scan3A_610  : i32 {
        %mul3A_799 = arith.constant 9 : i32
        %mul3A_800 = arith.muli %scan3A_798, %mul3A_799 : i32
        %add3A_801 = arith.constant 128 : i32
        %add3A_802 = arith.addi %add3A_801, %mul3A_800 : i32
        %add3A_803 = arith.constant 0 : i32
        %add3A_804 = arith.addi %add3A_802, %add3A_803 : i32
        %get3A_805 = arith.index_cast %select_n3A_143 : i32 to index
        %get3A_806 = arith.index_cast %add3A_804 : i32 to index
        %get3A_807 = arith.constant 80 : index
        %get3A_808 = tpu.vector_load %arg7[%get3A_805, %get3A_806, %get3A_807] {strides = array<i32>} : memref<2x256x128xf32, #tpu.memory_space<vmem>>, vector<1x1x16xf32>,
        %get3A_809 = vector.shape_cast %get3A_808 : vector<1x1x16xf32> to vector<16xf32>
        %mul3A_810 = arith.mulf %get3A_809, %get3A_589 : vector<16xf32>
        %add3A_811 = arith.addf %mul3A_810, %get3A_594 : vector<16xf32>
        %max3A = arith.constant 0.000000e+00 : f32
        %max3A_812 = vector.broadcast %max3A : f32 to vector<16xf32>
        %max3A_813 = arith.maximumf %add3A_811, %max3A_812 : vector<16xf32>
        %mul3A_814 = arith.mulf %max3A_813, %get3A_544 : vector<16xf32>
        %add3A_815 = arith.addf %get3A_599, %mul3A_814 : vector<16xf32>
        %add3A_816 = arith.constant 1 : i32
        %add3A_817 = arith.addi %add3A_802, %add3A_816 : i32
        %get3A_818 = arith.index_cast %select_n3A_143 : i32 to index
        %get3A_819 = arith.index_cast %add3A_817 : i32 to index
        %get3A_820 = arith.constant 80 : index
        %get3A_821 = tpu.vector_load %arg7[%get3A_818, %get3A_819, %get3A_820] {strides = array<i32>} : memref<2x256x128xf32, #tpu.memory_space<vmem>>, vector<1x1x16xf32>,
        %get3A_822 = vector.shape_cast %get3A_821 : vector<1x1x16xf32> to vector<16xf32>
        %mul3A_823 = arith.mulf %get3A_822, %get3A_589 : vector<16xf32>
        %add3A_824 = arith.addf %mul3A_823, %get3A_594 : vector<16xf32>
        %max3A_825 = arith.constant 0.000000e+00 : f32
        %max3A_826 = vector.broadcast %max3A_825 : f32 to vector<16xf32>
        %max3A_827 = arith.maximumf %add3A_824, %max3A_826 : vector<16xf32>
        %mul3A_828 = arith.mulf %max3A_827, %get3A_549 : vector<16xf32>
        %add3A_829 = arith.addf %add3A_815, %mul3A_828 : vector<16xf32>
        %add3A_830 = arith.constant 2 : i32
        %add3A_831 = arith.addi %add3A_802, %add3A_830 : i32
        %get3A_832 = arith.index_cast %select_n3A_143 : i32 to index
        %get3A_833 = arith.index_cast %add3A_831 : i32 to index
        %get3A_834 = arith.constant 80 : index
        %get3A_835 = tpu.vector_load %arg7[%get3A_832, %get3A_833, %get3A_834] {strides = array<i32>} : memref<2x256x128xf32, #tpu.memory_space<vmem>>, vector<1x1x16xf32>,
        %get3A_836 = vector.shape_cast %get3A_835 : vector<1x1x16xf32> to vector<16xf32>
        %mul3A_837 = arith.mulf %get3A_836, %get3A_589 : vector<16xf32>
        %add3A_838 = arith.addf %mul3A_837, %get3A_594 : vector<16xf32>
        %max3A_839 = arith.constant 0.000000e+00 : f32
        %max3A_840 = vector.broadcast %max3A_839 : f32 to vector<16xf32>
        %max3A_841 = arith.maximumf %add3A_838, %max3A_840 : vector<16xf32>
        %mul3A_842 = arith.mulf %max3A_841, %get3A_554 : vector<16xf32>
        %add3A_843 = arith.addf %add3A_829, %mul3A_842 : vector<16xf32>
        %add3A_844 = arith.constant 3 : i32
        %add3A_845 = arith.addi %add3A_802, %add3A_844 : i32
        %get3A_846 = arith.index_cast %select_n3A_143 : i32 to index
        %get3A_847 = arith.index_cast %add3A_845 : i32 to index
        %get3A_848 = arith.constant 80 : index
        %get3A_849 = tpu.vector_load %arg7[%get3A_846, %get3A_847, %get3A_848] {strides = array<i32>} : memref<2x256x128xf32, #tpu.memory_space<vmem>>, vector<1x1x16xf32>,
        %get3A_850 = vector.shape_cast %get3A_849 : vector<1x1x16xf32> to vector<16xf32>
        %mul3A_851 = arith.mulf %get3A_850, %get3A_589 : vector<16xf32>
        %add3A_852 = arith.addf %mul3A_851, %get3A_594 : vector<16xf32>
        %max3A_853 = arith.constant 0.000000e+00 : f32
        %max3A_854 = vector.broadcast %max3A_853 : f32 to vector<16xf32>
        %max3A_855 = arith.maximumf %add3A_852, %max3A_854 : vector<16xf32>
        %mul3A_856 = arith.mulf %max3A_855, %get3A_559 : vector<16xf32>
        %add3A_857 = arith.addf %add3A_843, %mul3A_856 : vector<16xf32>
        %add3A_858 = arith.constant 4 : i32
        %add3A_859 = arith.addi %add3A_802, %add3A_858 : i32
        %get3A_860 = arith.index_cast %select_n3A_143 : i32 to index
        %get3A_861 = arith.index_cast %add3A_859 : i32 to index
        %get3A_862 = arith.constant 80 : index
        %get3A_863 = tpu.vector_load %arg7[%get3A_860, %get3A_861, %get3A_862] {strides = array<i32>} : memref<2x256x128xf32, #tpu.memory_space<vmem>>, vector<1x1x16xf32>,
        %get3A_864 = vector.shape_cast %get3A_863 : vector<1x1x16xf32> to vector<16xf32>
        %mul3A_865 = arith.mulf %get3A_864, %get3A_589 : vector<16xf32>
        %add3A_866 = arith.addf %mul3A_865, %get3A_594 : vector<16xf32>
        %max3A_867 = arith.constant 0.000000e+00 : f32
        %max3A_868 = vector.broadcast %max3A_867 : f32 to vector<16xf32>
        %max3A_869 = arith.maximumf %add3A_866, %max3A_868 : vector<16xf32>
        %mul3A_870 = arith.mulf %max3A_869, %get3A_564 : vector<16xf32>
        %add3A_871 = arith.addf %add3A_857, %mul3A_870 : vector<16xf32>
        %add3A_872 = arith.constant 5 : i32
        %add3A_873 = arith.addi %add3A_802, %add3A_872 : i32
        %get3A_874 = arith.index_cast %select_n3A_143 : i32 to index
        %get3A_875 = arith.index_cast %add3A_873 : i32 to index
        %get3A_876 = arith.constant 80 : index
        %get3A_877 = tpu.vector_load %arg7[%get3A_874, %get3A_875, %get3A_876] {strides = array<i32>} : memref<2x256x128xf32, #tpu.memory_space<vmem>>, vector<1x1x16xf32>,
        %get3A_878 = vector.shape_cast %get3A_877 : vector<1x1x16xf32> to vector<16xf32>
        %mul3A_879 = arith.mulf %get3A_878, %get3A_589 : vector<16xf32>
        %add3A_880 = arith.addf %mul3A_879, %get3A_594 : vector<16xf32>
        %max3A_881 = arith.constant 0.000000e+00 : f32
        %max3A_882 = vector.broadcast %max3A_881 : f32 to vector<16xf32>
        %max3A_883 = arith.maximumf %add3A_880, %max3A_882 : vector<16xf32>
        %mul3A_884 = arith.mulf %max3A_883, %get3A_569 : vector<16xf32>
        %add3A_885 = arith.addf %add3A_871, %mul3A_884 : vector<16xf32>
        %add3A_886 = arith.constant 6 : i32
        %add3A_887 = arith.addi %add3A_802, %add3A_886 : i32
        %get3A_888 = arith.index_cast %select_n3A_143 : i32 to index
        %get3A_889 = arith.index_cast %add3A_887 : i32 to index
        %get3A_890 = arith.constant 80 : index
        %get3A_891 = tpu.vector_load %arg7[%get3A_888, %get3A_889, %get3A_890] {strides = array<i32>} : memref<2x256x128xf32, #tpu.memory_space<vmem>>, vector<1x1x16xf32>,
        %get3A_892 = vector.shape_cast %get3A_891 : vector<1x1x16xf32> to vector<16xf32>
        %mul3A_893 = arith.mulf %get3A_892, %get3A_589 : vector<16xf32>
        %add3A_894 = arith.addf %mul3A_893, %get3A_594 : vector<16xf32>
        %max3A_895 = arith.constant 0.000000e+00 : f32
        %max3A_896 = vector.broadcast %max3A_895 : f32 to vector<16xf32>
        %max3A_897 = arith.maximumf %add3A_894, %max3A_896 : vector<16xf32>
        %mul3A_898 = arith.mulf %max3A_897, %get3A_574 : vector<16xf32>
        %add3A_899 = arith.addf %add3A_885, %mul3A_898 : vector<16xf32>
        %add3A_900 = arith.constant 7 : i32
        %add3A_901 = arith.addi %add3A_802, %add3A_900 : i32
        %get3A_902 = arith.index_cast %select_n3A_143 : i32 to index
        %get3A_903 = arith.index_cast %add3A_901 : i32 to index
        %get3A_904 = arith.constant 80 : index
        %get3A_905 = tpu.vector_load %arg7[%get3A_902, %get3A_903, %get3A_904] {strides = array<i32>} : memref<2x256x128xf32, #tpu.memory_space<vmem>>, vector<1x1x16xf32>,
        %get3A_906 = vector.shape_cast %get3A_905 : vector<1x1x16xf32> to vector<16xf32>
        %mul3A_907 = arith.mulf %get3A_906, %get3A_589 : vector<16xf32>
        %add3A_908 = arith.addf %mul3A_907, %get3A_594 : vector<16xf32>
        %max3A_909 = arith.constant 0.000000e+00 : f32
        %max3A_910 = vector.broadcast %max3A_909 : f32 to vector<16xf32>
        %max3A_911 = arith.maximumf %add3A_908, %max3A_910 : vector<16xf32>
        %mul3A_912 = arith.mulf %max3A_911, %get3A_579 : vector<16xf32>
        %add3A_913 = arith.addf %add3A_899, %mul3A_912 : vector<16xf32>
        %add3A_914 = arith.constant 8 : i32
        %add3A_915 = arith.addi %add3A_802, %add3A_914 : i32
        %get3A_916 = arith.index_cast %select_n3A_143 : i32 to index
        %get3A_917 = arith.index_cast %add3A_915 : i32 to index
        %get3A_918 = arith.constant 80 : index
        %get3A_919 = tpu.vector_load %arg7[%get3A_916, %get3A_917, %get3A_918] {strides = array<i32>} : memref<2x256x128xf32, #tpu.memory_space<vmem>>, vector<1x1x16xf32>,
        %get3A_920 = vector.shape_cast %get3A_919 : vector<1x1x16xf32> to vector<16xf32>
        %mul3A_921 = arith.mulf %get3A_920, %get3A_589 : vector<16xf32>
        %add3A_922 = arith.addf %mul3A_921, %get3A_594 : vector<16xf32>
        %max3A_923 = arith.constant 0.000000e+00 : f32
        %max3A_924 = vector.broadcast %max3A_923 : f32 to vector<16xf32>
        %max3A_925 = arith.maximumf %add3A_922, %max3A_924 : vector<16xf32>
        %mul3A_926 = arith.mulf %max3A_925, %get3A_584 : vector<16xf32>
        %add3A_927 = arith.addf %add3A_913, %mul3A_926 : vector<16xf32>
        %mul3A_928 = arith.constant 28 : i32
        %mul3A_929 = arith.muli %select_n3A_143, %mul3A_928 : i32
        %add3A_930 = arith.constant 14 : i32
        %add3A_931 = arith.addi %mul3A_929, %add3A_930 : i32
        %add3A_932 = arith.addi %add3A_931, %scan3A_798 : i32
        %swap3A = arith.index_cast %select_n3A_180 : i32 to index
        %swap3A_933 = arith.index_cast %add3A_932 : i32 to index
        %swap3A_934 = arith.constant 80 : index
        %swap3A_935 = tpu.vector_load %arg9[%swap3A, %swap3A_933, %swap3A_934] {strides = array<i32>} : memref<2x56x128xf32, #tpu.memory_space<vmem>>, vector<1x1x16xf32>,
        %swap3A_936 = vector.shape_cast %swap3A_935 : vector<1x1x16xf32> to vector<16xf32>
        %swap3A_937 = vector.shape_cast %add3A_927 : vector<16xf32> to vector<1x1x16xf32>
        tpu.vector_store %arg9[%swap3A, %swap3A_933, %swap3A_934], %swap3A_937 {strides = array<i32>} : memref<2x56x128xf32, #tpu.memory_space<vmem>>, vector<1x1x16xf32>,
      }
      %scan3A_611 = arith.constant 14 : i32
      %get3A_612 = arith.constant 0 : i32
      %get3A_613 = arith.index_cast %get3A_612 : i32 to index
      %get3A_614 = arith.constant 96 : index
      %get3A_615 = tpu.vector_load %arg8[%get3A_613, %get3A_614] {strides = array<i32>} : memref<12x128xf32, #tpu.memory_space<vmem>>, vector<1x16xf32>,
      %get3A_616 = vector.shape_cast %get3A_615 : vector<1x16xf32> to vector<16xf32>
      %get3A_617 = arith.constant 1 : i32
      %get3A_618 = arith.index_cast %get3A_617 : i32 to index
      %get3A_619 = arith.constant 96 : index
      %get3A_620 = tpu.vector_load %arg8[%get3A_618, %get3A_619] {strides = array<i32>} : memref<12x128xf32, #tpu.memory_space<vmem>>, vector<1x16xf32>,
      %get3A_621 = vector.shape_cast %get3A_620 : vector<1x16xf32> to vector<16xf32>
      %get3A_622 = arith.constant 2 : i32
      %get3A_623 = arith.index_cast %get3A_622 : i32 to index
      %get3A_624 = arith.constant 96 : index
      %get3A_625 = tpu.vector_load %arg8[%get3A_623, %get3A_624] {strides = array<i32>} : memref<12x128xf32, #tpu.memory_space<vmem>>, vector<1x16xf32>,
      %get3A_626 = vector.shape_cast %get3A_625 : vector<1x16xf32> to vector<16xf32>
      %get3A_627 = arith.constant 3 : i32
      %get3A_628 = arith.index_cast %get3A_627 : i32 to index
      %get3A_629 = arith.constant 96 : index
      %get3A_630 = tpu.vector_load %arg8[%get3A_628, %get3A_629] {strides = array<i32>} : memref<12x128xf32, #tpu.memory_space<vmem>>, vector<1x16xf32>,
      %get3A_631 = vector.shape_cast %get3A_630 : vector<1x16xf32> to vector<16xf32>
      %get3A_632 = arith.constant 4 : i32
      %get3A_633 = arith.index_cast %get3A_632 : i32 to index
      %get3A_634 = arith.constant 96 : index
      %get3A_635 = tpu.vector_load %arg8[%get3A_633, %get3A_634] {strides = array<i32>} : memref<12x128xf32, #tpu.memory_space<vmem>>, vector<1x16xf32>,
      %get3A_636 = vector.shape_cast %get3A_635 : vector<1x16xf32> to vector<16xf32>
      %get3A_637 = arith.constant 5 : i32
      %get3A_638 = arith.index_cast %get3A_637 : i32 to index
      %get3A_639 = arith.constant 96 : index
      %get3A_640 = tpu.vector_load %arg8[%get3A_638, %get3A_639] {strides = array<i32>} : memref<12x128xf32, #tpu.memory_space<vmem>>, vector<1x16xf32>,
      %get3A_641 = vector.shape_cast %get3A_640 : vector<1x16xf32> to vector<16xf32>
      %get3A_642 = arith.constant 6 : i32
      %get3A_643 = arith.index_cast %get3A_642 : i32 to index
      %get3A_644 = arith.constant 96 : index
      %get3A_645 = tpu.vector_load %arg8[%get3A_643, %get3A_644] {strides = array<i32>} : memref<12x128xf32, #tpu.memory_space<vmem>>, vector<1x16xf32>,
      %get3A_646 = vector.shape_cast %get3A_645 : vector<1x16xf32> to vector<16xf32>
      %get3A_647 = arith.constant 7 : i32
      %get3A_648 = arith.index_cast %get3A_647 : i32 to index
      %get3A_649 = arith.constant 96 : index
      %get3A_650 = tpu.vector_load %arg8[%get3A_648, %get3A_649] {strides = array<i32>} : memref<12x128xf32, #tpu.memory_space<vmem>>, vector<1x16xf32>,
      %get3A_651 = vector.shape_cast %get3A_650 : vector<1x16xf32> to vector<16xf32>
      %get3A_652 = arith.constant 8 : i32
      %get3A_653 = arith.index_cast %get3A_652 : i32 to index
      %get3A_654 = arith.constant 96 : index
      %get3A_655 = tpu.vector_load %arg8[%get3A_653, %get3A_654] {strides = array<i32>} : memref<12x128xf32, #tpu.memory_space<vmem>>, vector<1x16xf32>,
      %get3A_656 = vector.shape_cast %get3A_655 : vector<1x16xf32> to vector<16xf32>
      %get3A_657 = arith.constant 9 : i32
      %get3A_658 = arith.index_cast %get3A_657 : i32 to index
      %get3A_659 = arith.constant 96 : index
      %get3A_660 = tpu.vector_load %arg8[%get3A_658, %get3A_659] {strides = array<i32>} : memref<12x128xf32, #tpu.memory_space<vmem>>, vector<1x16xf32>,
      %get3A_661 = vector.shape_cast %get3A_660 : vector<1x16xf32> to vector<16xf32>
      %get3A_662 = arith.constant 10 : i32
      %get3A_663 = arith.index_cast %get3A_662 : i32 to index
      %get3A_664 = arith.constant 96 : index
      %get3A_665 = tpu.vector_load %arg8[%get3A_663, %get3A_664] {strides = array<i32>} : memref<12x128xf32, #tpu.memory_space<vmem>>, vector<1x16xf32>,
      %get3A_666 = vector.shape_cast %get3A_665 : vector<1x16xf32> to vector<16xf32>
      %get3A_667 = arith.constant 11 : i32
      %get3A_668 = arith.index_cast %get3A_667 : i32 to index
      %get3A_669 = arith.constant 96 : index
      %get3A_670 = tpu.vector_load %arg8[%get3A_668, %get3A_669] {strides = array<i32>} : memref<12x128xf32, #tpu.memory_space<vmem>>, vector<1x16xf32>,
      %get3A_671 = vector.shape_cast %get3A_670 : vector<1x16xf32> to vector<16xf32>
      %scan3A_672 = arith.constant 0 : i32
      %scan3A_673 = arith.constant 0 : i32
      %scan3A_674 = arith.constant 14 : i32
      %scan3A_675 = arith.addi %scan3A_673, %scan3A_674 : i32
      %scan3A_676 = arith.constant 1 : i32
      scf.for %scan3A_798 = %scan3A_673 to %scan3A_675 step %scan3A_676  : i32 {
        %mul3A_799 = arith.constant 9 : i32
        %mul3A_800 = arith.muli %scan3A_798, %mul3A_799 : i32
        %add3A_801 = arith.constant 0 : i32
        %add3A_802 = arith.addi %add3A_801, %mul3A_800 : i32
        %add3A_803 = arith.constant 0 : i32
        %add3A_804 = arith.addi %add3A_802, %add3A_803 : i32
        %get3A_805 = arith.index_cast %select_n3A_143 : i32 to index
        %get3A_806 = arith.index_cast %add3A_804 : i32 to index
        %get3A_807 = arith.constant 96 : index
        %get3A_808 = tpu.vector_load %arg7[%get3A_805, %get3A_806, %get3A_807] {strides = array<i32>} : memref<2x256x128xf32, #tpu.memory_space<vmem>>, vector<1x1x16xf32>,
        %get3A_809 = vector.shape_cast %get3A_808 : vector<1x1x16xf32> to vector<16xf32>
        %mul3A_810 = arith.mulf %get3A_809, %get3A_661 : vector<16xf32>
        %add3A_811 = arith.addf %mul3A_810, %get3A_666 : vector<16xf32>
        %max3A = arith.constant 0.000000e+00 : f32
        %max3A_812 = vector.broadcast %max3A : f32 to vector<16xf32>
        %max3A_813 = arith.maximumf %add3A_811, %max3A_812 : vector<16xf32>
        %mul3A_814 = arith.mulf %max3A_813, %get3A_616 : vector<16xf32>
        %add3A_815 = arith.addf %get3A_671, %mul3A_814 : vector<16xf32>
        %add3A_816 = arith.constant 1 : i32
        %add3A_817 = arith.addi %add3A_802, %add3A_816 : i32
        %get3A_818 = arith.index_cast %select_n3A_143 : i32 to index
        %get3A_819 = arith.index_cast %add3A_817 : i32 to index
        %get3A_820 = arith.constant 96 : index
        %get3A_821 = tpu.vector_load %arg7[%get3A_818, %get3A_819, %get3A_820] {strides = array<i32>} : memref<2x256x128xf32, #tpu.memory_space<vmem>>, vector<1x1x16xf32>,
        %get3A_822 = vector.shape_cast %get3A_821 : vector<1x1x16xf32> to vector<16xf32>
        %mul3A_823 = arith.mulf %get3A_822, %get3A_661 : vector<16xf32>
        %add3A_824 = arith.addf %mul3A_823, %get3A_666 : vector<16xf32>
        %max3A_825 = arith.constant 0.000000e+00 : f32
        %max3A_826 = vector.broadcast %max3A_825 : f32 to vector<16xf32>
        %max3A_827 = arith.maximumf %add3A_824, %max3A_826 : vector<16xf32>
        %mul3A_828 = arith.mulf %max3A_827, %get3A_621 : vector<16xf32>
        %add3A_829 = arith.addf %add3A_815, %mul3A_828 : vector<16xf32>
        %add3A_830 = arith.constant 2 : i32
        %add3A_831 = arith.addi %add3A_802, %add3A_830 : i32
        %get3A_832 = arith.index_cast %select_n3A_143 : i32 to index
        %get3A_833 = arith.index_cast %add3A_831 : i32 to index
        %get3A_834 = arith.constant 96 : index
        %get3A_835 = tpu.vector_load %arg7[%get3A_832, %get3A_833, %get3A_834] {strides = array<i32>} : memref<2x256x128xf32, #tpu.memory_space<vmem>>, vector<1x1x16xf32>,
        %get3A_836 = vector.shape_cast %get3A_835 : vector<1x1x16xf32> to vector<16xf32>
        %mul3A_837 = arith.mulf %get3A_836, %get3A_661 : vector<16xf32>
        %add3A_838 = arith.addf %mul3A_837, %get3A_666 : vector<16xf32>
        %max3A_839 = arith.constant 0.000000e+00 : f32
        %max3A_840 = vector.broadcast %max3A_839 : f32 to vector<16xf32>
        %max3A_841 = arith.maximumf %add3A_838, %max3A_840 : vector<16xf32>
        %mul3A_842 = arith.mulf %max3A_841, %get3A_626 : vector<16xf32>
        %add3A_843 = arith.addf %add3A_829, %mul3A_842 : vector<16xf32>
        %add3A_844 = arith.constant 3 : i32
        %add3A_845 = arith.addi %add3A_802, %add3A_844 : i32
        %get3A_846 = arith.index_cast %select_n3A_143 : i32 to index
        %get3A_847 = arith.index_cast %add3A_845 : i32 to index
        %get3A_848 = arith.constant 96 : index
        %get3A_849 = tpu.vector_load %arg7[%get3A_846, %get3A_847, %get3A_848] {strides = array<i32>} : memref<2x256x128xf32, #tpu.memory_space<vmem>>, vector<1x1x16xf32>,
        %get3A_850 = vector.shape_cast %get3A_849 : vector<1x1x16xf32> to vector<16xf32>
        %mul3A_851 = arith.mulf %get3A_850, %get3A_661 : vector<16xf32>
        %add3A_852 = arith.addf %mul3A_851, %get3A_666 : vector<16xf32>
        %max3A_853 = arith.constant 0.000000e+00 : f32
        %max3A_854 = vector.broadcast %max3A_853 : f32 to vector<16xf32>
        %max3A_855 = arith.maximumf %add3A_852, %max3A_854 : vector<16xf32>
        %mul3A_856 = arith.mulf %max3A_855, %get3A_631 : vector<16xf32>
        %add3A_857 = arith.addf %add3A_843, %mul3A_856 : vector<16xf32>
        %add3A_858 = arith.constant 4 : i32
        %add3A_859 = arith.addi %add3A_802, %add3A_858 : i32
        %get3A_860 = arith.index_cast %select_n3A_143 : i32 to index
        %get3A_861 = arith.index_cast %add3A_859 : i32 to index
        %get3A_862 = arith.constant 96 : index
        %get3A_863 = tpu.vector_load %arg7[%get3A_860, %get3A_861, %get3A_862] {strides = array<i32>} : memref<2x256x128xf32, #tpu.memory_space<vmem>>, vector<1x1x16xf32>,
        %get3A_864 = vector.shape_cast %get3A_863 : vector<1x1x16xf32> to vector<16xf32>
        %mul3A_865 = arith.mulf %get3A_864, %get3A_661 : vector<16xf32>
        %add3A_866 = arith.addf %mul3A_865, %get3A_666 : vector<16xf32>
        %max3A_867 = arith.constant 0.000000e+00 : f32
        %max3A_868 = vector.broadcast %max3A_867 : f32 to vector<16xf32>
        %max3A_869 = arith.maximumf %add3A_866, %max3A_868 : vector<16xf32>
        %mul3A_870 = arith.mulf %max3A_869, %get3A_636 : vector<16xf32>
        %add3A_871 = arith.addf %add3A_857, %mul3A_870 : vector<16xf32>
        %add3A_872 = arith.constant 5 : i32
        %add3A_873 = arith.addi %add3A_802, %add3A_872 : i32
        %get3A_874 = arith.index_cast %select_n3A_143 : i32 to index
        %get3A_875 = arith.index_cast %add3A_873 : i32 to index
        %get3A_876 = arith.constant 96 : index
        %get3A_877 = tpu.vector_load %arg7[%get3A_874, %get3A_875, %get3A_876] {strides = array<i32>} : memref<2x256x128xf32, #tpu.memory_space<vmem>>, vector<1x1x16xf32>,
        %get3A_878 = vector.shape_cast %get3A_877 : vector<1x1x16xf32> to vector<16xf32>
        %mul3A_879 = arith.mulf %get3A_878, %get3A_661 : vector<16xf32>
        %add3A_880 = arith.addf %mul3A_879, %get3A_666 : vector<16xf32>
        %max3A_881 = arith.constant 0.000000e+00 : f32
        %max3A_882 = vector.broadcast %max3A_881 : f32 to vector<16xf32>
        %max3A_883 = arith.maximumf %add3A_880, %max3A_882 : vector<16xf32>
        %mul3A_884 = arith.mulf %max3A_883, %get3A_641 : vector<16xf32>
        %add3A_885 = arith.addf %add3A_871, %mul3A_884 : vector<16xf32>
        %add3A_886 = arith.constant 6 : i32
        %add3A_887 = arith.addi %add3A_802, %add3A_886 : i32
        %get3A_888 = arith.index_cast %select_n3A_143 : i32 to index
        %get3A_889 = arith.index_cast %add3A_887 : i32 to index
        %get3A_890 = arith.constant 96 : index
        %get3A_891 = tpu.vector_load %arg7[%get3A_888, %get3A_889, %get3A_890] {strides = array<i32>} : memref<2x256x128xf32, #tpu.memory_space<vmem>>, vector<1x1x16xf32>,
        %get3A_892 = vector.shape_cast %get3A_891 : vector<1x1x16xf32> to vector<16xf32>
        %mul3A_893 = arith.mulf %get3A_892, %get3A_661 : vector<16xf32>
        %add3A_894 = arith.addf %mul3A_893, %get3A_666 : vector<16xf32>
        %max3A_895 = arith.constant 0.000000e+00 : f32
        %max3A_896 = vector.broadcast %max3A_895 : f32 to vector<16xf32>
        %max3A_897 = arith.maximumf %add3A_894, %max3A_896 : vector<16xf32>
        %mul3A_898 = arith.mulf %max3A_897, %get3A_646 : vector<16xf32>
        %add3A_899 = arith.addf %add3A_885, %mul3A_898 : vector<16xf32>
        %add3A_900 = arith.constant 7 : i32
        %add3A_901 = arith.addi %add3A_802, %add3A_900 : i32
        %get3A_902 = arith.index_cast %select_n3A_143 : i32 to index
        %get3A_903 = arith.index_cast %add3A_901 : i32 to index
        %get3A_904 = arith.constant 96 : index
        %get3A_905 = tpu.vector_load %arg7[%get3A_902, %get3A_903, %get3A_904] {strides = array<i32>} : memref<2x256x128xf32, #tpu.memory_space<vmem>>, vector<1x1x16xf32>,
        %get3A_906 = vector.shape_cast %get3A_905 : vector<1x1x16xf32> to vector<16xf32>
        %mul3A_907 = arith.mulf %get3A_906, %get3A_661 : vector<16xf32>
        %add3A_908 = arith.addf %mul3A_907, %get3A_666 : vector<16xf32>
        %max3A_909 = arith.constant 0.000000e+00 : f32
        %max3A_910 = vector.broadcast %max3A_909 : f32 to vector<16xf32>
        %max3A_911 = arith.maximumf %add3A_908, %max3A_910 : vector<16xf32>
        %mul3A_912 = arith.mulf %max3A_911, %get3A_651 : vector<16xf32>
        %add3A_913 = arith.addf %add3A_899, %mul3A_912 : vector<16xf32>
        %add3A_914 = arith.constant 8 : i32
        %add3A_915 = arith.addi %add3A_802, %add3A_914 : i32
        %get3A_916 = arith.index_cast %select_n3A_143 : i32 to index
        %get3A_917 = arith.index_cast %add3A_915 : i32 to index
        %get3A_918 = arith.constant 96 : index
        %get3A_919 = tpu.vector_load %arg7[%get3A_916, %get3A_917, %get3A_918] {strides = array<i32>} : memref<2x256x128xf32, #tpu.memory_space<vmem>>, vector<1x1x16xf32>,
        %get3A_920 = vector.shape_cast %get3A_919 : vector<1x1x16xf32> to vector<16xf32>
        %mul3A_921 = arith.mulf %get3A_920, %get3A_661 : vector<16xf32>
        %add3A_922 = arith.addf %mul3A_921, %get3A_666 : vector<16xf32>
        %max3A_923 = arith.constant 0.000000e+00 : f32
        %max3A_924 = vector.broadcast %max3A_923 : f32 to vector<16xf32>
        %max3A_925 = arith.maximumf %add3A_922, %max3A_924 : vector<16xf32>
        %mul3A_926 = arith.mulf %max3A_925, %get3A_656 : vector<16xf32>
        %add3A_927 = arith.addf %add3A_913, %mul3A_926 : vector<16xf32>
        %mul3A_928 = arith.constant 28 : i32
        %mul3A_929 = arith.muli %select_n3A_143, %mul3A_928 : i32
        %add3A_930 = arith.constant 0 : i32
        %add3A_931 = arith.addi %mul3A_929, %add3A_930 : i32
        %add3A_932 = arith.addi %add3A_931, %scan3A_798 : i32
        %swap3A = arith.index_cast %select_n3A_180 : i32 to index
        %swap3A_933 = arith.index_cast %add3A_932 : i32 to index
        %swap3A_934 = arith.constant 96 : index
        %swap3A_935 = tpu.vector_load %arg9[%swap3A, %swap3A_933, %swap3A_934] {strides = array<i32>} : memref<2x56x128xf32, #tpu.memory_space<vmem>>, vector<1x1x16xf32>,
        %swap3A_936 = vector.shape_cast %swap3A_935 : vector<1x1x16xf32> to vector<16xf32>
        %swap3A_937 = vector.shape_cast %add3A_927 : vector<16xf32> to vector<1x1x16xf32>
        tpu.vector_store %arg9[%swap3A, %swap3A_933, %swap3A_934], %swap3A_937 {strides = array<i32>} : memref<2x56x128xf32, #tpu.memory_space<vmem>>, vector<1x1x16xf32>,
      }
      %scan3A_677 = arith.constant 14 : i32
      %scan3A_678 = arith.constant 0 : i32
      %scan3A_679 = arith.constant 0 : i32
      %scan3A_680 = arith.constant 14 : i32
      %scan3A_681 = arith.addi %scan3A_679, %scan3A_680 : i32
      %scan3A_682 = arith.constant 1 : i32
      scf.for %scan3A_798 = %scan3A_679 to %scan3A_681 step %scan3A_682  : i32 {
        %mul3A_799 = arith.constant 9 : i32
        %mul3A_800 = arith.muli %scan3A_798, %mul3A_799 : i32
        %add3A_801 = arith.constant 128 : i32
        %add3A_802 = arith.addi %add3A_801, %mul3A_800 : i32
        %add3A_803 = arith.constant 0 : i32
        %add3A_804 = arith.addi %add3A_802, %add3A_803 : i32
        %get3A_805 = arith.index_cast %select_n3A_143 : i32 to index
        %get3A_806 = arith.index_cast %add3A_804 : i32 to index
        %get3A_807 = arith.constant 96 : index
        %get3A_808 = tpu.vector_load %arg7[%get3A_805, %get3A_806, %get3A_807] {strides = array<i32>} : memref<2x256x128xf32, #tpu.memory_space<vmem>>, vector<1x1x16xf32>,
        %get3A_809 = vector.shape_cast %get3A_808 : vector<1x1x16xf32> to vector<16xf32>
        %mul3A_810 = arith.mulf %get3A_809, %get3A_661 : vector<16xf32>
        %add3A_811 = arith.addf %mul3A_810, %get3A_666 : vector<16xf32>
        %max3A = arith.constant 0.000000e+00 : f32
        %max3A_812 = vector.broadcast %max3A : f32 to vector<16xf32>
        %max3A_813 = arith.maximumf %add3A_811, %max3A_812 : vector<16xf32>
        %mul3A_814 = arith.mulf %max3A_813, %get3A_616 : vector<16xf32>
        %add3A_815 = arith.addf %get3A_671, %mul3A_814 : vector<16xf32>
        %add3A_816 = arith.constant 1 : i32
        %add3A_817 = arith.addi %add3A_802, %add3A_816 : i32
        %get3A_818 = arith.index_cast %select_n3A_143 : i32 to index
        %get3A_819 = arith.index_cast %add3A_817 : i32 to index
        %get3A_820 = arith.constant 96 : index
        %get3A_821 = tpu.vector_load %arg7[%get3A_818, %get3A_819, %get3A_820] {strides = array<i32>} : memref<2x256x128xf32, #tpu.memory_space<vmem>>, vector<1x1x16xf32>,
        %get3A_822 = vector.shape_cast %get3A_821 : vector<1x1x16xf32> to vector<16xf32>
        %mul3A_823 = arith.mulf %get3A_822, %get3A_661 : vector<16xf32>
        %add3A_824 = arith.addf %mul3A_823, %get3A_666 : vector<16xf32>
        %max3A_825 = arith.constant 0.000000e+00 : f32
        %max3A_826 = vector.broadcast %max3A_825 : f32 to vector<16xf32>
        %max3A_827 = arith.maximumf %add3A_824, %max3A_826 : vector<16xf32>
        %mul3A_828 = arith.mulf %max3A_827, %get3A_621 : vector<16xf32>
        %add3A_829 = arith.addf %add3A_815, %mul3A_828 : vector<16xf32>
        %add3A_830 = arith.constant 2 : i32
        %add3A_831 = arith.addi %add3A_802, %add3A_830 : i32
        %get3A_832 = arith.index_cast %select_n3A_143 : i32 to index
        %get3A_833 = arith.index_cast %add3A_831 : i32 to index
        %get3A_834 = arith.constant 96 : index
        %get3A_835 = tpu.vector_load %arg7[%get3A_832, %get3A_833, %get3A_834] {strides = array<i32>} : memref<2x256x128xf32, #tpu.memory_space<vmem>>, vector<1x1x16xf32>,
        %get3A_836 = vector.shape_cast %get3A_835 : vector<1x1x16xf32> to vector<16xf32>
        %mul3A_837 = arith.mulf %get3A_836, %get3A_661 : vector<16xf32>
        %add3A_838 = arith.addf %mul3A_837, %get3A_666 : vector<16xf32>
        %max3A_839 = arith.constant 0.000000e+00 : f32
        %max3A_840 = vector.broadcast %max3A_839 : f32 to vector<16xf32>
        %max3A_841 = arith.maximumf %add3A_838, %max3A_840 : vector<16xf32>
        %mul3A_842 = arith.mulf %max3A_841, %get3A_626 : vector<16xf32>
        %add3A_843 = arith.addf %add3A_829, %mul3A_842 : vector<16xf32>
        %add3A_844 = arith.constant 3 : i32
        %add3A_845 = arith.addi %add3A_802, %add3A_844 : i32
        %get3A_846 = arith.index_cast %select_n3A_143 : i32 to index
        %get3A_847 = arith.index_cast %add3A_845 : i32 to index
        %get3A_848 = arith.constant 96 : index
        %get3A_849 = tpu.vector_load %arg7[%get3A_846, %get3A_847, %get3A_848] {strides = array<i32>} : memref<2x256x128xf32, #tpu.memory_space<vmem>>, vector<1x1x16xf32>,
        %get3A_850 = vector.shape_cast %get3A_849 : vector<1x1x16xf32> to vector<16xf32>
        %mul3A_851 = arith.mulf %get3A_850, %get3A_661 : vector<16xf32>
        %add3A_852 = arith.addf %mul3A_851, %get3A_666 : vector<16xf32>
        %max3A_853 = arith.constant 0.000000e+00 : f32
        %max3A_854 = vector.broadcast %max3A_853 : f32 to vector<16xf32>
        %max3A_855 = arith.maximumf %add3A_852, %max3A_854 : vector<16xf32>
        %mul3A_856 = arith.mulf %max3A_855, %get3A_631 : vector<16xf32>
        %add3A_857 = arith.addf %add3A_843, %mul3A_856 : vector<16xf32>
        %add3A_858 = arith.constant 4 : i32
        %add3A_859 = arith.addi %add3A_802, %add3A_858 : i32
        %get3A_860 = arith.index_cast %select_n3A_143 : i32 to index
        %get3A_861 = arith.index_cast %add3A_859 : i32 to index
        %get3A_862 = arith.constant 96 : index
        %get3A_863 = tpu.vector_load %arg7[%get3A_860, %get3A_861, %get3A_862] {strides = array<i32>} : memref<2x256x128xf32, #tpu.memory_space<vmem>>, vector<1x1x16xf32>,
        %get3A_864 = vector.shape_cast %get3A_863 : vector<1x1x16xf32> to vector<16xf32>
        %mul3A_865 = arith.mulf %get3A_864, %get3A_661 : vector<16xf32>
        %add3A_866 = arith.addf %mul3A_865, %get3A_666 : vector<16xf32>
        %max3A_867 = arith.constant 0.000000e+00 : f32
        %max3A_868 = vector.broadcast %max3A_867 : f32 to vector<16xf32>
        %max3A_869 = arith.maximumf %add3A_866, %max3A_868 : vector<16xf32>
        %mul3A_870 = arith.mulf %max3A_869, %get3A_636 : vector<16xf32>
        %add3A_871 = arith.addf %add3A_857, %mul3A_870 : vector<16xf32>
        %add3A_872 = arith.constant 5 : i32
        %add3A_873 = arith.addi %add3A_802, %add3A_872 : i32
        %get3A_874 = arith.index_cast %select_n3A_143 : i32 to index
        %get3A_875 = arith.index_cast %add3A_873 : i32 to index
        %get3A_876 = arith.constant 96 : index
        %get3A_877 = tpu.vector_load %arg7[%get3A_874, %get3A_875, %get3A_876] {strides = array<i32>} : memref<2x256x128xf32, #tpu.memory_space<vmem>>, vector<1x1x16xf32>,
        %get3A_878 = vector.shape_cast %get3A_877 : vector<1x1x16xf32> to vector<16xf32>
        %mul3A_879 = arith.mulf %get3A_878, %get3A_661 : vector<16xf32>
        %add3A_880 = arith.addf %mul3A_879, %get3A_666 : vector<16xf32>
        %max3A_881 = arith.constant 0.000000e+00 : f32
        %max3A_882 = vector.broadcast %max3A_881 : f32 to vector<16xf32>
        %max3A_883 = arith.maximumf %add3A_880, %max3A_882 : vector<16xf32>
        %mul3A_884 = arith.mulf %max3A_883, %get3A_641 : vector<16xf32>
        %add3A_885 = arith.addf %add3A_871, %mul3A_884 : vector<16xf32>
        %add3A_886 = arith.constant 6 : i32
        %add3A_887 = arith.addi %add3A_802, %add3A_886 : i32
        %get3A_888 = arith.index_cast %select_n3A_143 : i32 to index
        %get3A_889 = arith.index_cast %add3A_887 : i32 to index
        %get3A_890 = arith.constant 96 : index
        %get3A_891 = tpu.vector_load %arg7[%get3A_888, %get3A_889, %get3A_890] {strides = array<i32>} : memref<2x256x128xf32, #tpu.memory_space<vmem>>, vector<1x1x16xf32>,
        %get3A_892 = vector.shape_cast %get3A_891 : vector<1x1x16xf32> to vector<16xf32>
        %mul3A_893 = arith.mulf %get3A_892, %get3A_661 : vector<16xf32>
        %add3A_894 = arith.addf %mul3A_893, %get3A_666 : vector<16xf32>
        %max3A_895 = arith.constant 0.000000e+00 : f32
        %max3A_896 = vector.broadcast %max3A_895 : f32 to vector<16xf32>
        %max3A_897 = arith.maximumf %add3A_894, %max3A_896 : vector<16xf32>
        %mul3A_898 = arith.mulf %max3A_897, %get3A_646 : vector<16xf32>
        %add3A_899 = arith.addf %add3A_885, %mul3A_898 : vector<16xf32>
        %add3A_900 = arith.constant 7 : i32
        %add3A_901 = arith.addi %add3A_802, %add3A_900 : i32
        %get3A_902 = arith.index_cast %select_n3A_143 : i32 to index
        %get3A_903 = arith.index_cast %add3A_901 : i32 to index
        %get3A_904 = arith.constant 96 : index
        %get3A_905 = tpu.vector_load %arg7[%get3A_902, %get3A_903, %get3A_904] {strides = array<i32>} : memref<2x256x128xf32, #tpu.memory_space<vmem>>, vector<1x1x16xf32>,
        %get3A_906 = vector.shape_cast %get3A_905 : vector<1x1x16xf32> to vector<16xf32>
        %mul3A_907 = arith.mulf %get3A_906, %get3A_661 : vector<16xf32>
        %add3A_908 = arith.addf %mul3A_907, %get3A_666 : vector<16xf32>
        %max3A_909 = arith.constant 0.000000e+00 : f32
        %max3A_910 = vector.broadcast %max3A_909 : f32 to vector<16xf32>
        %max3A_911 = arith.maximumf %add3A_908, %max3A_910 : vector<16xf32>
        %mul3A_912 = arith.mulf %max3A_911, %get3A_651 : vector<16xf32>
        %add3A_913 = arith.addf %add3A_899, %mul3A_912 : vector<16xf32>
        %add3A_914 = arith.constant 8 : i32
        %add3A_915 = arith.addi %add3A_802, %add3A_914 : i32
        %get3A_916 = arith.index_cast %select_n3A_143 : i32 to index
        %get3A_917 = arith.index_cast %add3A_915 : i32 to index
        %get3A_918 = arith.constant 96 : index
        %get3A_919 = tpu.vector_load %arg7[%get3A_916, %get3A_917, %get3A_918] {strides = array<i32>} : memref<2x256x128xf32, #tpu.memory_space<vmem>>, vector<1x1x16xf32>,
        %get3A_920 = vector.shape_cast %get3A_919 : vector<1x1x16xf32> to vector<16xf32>
        %mul3A_921 = arith.mulf %get3A_920, %get3A_661 : vector<16xf32>
        %add3A_922 = arith.addf %mul3A_921, %get3A_666 : vector<16xf32>
        %max3A_923 = arith.constant 0.000000e+00 : f32
        %max3A_924 = vector.broadcast %max3A_923 : f32 to vector<16xf32>
        %max3A_925 = arith.maximumf %add3A_922, %max3A_924 : vector<16xf32>
        %mul3A_926 = arith.mulf %max3A_925, %get3A_656 : vector<16xf32>
        %add3A_927 = arith.addf %add3A_913, %mul3A_926 : vector<16xf32>
        %mul3A_928 = arith.constant 28 : i32
        %mul3A_929 = arith.muli %select_n3A_143, %mul3A_928 : i32
        %add3A_930 = arith.constant 14 : i32
        %add3A_931 = arith.addi %mul3A_929, %add3A_930 : i32
        %add3A_932 = arith.addi %add3A_931, %scan3A_798 : i32
        %swap3A = arith.index_cast %select_n3A_180 : i32 to index
        %swap3A_933 = arith.index_cast %add3A_932 : i32 to index
        %swap3A_934 = arith.constant 96 : index
        %swap3A_935 = tpu.vector_load %arg9[%swap3A, %swap3A_933, %swap3A_934] {strides = array<i32>} : memref<2x56x128xf32, #tpu.memory_space<vmem>>, vector<1x1x16xf32>,
        %swap3A_936 = vector.shape_cast %swap3A_935 : vector<1x1x16xf32> to vector<16xf32>
        %swap3A_937 = vector.shape_cast %add3A_927 : vector<16xf32> to vector<1x1x16xf32>
        tpu.vector_store %arg9[%swap3A, %swap3A_933, %swap3A_934], %swap3A_937 {strides = array<i32>} : memref<2x56x128xf32, #tpu.memory_space<vmem>>, vector<1x1x16xf32>,
      }
      %scan3A_683 = arith.constant 14 : i32
      %get3A_684 = arith.constant 0 : i32
      %get3A_685 = arith.index_cast %get3A_684 : i32 to index
      %get3A_686 = arith.constant 112 : index
      %get3A_687 = tpu.vector_load %arg8[%get3A_685, %get3A_686] {strides = array<i32>} : memref<12x128xf32, #tpu.memory_space<vmem>>, vector<1x16xf32>,
      %get3A_688 = vector.shape_cast %get3A_687 : vector<1x16xf32> to vector<16xf32>
      %get3A_689 = arith.constant 1 : i32
      %get3A_690 = arith.index_cast %get3A_689 : i32 to index
      %get3A_691 = arith.constant 112 : index
      %get3A_692 = tpu.vector_load %arg8[%get3A_690, %get3A_691] {strides = array<i32>} : memref<12x128xf32, #tpu.memory_space<vmem>>, vector<1x16xf32>,
      %get3A_693 = vector.shape_cast %get3A_692 : vector<1x16xf32> to vector<16xf32>
      %get3A_694 = arith.constant 2 : i32
      %get3A_695 = arith.index_cast %get3A_694 : i32 to index
      %get3A_696 = arith.constant 112 : index
      %get3A_697 = tpu.vector_load %arg8[%get3A_695, %get3A_696] {strides = array<i32>} : memref<12x128xf32, #tpu.memory_space<vmem>>, vector<1x16xf32>,
      %get3A_698 = vector.shape_cast %get3A_697 : vector<1x16xf32> to vector<16xf32>
      %get3A_699 = arith.constant 3 : i32
      %get3A_700 = arith.index_cast %get3A_699 : i32 to index
      %get3A_701 = arith.constant 112 : index
      %get3A_702 = tpu.vector_load %arg8[%get3A_700, %get3A_701] {strides = array<i32>} : memref<12x128xf32, #tpu.memory_space<vmem>>, vector<1x16xf32>,
      %get3A_703 = vector.shape_cast %get3A_702 : vector<1x16xf32> to vector<16xf32>
      %get3A_704 = arith.constant 4 : i32
      %get3A_705 = arith.index_cast %get3A_704 : i32 to index
      %get3A_706 = arith.constant 112 : index
      %get3A_707 = tpu.vector_load %arg8[%get3A_705, %get3A_706] {strides = array<i32>} : memref<12x128xf32, #tpu.memory_space<vmem>>, vector<1x16xf32>,
      %get3A_708 = vector.shape_cast %get3A_707 : vector<1x16xf32> to vector<16xf32>
      %get3A_709 = arith.constant 5 : i32
      %get3A_710 = arith.index_cast %get3A_709 : i32 to index
      %get3A_711 = arith.constant 112 : index
      %get3A_712 = tpu.vector_load %arg8[%get3A_710, %get3A_711] {strides = array<i32>} : memref<12x128xf32, #tpu.memory_space<vmem>>, vector<1x16xf32>,
      %get3A_713 = vector.shape_cast %get3A_712 : vector<1x16xf32> to vector<16xf32>
      %get3A_714 = arith.constant 6 : i32
      %get3A_715 = arith.index_cast %get3A_714 : i32 to index
      %get3A_716 = arith.constant 112 : index
      %get3A_717 = tpu.vector_load %arg8[%get3A_715, %get3A_716] {strides = array<i32>} : memref<12x128xf32, #tpu.memory_space<vmem>>, vector<1x16xf32>,
      %get3A_718 = vector.shape_cast %get3A_717 : vector<1x16xf32> to vector<16xf32>
      %get3A_719 = arith.constant 7 : i32
      %get3A_720 = arith.index_cast %get3A_719 : i32 to index
      %get3A_721 = arith.constant 112 : index
      %get3A_722 = tpu.vector_load %arg8[%get3A_720, %get3A_721] {strides = array<i32>} : memref<12x128xf32, #tpu.memory_space<vmem>>, vector<1x16xf32>,
      %get3A_723 = vector.shape_cast %get3A_722 : vector<1x16xf32> to vector<16xf32>
      %get3A_724 = arith.constant 8 : i32
      %get3A_725 = arith.index_cast %get3A_724 : i32 to index
      %get3A_726 = arith.constant 112 : index
      %get3A_727 = tpu.vector_load %arg8[%get3A_725, %get3A_726] {strides = array<i32>} : memref<12x128xf32, #tpu.memory_space<vmem>>, vector<1x16xf32>,
      %get3A_728 = vector.shape_cast %get3A_727 : vector<1x16xf32> to vector<16xf32>
      %get3A_729 = arith.constant 9 : i32
      %get3A_730 = arith.index_cast %get3A_729 : i32 to index
      %get3A_731 = arith.constant 112 : index
      %get3A_732 = tpu.vector_load %arg8[%get3A_730, %get3A_731] {strides = array<i32>} : memref<12x128xf32, #tpu.memory_space<vmem>>, vector<1x16xf32>,
      %get3A_733 = vector.shape_cast %get3A_732 : vector<1x16xf32> to vector<16xf32>
      %get3A_734 = arith.constant 10 : i32
      %get3A_735 = arith.index_cast %get3A_734 : i32 to index
      %get3A_736 = arith.constant 112 : index
      %get3A_737 = tpu.vector_load %arg8[%get3A_735, %get3A_736] {strides = array<i32>} : memref<12x128xf32, #tpu.memory_space<vmem>>, vector<1x16xf32>,
      %get3A_738 = vector.shape_cast %get3A_737 : vector<1x16xf32> to vector<16xf32>
      %get3A_739 = arith.constant 11 : i32
      %get3A_740 = arith.index_cast %get3A_739 : i32 to index
      %get3A_741 = arith.constant 112 : index
      %get3A_742 = tpu.vector_load %arg8[%get3A_740, %get3A_741] {strides = array<i32>} : memref<12x128xf32, #tpu.memory_space<vmem>>, vector<1x16xf32>,
      %get3A_743 = vector.shape_cast %get3A_742 : vector<1x16xf32> to vector<16xf32>
      %scan3A_744 = arith.constant 0 : i32
      %scan3A_745 = arith.constant 0 : i32
      %scan3A_746 = arith.constant 14 : i32
      %scan3A_747 = arith.addi %scan3A_745, %scan3A_746 : i32
      %scan3A_748 = arith.constant 1 : i32
      scf.for %scan3A_798 = %scan3A_745 to %scan3A_747 step %scan3A_748  : i32 {
        %mul3A_799 = arith.constant 9 : i32
        %mul3A_800 = arith.muli %scan3A_798, %mul3A_799 : i32
        %add3A_801 = arith.constant 0 : i32
        %add3A_802 = arith.addi %add3A_801, %mul3A_800 : i32
        %add3A_803 = arith.constant 0 : i32
        %add3A_804 = arith.addi %add3A_802, %add3A_803 : i32
        %get3A_805 = arith.index_cast %select_n3A_143 : i32 to index
        %get3A_806 = arith.index_cast %add3A_804 : i32 to index
        %get3A_807 = arith.constant 112 : index
        %get3A_808 = tpu.vector_load %arg7[%get3A_805, %get3A_806, %get3A_807] {strides = array<i32>} : memref<2x256x128xf32, #tpu.memory_space<vmem>>, vector<1x1x16xf32>,
        %get3A_809 = vector.shape_cast %get3A_808 : vector<1x1x16xf32> to vector<16xf32>
        %mul3A_810 = arith.mulf %get3A_809, %get3A_733 : vector<16xf32>
        %add3A_811 = arith.addf %mul3A_810, %get3A_738 : vector<16xf32>
        %max3A = arith.constant 0.000000e+00 : f32
        %max3A_812 = vector.broadcast %max3A : f32 to vector<16xf32>
        %max3A_813 = arith.maximumf %add3A_811, %max3A_812 : vector<16xf32>
        %mul3A_814 = arith.mulf %max3A_813, %get3A_688 : vector<16xf32>
        %add3A_815 = arith.addf %get3A_743, %mul3A_814 : vector<16xf32>
        %add3A_816 = arith.constant 1 : i32
        %add3A_817 = arith.addi %add3A_802, %add3A_816 : i32
        %get3A_818 = arith.index_cast %select_n3A_143 : i32 to index
        %get3A_819 = arith.index_cast %add3A_817 : i32 to index
        %get3A_820 = arith.constant 112 : index
        %get3A_821 = tpu.vector_load %arg7[%get3A_818, %get3A_819, %get3A_820] {strides = array<i32>} : memref<2x256x128xf32, #tpu.memory_space<vmem>>, vector<1x1x16xf32>,
        %get3A_822 = vector.shape_cast %get3A_821 : vector<1x1x16xf32> to vector<16xf32>
        %mul3A_823 = arith.mulf %get3A_822, %get3A_733 : vector<16xf32>
        %add3A_824 = arith.addf %mul3A_823, %get3A_738 : vector<16xf32>
        %max3A_825 = arith.constant 0.000000e+00 : f32
        %max3A_826 = vector.broadcast %max3A_825 : f32 to vector<16xf32>
        %max3A_827 = arith.maximumf %add3A_824, %max3A_826 : vector<16xf32>
        %mul3A_828 = arith.mulf %max3A_827, %get3A_693 : vector<16xf32>
        %add3A_829 = arith.addf %add3A_815, %mul3A_828 : vector<16xf32>
        %add3A_830 = arith.constant 2 : i32
        %add3A_831 = arith.addi %add3A_802, %add3A_830 : i32
        %get3A_832 = arith.index_cast %select_n3A_143 : i32 to index
        %get3A_833 = arith.index_cast %add3A_831 : i32 to index
        %get3A_834 = arith.constant 112 : index
        %get3A_835 = tpu.vector_load %arg7[%get3A_832, %get3A_833, %get3A_834] {strides = array<i32>} : memref<2x256x128xf32, #tpu.memory_space<vmem>>, vector<1x1x16xf32>,
        %get3A_836 = vector.shape_cast %get3A_835 : vector<1x1x16xf32> to vector<16xf32>
        %mul3A_837 = arith.mulf %get3A_836, %get3A_733 : vector<16xf32>
        %add3A_838 = arith.addf %mul3A_837, %get3A_738 : vector<16xf32>
        %max3A_839 = arith.constant 0.000000e+00 : f32
        %max3A_840 = vector.broadcast %max3A_839 : f32 to vector<16xf32>
        %max3A_841 = arith.maximumf %add3A_838, %max3A_840 : vector<16xf32>
        %mul3A_842 = arith.mulf %max3A_841, %get3A_698 : vector<16xf32>
        %add3A_843 = arith.addf %add3A_829, %mul3A_842 : vector<16xf32>
        %add3A_844 = arith.constant 3 : i32
        %add3A_845 = arith.addi %add3A_802, %add3A_844 : i32
        %get3A_846 = arith.index_cast %select_n3A_143 : i32 to index
        %get3A_847 = arith.index_cast %add3A_845 : i32 to index
        %get3A_848 = arith.constant 112 : index
        %get3A_849 = tpu.vector_load %arg7[%get3A_846, %get3A_847, %get3A_848] {strides = array<i32>} : memref<2x256x128xf32, #tpu.memory_space<vmem>>, vector<1x1x16xf32>,
        %get3A_850 = vector.shape_cast %get3A_849 : vector<1x1x16xf32> to vector<16xf32>
        %mul3A_851 = arith.mulf %get3A_850, %get3A_733 : vector<16xf32>
        %add3A_852 = arith.addf %mul3A_851, %get3A_738 : vector<16xf32>
        %max3A_853 = arith.constant 0.000000e+00 : f32
        %max3A_854 = vector.broadcast %max3A_853 : f32 to vector<16xf32>
        %max3A_855 = arith.maximumf %add3A_852, %max3A_854 : vector<16xf32>
        %mul3A_856 = arith.mulf %max3A_855, %get3A_703 : vector<16xf32>
        %add3A_857 = arith.addf %add3A_843, %mul3A_856 : vector<16xf32>
        %add3A_858 = arith.constant 4 : i32
        %add3A_859 = arith.addi %add3A_802, %add3A_858 : i32
        %get3A_860 = arith.index_cast %select_n3A_143 : i32 to index
        %get3A_861 = arith.index_cast %add3A_859 : i32 to index
        %get3A_862 = arith.constant 112 : index
        %get3A_863 = tpu.vector_load %arg7[%get3A_860, %get3A_861, %get3A_862] {strides = array<i32>} : memref<2x256x128xf32, #tpu.memory_space<vmem>>, vector<1x1x16xf32>,
        %get3A_864 = vector.shape_cast %get3A_863 : vector<1x1x16xf32> to vector<16xf32>
        %mul3A_865 = arith.mulf %get3A_864, %get3A_733 : vector<16xf32>
        %add3A_866 = arith.addf %mul3A_865, %get3A_738 : vector<16xf32>
        %max3A_867 = arith.constant 0.000000e+00 : f32
        %max3A_868 = vector.broadcast %max3A_867 : f32 to vector<16xf32>
        %max3A_869 = arith.maximumf %add3A_866, %max3A_868 : vector<16xf32>
        %mul3A_870 = arith.mulf %max3A_869, %get3A_708 : vector<16xf32>
        %add3A_871 = arith.addf %add3A_857, %mul3A_870 : vector<16xf32>
        %add3A_872 = arith.constant 5 : i32
        %add3A_873 = arith.addi %add3A_802, %add3A_872 : i32
        %get3A_874 = arith.index_cast %select_n3A_143 : i32 to index
        %get3A_875 = arith.index_cast %add3A_873 : i32 to index
        %get3A_876 = arith.constant 112 : index
        %get3A_877 = tpu.vector_load %arg7[%get3A_874, %get3A_875, %get3A_876] {strides = array<i32>} : memref<2x256x128xf32, #tpu.memory_space<vmem>>, vector<1x1x16xf32>,
        %get3A_878 = vector.shape_cast %get3A_877 : vector<1x1x16xf32> to vector<16xf32>
        %mul3A_879 = arith.mulf %get3A_878, %get3A_733 : vector<16xf32>
        %add3A_880 = arith.addf %mul3A_879, %get3A_738 : vector<16xf32>
        %max3A_881 = arith.constant 0.000000e+00 : f32
        %max3A_882 = vector.broadcast %max3A_881 : f32 to vector<16xf32>
        %max3A_883 = arith.maximumf %add3A_880, %max3A_882 : vector<16xf32>
        %mul3A_884 = arith.mulf %max3A_883, %get3A_713 : vector<16xf32>
        %add3A_885 = arith.addf %add3A_871, %mul3A_884 : vector<16xf32>
        %add3A_886 = arith.constant 6 : i32
        %add3A_887 = arith.addi %add3A_802, %add3A_886 : i32
        %get3A_888 = arith.index_cast %select_n3A_143 : i32 to index
        %get3A_889 = arith.index_cast %add3A_887 : i32 to index
        %get3A_890 = arith.constant 112 : index
        %get3A_891 = tpu.vector_load %arg7[%get3A_888, %get3A_889, %get3A_890] {strides = array<i32>} : memref<2x256x128xf32, #tpu.memory_space<vmem>>, vector<1x1x16xf32>,
        %get3A_892 = vector.shape_cast %get3A_891 : vector<1x1x16xf32> to vector<16xf32>
        %mul3A_893 = arith.mulf %get3A_892, %get3A_733 : vector<16xf32>
        %add3A_894 = arith.addf %mul3A_893, %get3A_738 : vector<16xf32>
        %max3A_895 = arith.constant 0.000000e+00 : f32
        %max3A_896 = vector.broadcast %max3A_895 : f32 to vector<16xf32>
        %max3A_897 = arith.maximumf %add3A_894, %max3A_896 : vector<16xf32>
        %mul3A_898 = arith.mulf %max3A_897, %get3A_718 : vector<16xf32>
        %add3A_899 = arith.addf %add3A_885, %mul3A_898 : vector<16xf32>
        %add3A_900 = arith.constant 7 : i32
        %add3A_901 = arith.addi %add3A_802, %add3A_900 : i32
        %get3A_902 = arith.index_cast %select_n3A_143 : i32 to index
        %get3A_903 = arith.index_cast %add3A_901 : i32 to index
        %get3A_904 = arith.constant 112 : index
        %get3A_905 = tpu.vector_load %arg7[%get3A_902, %get3A_903, %get3A_904] {strides = array<i32>} : memref<2x256x128xf32, #tpu.memory_space<vmem>>, vector<1x1x16xf32>,
        %get3A_906 = vector.shape_cast %get3A_905 : vector<1x1x16xf32> to vector<16xf32>
        %mul3A_907 = arith.mulf %get3A_906, %get3A_733 : vector<16xf32>
        %add3A_908 = arith.addf %mul3A_907, %get3A_738 : vector<16xf32>
        %max3A_909 = arith.constant 0.000000e+00 : f32
        %max3A_910 = vector.broadcast %max3A_909 : f32 to vector<16xf32>
        %max3A_911 = arith.maximumf %add3A_908, %max3A_910 : vector<16xf32>
        %mul3A_912 = arith.mulf %max3A_911, %get3A_723 : vector<16xf32>
        %add3A_913 = arith.addf %add3A_899, %mul3A_912 : vector<16xf32>
        %add3A_914 = arith.constant 8 : i32
        %add3A_915 = arith.addi %add3A_802, %add3A_914 : i32
        %get3A_916 = arith.index_cast %select_n3A_143 : i32 to index
        %get3A_917 = arith.index_cast %add3A_915 : i32 to index
        %get3A_918 = arith.constant 112 : index
        %get3A_919 = tpu.vector_load %arg7[%get3A_916, %get3A_917, %get3A_918] {strides = array<i32>} : memref<2x256x128xf32, #tpu.memory_space<vmem>>, vector<1x1x16xf32>,
        %get3A_920 = vector.shape_cast %get3A_919 : vector<1x1x16xf32> to vector<16xf32>
        %mul3A_921 = arith.mulf %get3A_920, %get3A_733 : vector<16xf32>
        %add3A_922 = arith.addf %mul3A_921, %get3A_738 : vector<16xf32>
        %max3A_923 = arith.constant 0.000000e+00 : f32
        %max3A_924 = vector.broadcast %max3A_923 : f32 to vector<16xf32>
        %max3A_925 = arith.maximumf %add3A_922, %max3A_924 : vector<16xf32>
        %mul3A_926 = arith.mulf %max3A_925, %get3A_728 : vector<16xf32>
        %add3A_927 = arith.addf %add3A_913, %mul3A_926 : vector<16xf32>
        %mul3A_928 = arith.constant 28 : i32
        %mul3A_929 = arith.muli %select_n3A_143, %mul3A_928 : i32
        %add3A_930 = arith.constant 0 : i32
        %add3A_931 = arith.addi %mul3A_929, %add3A_930 : i32
        %add3A_932 = arith.addi %add3A_931, %scan3A_798 : i32
        %swap3A = arith.index_cast %select_n3A_180 : i32 to index
        %swap3A_933 = arith.index_cast %add3A_932 : i32 to index
        %swap3A_934 = arith.constant 112 : index
        %swap3A_935 = tpu.vector_load %arg9[%swap3A, %swap3A_933, %swap3A_934] {strides = array<i32>} : memref<2x56x128xf32, #tpu.memory_space<vmem>>, vector<1x1x16xf32>,
        %swap3A_936 = vector.shape_cast %swap3A_935 : vector<1x1x16xf32> to vector<16xf32>
        %swap3A_937 = vector.shape_cast %add3A_927 : vector<16xf32> to vector<1x1x16xf32>
        tpu.vector_store %arg9[%swap3A, %swap3A_933, %swap3A_934], %swap3A_937 {strides = array<i32>} : memref<2x56x128xf32, #tpu.memory_space<vmem>>, vector<1x1x16xf32>,
      }
      %scan3A_749 = arith.constant 14 : i32
      %scan3A_750 = arith.constant 0 : i32
      %scan3A_751 = arith.constant 0 : i32
      %scan3A_752 = arith.constant 14 : i32
      %scan3A_753 = arith.addi %scan3A_751, %scan3A_752 : i32
      %scan3A_754 = arith.constant 1 : i32
      scf.for %scan3A_798 = %scan3A_751 to %scan3A_753 step %scan3A_754  : i32 {
        %mul3A_799 = arith.constant 9 : i32
        %mul3A_800 = arith.muli %scan3A_798, %mul3A_799 : i32
        %add3A_801 = arith.constant 128 : i32
        %add3A_802 = arith.addi %add3A_801, %mul3A_800 : i32
        %add3A_803 = arith.constant 0 : i32
        %add3A_804 = arith.addi %add3A_802, %add3A_803 : i32
        %get3A_805 = arith.index_cast %select_n3A_143 : i32 to index
        %get3A_806 = arith.index_cast %add3A_804 : i32 to index
        %get3A_807 = arith.constant 112 : index
        %get3A_808 = tpu.vector_load %arg7[%get3A_805, %get3A_806, %get3A_807] {strides = array<i32>} : memref<2x256x128xf32, #tpu.memory_space<vmem>>, vector<1x1x16xf32>,
        %get3A_809 = vector.shape_cast %get3A_808 : vector<1x1x16xf32> to vector<16xf32>
        %mul3A_810 = arith.mulf %get3A_809, %get3A_733 : vector<16xf32>
        %add3A_811 = arith.addf %mul3A_810, %get3A_738 : vector<16xf32>
        %max3A = arith.constant 0.000000e+00 : f32
        %max3A_812 = vector.broadcast %max3A : f32 to vector<16xf32>
        %max3A_813 = arith.maximumf %add3A_811, %max3A_812 : vector<16xf32>
        %mul3A_814 = arith.mulf %max3A_813, %get3A_688 : vector<16xf32>
        %add3A_815 = arith.addf %get3A_743, %mul3A_814 : vector<16xf32>
        %add3A_816 = arith.constant 1 : i32
        %add3A_817 = arith.addi %add3A_802, %add3A_816 : i32
        %get3A_818 = arith.index_cast %select_n3A_143 : i32 to index
        %get3A_819 = arith.index_cast %add3A_817 : i32 to index
        %get3A_820 = arith.constant 112 : index
        %get3A_821 = tpu.vector_load %arg7[%get3A_818, %get3A_819, %get3A_820] {strides = array<i32>} : memref<2x256x128xf32, #tpu.memory_space<vmem>>, vector<1x1x16xf32>,
        %get3A_822 = vector.shape_cast %get3A_821 : vector<1x1x16xf32> to vector<16xf32>
        %mul3A_823 = arith.mulf %get3A_822, %get3A_733 : vector<16xf32>
        %add3A_824 = arith.addf %mul3A_823, %get3A_738 : vector<16xf32>
        %max3A_825 = arith.constant 0.000000e+00 : f32
        %max3A_826 = vector.broadcast %max3A_825 : f32 to vector<16xf32>
        %max3A_827 = arith.maximumf %add3A_824, %max3A_826 : vector<16xf32>
        %mul3A_828 = arith.mulf %max3A_827, %get3A_693 : vector<16xf32>
        %add3A_829 = arith.addf %add3A_815, %mul3A_828 : vector<16xf32>
        %add3A_830 = arith.constant 2 : i32
        %add3A_831 = arith.addi %add3A_802, %add3A_830 : i32
        %get3A_832 = arith.index_cast %select_n3A_143 : i32 to index
        %get3A_833 = arith.index_cast %add3A_831 : i32 to index
        %get3A_834 = arith.constant 112 : index
        %get3A_835 = tpu.vector_load %arg7[%get3A_832, %get3A_833, %get3A_834] {strides = array<i32>} : memref<2x256x128xf32, #tpu.memory_space<vmem>>, vector<1x1x16xf32>,
        %get3A_836 = vector.shape_cast %get3A_835 : vector<1x1x16xf32> to vector<16xf32>
        %mul3A_837 = arith.mulf %get3A_836, %get3A_733 : vector<16xf32>
        %add3A_838 = arith.addf %mul3A_837, %get3A_738 : vector<16xf32>
        %max3A_839 = arith.constant 0.000000e+00 : f32
        %max3A_840 = vector.broadcast %max3A_839 : f32 to vector<16xf32>
        %max3A_841 = arith.maximumf %add3A_838, %max3A_840 : vector<16xf32>
        %mul3A_842 = arith.mulf %max3A_841, %get3A_698 : vector<16xf32>
        %add3A_843 = arith.addf %add3A_829, %mul3A_842 : vector<16xf32>
        %add3A_844 = arith.constant 3 : i32
        %add3A_845 = arith.addi %add3A_802, %add3A_844 : i32
        %get3A_846 = arith.index_cast %select_n3A_143 : i32 to index
        %get3A_847 = arith.index_cast %add3A_845 : i32 to index
        %get3A_848 = arith.constant 112 : index
        %get3A_849 = tpu.vector_load %arg7[%get3A_846, %get3A_847, %get3A_848] {strides = array<i32>} : memref<2x256x128xf32, #tpu.memory_space<vmem>>, vector<1x1x16xf32>,
        %get3A_850 = vector.shape_cast %get3A_849 : vector<1x1x16xf32> to vector<16xf32>
        %mul3A_851 = arith.mulf %get3A_850, %get3A_733 : vector<16xf32>
        %add3A_852 = arith.addf %mul3A_851, %get3A_738 : vector<16xf32>
        %max3A_853 = arith.constant 0.000000e+00 : f32
        %max3A_854 = vector.broadcast %max3A_853 : f32 to vector<16xf32>
        %max3A_855 = arith.maximumf %add3A_852, %max3A_854 : vector<16xf32>
        %mul3A_856 = arith.mulf %max3A_855, %get3A_703 : vector<16xf32>
        %add3A_857 = arith.addf %add3A_843, %mul3A_856 : vector<16xf32>
        %add3A_858 = arith.constant 4 : i32
        %add3A_859 = arith.addi %add3A_802, %add3A_858 : i32
        %get3A_860 = arith.index_cast %select_n3A_143 : i32 to index
        %get3A_861 = arith.index_cast %add3A_859 : i32 to index
        %get3A_862 = arith.constant 112 : index
        %get3A_863 = tpu.vector_load %arg7[%get3A_860, %get3A_861, %get3A_862] {strides = array<i32>} : memref<2x256x128xf32, #tpu.memory_space<vmem>>, vector<1x1x16xf32>,
        %get3A_864 = vector.shape_cast %get3A_863 : vector<1x1x16xf32> to vector<16xf32>
        %mul3A_865 = arith.mulf %get3A_864, %get3A_733 : vector<16xf32>
        %add3A_866 = arith.addf %mul3A_865, %get3A_738 : vector<16xf32>
        %max3A_867 = arith.constant 0.000000e+00 : f32
        %max3A_868 = vector.broadcast %max3A_867 : f32 to vector<16xf32>
        %max3A_869 = arith.maximumf %add3A_866, %max3A_868 : vector<16xf32>
        %mul3A_870 = arith.mulf %max3A_869, %get3A_708 : vector<16xf32>
        %add3A_871 = arith.addf %add3A_857, %mul3A_870 : vector<16xf32>
        %add3A_872 = arith.constant 5 : i32
        %add3A_873 = arith.addi %add3A_802, %add3A_872 : i32
        %get3A_874 = arith.index_cast %select_n3A_143 : i32 to index
        %get3A_875 = arith.index_cast %add3A_873 : i32 to index
        %get3A_876 = arith.constant 112 : index
        %get3A_877 = tpu.vector_load %arg7[%get3A_874, %get3A_875, %get3A_876] {strides = array<i32>} : memref<2x256x128xf32, #tpu.memory_space<vmem>>, vector<1x1x16xf32>,
        %get3A_878 = vector.shape_cast %get3A_877 : vector<1x1x16xf32> to vector<16xf32>
        %mul3A_879 = arith.mulf %get3A_878, %get3A_733 : vector<16xf32>
        %add3A_880 = arith.addf %mul3A_879, %get3A_738 : vector<16xf32>
        %max3A_881 = arith.constant 0.000000e+00 : f32
        %max3A_882 = vector.broadcast %max3A_881 : f32 to vector<16xf32>
        %max3A_883 = arith.maximumf %add3A_880, %max3A_882 : vector<16xf32>
        %mul3A_884 = arith.mulf %max3A_883, %get3A_713 : vector<16xf32>
        %add3A_885 = arith.addf %add3A_871, %mul3A_884 : vector<16xf32>
        %add3A_886 = arith.constant 6 : i32
        %add3A_887 = arith.addi %add3A_802, %add3A_886 : i32
        %get3A_888 = arith.index_cast %select_n3A_143 : i32 to index
        %get3A_889 = arith.index_cast %add3A_887 : i32 to index
        %get3A_890 = arith.constant 112 : index
        %get3A_891 = tpu.vector_load %arg7[%get3A_888, %get3A_889, %get3A_890] {strides = array<i32>} : memref<2x256x128xf32, #tpu.memory_space<vmem>>, vector<1x1x16xf32>,
        %get3A_892 = vector.shape_cast %get3A_891 : vector<1x1x16xf32> to vector<16xf32>
        %mul3A_893 = arith.mulf %get3A_892, %get3A_733 : vector<16xf32>
        %add3A_894 = arith.addf %mul3A_893, %get3A_738 : vector<16xf32>
        %max3A_895 = arith.constant 0.000000e+00 : f32
        %max3A_896 = vector.broadcast %max3A_895 : f32 to vector<16xf32>
        %max3A_897 = arith.maximumf %add3A_894, %max3A_896 : vector<16xf32>
        %mul3A_898 = arith.mulf %max3A_897, %get3A_718 : vector<16xf32>
        %add3A_899 = arith.addf %add3A_885, %mul3A_898 : vector<16xf32>
        %add3A_900 = arith.constant 7 : i32
        %add3A_901 = arith.addi %add3A_802, %add3A_900 : i32
        %get3A_902 = arith.index_cast %select_n3A_143 : i32 to index
        %get3A_903 = arith.index_cast %add3A_901 : i32 to index
        %get3A_904 = arith.constant 112 : index
        %get3A_905 = tpu.vector_load %arg7[%get3A_902, %get3A_903, %get3A_904] {strides = array<i32>} : memref<2x256x128xf32, #tpu.memory_space<vmem>>, vector<1x1x16xf32>,
        %get3A_906 = vector.shape_cast %get3A_905 : vector<1x1x16xf32> to vector<16xf32>
        %mul3A_907 = arith.mulf %get3A_906, %get3A_733 : vector<16xf32>
        %add3A_908 = arith.addf %mul3A_907, %get3A_738 : vector<16xf32>
        %max3A_909 = arith.constant 0.000000e+00 : f32
        %max3A_910 = vector.broadcast %max3A_909 : f32 to vector<16xf32>
        %max3A_911 = arith.maximumf %add3A_908, %max3A_910 : vector<16xf32>
        %mul3A_912 = arith.mulf %max3A_911, %get3A_723 : vector<16xf32>
        %add3A_913 = arith.addf %add3A_899, %mul3A_912 : vector<16xf32>
        %add3A_914 = arith.constant 8 : i32
        %add3A_915 = arith.addi %add3A_802, %add3A_914 : i32
        %get3A_916 = arith.index_cast %select_n3A_143 : i32 to index
        %get3A_917 = arith.index_cast %add3A_915 : i32 to index
        %get3A_918 = arith.constant 112 : index
        %get3A_919 = tpu.vector_load %arg7[%get3A_916, %get3A_917, %get3A_918] {strides = array<i32>} : memref<2x256x128xf32, #tpu.memory_space<vmem>>, vector<1x1x16xf32>,
        %get3A_920 = vector.shape_cast %get3A_919 : vector<1x1x16xf32> to vector<16xf32>
        %mul3A_921 = arith.mulf %get3A_920, %get3A_733 : vector<16xf32>
        %add3A_922 = arith.addf %mul3A_921, %get3A_738 : vector<16xf32>
        %max3A_923 = arith.constant 0.000000e+00 : f32
        %max3A_924 = vector.broadcast %max3A_923 : f32 to vector<16xf32>
        %max3A_925 = arith.maximumf %add3A_922, %max3A_924 : vector<16xf32>
        %mul3A_926 = arith.mulf %max3A_925, %get3A_728 : vector<16xf32>
        %add3A_927 = arith.addf %add3A_913, %mul3A_926 : vector<16xf32>
        %mul3A_928 = arith.constant 28 : i32
        %mul3A_929 = arith.muli %select_n3A_143, %mul3A_928 : i32
        %add3A_930 = arith.constant 14 : i32
        %add3A_931 = arith.addi %mul3A_929, %add3A_930 : i32
        %add3A_932 = arith.addi %add3A_931, %scan3A_798 : i32
        %swap3A = arith.index_cast %select_n3A_180 : i32 to index
        %swap3A_933 = arith.index_cast %add3A_932 : i32 to index
        %swap3A_934 = arith.constant 112 : index
        %swap3A_935 = tpu.vector_load %arg9[%swap3A, %swap3A_933, %swap3A_934] {strides = array<i32>} : memref<2x56x128xf32, #tpu.memory_space<vmem>>, vector<1x1x16xf32>,
        %swap3A_936 = vector.shape_cast %swap3A_935 : vector<1x1x16xf32> to vector<16xf32>
        %swap3A_937 = vector.shape_cast %add3A_927 : vector<16xf32> to vector<1x1x16xf32>
        tpu.vector_store %arg9[%swap3A, %swap3A_933, %swap3A_934], %swap3A_937 {strides = array<i32>} : memref<2x56x128xf32, #tpu.memory_space<vmem>>, vector<1x1x16xf32>,
      }
      %scan3A_755 = arith.constant 14 : i32
      %jit3A_756 = arith.constant 4 : i32
      %eq3A_757 = arith.constant 0 : i32
      %eq3A_758 = arith.cmpi eq, %jit3A_756, %eq3A_757 : i32
      %jit3A_759 = arith.constant 1 : i32
      %select_n3A_760 = arith.select %eq3A_758, %jit3A_759, %jit3A_756 : i32
      %rem3A_761 = arith.remsi %scan3A_63, %select_n3A_760 : i32
      %ne3A_762 = arith.constant 0 : i32
      %ne3A_763 = arith.cmpi ne, %rem3A_761, %ne3A_762 : i32
      %lt3A_764 = arith.constant 0 : i32
      %lt3A_765 = arith.cmpi slt, %rem3A_761, %lt3A_764 : i32
      %lt3A_766 = arith.constant 0 : i32
      %lt3A_767 = arith.cmpi slt, %select_n3A_760, %lt3A_766 : i32
      %ne3A_768 = arith.xori %lt3A_765, %lt3A_767 : i1
      %and3A_769 = arith.andi %ne3A_768, %ne3A_763 : i1
      %add3A_770 = arith.addi %rem3A_761, %select_n3A_760 : i32
      %select_n3A_771 = arith.select %and3A_769, %add3A_770, %rem3A_761 : i32
      %eq3A_772 = arith.constant 1 : i32
      %eq3A_773 = arith.cmpi eq, %select_n3A_771, %eq3A_772 : i32
      %convert_element_type3A_774 = arith.extui %eq3A_773 : i1 to i32
      %cond3A_775 = arith.constant 0 : i32
      %cond3A_776 = arith.cmpi ne, %convert_element_type3A_774, %cond3A_775 : i32
      scf.if %cond3A_776 {
        %sub3A_798 = arith.constant 1 : i32
        %sub3A_799 = arith.subi %scan3A_63, %sub3A_798 : i32
        %mul3A_800 = arith.constant 28 : i32
        %mul3A_801 = arith.muli %sub3A_799, %mul3A_800 : i32
        %add3A_802 = arith.addi %mul3A_2, %mul3A_801 : i32
        %multiple_of3A_803 = tpu.assume_multiple %add3A_802, 56 : i32
        %dma_start3A_804 = arith.constant 0 : i32
        %dma_start3A_805 = arith.constant 0 : i32
        %dma_start3A_806 = arith.constant 0 : i32
        %dma_start3A_807 = tpu.memref_slice %arg9[%dma_start3A_804, %dma_start3A_805, %dma_start3A_806] : memref<2x56x128xf32, #tpu.memory_space<vmem>> -> memref<1x56x128xf32, #tpu.memory_space<vmem>>
        %dma_start3A_808 = tpu.memref_squeeze %dma_start3A_807 : memref<1x56x128xf32, #tpu.memory_space<vmem>> -> memref<56x128xf32, #tpu.memory_space<vmem>>
        %dma_start3A_809 = arith.constant 0 : i32
        %dma_start3A_810 = tpu.memref_slice %arg5[%multiple_of3A_803, %dma_start3A_809] : memref<28672x128xf32, #tpu.memory_space<hbm>> -> memref<56x128xf32, #tpu.memory_space<hbm>>
        %dma_start3A_811 = arith.constant 0 : i32
        %dma_start3A_812 = tpu.memref_slice %arg5[%multiple_of3A_803, %dma_start3A_811] : memref<28672x128xf32, #tpu.memory_space<hbm>> -> memref<56x128xf32, #tpu.memory_space<hbm>>
        %dma_start3A_813 = arith.constant 0 : i32
        %dma_start3A_814 = arith.constant 0 : i32
        %dma_start3A_815 = tpu.memref_slice %arg9[%dma_start3A_804, %dma_start3A_813, %dma_start3A_814] : memref<2x56x128xf32, #tpu.memory_space<vmem>> -> memref<1x56x128xf32, #tpu.memory_space<vmem>>
        %dma_start3A_816 = tpu.memref_squeeze %dma_start3A_815 : memref<1x56x128xf32, #tpu.memory_space<vmem>> -> memref<56x128xf32, #tpu.memory_space<vmem>>
        tpu.enqueue_dma source(%dma_start3A_816 : memref<56x128xf32, #tpu.memory_space<vmem>>) target(%dma_start3A_812 : memref<56x128xf32, #tpu.memory_space<hbm>>) target_semaphore(%arg12 : memref<!tpu.dma_semaphore, #tpu.memory_space<semaphore_mem>>)
      } else {
      }
      %jit3A_777 = arith.constant 4 : i32
      %eq3A_778 = arith.constant 0 : i32
      %eq3A_779 = arith.cmpi eq, %jit3A_777, %eq3A_778 : i32
      %jit3A_780 = arith.constant 1 : i32
      %select_n3A_781 = arith.select %eq3A_779, %jit3A_780, %jit3A_777 : i32
      %rem3A_782 = arith.remsi %scan3A_63, %select_n3A_781 : i32
      %ne3A_783 = arith.constant 0 : i32
      %ne3A_784 = arith.cmpi ne, %rem3A_782, %ne3A_783 : i32
      %lt3A_785 = arith.constant 0 : i32
      %lt3A_786 = arith.cmpi slt, %rem3A_782, %lt3A_785 : i32
      %lt3A_787 = arith.constant 0 : i32
      %lt3A_788 = arith.cmpi slt, %select_n3A_781, %lt3A_787 : i32
      %ne3A_789 = arith.xori %lt3A_786, %lt3A_788 : i1
      %and3A_790 = arith.andi %ne3A_789, %ne3A_784 : i1
      %add3A_791 = arith.addi %rem3A_782, %select_n3A_781 : i32
      %select_n3A_792 = arith.select %and3A_790, %add3A_791, %rem3A_782 : i32
      %eq3A_793 = arith.constant 3 : i32
      %eq3A_794 = arith.cmpi eq, %select_n3A_792, %eq3A_793 : i32
      %convert_element_type3A_795 = arith.extui %eq3A_794 : i1 to i32
      %cond3A_796 = arith.constant 0 : i32
      %cond3A_797 = arith.cmpi ne, %convert_element_type3A_795, %cond3A_796 : i32
      scf.if %cond3A_797 {
        %sub3A_798 = arith.constant 1 : i32
        %sub3A_799 = arith.subi %scan3A_63, %sub3A_798 : i32
        %mul3A_800 = arith.constant 28 : i32
        %mul3A_801 = arith.muli %sub3A_799, %mul3A_800 : i32
        %add3A_802 = arith.addi %mul3A_2, %mul3A_801 : i32
        %multiple_of3A_803 = tpu.assume_multiple %add3A_802, 56 : i32
        %dma_start3A_804 = arith.constant 1 : i32
        %dma_start3A_805 = arith.constant 0 : i32
        %dma_start3A_806 = arith.constant 0 : i32
        %dma_start3A_807 = tpu.memref_slice %arg9[%dma_start3A_804, %dma_start3A_805, %dma_start3A_806] : memref<2x56x128xf32, #tpu.memory_space<vmem>> -> memref<1x56x128xf32, #tpu.memory_space<vmem>>
        %dma_start3A_808 = tpu.memref_squeeze %dma_start3A_807 : memref<1x56x128xf32, #tpu.memory_space<vmem>> -> memref<56x128xf32, #tpu.memory_space<vmem>>
        %dma_start3A_809 = arith.constant 0 : i32
        %dma_start3A_810 = tpu.memref_slice %arg5[%multiple_of3A_803, %dma_start3A_809] : memref<28672x128xf32, #tpu.memory_space<hbm>> -> memref<56x128xf32, #tpu.memory_space<hbm>>
        %dma_start3A_811 = arith.constant 0 : i32
        %dma_start3A_812 = tpu.memref_slice %arg5[%multiple_of3A_803, %dma_start3A_811] : memref<28672x128xf32, #tpu.memory_space<hbm>> -> memref<56x128xf32, #tpu.memory_space<hbm>>
        %dma_start3A_813 = arith.constant 0 : i32
        %dma_start3A_814 = arith.constant 0 : i32
        %dma_start3A_815 = tpu.memref_slice %arg9[%dma_start3A_804, %dma_start3A_813, %dma_start3A_814] : memref<2x56x128xf32, #tpu.memory_space<vmem>> -> memref<1x56x128xf32, #tpu.memory_space<vmem>>
        %dma_start3A_816 = tpu.memref_squeeze %dma_start3A_815 : memref<1x56x128xf32, #tpu.memory_space<vmem>> -> memref<56x128xf32, #tpu.memory_space<vmem>>
        tpu.enqueue_dma source(%dma_start3A_816 : memref<56x128xf32, #tpu.memory_space<vmem>>) target(%dma_start3A_812 : memref<56x128xf32, #tpu.memory_space<hbm>>) target_semaphore(%arg13 : memref<!tpu.dma_semaphore, #tpu.memory_space<semaphore_mem>>)
      } else {
      }
    }
    %scan3A_32 = arith.constant 32 : i32
    %add3A_33 = arith.constant 0 : i32
    %add3A_34 = arith.addi %mul3A_2, %add3A_33 : i32
    %multiple_of3A = tpu.assume_multiple %add3A_34, 56 : i32
    %dma_wait3A = arith.constant 0 : i32
    %dma_wait3A_35 = arith.constant 0 : i32
    %dma_wait3A_36 = arith.constant 0 : i32
    %dma_wait3A_37 = tpu.memref_slice %arg9[%dma_wait3A, %dma_wait3A_35, %dma_wait3A_36] : memref<2x56x128xf32, #tpu.memory_space<vmem>> -> memref<1x56x128xf32, #tpu.memory_space<vmem>>
    %dma_wait3A_38 = tpu.memref_squeeze %dma_wait3A_37 : memref<1x56x128xf32, #tpu.memory_space<vmem>> -> memref<56x128xf32, #tpu.memory_space<vmem>>
    %dma_wait3A_39 = arith.constant 0 : i32
    %dma_wait3A_40 = tpu.memref_slice %arg5[%multiple_of3A, %dma_wait3A_39] : memref<28672x128xf32, #tpu.memory_space<hbm>> -> memref<56x128xf32, #tpu.memory_space<hbm>>
    %dma_wait3A_41 = arith.constant 0 : i32
    %dma_wait3A_42 = tpu.memref_slice %arg5[%multiple_of3A, %dma_wait3A_41] : memref<28672x128xf32, #tpu.memory_space<hbm>> -> memref<56x128xf32, #tpu.memory_space<hbm>>
    %dma_wait3A_43 = arith.constant 0 : i32
    %dma_wait3A_44 = arith.constant 0 : i32
    %dma_wait3A_45 = tpu.memref_slice %arg9[%dma_wait3A, %dma_wait3A_43, %dma_wait3A_44] : memref<2x56x128xf32, #tpu.memory_space<vmem>> -> memref<1x56x128xf32, #tpu.memory_space<vmem>>
    %dma_wait3A_46 = tpu.memref_squeeze %dma_wait3A_45 : memref<1x56x128xf32, #tpu.memory_space<vmem>> -> memref<56x128xf32, #tpu.memory_space<vmem>>
    tpu.wait_dma2 semaphore(%arg12 : memref<!tpu.dma_semaphore, #tpu.memory_space<semaphore_mem>>) src(%dma_wait3A_46 : memref<56x128xf32, #tpu.memory_space<vmem>>) dst(%dma_wait3A_42 : memref<56x128xf32, #tpu.memory_space<hbm>>)
    %add3A_47 = arith.constant 0 : i32
    %add3A_48 = arith.addi %mul3A_2, %add3A_47 : i32
    %multiple_of3A_49 = tpu.assume_multiple %add3A_48, 56 : i32
    %dma_wait3A_50 = arith.constant 0 : i32
    %dma_wait3A_51 = arith.constant 0 : i32
    %dma_wait3A_52 = arith.constant 0 : i32
    %dma_wait3A_53 = tpu.memref_slice %arg9[%dma_wait3A_50, %dma_wait3A_51, %dma_wait3A_52] : memref<2x56x128xf32, #tpu.memory_space<vmem>> -> memref<1x56x128xf32, #tpu.memory_space<vmem>>
    %dma_wait3A_54 = tpu.memref_squeeze %dma_wait3A_53 : memref<1x56x128xf32, #tpu.memory_space<vmem>> -> memref<56x128xf32, #tpu.memory_space<vmem>>
    %dma_wait3A_55 = arith.constant 0 : i32
    %dma_wait3A_56 = tpu.memref_slice %arg5[%multiple_of3A_49, %dma_wait3A_55] : memref<28672x128xf32, #tpu.memory_space<hbm>> -> memref<56x128xf32, #tpu.memory_space<hbm>>
    %dma_wait3A_57 = arith.constant 0 : i32
    %dma_wait3A_58 = tpu.memref_slice %arg5[%multiple_of3A_49, %dma_wait3A_57] : memref<28672x128xf32, #tpu.memory_space<hbm>> -> memref<56x128xf32, #tpu.memory_space<hbm>>
    %dma_wait3A_59 = arith.constant 0 : i32
    %dma_wait3A_60 = arith.constant 0 : i32
    %dma_wait3A_61 = tpu.memref_slice %arg9[%dma_wait3A_50, %dma_wait3A_59, %dma_wait3A_60] : memref<2x56x128xf32, #tpu.memory_space<vmem>> -> memref<1x56x128xf32, #tpu.memory_space<vmem>>
    %dma_wait3A_62 = tpu.memref_squeeze %dma_wait3A_61 : memref<1x56x128xf32, #tpu.memory_space<vmem>> -> memref<56x128xf32, #tpu.memory_space<vmem>>
    tpu.wait_dma2 semaphore(%arg13 : memref<!tpu.dma_semaphore, #tpu.memory_space<semaphore_mem>>) src(%dma_wait3A_62 : memref<56x128xf32, #tpu.memory_space<vmem>>) dst(%dma_wait3A_58 : memref<56x128xf32, #tpu.memory_space<hbm>>)
    return
  }
}

module attributes {stable_mosaic.version = 14 : i64} {
  func.func @kern(%arg0: i32, %arg1: memref<5000x128xf32, #tpu.memory_space<vmem>>, %arg2: memref<2x128xf32, #tpu.memory_space<vmem>>, %arg3: memref<2x128xf32, #tpu.memory_space<vmem>>) attributes {dimension_semantics = [#tpu.dimension_semantics<arbitrary>], iteration_bounds = array<i64: 10>, scalar_prefetch = 0 : i64, scratch_operands = 1 : i64, tpu.core_type = #tpu.core_type<tc>, window_params = [{transform_indices = @transform_0, window_bounds = array<i64: 5000, 128>}, {pipeline_mode = #tpu.pipeline_mode<synchronous>, transform_indices = @transform_1, window_bounds = array<i64: 2, 128>}]} {
    %eq3A = arith.constant 0 : i32
    %eq3A_0 = arith.cmpi eq, %arg0, %eq3A : i32
    %convert_element_type3A = arith.extui %eq3A_0 : i1 to i32
    %cond3A = arith.constant 0 : i32
    %cond3A_1 = arith.cmpi ne, %convert_element_type3A, %cond3A : i32
    scf.if %cond3A_1 {
      %broadcast_in_dim3A_25 = arith.constant 0.000000e+00 : f32
      %broadcast_in_dim3A_26 = vector.broadcast %broadcast_in_dim3A_25 : f32 to vector<2x128xf32>
      %swap3A_27 = arith.constant 0 : index
      %swap3A_28 = arith.constant 0 : index
      %swap3A_29 = vector.load %arg3[%swap3A_27, %swap3A_28] : memref<2x128xf32, #tpu.memory_space<vmem>>, vector<2x128xf32>
      tpu.vector_store %arg3[%swap3A_27, %swap3A_28], %broadcast_in_dim3A_26 {strides = array<i32>} : memref<2x128xf32, #tpu.memory_space<vmem>>, vector<2x128xf32>,
    } else {
    }
    %get3A = arith.constant 0 : index
    %get3A_2 = arith.constant 0 : index
    %get3A_3 = vector.load %arg1[%get3A, %get3A_2] : memref<5000x128xf32, #tpu.memory_space<vmem>>, vector<5000x128xf32>
    %get3A_4 = arith.constant 0 : index
    %get3A_5 = arith.constant 0 : index
    %get3A_6 = vector.load %arg3[%get3A_4, %get3A_5] : memref<2x128xf32, #tpu.memory_space<vmem>>, vector<1x128xf32>
    %reduce_sum3A = arith.constant dense<0.000000e+00> : vector<128xf32>
    %reduce_sum3A_7 = vector.multi_reduction <add>, %get3A_3, %reduce_sum3A [0] : vector<5000x128xf32> to vector<128xf32>
    %broadcast_in_dim3A = vector.shape_cast %reduce_sum3A_7 : vector<128xf32> to vector<1x128xf32>
    %add3A = arith.addf %get3A_6, %broadcast_in_dim3A : vector<1x128xf32>
    %swap3A = arith.constant 0 : index
    %swap3A_8 = arith.constant 0 : index
    %swap3A_9 = vector.load %arg3[%swap3A, %swap3A_8] : memref<2x128xf32, #tpu.memory_space<vmem>>, vector<1x128xf32>
    tpu.vector_store %arg3[%swap3A, %swap3A_8], %add3A {strides = array<i32>} : memref<2x128xf32, #tpu.memory_space<vmem>>, vector<1x128xf32>,
    %get3A_10 = arith.constant 1 : index
    %get3A_11 = arith.constant 0 : index
    %get3A_12 = vector.load %arg3[%get3A_10, %get3A_11] : memref<2x128xf32, #tpu.memory_space<vmem>>, vector<1x128xf32>
    %mul3A = arith.mulf %get3A_3, %get3A_3 : vector<5000x128xf32>
    %reduce_sum3A_13 = arith.constant dense<0.000000e+00> : vector<128xf32>
    %reduce_sum3A_14 = vector.multi_reduction <add>, %mul3A, %reduce_sum3A_13 [0] : vector<5000x128xf32> to vector<128xf32>
    %broadcast_in_dim3A_15 = vector.shape_cast %reduce_sum3A_14 : vector<128xf32> to vector<1x128xf32>
    %add3A_16 = arith.addf %get3A_12, %broadcast_in_dim3A_15 : vector<1x128xf32>
    %swap3A_17 = arith.constant 1 : index
    %swap3A_18 = arith.constant 0 : index
    %swap3A_19 = vector.load %arg3[%swap3A_17, %swap3A_18] : memref<2x128xf32, #tpu.memory_space<vmem>>, vector<1x128xf32>
    tpu.vector_store %arg3[%swap3A_17, %swap3A_18], %add3A_16 {strides = array<i32>} : memref<2x128xf32, #tpu.memory_space<vmem>>, vector<1x128xf32>,
    %eq3A_20 = arith.constant 9 : i32
    %eq3A_21 = arith.cmpi eq, %arg0, %eq3A_20 : i32
    %convert_element_type3A_22 = arith.extui %eq3A_21 : i1 to i32
    %cond3A_23 = arith.constant 0 : i32
    %cond3A_24 = arith.cmpi ne, %convert_element_type3A_22, %cond3A_23 : i32
    scf.if %cond3A_24 {
      %get3A_25 = arith.constant 0 : index
      %get3A_26 = arith.constant 0 : index
      %get3A_27 = vector.load %arg3[%get3A_25, %get3A_26] : memref<2x128xf32, #tpu.memory_space<vmem>>, vector<2x128xf32>
      %swap3A_28 = arith.constant 0 : index
      %swap3A_29 = arith.constant 0 : index
      %swap3A_30 = vector.load %arg2[%swap3A_28, %swap3A_29] : memref<2x128xf32, #tpu.memory_space<vmem>>, vector<2x128xf32>
      tpu.vector_store %arg2[%swap3A_28, %swap3A_29], %get3A_27 {strides = array<i32>} : memref<2x128xf32, #tpu.memory_space<vmem>>, vector<2x128xf32>,
    } else {
    }
    return
  }
  func.func @transform_0(%arg0: i32) -> (i32, i32) {
    %c0_i32 = arith.constant 0 : i32
    %c0_i32_0 = arith.constant 0 : i32
    return %arg0, %c0_i32 : i32, i32
  }
  func.func @transform_1(%arg0: i32) -> (i32, i32) {
    %c0_i32 = arith.constant 0 : i32
    %c0_i32_0 = arith.constant 0 : i32
    %c0_i32_1 = arith.constant 0 : i32
    return %c0_i32, %c0_i32_0 : i32, i32
  }
}

module attributes {stable_mosaic.version = 14 : i64} {
  func.func @kern(%arg0: i32, %arg1: memref<512x9xi32, #tpu.memory_space<smem>>, %arg2: memref<50000x128xf32, #tpu.memory_space<vmem>>, %arg3: memref<12x128xf32, #tpu.memory_space<vmem>>, %arg4: memref<512x128xf32, #tpu.memory_space<vmem>>) attributes {dimension_semantics = [#tpu.dimension_semantics<arbitrary>], iteration_bounds = array<i64: 42>, scalar_prefetch = 0 : i64, scratch_operands = 0 : i64, tpu.core_type = #tpu.core_type<tc>, window_params = [{transform_indices = @transform_0, window_bounds = array<i64: 512, 9>}, {pipeline_mode = #tpu.pipeline_mode<synchronous>, transform_indices = @transform_1, window_bounds = array<i64: 50000, 128>}, {pipeline_mode = #tpu.pipeline_mode<synchronous>, transform_indices = @transform_2, window_bounds = array<i64: 12, 128>}, {transform_indices = @transform_3, window_bounds = array<i64: 512, 128>}]} {
    %get3A = arith.constant 9 : index
    %get3A_0 = arith.constant 0 : index
    %get3A_1 = vector.load %arg3[%get3A, %get3A_0] : memref<12x128xf32, #tpu.memory_space<vmem>>, vector<1x128xf32>
    %get3A_2 = arith.constant 10 : index
    %get3A_3 = arith.constant 0 : index
    %get3A_4 = vector.load %arg3[%get3A_2, %get3A_3] : memref<12x128xf32, #tpu.memory_space<vmem>>, vector<1x128xf32>
    %scan3A = arith.constant 0 : i32
    %scan3A_5 = arith.constant 64 : i32
    %scan3A_6 = arith.addi %scan3A, %scan3A_5 : i32
    %scan3A_7 = arith.constant 1 : i32
    scf.for %scan3A_9 = %scan3A to %scan3A_6 step %scan3A_7  : i32 {
      %mul3A = arith.constant 8 : i32
      %mul3A_10 = arith.muli %scan3A_9, %mul3A : i32
      %multiple_of3A = tpu.assume_multiple %mul3A_10, 8 : i32
      %get3A_11 = arith.constant 11 : index
      %get3A_12 = arith.constant 0 : index
      %get3A_13 = vector.load %arg3[%get3A_11, %get3A_12] : memref<12x128xf32, #tpu.memory_space<vmem>>, vector<1x128xf32>
      %broadcast_in_dim3A = vector.shape_cast %get3A_13 : vector<1x128xf32> to vector<1x128xf32>
      %broadcast_in_dim3A_14 = vector.broadcast %broadcast_in_dim3A : vector<1x128xf32> to vector<8x128xf32>
      %add3A = arith.constant 0 : i32
      %add3A_15 = arith.addi %multiple_of3A, %add3A : i32
      %get3A_16 = arith.index_cast %add3A_15 : i32 to index
      %get3A_17 = arith.constant 0 : index
      %get3A_18 = memref.load %arg1[%get3A_16, %get3A_17] : memref<512x9xi32, #tpu.memory_space<smem>>
      %get3A_19 = arith.index_cast %get3A_18 : i32 to index
      %get3A_20 = arith.constant 0 : index
      %get3A_21 = vector.load %arg2[%get3A_19, %get3A_20] : memref<50000x128xf32, #tpu.memory_space<vmem>>, vector<1x128xf32>
      %add3A_22 = arith.constant 1 : i32
      %add3A_23 = arith.addi %multiple_of3A, %add3A_22 : i32
      %get3A_24 = arith.index_cast %add3A_23 : i32 to index
      %get3A_25 = arith.constant 0 : index
      %get3A_26 = memref.load %arg1[%get3A_24, %get3A_25] : memref<512x9xi32, #tpu.memory_space<smem>>
      %get3A_27 = arith.index_cast %get3A_26 : i32 to index
      %get3A_28 = arith.constant 0 : index
      %get3A_29 = vector.load %arg2[%get3A_27, %get3A_28] : memref<50000x128xf32, #tpu.memory_space<vmem>>, vector<1x128xf32>
      %add3A_30 = arith.constant 2 : i32
      %add3A_31 = arith.addi %multiple_of3A, %add3A_30 : i32
      %get3A_32 = arith.index_cast %add3A_31 : i32 to index
      %get3A_33 = arith.constant 0 : index
      %get3A_34 = memref.load %arg1[%get3A_32, %get3A_33] : memref<512x9xi32, #tpu.memory_space<smem>>
      %get3A_35 = arith.index_cast %get3A_34 : i32 to index
      %get3A_36 = arith.constant 0 : index
      %get3A_37 = vector.load %arg2[%get3A_35, %get3A_36] : memref<50000x128xf32, #tpu.memory_space<vmem>>, vector<1x128xf32>
      %add3A_38 = arith.constant 3 : i32
      %add3A_39 = arith.addi %multiple_of3A, %add3A_38 : i32
      %get3A_40 = arith.index_cast %add3A_39 : i32 to index
      %get3A_41 = arith.constant 0 : index
      %get3A_42 = memref.load %arg1[%get3A_40, %get3A_41] : memref<512x9xi32, #tpu.memory_space<smem>>
      %get3A_43 = arith.index_cast %get3A_42 : i32 to index
      %get3A_44 = arith.constant 0 : index
      %get3A_45 = vector.load %arg2[%get3A_43, %get3A_44] : memref<50000x128xf32, #tpu.memory_space<vmem>>, vector<1x128xf32>
      %add3A_46 = arith.constant 4 : i32
      %add3A_47 = arith.addi %multiple_of3A, %add3A_46 : i32
      %get3A_48 = arith.index_cast %add3A_47 : i32 to index
      %get3A_49 = arith.constant 0 : index
      %get3A_50 = memref.load %arg1[%get3A_48, %get3A_49] : memref<512x9xi32, #tpu.memory_space<smem>>
      %get3A_51 = arith.index_cast %get3A_50 : i32 to index
      %get3A_52 = arith.constant 0 : index
      %get3A_53 = vector.load %arg2[%get3A_51, %get3A_52] : memref<50000x128xf32, #tpu.memory_space<vmem>>, vector<1x128xf32>
      %add3A_54 = arith.constant 5 : i32
      %add3A_55 = arith.addi %multiple_of3A, %add3A_54 : i32
      %get3A_56 = arith.index_cast %add3A_55 : i32 to index
      %get3A_57 = arith.constant 0 : index
      %get3A_58 = memref.load %arg1[%get3A_56, %get3A_57] : memref<512x9xi32, #tpu.memory_space<smem>>
      %get3A_59 = arith.index_cast %get3A_58 : i32 to index
      %get3A_60 = arith.constant 0 : index
      %get3A_61 = vector.load %arg2[%get3A_59, %get3A_60] : memref<50000x128xf32, #tpu.memory_space<vmem>>, vector<1x128xf32>
      %add3A_62 = arith.constant 6 : i32
      %add3A_63 = arith.addi %multiple_of3A, %add3A_62 : i32
      %get3A_64 = arith.index_cast %add3A_63 : i32 to index
      %get3A_65 = arith.constant 0 : index
      %get3A_66 = memref.load %arg1[%get3A_64, %get3A_65] : memref<512x9xi32, #tpu.memory_space<smem>>
      %get3A_67 = arith.index_cast %get3A_66 : i32 to index
      %get3A_68 = arith.constant 0 : index
      %get3A_69 = vector.load %arg2[%get3A_67, %get3A_68] : memref<50000x128xf32, #tpu.memory_space<vmem>>, vector<1x128xf32>
      %add3A_70 = arith.constant 7 : i32
      %add3A_71 = arith.addi %multiple_of3A, %add3A_70 : i32
      %get3A_72 = arith.index_cast %add3A_71 : i32 to index
      %get3A_73 = arith.constant 0 : index
      %get3A_74 = memref.load %arg1[%get3A_72, %get3A_73] : memref<512x9xi32, #tpu.memory_space<smem>>
      %get3A_75 = arith.index_cast %get3A_74 : i32 to index
      %get3A_76 = arith.constant 0 : index
      %get3A_77 = vector.load %arg2[%get3A_75, %get3A_76] : memref<50000x128xf32, #tpu.memory_space<vmem>>, vector<1x128xf32>
      %concatenate3A = tpu.concatenate %get3A_21, %get3A_29, %get3A_37, %get3A_45, %get3A_53, %get3A_61, %get3A_69, %get3A_77 in 0 : vector<1x128xf32>, vector<1x128xf32>, vector<1x128xf32>, vector<1x128xf32>, vector<1x128xf32>, vector<1x128xf32>, vector<1x128xf32>, vector<1x128xf32> -> vector<8x128xf32>
      %mul3A_78 = vector.broadcast %get3A_1 : vector<1x128xf32> to vector<8x128xf32>
      %mul3A_79 = arith.mulf %concatenate3A, %mul3A_78 : vector<8x128xf32>
      %add3A_80 = vector.broadcast %get3A_4 : vector<1x128xf32> to vector<8x128xf32>
      %add3A_81 = arith.addf %mul3A_79, %add3A_80 : vector<8x128xf32>
      %max3A = arith.constant 0.000000e+00 : f32
      %max3A_82 = vector.broadcast %max3A : f32 to vector<8x128xf32>
      %max3A_83 = arith.maximumf %add3A_81, %max3A_82 : vector<8x128xf32>
      %get3A_84 = arith.constant 0 : index
      %get3A_85 = arith.constant 0 : index
      %get3A_86 = vector.load %arg3[%get3A_84, %get3A_85] : memref<12x128xf32, #tpu.memory_space<vmem>>, vector<1x128xf32>
      %mul3A_87 = vector.broadcast %get3A_86 : vector<1x128xf32> to vector<8x128xf32>
      %mul3A_88 = arith.mulf %max3A_83, %mul3A_87 : vector<8x128xf32>
      %add3A_89 = arith.addf %broadcast_in_dim3A_14, %mul3A_88 : vector<8x128xf32>
      %add3A_90 = arith.constant 0 : i32
      %add3A_91 = arith.addi %multiple_of3A, %add3A_90 : i32
      %get3A_92 = arith.index_cast %add3A_91 : i32 to index
      %get3A_93 = arith.constant 1 : index
      %get3A_94 = memref.load %arg1[%get3A_92, %get3A_93] : memref<512x9xi32, #tpu.memory_space<smem>>
      %get3A_95 = arith.index_cast %get3A_94 : i32 to index
      %get3A_96 = arith.constant 0 : index
      %get3A_97 = vector.load %arg2[%get3A_95, %get3A_96] : memref<50000x128xf32, #tpu.memory_space<vmem>>, vector<1x128xf32>
      %add3A_98 = arith.constant 1 : i32
      %add3A_99 = arith.addi %multiple_of3A, %add3A_98 : i32
      %get3A_100 = arith.index_cast %add3A_99 : i32 to index
      %get3A_101 = arith.constant 1 : index
      %get3A_102 = memref.load %arg1[%get3A_100, %get3A_101] : memref<512x9xi32, #tpu.memory_space<smem>>
      %get3A_103 = arith.index_cast %get3A_102 : i32 to index
      %get3A_104 = arith.constant 0 : index
      %get3A_105 = vector.load %arg2[%get3A_103, %get3A_104] : memref<50000x128xf32, #tpu.memory_space<vmem>>, vector<1x128xf32>
      %add3A_106 = arith.constant 2 : i32
      %add3A_107 = arith.addi %multiple_of3A, %add3A_106 : i32
      %get3A_108 = arith.index_cast %add3A_107 : i32 to index
      %get3A_109 = arith.constant 1 : index
      %get3A_110 = memref.load %arg1[%get3A_108, %get3A_109] : memref<512x9xi32, #tpu.memory_space<smem>>
      %get3A_111 = arith.index_cast %get3A_110 : i32 to index
      %get3A_112 = arith.constant 0 : index
      %get3A_113 = vector.load %arg2[%get3A_111, %get3A_112] : memref<50000x128xf32, #tpu.memory_space<vmem>>, vector<1x128xf32>
      %add3A_114 = arith.constant 3 : i32
      %add3A_115 = arith.addi %multiple_of3A, %add3A_114 : i32
      %get3A_116 = arith.index_cast %add3A_115 : i32 to index
      %get3A_117 = arith.constant 1 : index
      %get3A_118 = memref.load %arg1[%get3A_116, %get3A_117] : memref<512x9xi32, #tpu.memory_space<smem>>
      %get3A_119 = arith.index_cast %get3A_118 : i32 to index
      %get3A_120 = arith.constant 0 : index
      %get3A_121 = vector.load %arg2[%get3A_119, %get3A_120] : memref<50000x128xf32, #tpu.memory_space<vmem>>, vector<1x128xf32>
      %add3A_122 = arith.constant 4 : i32
      %add3A_123 = arith.addi %multiple_of3A, %add3A_122 : i32
      %get3A_124 = arith.index_cast %add3A_123 : i32 to index
      %get3A_125 = arith.constant 1 : index
      %get3A_126 = memref.load %arg1[%get3A_124, %get3A_125] : memref<512x9xi32, #tpu.memory_space<smem>>
      %get3A_127 = arith.index_cast %get3A_126 : i32 to index
      %get3A_128 = arith.constant 0 : index
      %get3A_129 = vector.load %arg2[%get3A_127, %get3A_128] : memref<50000x128xf32, #tpu.memory_space<vmem>>, vector<1x128xf32>
      %add3A_130 = arith.constant 5 : i32
      %add3A_131 = arith.addi %multiple_of3A, %add3A_130 : i32
      %get3A_132 = arith.index_cast %add3A_131 : i32 to index
      %get3A_133 = arith.constant 1 : index
      %get3A_134 = memref.load %arg1[%get3A_132, %get3A_133] : memref<512x9xi32, #tpu.memory_space<smem>>
      %get3A_135 = arith.index_cast %get3A_134 : i32 to index
      %get3A_136 = arith.constant 0 : index
      %get3A_137 = vector.load %arg2[%get3A_135, %get3A_136] : memref<50000x128xf32, #tpu.memory_space<vmem>>, vector<1x128xf32>
      %add3A_138 = arith.constant 6 : i32
      %add3A_139 = arith.addi %multiple_of3A, %add3A_138 : i32
      %get3A_140 = arith.index_cast %add3A_139 : i32 to index
      %get3A_141 = arith.constant 1 : index
      %get3A_142 = memref.load %arg1[%get3A_140, %get3A_141] : memref<512x9xi32, #tpu.memory_space<smem>>
      %get3A_143 = arith.index_cast %get3A_142 : i32 to index
      %get3A_144 = arith.constant 0 : index
      %get3A_145 = vector.load %arg2[%get3A_143, %get3A_144] : memref<50000x128xf32, #tpu.memory_space<vmem>>, vector<1x128xf32>
      %add3A_146 = arith.constant 7 : i32
      %add3A_147 = arith.addi %multiple_of3A, %add3A_146 : i32
      %get3A_148 = arith.index_cast %add3A_147 : i32 to index
      %get3A_149 = arith.constant 1 : index
      %get3A_150 = memref.load %arg1[%get3A_148, %get3A_149] : memref<512x9xi32, #tpu.memory_space<smem>>
      %get3A_151 = arith.index_cast %get3A_150 : i32 to index
      %get3A_152 = arith.constant 0 : index
      %get3A_153 = vector.load %arg2[%get3A_151, %get3A_152] : memref<50000x128xf32, #tpu.memory_space<vmem>>, vector<1x128xf32>
      %concatenate3A_154 = tpu.concatenate %get3A_97, %get3A_105, %get3A_113, %get3A_121, %get3A_129, %get3A_137, %get3A_145, %get3A_153 in 0 : vector<1x128xf32>, vector<1x128xf32>, vector<1x128xf32>, vector<1x128xf32>, vector<1x128xf32>, vector<1x128xf32>, vector<1x128xf32>, vector<1x128xf32> -> vector<8x128xf32>
      %mul3A_155 = vector.broadcast %get3A_1 : vector<1x128xf32> to vector<8x128xf32>
      %mul3A_156 = arith.mulf %concatenate3A_154, %mul3A_155 : vector<8x128xf32>
      %add3A_157 = vector.broadcast %get3A_4 : vector<1x128xf32> to vector<8x128xf32>
      %add3A_158 = arith.addf %mul3A_156, %add3A_157 : vector<8x128xf32>
      %max3A_159 = arith.constant 0.000000e+00 : f32
      %max3A_160 = vector.broadcast %max3A_159 : f32 to vector<8x128xf32>
      %max3A_161 = arith.maximumf %add3A_158, %max3A_160 : vector<8x128xf32>
      %get3A_162 = arith.constant 1 : index
      %get3A_163 = arith.constant 0 : index
      %get3A_164 = vector.load %arg3[%get3A_162, %get3A_163] : memref<12x128xf32, #tpu.memory_space<vmem>>, vector<1x128xf32>
      %mul3A_165 = vector.broadcast %get3A_164 : vector<1x128xf32> to vector<8x128xf32>
      %mul3A_166 = arith.mulf %max3A_161, %mul3A_165 : vector<8x128xf32>
      %add3A_167 = arith.addf %add3A_89, %mul3A_166 : vector<8x128xf32>
      %add3A_168 = arith.constant 0 : i32
      %add3A_169 = arith.addi %multiple_of3A, %add3A_168 : i32
      %get3A_170 = arith.index_cast %add3A_169 : i32 to index
      %get3A_171 = arith.constant 2 : index
      %get3A_172 = memref.load %arg1[%get3A_170, %get3A_171] : memref<512x9xi32, #tpu.memory_space<smem>>
      %get3A_173 = arith.index_cast %get3A_172 : i32 to index
      %get3A_174 = arith.constant 0 : index
      %get3A_175 = vector.load %arg2[%get3A_173, %get3A_174] : memref<50000x128xf32, #tpu.memory_space<vmem>>, vector<1x128xf32>
      %add3A_176 = arith.constant 1 : i32
      %add3A_177 = arith.addi %multiple_of3A, %add3A_176 : i32
      %get3A_178 = arith.index_cast %add3A_177 : i32 to index
      %get3A_179 = arith.constant 2 : index
      %get3A_180 = memref.load %arg1[%get3A_178, %get3A_179] : memref<512x9xi32, #tpu.memory_space<smem>>
      %get3A_181 = arith.index_cast %get3A_180 : i32 to index
      %get3A_182 = arith.constant 0 : index
      %get3A_183 = vector.load %arg2[%get3A_181, %get3A_182] : memref<50000x128xf32, #tpu.memory_space<vmem>>, vector<1x128xf32>
      %add3A_184 = arith.constant 2 : i32
      %add3A_185 = arith.addi %multiple_of3A, %add3A_184 : i32
      %get3A_186 = arith.index_cast %add3A_185 : i32 to index
      %get3A_187 = arith.constant 2 : index
      %get3A_188 = memref.load %arg1[%get3A_186, %get3A_187] : memref<512x9xi32, #tpu.memory_space<smem>>
      %get3A_189 = arith.index_cast %get3A_188 : i32 to index
      %get3A_190 = arith.constant 0 : index
      %get3A_191 = vector.load %arg2[%get3A_189, %get3A_190] : memref<50000x128xf32, #tpu.memory_space<vmem>>, vector<1x128xf32>
      %add3A_192 = arith.constant 3 : i32
      %add3A_193 = arith.addi %multiple_of3A, %add3A_192 : i32
      %get3A_194 = arith.index_cast %add3A_193 : i32 to index
      %get3A_195 = arith.constant 2 : index
      %get3A_196 = memref.load %arg1[%get3A_194, %get3A_195] : memref<512x9xi32, #tpu.memory_space<smem>>
      %get3A_197 = arith.index_cast %get3A_196 : i32 to index
      %get3A_198 = arith.constant 0 : index
      %get3A_199 = vector.load %arg2[%get3A_197, %get3A_198] : memref<50000x128xf32, #tpu.memory_space<vmem>>, vector<1x128xf32>
      %add3A_200 = arith.constant 4 : i32
      %add3A_201 = arith.addi %multiple_of3A, %add3A_200 : i32
      %get3A_202 = arith.index_cast %add3A_201 : i32 to index
      %get3A_203 = arith.constant 2 : index
      %get3A_204 = memref.load %arg1[%get3A_202, %get3A_203] : memref<512x9xi32, #tpu.memory_space<smem>>
      %get3A_205 = arith.index_cast %get3A_204 : i32 to index
      %get3A_206 = arith.constant 0 : index
      %get3A_207 = vector.load %arg2[%get3A_205, %get3A_206] : memref<50000x128xf32, #tpu.memory_space<vmem>>, vector<1x128xf32>
      %add3A_208 = arith.constant 5 : i32
      %add3A_209 = arith.addi %multiple_of3A, %add3A_208 : i32
      %get3A_210 = arith.index_cast %add3A_209 : i32 to index
      %get3A_211 = arith.constant 2 : index
      %get3A_212 = memref.load %arg1[%get3A_210, %get3A_211] : memref<512x9xi32, #tpu.memory_space<smem>>
      %get3A_213 = arith.index_cast %get3A_212 : i32 to index
      %get3A_214 = arith.constant 0 : index
      %get3A_215 = vector.load %arg2[%get3A_213, %get3A_214] : memref<50000x128xf32, #tpu.memory_space<vmem>>, vector<1x128xf32>
      %add3A_216 = arith.constant 6 : i32
      %add3A_217 = arith.addi %multiple_of3A, %add3A_216 : i32
      %get3A_218 = arith.index_cast %add3A_217 : i32 to index
      %get3A_219 = arith.constant 2 : index
      %get3A_220 = memref.load %arg1[%get3A_218, %get3A_219] : memref<512x9xi32, #tpu.memory_space<smem>>
      %get3A_221 = arith.index_cast %get3A_220 : i32 to index
      %get3A_222 = arith.constant 0 : index
      %get3A_223 = vector.load %arg2[%get3A_221, %get3A_222] : memref<50000x128xf32, #tpu.memory_space<vmem>>, vector<1x128xf32>
      %add3A_224 = arith.constant 7 : i32
      %add3A_225 = arith.addi %multiple_of3A, %add3A_224 : i32
      %get3A_226 = arith.index_cast %add3A_225 : i32 to index
      %get3A_227 = arith.constant 2 : index
      %get3A_228 = memref.load %arg1[%get3A_226, %get3A_227] : memref<512x9xi32, #tpu.memory_space<smem>>
      %get3A_229 = arith.index_cast %get3A_228 : i32 to index
      %get3A_230 = arith.constant 0 : index
      %get3A_231 = vector.load %arg2[%get3A_229, %get3A_230] : memref<50000x128xf32, #tpu.memory_space<vmem>>, vector<1x128xf32>
      %concatenate3A_232 = tpu.concatenate %get3A_175, %get3A_183, %get3A_191, %get3A_199, %get3A_207, %get3A_215, %get3A_223, %get3A_231 in 0 : vector<1x128xf32>, vector<1x128xf32>, vector<1x128xf32>, vector<1x128xf32>, vector<1x128xf32>, vector<1x128xf32>, vector<1x128xf32>, vector<1x128xf32> -> vector<8x128xf32>
      %mul3A_233 = vector.broadcast %get3A_1 : vector<1x128xf32> to vector<8x128xf32>
      %mul3A_234 = arith.mulf %concatenate3A_232, %mul3A_233 : vector<8x128xf32>
      %add3A_235 = vector.broadcast %get3A_4 : vector<1x128xf32> to vector<8x128xf32>
      %add3A_236 = arith.addf %mul3A_234, %add3A_235 : vector<8x128xf32>
      %max3A_237 = arith.constant 0.000000e+00 : f32
      %max3A_238 = vector.broadcast %max3A_237 : f32 to vector<8x128xf32>
      %max3A_239 = arith.maximumf %add3A_236, %max3A_238 : vector<8x128xf32>
      %get3A_240 = arith.constant 2 : index
      %get3A_241 = arith.constant 0 : index
      %get3A_242 = vector.load %arg3[%get3A_240, %get3A_241] : memref<12x128xf32, #tpu.memory_space<vmem>>, vector<1x128xf32>
      %mul3A_243 = vector.broadcast %get3A_242 : vector<1x128xf32> to vector<8x128xf32>
      %mul3A_244 = arith.mulf %max3A_239, %mul3A_243 : vector<8x128xf32>
      %add3A_245 = arith.addf %add3A_167, %mul3A_244 : vector<8x128xf32>
      %add3A_246 = arith.constant 0 : i32
      %add3A_247 = arith.addi %multiple_of3A, %add3A_246 : i32
      %get3A_248 = arith.index_cast %add3A_247 : i32 to index
      %get3A_249 = arith.constant 3 : index
      %get3A_250 = memref.load %arg1[%get3A_248, %get3A_249] : memref<512x9xi32, #tpu.memory_space<smem>>
      %get3A_251 = arith.index_cast %get3A_250 : i32 to index
      %get3A_252 = arith.constant 0 : index
      %get3A_253 = vector.load %arg2[%get3A_251, %get3A_252] : memref<50000x128xf32, #tpu.memory_space<vmem>>, vector<1x128xf32>
      %add3A_254 = arith.constant 1 : i32
      %add3A_255 = arith.addi %multiple_of3A, %add3A_254 : i32
      %get3A_256 = arith.index_cast %add3A_255 : i32 to index
      %get3A_257 = arith.constant 3 : index
      %get3A_258 = memref.load %arg1[%get3A_256, %get3A_257] : memref<512x9xi32, #tpu.memory_space<smem>>
      %get3A_259 = arith.index_cast %get3A_258 : i32 to index
      %get3A_260 = arith.constant 0 : index
      %get3A_261 = vector.load %arg2[%get3A_259, %get3A_260] : memref<50000x128xf32, #tpu.memory_space<vmem>>, vector<1x128xf32>
      %add3A_262 = arith.constant 2 : i32
      %add3A_263 = arith.addi %multiple_of3A, %add3A_262 : i32
      %get3A_264 = arith.index_cast %add3A_263 : i32 to index
      %get3A_265 = arith.constant 3 : index
      %get3A_266 = memref.load %arg1[%get3A_264, %get3A_265] : memref<512x9xi32, #tpu.memory_space<smem>>
      %get3A_267 = arith.index_cast %get3A_266 : i32 to index
      %get3A_268 = arith.constant 0 : index
      %get3A_269 = vector.load %arg2[%get3A_267, %get3A_268] : memref<50000x128xf32, #tpu.memory_space<vmem>>, vector<1x128xf32>
      %add3A_270 = arith.constant 3 : i32
      %add3A_271 = arith.addi %multiple_of3A, %add3A_270 : i32
      %get3A_272 = arith.index_cast %add3A_271 : i32 to index
      %get3A_273 = arith.constant 3 : index
      %get3A_274 = memref.load %arg1[%get3A_272, %get3A_273] : memref<512x9xi32, #tpu.memory_space<smem>>
      %get3A_275 = arith.index_cast %get3A_274 : i32 to index
      %get3A_276 = arith.constant 0 : index
      %get3A_277 = vector.load %arg2[%get3A_275, %get3A_276] : memref<50000x128xf32, #tpu.memory_space<vmem>>, vector<1x128xf32>
      %add3A_278 = arith.constant 4 : i32
      %add3A_279 = arith.addi %multiple_of3A, %add3A_278 : i32
      %get3A_280 = arith.index_cast %add3A_279 : i32 to index
      %get3A_281 = arith.constant 3 : index
      %get3A_282 = memref.load %arg1[%get3A_280, %get3A_281] : memref<512x9xi32, #tpu.memory_space<smem>>
      %get3A_283 = arith.index_cast %get3A_282 : i32 to index
      %get3A_284 = arith.constant 0 : index
      %get3A_285 = vector.load %arg2[%get3A_283, %get3A_284] : memref<50000x128xf32, #tpu.memory_space<vmem>>, vector<1x128xf32>
      %add3A_286 = arith.constant 5 : i32
      %add3A_287 = arith.addi %multiple_of3A, %add3A_286 : i32
      %get3A_288 = arith.index_cast %add3A_287 : i32 to index
      %get3A_289 = arith.constant 3 : index
      %get3A_290 = memref.load %arg1[%get3A_288, %get3A_289] : memref<512x9xi32, #tpu.memory_space<smem>>
      %get3A_291 = arith.index_cast %get3A_290 : i32 to index
      %get3A_292 = arith.constant 0 : index
      %get3A_293 = vector.load %arg2[%get3A_291, %get3A_292] : memref<50000x128xf32, #tpu.memory_space<vmem>>, vector<1x128xf32>
      %add3A_294 = arith.constant 6 : i32
      %add3A_295 = arith.addi %multiple_of3A, %add3A_294 : i32
      %get3A_296 = arith.index_cast %add3A_295 : i32 to index
      %get3A_297 = arith.constant 3 : index
      %get3A_298 = memref.load %arg1[%get3A_296, %get3A_297] : memref<512x9xi32, #tpu.memory_space<smem>>
      %get3A_299 = arith.index_cast %get3A_298 : i32 to index
      %get3A_300 = arith.constant 0 : index
      %get3A_301 = vector.load %arg2[%get3A_299, %get3A_300] : memref<50000x128xf32, #tpu.memory_space<vmem>>, vector<1x128xf32>
      %add3A_302 = arith.constant 7 : i32
      %add3A_303 = arith.addi %multiple_of3A, %add3A_302 : i32
      %get3A_304 = arith.index_cast %add3A_303 : i32 to index
      %get3A_305 = arith.constant 3 : index
      %get3A_306 = memref.load %arg1[%get3A_304, %get3A_305] : memref<512x9xi32, #tpu.memory_space<smem>>
      %get3A_307 = arith.index_cast %get3A_306 : i32 to index
      %get3A_308 = arith.constant 0 : index
      %get3A_309 = vector.load %arg2[%get3A_307, %get3A_308] : memref<50000x128xf32, #tpu.memory_space<vmem>>, vector<1x128xf32>
      %concatenate3A_310 = tpu.concatenate %get3A_253, %get3A_261, %get3A_269, %get3A_277, %get3A_285, %get3A_293, %get3A_301, %get3A_309 in 0 : vector<1x128xf32>, vector<1x128xf32>, vector<1x128xf32>, vector<1x128xf32>, vector<1x128xf32>, vector<1x128xf32>, vector<1x128xf32>, vector<1x128xf32> -> vector<8x128xf32>
      %mul3A_311 = vector.broadcast %get3A_1 : vector<1x128xf32> to vector<8x128xf32>
      %mul3A_312 = arith.mulf %concatenate3A_310, %mul3A_311 : vector<8x128xf32>
      %add3A_313 = vector.broadcast %get3A_4 : vector<1x128xf32> to vector<8x128xf32>
      %add3A_314 = arith.addf %mul3A_312, %add3A_313 : vector<8x128xf32>
      %max3A_315 = arith.constant 0.000000e+00 : f32
      %max3A_316 = vector.broadcast %max3A_315 : f32 to vector<8x128xf32>
      %max3A_317 = arith.maximumf %add3A_314, %max3A_316 : vector<8x128xf32>
      %get3A_318 = arith.constant 3 : index
      %get3A_319 = arith.constant 0 : index
      %get3A_320 = vector.load %arg3[%get3A_318, %get3A_319] : memref<12x128xf32, #tpu.memory_space<vmem>>, vector<1x128xf32>
      %mul3A_321 = vector.broadcast %get3A_320 : vector<1x128xf32> to vector<8x128xf32>
      %mul3A_322 = arith.mulf %max3A_317, %mul3A_321 : vector<8x128xf32>
      %add3A_323 = arith.addf %add3A_245, %mul3A_322 : vector<8x128xf32>
      %add3A_324 = arith.constant 0 : i32
      %add3A_325 = arith.addi %multiple_of3A, %add3A_324 : i32
      %get3A_326 = arith.index_cast %add3A_325 : i32 to index
      %get3A_327 = arith.constant 4 : index
      %get3A_328 = memref.load %arg1[%get3A_326, %get3A_327] : memref<512x9xi32, #tpu.memory_space<smem>>
      %get3A_329 = arith.index_cast %get3A_328 : i32 to index
      %get3A_330 = arith.constant 0 : index
      %get3A_331 = vector.load %arg2[%get3A_329, %get3A_330] : memref<50000x128xf32, #tpu.memory_space<vmem>>, vector<1x128xf32>
      %add3A_332 = arith.constant 1 : i32
      %add3A_333 = arith.addi %multiple_of3A, %add3A_332 : i32
      %get3A_334 = arith.index_cast %add3A_333 : i32 to index
      %get3A_335 = arith.constant 4 : index
      %get3A_336 = memref.load %arg1[%get3A_334, %get3A_335] : memref<512x9xi32, #tpu.memory_space<smem>>
      %get3A_337 = arith.index_cast %get3A_336 : i32 to index
      %get3A_338 = arith.constant 0 : index
      %get3A_339 = vector.load %arg2[%get3A_337, %get3A_338] : memref<50000x128xf32, #tpu.memory_space<vmem>>, vector<1x128xf32>
      %add3A_340 = arith.constant 2 : i32
      %add3A_341 = arith.addi %multiple_of3A, %add3A_340 : i32
      %get3A_342 = arith.index_cast %add3A_341 : i32 to index
      %get3A_343 = arith.constant 4 : index
      %get3A_344 = memref.load %arg1[%get3A_342, %get3A_343] : memref<512x9xi32, #tpu.memory_space<smem>>
      %get3A_345 = arith.index_cast %get3A_344 : i32 to index
      %get3A_346 = arith.constant 0 : index
      %get3A_347 = vector.load %arg2[%get3A_345, %get3A_346] : memref<50000x128xf32, #tpu.memory_space<vmem>>, vector<1x128xf32>
      %add3A_348 = arith.constant 3 : i32
      %add3A_349 = arith.addi %multiple_of3A, %add3A_348 : i32
      %get3A_350 = arith.index_cast %add3A_349 : i32 to index
      %get3A_351 = arith.constant 4 : index
      %get3A_352 = memref.load %arg1[%get3A_350, %get3A_351] : memref<512x9xi32, #tpu.memory_space<smem>>
      %get3A_353 = arith.index_cast %get3A_352 : i32 to index
      %get3A_354 = arith.constant 0 : index
      %get3A_355 = vector.load %arg2[%get3A_353, %get3A_354] : memref<50000x128xf32, #tpu.memory_space<vmem>>, vector<1x128xf32>
      %add3A_356 = arith.constant 4 : i32
      %add3A_357 = arith.addi %multiple_of3A, %add3A_356 : i32
      %get3A_358 = arith.index_cast %add3A_357 : i32 to index
      %get3A_359 = arith.constant 4 : index
      %get3A_360 = memref.load %arg1[%get3A_358, %get3A_359] : memref<512x9xi32, #tpu.memory_space<smem>>
      %get3A_361 = arith.index_cast %get3A_360 : i32 to index
      %get3A_362 = arith.constant 0 : index
      %get3A_363 = vector.load %arg2[%get3A_361, %get3A_362] : memref<50000x128xf32, #tpu.memory_space<vmem>>, vector<1x128xf32>
      %add3A_364 = arith.constant 5 : i32
      %add3A_365 = arith.addi %multiple_of3A, %add3A_364 : i32
      %get3A_366 = arith.index_cast %add3A_365 : i32 to index
      %get3A_367 = arith.constant 4 : index
      %get3A_368 = memref.load %arg1[%get3A_366, %get3A_367] : memref<512x9xi32, #tpu.memory_space<smem>>
      %get3A_369 = arith.index_cast %get3A_368 : i32 to index
      %get3A_370 = arith.constant 0 : index
      %get3A_371 = vector.load %arg2[%get3A_369, %get3A_370] : memref<50000x128xf32, #tpu.memory_space<vmem>>, vector<1x128xf32>
      %add3A_372 = arith.constant 6 : i32
      %add3A_373 = arith.addi %multiple_of3A, %add3A_372 : i32
      %get3A_374 = arith.index_cast %add3A_373 : i32 to index
      %get3A_375 = arith.constant 4 : index
      %get3A_376 = memref.load %arg1[%get3A_374, %get3A_375] : memref<512x9xi32, #tpu.memory_space<smem>>
      %get3A_377 = arith.index_cast %get3A_376 : i32 to index
      %get3A_378 = arith.constant 0 : index
      %get3A_379 = vector.load %arg2[%get3A_377, %get3A_378] : memref<50000x128xf32, #tpu.memory_space<vmem>>, vector<1x128xf32>
      %add3A_380 = arith.constant 7 : i32
      %add3A_381 = arith.addi %multiple_of3A, %add3A_380 : i32
      %get3A_382 = arith.index_cast %add3A_381 : i32 to index
      %get3A_383 = arith.constant 4 : index
      %get3A_384 = memref.load %arg1[%get3A_382, %get3A_383] : memref<512x9xi32, #tpu.memory_space<smem>>
      %get3A_385 = arith.index_cast %get3A_384 : i32 to index
      %get3A_386 = arith.constant 0 : index
      %get3A_387 = vector.load %arg2[%get3A_385, %get3A_386] : memref<50000x128xf32, #tpu.memory_space<vmem>>, vector<1x128xf32>
      %concatenate3A_388 = tpu.concatenate %get3A_331, %get3A_339, %get3A_347, %get3A_355, %get3A_363, %get3A_371, %get3A_379, %get3A_387 in 0 : vector<1x128xf32>, vector<1x128xf32>, vector<1x128xf32>, vector<1x128xf32>, vector<1x128xf32>, vector<1x128xf32>, vector<1x128xf32>, vector<1x128xf32> -> vector<8x128xf32>
      %mul3A_389 = vector.broadcast %get3A_1 : vector<1x128xf32> to vector<8x128xf32>
      %mul3A_390 = arith.mulf %concatenate3A_388, %mul3A_389 : vector<8x128xf32>
      %add3A_391 = vector.broadcast %get3A_4 : vector<1x128xf32> to vector<8x128xf32>
      %add3A_392 = arith.addf %mul3A_390, %add3A_391 : vector<8x128xf32>
      %max3A_393 = arith.constant 0.000000e+00 : f32
      %max3A_394 = vector.broadcast %max3A_393 : f32 to vector<8x128xf32>
      %max3A_395 = arith.maximumf %add3A_392, %max3A_394 : vector<8x128xf32>
      %get3A_396 = arith.constant 4 : index
      %get3A_397 = arith.constant 0 : index
      %get3A_398 = vector.load %arg3[%get3A_396, %get3A_397] : memref<12x128xf32, #tpu.memory_space<vmem>>, vector<1x128xf32>
      %mul3A_399 = vector.broadcast %get3A_398 : vector<1x128xf32> to vector<8x128xf32>
      %mul3A_400 = arith.mulf %max3A_395, %mul3A_399 : vector<8x128xf32>
      %add3A_401 = arith.addf %add3A_323, %mul3A_400 : vector<8x128xf32>
      %add3A_402 = arith.constant 0 : i32
      %add3A_403 = arith.addi %multiple_of3A, %add3A_402 : i32
      %get3A_404 = arith.index_cast %add3A_403 : i32 to index
      %get3A_405 = arith.constant 5 : index
      %get3A_406 = memref.load %arg1[%get3A_404, %get3A_405] : memref<512x9xi32, #tpu.memory_space<smem>>
      %get3A_407 = arith.index_cast %get3A_406 : i32 to index
      %get3A_408 = arith.constant 0 : index
      %get3A_409 = vector.load %arg2[%get3A_407, %get3A_408] : memref<50000x128xf32, #tpu.memory_space<vmem>>, vector<1x128xf32>
      %add3A_410 = arith.constant 1 : i32
      %add3A_411 = arith.addi %multiple_of3A, %add3A_410 : i32
      %get3A_412 = arith.index_cast %add3A_411 : i32 to index
      %get3A_413 = arith.constant 5 : index
      %get3A_414 = memref.load %arg1[%get3A_412, %get3A_413] : memref<512x9xi32, #tpu.memory_space<smem>>
      %get3A_415 = arith.index_cast %get3A_414 : i32 to index
      %get3A_416 = arith.constant 0 : index
      %get3A_417 = vector.load %arg2[%get3A_415, %get3A_416] : memref<50000x128xf32, #tpu.memory_space<vmem>>, vector<1x128xf32>
      %add3A_418 = arith.constant 2 : i32
      %add3A_419 = arith.addi %multiple_of3A, %add3A_418 : i32
      %get3A_420 = arith.index_cast %add3A_419 : i32 to index
      %get3A_421 = arith.constant 5 : index
      %get3A_422 = memref.load %arg1[%get3A_420, %get3A_421] : memref<512x9xi32, #tpu.memory_space<smem>>
      %get3A_423 = arith.index_cast %get3A_422 : i32 to index
      %get3A_424 = arith.constant 0 : index
      %get3A_425 = vector.load %arg2[%get3A_423, %get3A_424] : memref<50000x128xf32, #tpu.memory_space<vmem>>, vector<1x128xf32>
      %add3A_426 = arith.constant 3 : i32
      %add3A_427 = arith.addi %multiple_of3A, %add3A_426 : i32
      %get3A_428 = arith.index_cast %add3A_427 : i32 to index
      %get3A_429 = arith.constant 5 : index
      %get3A_430 = memref.load %arg1[%get3A_428, %get3A_429] : memref<512x9xi32, #tpu.memory_space<smem>>
      %get3A_431 = arith.index_cast %get3A_430 : i32 to index
      %get3A_432 = arith.constant 0 : index
      %get3A_433 = vector.load %arg2[%get3A_431, %get3A_432] : memref<50000x128xf32, #tpu.memory_space<vmem>>, vector<1x128xf32>
      %add3A_434 = arith.constant 4 : i32
      %add3A_435 = arith.addi %multiple_of3A, %add3A_434 : i32
      %get3A_436 = arith.index_cast %add3A_435 : i32 to index
      %get3A_437 = arith.constant 5 : index
      %get3A_438 = memref.load %arg1[%get3A_436, %get3A_437] : memref<512x9xi32, #tpu.memory_space<smem>>
      %get3A_439 = arith.index_cast %get3A_438 : i32 to index
      %get3A_440 = arith.constant 0 : index
      %get3A_441 = vector.load %arg2[%get3A_439, %get3A_440] : memref<50000x128xf32, #tpu.memory_space<vmem>>, vector<1x128xf32>
      %add3A_442 = arith.constant 5 : i32
      %add3A_443 = arith.addi %multiple_of3A, %add3A_442 : i32
      %get3A_444 = arith.index_cast %add3A_443 : i32 to index
      %get3A_445 = arith.constant 5 : index
      %get3A_446 = memref.load %arg1[%get3A_444, %get3A_445] : memref<512x9xi32, #tpu.memory_space<smem>>
      %get3A_447 = arith.index_cast %get3A_446 : i32 to index
      %get3A_448 = arith.constant 0 : index
      %get3A_449 = vector.load %arg2[%get3A_447, %get3A_448] : memref<50000x128xf32, #tpu.memory_space<vmem>>, vector<1x128xf32>
      %add3A_450 = arith.constant 6 : i32
      %add3A_451 = arith.addi %multiple_of3A, %add3A_450 : i32
      %get3A_452 = arith.index_cast %add3A_451 : i32 to index
      %get3A_453 = arith.constant 5 : index
      %get3A_454 = memref.load %arg1[%get3A_452, %get3A_453] : memref<512x9xi32, #tpu.memory_space<smem>>
      %get3A_455 = arith.index_cast %get3A_454 : i32 to index
      %get3A_456 = arith.constant 0 : index
      %get3A_457 = vector.load %arg2[%get3A_455, %get3A_456] : memref<50000x128xf32, #tpu.memory_space<vmem>>, vector<1x128xf32>
      %add3A_458 = arith.constant 7 : i32
      %add3A_459 = arith.addi %multiple_of3A, %add3A_458 : i32
      %get3A_460 = arith.index_cast %add3A_459 : i32 to index
      %get3A_461 = arith.constant 5 : index
      %get3A_462 = memref.load %arg1[%get3A_460, %get3A_461] : memref<512x9xi32, #tpu.memory_space<smem>>
      %get3A_463 = arith.index_cast %get3A_462 : i32 to index
      %get3A_464 = arith.constant 0 : index
      %get3A_465 = vector.load %arg2[%get3A_463, %get3A_464] : memref<50000x128xf32, #tpu.memory_space<vmem>>, vector<1x128xf32>
      %concatenate3A_466 = tpu.concatenate %get3A_409, %get3A_417, %get3A_425, %get3A_433, %get3A_441, %get3A_449, %get3A_457, %get3A_465 in 0 : vector<1x128xf32>, vector<1x128xf32>, vector<1x128xf32>, vector<1x128xf32>, vector<1x128xf32>, vector<1x128xf32>, vector<1x128xf32>, vector<1x128xf32> -> vector<8x128xf32>
      %mul3A_467 = vector.broadcast %get3A_1 : vector<1x128xf32> to vector<8x128xf32>
      %mul3A_468 = arith.mulf %concatenate3A_466, %mul3A_467 : vector<8x128xf32>
      %add3A_469 = vector.broadcast %get3A_4 : vector<1x128xf32> to vector<8x128xf32>
      %add3A_470 = arith.addf %mul3A_468, %add3A_469 : vector<8x128xf32>
      %max3A_471 = arith.constant 0.000000e+00 : f32
      %max3A_472 = vector.broadcast %max3A_471 : f32 to vector<8x128xf32>
      %max3A_473 = arith.maximumf %add3A_470, %max3A_472 : vector<8x128xf32>
      %get3A_474 = arith.constant 5 : index
      %get3A_475 = arith.constant 0 : index
      %get3A_476 = vector.load %arg3[%get3A_474, %get3A_475] : memref<12x128xf32, #tpu.memory_space<vmem>>, vector<1x128xf32>
      %mul3A_477 = vector.broadcast %get3A_476 : vector<1x128xf32> to vector<8x128xf32>
      %mul3A_478 = arith.mulf %max3A_473, %mul3A_477 : vector<8x128xf32>
      %add3A_479 = arith.addf %add3A_401, %mul3A_478 : vector<8x128xf32>
      %add3A_480 = arith.constant 0 : i32
      %add3A_481 = arith.addi %multiple_of3A, %add3A_480 : i32
      %get3A_482 = arith.index_cast %add3A_481 : i32 to index
      %get3A_483 = arith.constant 6 : index
      %get3A_484 = memref.load %arg1[%get3A_482, %get3A_483] : memref<512x9xi32, #tpu.memory_space<smem>>
      %get3A_485 = arith.index_cast %get3A_484 : i32 to index
      %get3A_486 = arith.constant 0 : index
      %get3A_487 = vector.load %arg2[%get3A_485, %get3A_486] : memref<50000x128xf32, #tpu.memory_space<vmem>>, vector<1x128xf32>
      %add3A_488 = arith.constant 1 : i32
      %add3A_489 = arith.addi %multiple_of3A, %add3A_488 : i32
      %get3A_490 = arith.index_cast %add3A_489 : i32 to index
      %get3A_491 = arith.constant 6 : index
      %get3A_492 = memref.load %arg1[%get3A_490, %get3A_491] : memref<512x9xi32, #tpu.memory_space<smem>>
      %get3A_493 = arith.index_cast %get3A_492 : i32 to index
      %get3A_494 = arith.constant 0 : index
      %get3A_495 = vector.load %arg2[%get3A_493, %get3A_494] : memref<50000x128xf32, #tpu.memory_space<vmem>>, vector<1x128xf32>
      %add3A_496 = arith.constant 2 : i32
      %add3A_497 = arith.addi %multiple_of3A, %add3A_496 : i32
      %get3A_498 = arith.index_cast %add3A_497 : i32 to index
      %get3A_499 = arith.constant 6 : index
      %get3A_500 = memref.load %arg1[%get3A_498, %get3A_499] : memref<512x9xi32, #tpu.memory_space<smem>>
      %get3A_501 = arith.index_cast %get3A_500 : i32 to index
      %get3A_502 = arith.constant 0 : index
      %get3A_503 = vector.load %arg2[%get3A_501, %get3A_502] : memref<50000x128xf32, #tpu.memory_space<vmem>>, vector<1x128xf32>
      %add3A_504 = arith.constant 3 : i32
      %add3A_505 = arith.addi %multiple_of3A, %add3A_504 : i32
      %get3A_506 = arith.index_cast %add3A_505 : i32 to index
      %get3A_507 = arith.constant 6 : index
      %get3A_508 = memref.load %arg1[%get3A_506, %get3A_507] : memref<512x9xi32, #tpu.memory_space<smem>>
      %get3A_509 = arith.index_cast %get3A_508 : i32 to index
      %get3A_510 = arith.constant 0 : index
      %get3A_511 = vector.load %arg2[%get3A_509, %get3A_510] : memref<50000x128xf32, #tpu.memory_space<vmem>>, vector<1x128xf32>
      %add3A_512 = arith.constant 4 : i32
      %add3A_513 = arith.addi %multiple_of3A, %add3A_512 : i32
      %get3A_514 = arith.index_cast %add3A_513 : i32 to index
      %get3A_515 = arith.constant 6 : index
      %get3A_516 = memref.load %arg1[%get3A_514, %get3A_515] : memref<512x9xi32, #tpu.memory_space<smem>>
      %get3A_517 = arith.index_cast %get3A_516 : i32 to index
      %get3A_518 = arith.constant 0 : index
      %get3A_519 = vector.load %arg2[%get3A_517, %get3A_518] : memref<50000x128xf32, #tpu.memory_space<vmem>>, vector<1x128xf32>
      %add3A_520 = arith.constant 5 : i32
      %add3A_521 = arith.addi %multiple_of3A, %add3A_520 : i32
      %get3A_522 = arith.index_cast %add3A_521 : i32 to index
      %get3A_523 = arith.constant 6 : index
      %get3A_524 = memref.load %arg1[%get3A_522, %get3A_523] : memref<512x9xi32, #tpu.memory_space<smem>>
      %get3A_525 = arith.index_cast %get3A_524 : i32 to index
      %get3A_526 = arith.constant 0 : index
      %get3A_527 = vector.load %arg2[%get3A_525, %get3A_526] : memref<50000x128xf32, #tpu.memory_space<vmem>>, vector<1x128xf32>
      %add3A_528 = arith.constant 6 : i32
      %add3A_529 = arith.addi %multiple_of3A, %add3A_528 : i32
      %get3A_530 = arith.index_cast %add3A_529 : i32 to index
      %get3A_531 = arith.constant 6 : index
      %get3A_532 = memref.load %arg1[%get3A_530, %get3A_531] : memref<512x9xi32, #tpu.memory_space<smem>>
      %get3A_533 = arith.index_cast %get3A_532 : i32 to index
      %get3A_534 = arith.constant 0 : index
      %get3A_535 = vector.load %arg2[%get3A_533, %get3A_534] : memref<50000x128xf32, #tpu.memory_space<vmem>>, vector<1x128xf32>
      %add3A_536 = arith.constant 7 : i32
      %add3A_537 = arith.addi %multiple_of3A, %add3A_536 : i32
      %get3A_538 = arith.index_cast %add3A_537 : i32 to index
      %get3A_539 = arith.constant 6 : index
      %get3A_540 = memref.load %arg1[%get3A_538, %get3A_539] : memref<512x9xi32, #tpu.memory_space<smem>>
      %get3A_541 = arith.index_cast %get3A_540 : i32 to index
      %get3A_542 = arith.constant 0 : index
      %get3A_543 = vector.load %arg2[%get3A_541, %get3A_542] : memref<50000x128xf32, #tpu.memory_space<vmem>>, vector<1x128xf32>
      %concatenate3A_544 = tpu.concatenate %get3A_487, %get3A_495, %get3A_503, %get3A_511, %get3A_519, %get3A_527, %get3A_535, %get3A_543 in 0 : vector<1x128xf32>, vector<1x128xf32>, vector<1x128xf32>, vector<1x128xf32>, vector<1x128xf32>, vector<1x128xf32>, vector<1x128xf32>, vector<1x128xf32> -> vector<8x128xf32>
      %mul3A_545 = vector.broadcast %get3A_1 : vector<1x128xf32> to vector<8x128xf32>
      %mul3A_546 = arith.mulf %concatenate3A_544, %mul3A_545 : vector<8x128xf32>
      %add3A_547 = vector.broadcast %get3A_4 : vector<1x128xf32> to vector<8x128xf32>
      %add3A_548 = arith.addf %mul3A_546, %add3A_547 : vector<8x128xf32>
      %max3A_549 = arith.constant 0.000000e+00 : f32
      %max3A_550 = vector.broadcast %max3A_549 : f32 to vector<8x128xf32>
      %max3A_551 = arith.maximumf %add3A_548, %max3A_550 : vector<8x128xf32>
      %get3A_552 = arith.constant 6 : index
      %get3A_553 = arith.constant 0 : index
      %get3A_554 = vector.load %arg3[%get3A_552, %get3A_553] : memref<12x128xf32, #tpu.memory_space<vmem>>, vector<1x128xf32>
      %mul3A_555 = vector.broadcast %get3A_554 : vector<1x128xf32> to vector<8x128xf32>
      %mul3A_556 = arith.mulf %max3A_551, %mul3A_555 : vector<8x128xf32>
      %add3A_557 = arith.addf %add3A_479, %mul3A_556 : vector<8x128xf32>
      %add3A_558 = arith.constant 0 : i32
      %add3A_559 = arith.addi %multiple_of3A, %add3A_558 : i32
      %get3A_560 = arith.index_cast %add3A_559 : i32 to index
      %get3A_561 = arith.constant 7 : index
      %get3A_562 = memref.load %arg1[%get3A_560, %get3A_561] : memref<512x9xi32, #tpu.memory_space<smem>>
      %get3A_563 = arith.index_cast %get3A_562 : i32 to index
      %get3A_564 = arith.constant 0 : index
      %get3A_565 = vector.load %arg2[%get3A_563, %get3A_564] : memref<50000x128xf32, #tpu.memory_space<vmem>>, vector<1x128xf32>
      %add3A_566 = arith.constant 1 : i32
      %add3A_567 = arith.addi %multiple_of3A, %add3A_566 : i32
      %get3A_568 = arith.index_cast %add3A_567 : i32 to index
      %get3A_569 = arith.constant 7 : index
      %get3A_570 = memref.load %arg1[%get3A_568, %get3A_569] : memref<512x9xi32, #tpu.memory_space<smem>>
      %get3A_571 = arith.index_cast %get3A_570 : i32 to index
      %get3A_572 = arith.constant 0 : index
      %get3A_573 = vector.load %arg2[%get3A_571, %get3A_572] : memref<50000x128xf32, #tpu.memory_space<vmem>>, vector<1x128xf32>
      %add3A_574 = arith.constant 2 : i32
      %add3A_575 = arith.addi %multiple_of3A, %add3A_574 : i32
      %get3A_576 = arith.index_cast %add3A_575 : i32 to index
      %get3A_577 = arith.constant 7 : index
      %get3A_578 = memref.load %arg1[%get3A_576, %get3A_577] : memref<512x9xi32, #tpu.memory_space<smem>>
      %get3A_579 = arith.index_cast %get3A_578 : i32 to index
      %get3A_580 = arith.constant 0 : index
      %get3A_581 = vector.load %arg2[%get3A_579, %get3A_580] : memref<50000x128xf32, #tpu.memory_space<vmem>>, vector<1x128xf32>
      %add3A_582 = arith.constant 3 : i32
      %add3A_583 = arith.addi %multiple_of3A, %add3A_582 : i32
      %get3A_584 = arith.index_cast %add3A_583 : i32 to index
      %get3A_585 = arith.constant 7 : index
      %get3A_586 = memref.load %arg1[%get3A_584, %get3A_585] : memref<512x9xi32, #tpu.memory_space<smem>>
      %get3A_587 = arith.index_cast %get3A_586 : i32 to index
      %get3A_588 = arith.constant 0 : index
      %get3A_589 = vector.load %arg2[%get3A_587, %get3A_588] : memref<50000x128xf32, #tpu.memory_space<vmem>>, vector<1x128xf32>
      %add3A_590 = arith.constant 4 : i32
      %add3A_591 = arith.addi %multiple_of3A, %add3A_590 : i32
      %get3A_592 = arith.index_cast %add3A_591 : i32 to index
      %get3A_593 = arith.constant 7 : index
      %get3A_594 = memref.load %arg1[%get3A_592, %get3A_593] : memref<512x9xi32, #tpu.memory_space<smem>>
      %get3A_595 = arith.index_cast %get3A_594 : i32 to index
      %get3A_596 = arith.constant 0 : index
      %get3A_597 = vector.load %arg2[%get3A_595, %get3A_596] : memref<50000x128xf32, #tpu.memory_space<vmem>>, vector<1x128xf32>
      %add3A_598 = arith.constant 5 : i32
      %add3A_599 = arith.addi %multiple_of3A, %add3A_598 : i32
      %get3A_600 = arith.index_cast %add3A_599 : i32 to index
      %get3A_601 = arith.constant 7 : index
      %get3A_602 = memref.load %arg1[%get3A_600, %get3A_601] : memref<512x9xi32, #tpu.memory_space<smem>>
      %get3A_603 = arith.index_cast %get3A_602 : i32 to index
      %get3A_604 = arith.constant 0 : index
      %get3A_605 = vector.load %arg2[%get3A_603, %get3A_604] : memref<50000x128xf32, #tpu.memory_space<vmem>>, vector<1x128xf32>
      %add3A_606 = arith.constant 6 : i32
      %add3A_607 = arith.addi %multiple_of3A, %add3A_606 : i32
      %get3A_608 = arith.index_cast %add3A_607 : i32 to index
      %get3A_609 = arith.constant 7 : index
      %get3A_610 = memref.load %arg1[%get3A_608, %get3A_609] : memref<512x9xi32, #tpu.memory_space<smem>>
      %get3A_611 = arith.index_cast %get3A_610 : i32 to index
      %get3A_612 = arith.constant 0 : index
      %get3A_613 = vector.load %arg2[%get3A_611, %get3A_612] : memref<50000x128xf32, #tpu.memory_space<vmem>>, vector<1x128xf32>
      %add3A_614 = arith.constant 7 : i32
      %add3A_615 = arith.addi %multiple_of3A, %add3A_614 : i32
      %get3A_616 = arith.index_cast %add3A_615 : i32 to index
      %get3A_617 = arith.constant 7 : index
      %get3A_618 = memref.load %arg1[%get3A_616, %get3A_617] : memref<512x9xi32, #tpu.memory_space<smem>>
      %get3A_619 = arith.index_cast %get3A_618 : i32 to index
      %get3A_620 = arith.constant 0 : index
      %get3A_621 = vector.load %arg2[%get3A_619, %get3A_620] : memref<50000x128xf32, #tpu.memory_space<vmem>>, vector<1x128xf32>
      %concatenate3A_622 = tpu.concatenate %get3A_565, %get3A_573, %get3A_581, %get3A_589, %get3A_597, %get3A_605, %get3A_613, %get3A_621 in 0 : vector<1x128xf32>, vector<1x128xf32>, vector<1x128xf32>, vector<1x128xf32>, vector<1x128xf32>, vector<1x128xf32>, vector<1x128xf32>, vector<1x128xf32> -> vector<8x128xf32>
      %mul3A_623 = vector.broadcast %get3A_1 : vector<1x128xf32> to vector<8x128xf32>
      %mul3A_624 = arith.mulf %concatenate3A_622, %mul3A_623 : vector<8x128xf32>
      %add3A_625 = vector.broadcast %get3A_4 : vector<1x128xf32> to vector<8x128xf32>
      %add3A_626 = arith.addf %mul3A_624, %add3A_625 : vector<8x128xf32>
      %max3A_627 = arith.constant 0.000000e+00 : f32
      %max3A_628 = vector.broadcast %max3A_627 : f32 to vector<8x128xf32>
      %max3A_629 = arith.maximumf %add3A_626, %max3A_628 : vector<8x128xf32>
      %get3A_630 = arith.constant 7 : index
      %get3A_631 = arith.constant 0 : index
      %get3A_632 = vector.load %arg3[%get3A_630, %get3A_631] : memref<12x128xf32, #tpu.memory_space<vmem>>, vector<1x128xf32>
      %mul3A_633 = vector.broadcast %get3A_632 : vector<1x128xf32> to vector<8x128xf32>
      %mul3A_634 = arith.mulf %max3A_629, %mul3A_633 : vector<8x128xf32>
      %add3A_635 = arith.addf %add3A_557, %mul3A_634 : vector<8x128xf32>
      %add3A_636 = arith.constant 0 : i32
      %add3A_637 = arith.addi %multiple_of3A, %add3A_636 : i32
      %get3A_638 = arith.index_cast %add3A_637 : i32 to index
      %get3A_639 = arith.constant 8 : index
      %get3A_640 = memref.load %arg1[%get3A_638, %get3A_639] : memref<512x9xi32, #tpu.memory_space<smem>>
      %get3A_641 = arith.index_cast %get3A_640 : i32 to index
      %get3A_642 = arith.constant 0 : index
      %get3A_643 = vector.load %arg2[%get3A_641, %get3A_642] : memref<50000x128xf32, #tpu.memory_space<vmem>>, vector<1x128xf32>
      %add3A_644 = arith.constant 1 : i32
      %add3A_645 = arith.addi %multiple_of3A, %add3A_644 : i32
      %get3A_646 = arith.index_cast %add3A_645 : i32 to index
      %get3A_647 = arith.constant 8 : index
      %get3A_648 = memref.load %arg1[%get3A_646, %get3A_647] : memref<512x9xi32, #tpu.memory_space<smem>>
      %get3A_649 = arith.index_cast %get3A_648 : i32 to index
      %get3A_650 = arith.constant 0 : index
      %get3A_651 = vector.load %arg2[%get3A_649, %get3A_650] : memref<50000x128xf32, #tpu.memory_space<vmem>>, vector<1x128xf32>
      %add3A_652 = arith.constant 2 : i32
      %add3A_653 = arith.addi %multiple_of3A, %add3A_652 : i32
      %get3A_654 = arith.index_cast %add3A_653 : i32 to index
      %get3A_655 = arith.constant 8 : index
      %get3A_656 = memref.load %arg1[%get3A_654, %get3A_655] : memref<512x9xi32, #tpu.memory_space<smem>>
      %get3A_657 = arith.index_cast %get3A_656 : i32 to index
      %get3A_658 = arith.constant 0 : index
      %get3A_659 = vector.load %arg2[%get3A_657, %get3A_658] : memref<50000x128xf32, #tpu.memory_space<vmem>>, vector<1x128xf32>
      %add3A_660 = arith.constant 3 : i32
      %add3A_661 = arith.addi %multiple_of3A, %add3A_660 : i32
      %get3A_662 = arith.index_cast %add3A_661 : i32 to index
      %get3A_663 = arith.constant 8 : index
      %get3A_664 = memref.load %arg1[%get3A_662, %get3A_663] : memref<512x9xi32, #tpu.memory_space<smem>>
      %get3A_665 = arith.index_cast %get3A_664 : i32 to index
      %get3A_666 = arith.constant 0 : index
      %get3A_667 = vector.load %arg2[%get3A_665, %get3A_666] : memref<50000x128xf32, #tpu.memory_space<vmem>>, vector<1x128xf32>
      %add3A_668 = arith.constant 4 : i32
      %add3A_669 = arith.addi %multiple_of3A, %add3A_668 : i32
      %get3A_670 = arith.index_cast %add3A_669 : i32 to index
      %get3A_671 = arith.constant 8 : index
      %get3A_672 = memref.load %arg1[%get3A_670, %get3A_671] : memref<512x9xi32, #tpu.memory_space<smem>>
      %get3A_673 = arith.index_cast %get3A_672 : i32 to index
      %get3A_674 = arith.constant 0 : index
      %get3A_675 = vector.load %arg2[%get3A_673, %get3A_674] : memref<50000x128xf32, #tpu.memory_space<vmem>>, vector<1x128xf32>
      %add3A_676 = arith.constant 5 : i32
      %add3A_677 = arith.addi %multiple_of3A, %add3A_676 : i32
      %get3A_678 = arith.index_cast %add3A_677 : i32 to index
      %get3A_679 = arith.constant 8 : index
      %get3A_680 = memref.load %arg1[%get3A_678, %get3A_679] : memref<512x9xi32, #tpu.memory_space<smem>>
      %get3A_681 = arith.index_cast %get3A_680 : i32 to index
      %get3A_682 = arith.constant 0 : index
      %get3A_683 = vector.load %arg2[%get3A_681, %get3A_682] : memref<50000x128xf32, #tpu.memory_space<vmem>>, vector<1x128xf32>
      %add3A_684 = arith.constant 6 : i32
      %add3A_685 = arith.addi %multiple_of3A, %add3A_684 : i32
      %get3A_686 = arith.index_cast %add3A_685 : i32 to index
      %get3A_687 = arith.constant 8 : index
      %get3A_688 = memref.load %arg1[%get3A_686, %get3A_687] : memref<512x9xi32, #tpu.memory_space<smem>>
      %get3A_689 = arith.index_cast %get3A_688 : i32 to index
      %get3A_690 = arith.constant 0 : index
      %get3A_691 = vector.load %arg2[%get3A_689, %get3A_690] : memref<50000x128xf32, #tpu.memory_space<vmem>>, vector<1x128xf32>
      %add3A_692 = arith.constant 7 : i32
      %add3A_693 = arith.addi %multiple_of3A, %add3A_692 : i32
      %get3A_694 = arith.index_cast %add3A_693 : i32 to index
      %get3A_695 = arith.constant 8 : index
      %get3A_696 = memref.load %arg1[%get3A_694, %get3A_695] : memref<512x9xi32, #tpu.memory_space<smem>>
      %get3A_697 = arith.index_cast %get3A_696 : i32 to index
      %get3A_698 = arith.constant 0 : index
      %get3A_699 = vector.load %arg2[%get3A_697, %get3A_698] : memref<50000x128xf32, #tpu.memory_space<vmem>>, vector<1x128xf32>
      %concatenate3A_700 = tpu.concatenate %get3A_643, %get3A_651, %get3A_659, %get3A_667, %get3A_675, %get3A_683, %get3A_691, %get3A_699 in 0 : vector<1x128xf32>, vector<1x128xf32>, vector<1x128xf32>, vector<1x128xf32>, vector<1x128xf32>, vector<1x128xf32>, vector<1x128xf32>, vector<1x128xf32> -> vector<8x128xf32>
      %mul3A_701 = vector.broadcast %get3A_1 : vector<1x128xf32> to vector<8x128xf32>
      %mul3A_702 = arith.mulf %concatenate3A_700, %mul3A_701 : vector<8x128xf32>
      %add3A_703 = vector.broadcast %get3A_4 : vector<1x128xf32> to vector<8x128xf32>
      %add3A_704 = arith.addf %mul3A_702, %add3A_703 : vector<8x128xf32>
      %max3A_705 = arith.constant 0.000000e+00 : f32
      %max3A_706 = vector.broadcast %max3A_705 : f32 to vector<8x128xf32>
      %max3A_707 = arith.maximumf %add3A_704, %max3A_706 : vector<8x128xf32>
      %get3A_708 = arith.constant 8 : index
      %get3A_709 = arith.constant 0 : index
      %get3A_710 = vector.load %arg3[%get3A_708, %get3A_709] : memref<12x128xf32, #tpu.memory_space<vmem>>, vector<1x128xf32>
      %mul3A_711 = vector.broadcast %get3A_710 : vector<1x128xf32> to vector<8x128xf32>
      %mul3A_712 = arith.mulf %max3A_707, %mul3A_711 : vector<8x128xf32>
      %add3A_713 = arith.addf %add3A_635, %mul3A_712 : vector<8x128xf32>
      %swap3A = arith.index_cast %multiple_of3A : i32 to index
      %swap3A_714 = arith.constant 0 : index
      %swap3A_715 = vector.load %arg4[%swap3A, %swap3A_714] : memref<512x128xf32, #tpu.memory_space<vmem>>, vector<8x128xf32>
      tpu.vector_store %arg4[%swap3A, %swap3A_714], %add3A_713 {strides = array<i32>} : memref<512x128xf32, #tpu.memory_space<vmem>>, vector<8x128xf32>,
    }
    %scan3A_8 = arith.constant 64 : i32
    return
  }
  func.func @transform_0(%arg0: i32) -> (i32, i32) {
    %c0_i32 = arith.constant 0 : i32
    %c0_i32_0 = arith.constant 0 : i32
    return %arg0, %c0_i32 : i32, i32
  }
  func.func @transform_1(%arg0: i32) -> (i32, i32) {
    %c0_i32 = arith.constant 0 : i32
    %c0_i32_0 = arith.constant 0 : i32
    %c0_i32_1 = arith.constant 0 : i32
    return %c0_i32, %c0_i32_0 : i32, i32
  }
  func.func @transform_2(%arg0: i32) -> (i32, i32) {
    %c0_i32 = arith.constant 0 : i32
    %c0_i32_0 = arith.constant 0 : i32
    %c0_i32_1 = arith.constant 0 : i32
    return %c0_i32, %c0_i32_0 : i32, i32
  }
  func.func @transform_3(%arg0: i32) -> (i32, i32) {
    %c0_i32 = arith.constant 0 : i32
    %c0_i32_0 = arith.constant 0 : i32
    return %arg0, %c0_i32 : i32, i32
  }
}

</mosaic_0001>

<sc_bundles>
// kernel: kernel.5.cloned.1.call-start
scs
__scs_entry_jumppad:
0x0: {  	(pc) =	sbr.rel $0x88, $3  }
0x1: {  	(tag) =	ssettag $0x0;
	lr =	simm.s32 $0x1  }
0x2: {  	[smem:$0x3F9B] =	sst lr;
	_ =	strace $0xD0000000  }
0x3: {  	_ = 	snop  }
0x4: {  	_ = 	snop  }
0x5: {  	_ = 	snop  }
0x6: {  	_ = 	snop  }
0x7: {  	_ = 	snop  }
__scs_overlays_trampoline_lowered:
0x8: {  	[smem:$0x3FAA] =	sst s0  }
0x9: {  	[smem:$0x3FAB] =	sst s1  }
0xa: {  	[smem:$0x3FAC] =	sst s2  }
0xb: {  	[smem:$0x3FAD] =	sst s3  }
0xc: {  	[smem:$0x3FAE] =	sst s4  }
0xd: {  	[smem:$0x3FAF] =	sst s5  }
0xe: {  	[smem:$0x3FB0] =	sst s6  }
0xf: {  	[smem:$0x3FB1] =	sst s7  }
0x10: {  	[smem:$0x3FB2] =	sst s8  }
0x11: {  	[smem:$0x3FB3] =	sst s9;
	s0 =	simm.s32 @!p0 $0x0  }
0x12: {  	s1 =	sld [smem:$0x3F99];
	s0 =	simm.s32 @p0 $0x1  }
0x13: {  	[smem:$0x3FB4] =	sst s0;
	s0 =	simm.s32 @!p1 $0x0  }
0x14: {  	s2 =	sld [smem:$0x3F98];
	s0 =	simm.s32 @p1 $0x1  }
0x15: {  	[smem:$0x3FB5] =	sst s0;
	s0 =	simm.s32 @!p2 $0x0  }
0x16: {  	s3 =	sld [smem:$0x3FDB];
	s0 =	simm.s32 @p2 $0x1  }
0x17: {  	s4 =	simm.s32 $0x1BF5;
	[smem:$0x3FB7] =	sst s0  }
0x18: {  	s0 =	sld [smem:$0x3F9A];
	_ =	swait.ge [sflag:s4], $0x0  }
0x19: {  	s7 =	sld [smem:$0x3F9B]  }
0x1a: {  	s8 =	sadd.s32 $0xFFFFE003, lr  }
0x1b: {  	s9 =	sadd.s32 $0xFFFFFEF7, lr;
	s5 =	simm.s32 $0xFFFFFFFF;
	p2 =	slt.u32 s8, $0xFFFFF086  }
0x1c: {  	p1 =	slt.u32 s9, $0xF7A;
	s5 =	simm.s32 @!p2 $0x0  }
0x1d: {  	s5 =	simm.s32 @p1 $0x1;
	p0 =	seq.s32 s7, s2  }
0x1e: {  	s7 =	smul.u32 @!p0 $0xF7A, s2;
	p2 =	seq.s32 @!p0 s5, $0x0  }
0x1f: {  	s9 =	smul.u32 $0xF7A, s1;
	s8 =	simm.s32 @!p0 $0x1BF5;
	p2 =	por !p2, p0  }
0x20: {  	[sflag:s8] =	ssyncset.s32 @!p0 $0xFFFFF086;
	s6 =	sadd.s32 @!p0 s3, s7;
	s7 =	simm.s32 @!p0 $0x108  }
0x21: {  	s3 =	sadd.s32 s3, s9;
	s6 =	sadd.s32 @!p0 $0x88, s6;
	s7 =	simm.s32 @p2 $0x1082  }
0x22: {  	[simem:s7], [sflag:s8] =	dma.local @!p0 [hbm:s6], $0xF7A  }
0x23: {  	s9 =	sor.u32 $0xD0000000, s2;
	s6 =	simm.s32 $0x108;
	_ =	swait.ge @!p0 [sflag:s8], $0x0  }
0x24: {  	s3 =	sadd.s32 $0x88, s3;
	s6 =	simm.s32 @!p1 $0x1082;
	[sflag:s4] =	ssyncset.s32 $0xFFFFF086  }
0x25: {  	[simem:s6], [sflag:s4] =	dma.local [hbm:s3], $0xF7A  }
0x26: {  	[smem:$0x3F9B] =	sst s1;
	(tag) =	ssettag s2;
	_ =	strace s9  }
0x27: {  	s1 =	sld [smem:$0x3FAB]  }
0x28: {  	s2 =	sld [smem:$0x3FAC]  }
0x29: {  	s4 =	sld [smem:$0x3FAE]  }
0x2a: {  	p0 =	seq.s32 s5, $0x0;
	s5 =	sld [smem:$0x3FAF]  }
0x2b: {  	s6 =	sld [smem:$0x3FB0]  }
0x2c: {  	s7 =	sld [smem:$0x3FB1]  }
0x2d: {  	s3 =	simm.s32 $0x108;
	s8 =	sld [smem:$0x3FB2]  }
0x2e: {  	s3 =	simm.s32 @!p0 $0x1082;
	s9 =	sld [smem:$0x3FB3]  }
0x2f: {  	lr =	sadd.s32 s0, s3;
	s0 =	sld [smem:$0x3FAA]  }
0x30: {  	s3 =	sld [smem:$0x3FAD]  }
0x31: {  	[smem:$0x3FB6] =	sst s10  }
0x32: {  	s10 =	sld [smem:$0x3FB4];
	_ =	sdelay $0x3  }
0x33: {  	p0 =	seq.s32 s10, $0x1;
	s10 =	sld [smem:$0x3FB6];
	_ =	sdelay $0x3  }
0x34: {  	[smem:$0x3FB6] =	sst s10  }
0x35: {  	s10 =	sld [smem:$0x3FB5];
	_ =	sdelay $0x3  }
0x36: {  	p1 =	seq.s32 s10, $0x1;
	s10 =	sld [smem:$0x3FB6];
	_ =	sdelay $0x3  }
0x37: {  	[smem:$0x3FB6] =	sst s10  }
0x38: {  	s10 =	sld [smem:$0x3FB7]  }
0x39: {  	_ = 	snop;
	(pc) =	sbr.ind lr, $3  }
0x3a: {  	_ = 	snop  }
0x3b: {  	_ = 	snop  }
0x3c: {  	p2 =	seq.s32 s10, $0x1;
	s10 =	sld [smem:$0x3FB6]  }
0x3d: {  	_ =	shalt  }
0x3e: {  	_ =	shalt  }
0x3f: {  	_ =	shalt  }
0x40: {  	_ =	shalt  }
0x41: {  	_ =	shalt  }
0x42: {  	_ =	shalt  }
0x43: {  	_ =	shalt  }
0x44: {  	_ =	shalt  }
0x45: {  	_ =	shalt  }
0x46: {  	_ =	shalt  }
0x47: {  	_ =	shalt  }
0x48: {  	_ =	shalt  }
0x49: {  	_ =	shalt  }
0x4a: {  	_ =	shalt  }
0x4b: {  	_ =	shalt  }
0x4c: {  	_ =	shalt  }
0x4d: {  	_ =	shalt  }
0x4e: {  	_ =	shalt  }
0x4f: {  	_ =	shalt  }
0x50: {  	_ =	shalt  }
0x51: {  	_ =	shalt  }
0x52: {  	_ =	shalt  }
0x53: {  	_ =	shalt  }
0x54: {  	_ =	shalt  }
0x55: {  	_ =	shalt  }
0x56: {  	_ =	shalt  }
0x57: {  	_ =	shalt  }
0x58: {  	_ =	shalt  }
0x59: {  	_ =	shalt  }
0x5a: {  	_ =	shalt  }
0x5b: {  	_ =	shalt  }
0x5c: {  	_ =	shalt  }
0x5d: {  	_ =	shalt  }
0x5e: {  	_ =	shalt  }
0x5f: {  	_ =	shalt  }
0x60: {  	_ =	shalt  }
0x61: {  	_ =	shalt  }
0x62: {  	_ =	shalt  }
0x63: {  	_ =	shalt  }
0x64: {  	_ =	shalt  }
0x65: {  	_ =	shalt  }
0x66: {  	_ =	shalt  }
0x67: {  	_ =	shalt  }
0x68: {  	_ =	shalt  }
0x69: {  	_ =	shalt  }
0x6a: {  	_ =	shalt  }
0x6b: {  	_ =	shalt  }
0x6c: {  	_ =	shalt  }
0x6d: {  	_ =	shalt  }
0x6e: {  	_ =	shalt  }
0x6f: {  	_ =	shalt  }
0x70: {  	_ =	shalt  }
0x71: {  	_ =	shalt  }
0x72: {  	_ =	shalt  }
0x73: {  	_ =	shalt  }
0x74: {  	_ =	shalt  }
0x75: {  	_ =	shalt  }
0x76: {  	_ =	shalt  }
0x77: {  	_ =	shalt  }
0x78: {  	_ =	shalt  }
0x79: {  	_ =	shalt  }
0x7a: {  	_ =	shalt  }
0x7b: {  	_ =	shalt  }
0x7c: {  	_ =	shalt  }
0x7d: {  	_ =	shalt  }
0x7e: {  	_ =	shalt  }
0x7f: {  	_ =	shalt  }
0x80: {  	_ =	shalt  }
0x81: {  	_ =	shalt  }
0x82: {  	_ =	shalt  }
0x83: {  	_ =	shalt  }
0x84: {  	_ =	shalt  }
0x85: {  	_ =	shalt  }
0x86: {  	_ =	shalt  }
0x87: {  	_ =	shalt  }
.Lfunc_end0:
.L_simem_size_0:
called_computation_lowered:
.L_overlay_start_0:
0x88: {  	s2 =	sld [smem:$0x3FD9]  }
0x89: {  	s3 =	sld [smem:$0x3FFE];
	_ =	sdelay $0x1  }
0x8a: {  	s1 =	srdreg.scid  }
0x8b: {  	s0 =	sand.u32 $0x1, s1  }
0x8c: {  	s17 =	sshll.u32 s0, $0xA;
	s2 =	sadd.s32 s3, s2  }
0x8d: {  	s2 =	sadd.s32 s2, s17  }
0x8e: {  	[smem:$0x3FC2] =	sst s2  }
0x8f: {  	_ = 	snop  }
0x90: {  	s2 =	sld [smem:$0x3FC9]  }
0x91: {  	s18 =	sld [smem:$0x3FD0];
	(tm) =	ssettm $0x1  }
0x92: {  	s4 =	sld [smem:$0x3FFB];
	_ =	sdelay $0x3  }
0x93: {  	_ =	strace s4  }
0x94: {  	s4 =	sld [smem:$0x3FFC];
	_ =	sdelay $0x3  }
0x95: {  	_ =	strace s4  }
0x96: {  	s4 =	sld [smem:$0x3FFD];
	_ =	sdelay $0x3  }
0x97: {  	_ =	strace s4  }
0x98: {  	_ =	strace $0x8FFFFFFF  }
0x99: {  	s19 =	sld [smem:$0x3FDB];
	_ =	sdelay $0x1  }
0x9a: {  	s5 =	simm.s32 $_scs_section_size  }
0x9b: {  	s6 =	simm.s32 $_size__tile_overlayer_lowered;
	s7 =	simm.s32 $_tile_overlayer_lowered  }
0x9c: {  	s22 =	simm.s32 $0x1BFF;
	s21 =	sshll.u32 s7, $0x1;
	s4 =	sadd.s32 s5, s19  }
0x9d: {  	s8 =	simm.s32 $0x0;
	s20 =	sshll.u32 s6, $0x1;
	s6 =	sadd.s32 s21, s4  }
0x9e: {  	[timem:s8], [sflag:s22] =	dma.local [hbm:s6], s20  }
0x9f: {  	_ =	swait.ge [sflag:s22], s20  }
0xa0: {  	s5 =	ssub.s32 $0x0, s20;
	[sflag:s22] =	ssyncset.done $0x0  }
0xa1: {  	[sflag:s22] =	ssyncadd.s32 s5;
	_ =	sdelay $0x1  }
0xa2: {  	s23 =	simm.s32 $0x1B8B  }
0xa3: {  	_ =	swait.ge [sflag:s23], $0x1  }
0xa4: {  	[sflag:s23] =	ssyncset.done $0x0  }
0xa5: {  	s25 =	simm.s32 $0x1B8E;
	s24 =	sld [smem:$0x3FFE];
	[sflag:s23] =	ssyncadd.s32 $0xFFFFFFFF  }
0xa6: {  	s26 =	simm.s32 $execute0_lowered;
	[smem:$0x3FD2] =	sst s25  }
0xa7: {  	s6 =	sshll.u32 s26, $0x1;
	_ =	strace $0x80000046;
	[dreg:$0x1] =	wrdreg $0xFFFFFFFF  }
0xa8: {  	s28 =	simm.s32 $_size_execute0_lowered;
	s4 =	sadd.s32 s4, s6;
	[dreg:$0x0] =	wrdreg $0x0  }
0xa9: {  	s6 =	sshll.u32 s28, $0x1;
	[dreg:$0x2] =	wrdreg s4  }
0xaa: {  	[dreg:$0x3] =	wrdreg s6  }
0xab: {  	[dreg:$0x4] =	wrdreg $0xC0  }
0xac: {  	_ =	task [dreg:s8], $0x5FFFF  }
0xad: {  	[dreg:$0x1] =	wrdreg $0xFFFFFFFF  }
0xae: {  	[dreg:$0x0] =	wrdreg $0x60  }
0xaf: {  	[dreg:$0x2] =	wrdreg s2  }
0xb0: {  	[dreg:$0x3] =	wrdreg s18  }
0xb1: {  	[dreg:$0x4] =	wrdreg s24  }
0xb2: {  	[dreg:$0x5] =	wrdreg $0x9  }
0xb3: {  	_ =	task.clear_ibuf [dreg:s8], $0x6FFFF;
	_ =	strace $0x90000046  }
0xb4: {  	s29 =	simm.s32 $0x9;
	_ =	strace $0x80000048  }
0xb5: {  	_ =	swait.ge [sflag:s29], $0x1  }
0xb6: {  	[sflag:s29] =	ssyncadd.s32 $0xFFFFFFFF  }
0xb7: {  	_ =	strace $0x90000048  }
0xb8: {  	_ =	sfence  }
0xb9: {  	s30 =	sld [smem:$0x0];
	_ =	sdelay $0x2  }
0xba: {  	s31 =	sshll.u32 s1, $0xD;
	s1 =	sshrl.u32 s1, $0x2  }
0xbb: {  	s3 =	sand.u32 $0x4000, s31;
	s1 =	sadd.s32 s1, s30  }
0xbc: {  	s0 =	sor.u32 s3, s0;
	s1 =	sshll.u32 s1, $0x11  }
0xbd: {  	s0 =	sor.u32 s1, s0  }
0xbe: {  	s0 =	sadd.s32 $0x8F2B, s0  }
0xbf: {  	[sflag:s0] =	ssyncadd.remote.s32 $0x1  }
0xc0: {  	_ =	sfence.sel $0xFFFF  }
0xc1: {  	[dreg:$0x0] =	wrdreg $0xFFFFFFFF;
	(pc) =	sbr.abs _section_cstart, $3  }
0xc2: {  	[dreg:$0x1] =	wrdreg $0xFFFFFFFF  }
0xc3: {  	_ =	task.clear_ibuf [dreg:s8], $0x2FFFF;
	_ =	strace $0x9FFFFFFF  }
0xc4: {  	(tm) =	ssettm $0x7FFFFFFF  }
0xc5: {  	_ =	shalt  }
tec
execute0_lowered:
.L_overlay_start_1:
0x0: {  	(tag) =	ssettag $0x1  }
0x1: {  	s1 =	rddreg [dreg:$0x0]  }
0x2: {  	s0 =	rddreg [dreg:$0x1]  }
0x3: {  	s5 =	rddreg [dreg:$0x2];
	s3 =	simm.s32 $0x0;
	s4 =	srdreg.scid  }
0x4: {  	s2 =	stileid.u32;
	s10 =	simm.s32 $0x5;
	s11 =	simm.s32 $0x80  }
0x5: {  	s12 =	simm.s32 $0x2000;
	s13 =	simm.s32 $0x6000;
	s14 =	simm.s32 $0x3  }
0x6: {  	s15 =	simm.s32 $0x4;
	s16 =	simm.s32 $0x2;
	s17 =	simm.s32 $0x0  }
0x7: {  	[smem:$0x7FF] =	sst s3;
	s6 =	sand.u32 $0x1, s4;
	s8 =	sshll.u32 s2, $0x1  }
0x8: {  	s4 =	sadd.s32 $0x600, s5;
	s5 =	sadd.s32 $0x800, s5;
	s7 =	ssub.s32 $0x2, s6  }
0x9: {  	_ =	strace $0x80000047;
	s6 =	sor.u32 s6, s8;
	s9 =	sshrl.u32 s7, $0x1  }
0xa: {  	s31 =	sshll.u32 s6, $0xA;
	s6 =	smul.u32 $0x380, s6;
	s30 =	ssub.s32 s7, s9  }
0xb: {  	s7 =	sadd.s32 s0, s31;
	s9 =	simm.s32 $0x12000;
	s8 =	smax.u32 s30, $0x1  }
.LBB2_1:
0xc: {  	[tilespmem:s9], [sflag:$0x5] =	stream.linear.gather [hbm4b:s4+s3], $0x600, $0x38;
	[tilespmem:$0x16000] =	vst v63  }
0xd: {  	_ =	swait.ge [sflag:s10], $0x600  }
0xe: {  	[sflag:s10] =	ssyncset.done $0x0  }
0xf: {  	[sflag:s10] =	ssyncadd.s32 $0xFFFFFA00  }
0x10: {  	[tilespmem:s3], [sflag:$0x5] =	stream.linear.gather [hbm4b:s7+s3], $0x2000, $0x38;
	[tilespmem:$0x16000] =	vst v63  }
0x11: {  	_ =	swait.ge [sflag:s10], $0x2000  }
0x12: {  	[sflag:s10] =	ssyncset.done $0x0  }
0x13: {  	[sflag:s10] =	ssyncadd.s32 $0xFFFFE000  }
0x14: {  	[tilespmem:s12], [sflag:$0x1] =	stream.indirect.gather [hbm4b:s1+s11], $0x80, s3, s11, $0xb8;
	[tilespmem:$0x16000] =	vst v63  }
0x15: {  	p0 =	por $0x0, $0x0;
	s18 =	simm.s32 $0x0  }
0x16: {  	[tilespmem:s13], [sflag:$0x1] =	stream.indirect.gather [hbm4b:s1+s11], $0x80, s11, s11, $0xb8;
	[tilespmem:$0x16000] =	vst v63  }
.LBB2_2:
0x17: {  	s0 =	sand.u32 $0x1, s18  }
0x18: {  	p1 =	seq.s32 s0, $0x1  }
0x19: {  	s19 =	sshll.u32 @!p1 s18, $0x8  }
0x1a: {  	s21 =	simm.s32 @!p1 $0x80;
	s19 =	sand.u32 @!p1 $0x3FFFFF00, s19  }
0x1b: {  	s22 =	simm.s32 @!p1 $0xA000;
	p2 =	seq.s32 @!p1 s0, $0x0;
	s20 =	sadd.s32 @!p1 $0x100, s19  }
0x1c: {  	[tilespmem:s22], [sflag:$0x2] =	stream.indirect.gather @!p1 [hbm4b:s1+s21], $0x80, s20, s21, $0xb8;
	[tilespmem:$0x16000] =	vst v63  }
0x1d: {  	p2 =	por p1, !p2;
	s19 =	sadd.s32 @!p1 $0x180, s19;
	s20 =	simm.s32 @!p1 $0xE000  }
0x1e: {  	[tilespmem:s20], [sflag:$0x2] =	stream.indirect.gather @!p1 [hbm4b:s1+s21], $0x80, s19, s21, $0xb8;
	[tilespmem:$0x16000] =	vst v63  }
.Ltmp0:
0x1f: {  	_ = 	snop;
	(pc) =	sbr.rel @!p2 .LBB2_4-.Ltmp0, $4  }
0x20: {  	s19 =	simm.s32 @!p1 $0x1  }
0x21: {  	_ =	swait.ge @!p1 [sflag:s19], $0x8000  }
0x22: {  	[sflag:s19] =	ssyncset.done @!p1 $0x0  }
0x23: {  	[sflag:s19] =	ssyncadd.s32 @!p1 $0xFFFF8000  }
0x24: {  	p1 =	seq.s32 s18, $0x1F  }
0x25: {  	s0 =	sshll.u32 @!p1 s18, $0x8  }
0x26: {  	s0 =	sand.u32 @!p1 $0x3FFFFF00, s0  }
0x27: {  	s20 =	simm.s32 @!p1 $0x80;
	s21 =	simm.s32 @!p1 $0x2000;
	s19 =	sadd.s32 @!p1 $0x100, s0  }
0x28: {  	[tilespmem:s21], [sflag:$0x1] =	stream.indirect.gather @!p1 [hbm4b:s1+s20], $0x80, s19, s20, $0xb8;
	[tilespmem:$0x16000] =	vst v63  }
0x29: {  	s0 =	sadd.s32 @!p1 $0x180, s0;
	s19 =	simm.s32 @!p1 $0x6000  }
0x2a: {  	[tilespmem:s19], [sflag:$0x1] =	stream.indirect.gather @!p1 [hbm4b:s1+s20], $0x80, s0, s20, $0xb8;
	[tilespmem:$0x16000] =	vst v63  }
0x2b: {  	_ =	swait.ge [sflag:s16], $0x8000  }
0x2c: {  	[sflag:s16] =	ssyncset.done $0x0  }
0x2d: {  	[sflag:s16] =	ssyncadd.s32 $0xFFFF8000  }
.LBB2_4:
0x2e: {  	s19 =	sand.u32 $0x3, s18;
	p1 =	slt.u32 s18, $0x4  }
0x2f: {  	p2 =	seq.s32 @!p1 s19, $0x0  }
0x30: {  	p1 =	por p1, !p2  }
0x31: {  	p2 =	slt.u32 @p1 s18, $0x6  }
0x32: {  	p3 =	por p2, !p1  }
0x33: {  	p3 =	sne.s32 @!p3 s19, $0x2  }
0x34: {  	p2 =	por @p1 p2, p3  }
0x35: {  	p2 =	por !p1, !p2  }
.Ltmp1:
0x36: {  	_ = 	snop;
	(pc) =	sbr.rel @!p2 .LBB2_6-.Ltmp1, $1  }
0x37: {  	_ =	sdelay $0x3  }
0x38: {  	s0 =	simm.s32 $0x3  }
0x39: {  	s0 =	simm.s32 @p1 $0x4  }
0x3a: {  	_ =	swait.ge [sflag:s0], $0x1C00  }
0x3b: {  	[sflag:s0] =	ssyncset.done $0x0  }
0x3c: {  	[sflag:s0] =	ssyncadd.s32 $0xFFFFE400  }
.LBB2_6:
0x3d: {  	v12 =	vld [tilespmem:$0x12000]  }
0x3e: {  	v11 =	vld [tilespmem:$0x12080]  }
0x3f: {  	v8 =	vld [tilespmem:$0x12100]  }
0x40: {  	v7 =	vld [tilespmem:$0x12180]  }
0x41: {  	v6 =	vld [tilespmem:$0x12200]  }
0x42: {  	s0 =	simm.s32 $0x1;
	s20 =	sshll.u32 s18, $0x1E;
	v5 =	vld [tilespmem:$0x12280]  }
0x43: {  	v3 =	vld [tilespmem:$0x12300];
	s0 =	simm.s32 @!p0 $0x0;
	s20 =	sshra.s32 s20, $0x1F  }
0x44: {  	v2 =	vld [tilespmem:$0x12380];
	s23 =	smul.u32 $0x3800, s0;
	s0 =	sshll.u32 s0, $0xF;
	s20 =	sand.u32 $0x1C00, s20  }
0x45: {  	v4 =	vld [tilespmem:$0x12400];
	s29 =	simm.s32 $0x0;
	s30 =	sor.u32 $0x2000, s0;
	s20 =	sshll.u32 s20, $0x2  }
0x46: {  	v9 =	vld [tilespmem:$0x12480];
	s21 =	sor.u32 $0x2270, s0;
	s22 =	sor.u32 $0x2260, s0;
	s20 =	sadd.s32 s20, s23  }
0x47: {  	v10 =	vld [tilespmem:$0x12500];
	s24 =	sor.u32 $0x2240, s0;
	s25 =	sor.u32 $0x2230, s0;
	s20 =	sshrl.u32 s20, $0x2  }
0x48: {  	v13 =	vld [tilespmem:$0x12580];
	s26 =	sor.u32 $0x2220, s0;
	s31 =	sor.u32 $0x2200, s0;
	s2 =	sadd.s32 $0x12800, s20  }
0x49: {  	s28 =	sor.u32 $0x2210, s0;
	s23 =	sor.u32 $0x2250, s0;
	v0 =	vld [tilespmem:s31+$0xFFFFFE00];
	s0 =	simm.s32 $0x200;
	v1 =	vmov s2  }
.LBB2_7:
0x4a: {  	p1 =	seq.s32 s0, $0x1A00  }
0x4b: {  	v14 =	vld [tilespmem:s31+$0xFFFFFE80];
	_ =	sdelay $0x1  }
0x4c: {  	v15 =	vld [tilespmem:s31+$0xFFFFFF00]  }
0x4d: {  	v0 =	vmul.f32 v0, v9  }
0x4e: {  	v16 =	vld [tilespmem:s31+$0xFFFFFF80]  }
0x4f: {  	v0 =	vadd.f32 v0, v10;
	v14 =	vmul.f32 v14, v9  }
0x50: {  	v17 =	vld [tilespmem:s31+$0x0]  }
0x51: {  	v0 =	vmax.f32 v0, $0.0e+00;
	v14 =	vadd.f32 v14, v10;
	v15 =	vmul.f32 v15, v9  }
0x52: {  	v0 =	vmul.f32 v0, v12;
	v18 =	vld [tilespmem:s31+$0x80]  }
0x53: {  	v14 =	vmax.f32 v14, $0.0e+00;
	v15 =	vadd.f32 v15, v10;
	v16 =	vmul.f32 v16, v9  }
0x54: {  	v0 =	vadd.f32 v0, v13;
	v14 =	vmul.f32 v14, v11;
	v19 =	vld [tilespmem:s31+$0x100]  }
0x55: {  	v15 =	vmax.f32 v15, $0.0e+00;
	v16 =	vadd.f32 v16, v10;
	v17 =	vmul.f32 v17, v9  }
0x56: {  	v0 =	vadd.f32 v14, v0;
	v14 =	vmul.f32 v15, v8;
	v15 =	vld [tilespmem:s31+$0x180]  }
0x57: {  	v16 =	vmax.f32 v16, $0.0e+00;
	v17 =	vadd.f32 v17, v10;
	v18 =	vmul.f32 v18, v9  }
0x58: {  	v0 =	vadd.f32 v14, v0;
	v14 =	vmul.f32 v16, v7;
	v16 =	vld [tilespmem:s31+$0x200]  }
0x59: {  	v17 =	vmax.f32 v17, $0.0e+00;
	v18 =	vadd.f32 v18, v10;
	v19 =	vmul.f32 v19, v9  }
0x5a: {  	v0 =	vadd.f32 v14, v0;
	v14 =	vmul.f32 v17, v6  }
0x5b: {  	v17 =	vmax.f32 v18, $0.0e+00;
	v18 =	vadd.f32 v19, v10;
	v15 =	vmul.f32 v15, v9  }
0x5c: {  	v0 =	vadd.f32 v14, v0;
	v14 =	vmul.f32 v17, v5  }
0x5d: {  	v17 =	vmax.f32 v18, $0.0e+00;
	v15 =	vadd.f32 v15, v10;
	v16 =	vmul.f32 v16, v9  }
0x5e: {  	v0 =	vadd.f32 v14, v0;
	v14 =	vmul.f32 v17, v3  }
0x5f: {  	v15 =	vmax.f32 v15, $0.0e+00;
	v16 =	vadd.f32 v16, v10  }
0x60: {  	v0 =	vadd.f32 v14, v0;
	v14 =	vmul.f32 v15, v2  }
0x61: {  	v15 =	vmax.f32 v16, $0.0e+00  }
0x62: {  	v0 =	vadd.f32 v14, v0;
	v14 =	vmul.f32 v15, v4  }
.Ltmp2:
0x63: {  	(pc) =	sbr.rel @!p1 .LBB2_7-.Ltmp2, $4  }
0x64: {  	v0 =	vadd.f32 v14, v0  }
0x65: {  	s2 =	sshra.s32 s29, $0x2;
	s29 =	smov.u32 s0  }
0x66: {  	s31 =	sadd.s32 $0x480, s31;
	[tilespmem:v1+s2+$0x0 ss:$0x1] =	vst.idx.msk $0xffff, v0  }
0x67: {  	s0 =	sadd.s32 $0x200, s0;
	v0 =	vld [tilespmem:s31+$0xFFFFFE00]  }
0x68: {  	_ = 	snop  }
0x69: {  	v14 =	vld [tilespmem:s31+$0xFFFFFE80];
	_ =	sdelay $0x1  }
0x6a: {  	v15 =	vld [tilespmem:s31+$0xFFFFFF00]  }
0x6b: {  	v0 =	vmul.f32 v0, v9  }
0x6c: {  	v16 =	vld [tilespmem:s31+$0xFFFFFF80]  }
0x6d: {  	v14 =	vmul.f32 v14, v9;
	v0 =	vadd.f32 v0, v10  }
0x6e: {  	v17 =	vld [tilespmem:s31+$0x0]  }
0x6f: {  	v15 =	vmul.f32 v15, v9;
	v14 =	vadd.f32 v14, v10;
	v0 =	vmax.f32 v0, $0.0e+00  }
0x70: {  	v18 =	vld [tilespmem:s31+$0x80];
	v0 =	vmul.f32 v0, v12  }
0x71: {  	v16 =	vmul.f32 v16, v9;
	v15 =	vadd.f32 v15, v10;
	v14 =	vmax.f32 v14, $0.0e+00  }
0x72: {  	v19 =	vld [tilespmem:s31+$0x100];
	v14 =	vmul.f32 v14, v11;
	v0 =	vadd.f32 v0, v13  }
0x73: {  	v17 =	vmul.f32 v17, v9;
	v16 =	vadd.f32 v16, v10;
	v15 =	vmax.f32 v15, $0.0e+00  }
0x74: {  	v0 =	vadd.f32 v14, v0;
	v14 =	vmul.f32 v15, v8;
	v15 =	vld [tilespmem:s31+$0x180]  }
0x75: {  	v18 =	vmul.f32 v18, v9;
	v17 =	vadd.f32 v17, v10;
	v16 =	vmax.f32 v16, $0.0e+00  }
0x76: {  	v40 =	vld [tilespmem:s31+$0x200];
	v0 =	vadd.f32 v14, v0;
	v14 =	vmul.f32 v16, v7  }
0x77: {  	v19 =	vmul.f32 v19, v9;
	v18 =	vadd.f32 v18, v10;
	v17 =	vmax.f32 v17, $0.0e+00  }
0x78: {  	v0 =	vadd.f32 v14, v0;
	v14 =	vmul.f32 v17, v6  }
0x79: {  	v42 =	vadd.f32 v19, v10;
	v41 =	vmax.f32 v18, $0.0e+00;
	v15 =	vmul.f32 v15, v9  }
0x7a: {  	v0 =	vadd.f32 v14, v0;
	v14 =	vmul.f32 v41, v5  }
0x7b: {  	v43 =	vmax.f32 v42, $0.0e+00;
	v16 =	vmul.f32 v40, v9;
	v15 =	vadd.f32 v15, v10  }
0x7c: {  	v0 =	vadd.f32 v14, v0;
	v14 =	vmul.f32 v43, v3  }
0x7d: {  	v16 =	vadd.f32 v16, v10;
	v15 =	vmax.f32 v15, $0.0e+00  }
0x7e: {  	v0 =	vadd.f32 v14, v0;
	v14 =	vmul.f32 v15, v2  }
0x7f: {  	v15 =	vmax.f32 v16, $0.0e+00  }
0x80: {  	v0 =	vadd.f32 v14, v0;
	v14 =	vmul.f32 v15, v4;
	_ =	sdelay $0x1  }
0x81: {  	v0 =	vadd.f32 v14, v0  }
0x82: {  	s0 =	sshra.s32 s29, $0x2  }
0x83: {  	[tilespmem:v1+s0+$0x0 ss:$0x1] =	vst.idx.msk $0xffff, v0;
	v0 =	vmov s30;
	_ =	sdelay $0x3  }
0x84: {  	s31 =	simm.s32 $0x0  }
0x85: {  	v14 =	vld.idx.msk [tilespmem:v0+s31+$0x4000 ss:$0x1], $0xffff;
	_ =	sdelay $0x1  }
0x86: {  	v15 =	vld.idx.msk [tilespmem:v0+s31+$0x4080 ss:$0x1], $0xffff;
	_ =	sdelay $0x1  }
0x87: {  	v44 =	vld.idx.msk [tilespmem:v0+s31+$0x4100 ss:$0x1], $0xffff  }
0x88: {  	v14 =	vmul.f32 v14, v9  }
0x89: {  	v45 =	vld.idx.msk [tilespmem:v0+s31+$0x4180 ss:$0x1], $0xffff  }
0x8a: {  	v15 =	vmul.f32 v15, v9;
	v14 =	vadd.f32 v14, v10  }
0x8b: {  	v46 =	vld.idx.msk [tilespmem:v0+s31+$0x4200 ss:$0x1], $0xffff  }
0x8c: {  	v16 =	vmul.f32 v44, v9;
	v15 =	vadd.f32 v15, v10;
	v14 =	vmax.f32 v14, $0.0e+00  }
0x8d: {  	v47 =	vld.idx.msk [tilespmem:v0+s31+$0x4280 ss:$0x1], $0xffff;
	v14 =	vmul.f32 v14, v12  }
0x8e: {  	v17 =	vmul.f32 v45, v9;
	v16 =	vadd.f32 v16, v10;
	v15 =	vmax.f32 v15, $0.0e+00  }
0x8f: {  	v20 =	vld.idx.msk [tilespmem:v0+s31+$0x4300 ss:$0x1], $0xffff;
	v15 =	vmul.f32 v15, v11;
	v14 =	vadd.f32 v14, v13  }
0x90: {  	v18 =	vmul.f32 v46, v9;
	v17 =	vadd.f32 v17, v10;
	v16 =	vmax.f32 v16, $0.0e+00  }
0x91: {  	v21 =	vld.idx.msk [tilespmem:v0+s31+$0x4380 ss:$0x1], $0xffff;
	v14 =	vadd.f32 v15, v14;
	v15 =	vmul.f32 v16, v8  }
0x92: {  	v50 =	vmul.f32 v47, v9;
	v49 =	vadd.f32 v18, v10;
	v48 =	vmax.f32 v17, $0.0e+00  }
0x93: {  	v51 =	vld.idx.msk [tilespmem:v0+s31+$0x4400 ss:$0x1], $0xffff;
	v14 =	vadd.f32 v15, v14;
	v15 =	vmul.f32 v48, v7  }
0x94: {  	v54 =	vmul.f32 v20, v9;
	v53 =	vadd.f32 v50, v10;
	v52 =	vmax.f32 v49, $0.0e+00  }
0x95: {  	v14 =	vadd.f32 v15, v14;
	v15 =	vmul.f32 v52, v6  }
0x96: {  	v57 =	vmul.f32 v21, v9;
	v56 =	vadd.f32 v54, v10;
	v55 =	vmax.f32 v53, $0.0e+00  }
0x97: {  	v14 =	vadd.f32 v15, v14;
	v15 =	vmul.f32 v55, v5  }
0x98: {  	v60 =	vmul.f32 v51, v9;
	v59 =	vadd.f32 v57, v10;
	v58 =	vmax.f32 v56, $0.0e+00  }
0x99: {  	v14 =	vadd.f32 v15, v14;
	v15 =	vmul.f32 v58, v3  }
0x9a: {  	v62 =	vadd.f32 v60, v10;
	v61 =	vmax.f32 v59, $0.0e+00  }
0x9b: {  	v14 =	vadd.f32 v15, v14;
	v15 =	vmul.f32 v61, v2  }
0x9c: {  	v63 =	vmax.f32 v62, $0.0e+00  }
0x9d: {  	v14 =	vadd.f32 v15, v14;
	v15 =	vmul.f32 v63, v4;
	_ =	sdelay $0x1  }
0x9e: {  	v14 =	vadd.f32 v15, v14  }
0x9f: {  	s29 =	sadd.s32 $0x12F00, s20  }
0xa0: {  	s0 =	simm.s32 $0x480;
	s30 =	simm.s32 $0x2400;
	[tilespmem:s29+$0x0] =	vst v14  }
.LBB2_9:
0xa1: {  	p1 =	sne.s32 s30, $0xEA00;
	v14 =	vld.idx.msk [tilespmem:v0+s0+$0x4000 ss:$0x1], $0xffff;
	_ =	sdelay $0x1  }
0xa2: {  	v15 =	vld.idx.msk [tilespmem:v0+s0+$0x4080 ss:$0x1], $0xffff;
	_ =	sdelay $0x1  }
0xa3: {  	v16 =	vld.idx.msk [tilespmem:v0+s0+$0x4100 ss:$0x1], $0xffff;
	_ =	sdelay $0x1  }
0xa4: {  	v14 =	vmul.f32 v14, v9;
	v17 =	vld.idx.msk [tilespmem:v0+s0+$0x4180 ss:$0x1], $0xffff;
	_ =	sdelay $0x1  }
0xa5: {  	v14 =	vadd.f32 v14, v10;
	v15 =	vmul.f32 v15, v9;
	v18 =	vld.idx.msk [tilespmem:v0+s0+$0x4200 ss:$0x1], $0xffff;
	_ =	sdelay $0x1  }
0xa6: {  	v14 =	vmax.f32 v14, $0.0e+00;
	v15 =	vadd.f32 v15, v10;
	v16 =	vmul.f32 v16, v9;
	v19 =	vld.idx.msk [tilespmem:v0+s0+$0x4280 ss:$0x1], $0xffff  }
0xa7: {  	v14 =	vmul.f32 v14, v12  }
0xa8: {  	v15 =	vmax.f32 v15, $0.0e+00;
	v16 =	vadd.f32 v16, v10;
	v17 =	vmul.f32 v17, v9;
	v20 =	vld.idx.msk [tilespmem:v0+s0+$0x4300 ss:$0x1], $0xffff  }
0xa9: {  	v14 =	vadd.f32 v14, v13;
	v15 =	vmul.f32 v15, v11  }
0xaa: {  	v16 =	vmax.f32 v16, $0.0e+00;
	v17 =	vadd.f32 v17, v10;
	v18 =	vmul.f32 v18, v9;
	v21 =	vld.idx.msk [tilespmem:v0+s0+$0x4380 ss:$0x1], $0xffff  }
0xab: {  	v14 =	vadd.f32 v15, v14;
	v15 =	vmul.f32 v16, v8  }
0xac: {  	v16 =	vmax.f32 v17, $0.0e+00;
	v17 =	vadd.f32 v18, v10;
	v18 =	vmul.f32 v19, v9;
	v19 =	vld.idx.msk [tilespmem:v0+s0+$0x4400 ss:$0x1], $0xffff  }
0xad: {  	v14 =	vadd.f32 v15, v14;
	v15 =	vmul.f32 v16, v7  }
0xae: {  	v16 =	vmax.f32 v17, $0.0e+00;
	v17 =	vadd.f32 v18, v10;
	v18 =	vmul.f32 v20, v9  }
0xaf: {  	v14 =	vadd.f32 v15, v14;
	v15 =	vmul.f32 v16, v6  }
0xb0: {  	v16 =	vmax.f32 v17, $0.0e+00;
	v17 =	vadd.f32 v18, v10;
	v18 =	vmul.f32 v21, v9  }
0xb1: {  	v14 =	vadd.f32 v15, v14;
	v15 =	vmul.f32 v16, v5  }
0xb2: {  	v16 =	vmax.f32 v17, $0.0e+00;
	v17 =	vadd.f32 v18, v10;
	v18 =	vmul.f32 v19, v9  }
0xb3: {  	v14 =	vadd.f32 v15, v14;
	v15 =	vmul.f32 v16, v3  }
0xb4: {  	v16 =	vmax.f32 v17, $0.0e+00;
	v17 =	vadd.f32 v18, v10  }
0xb5: {  	v14 =	vadd.f32 v15, v14;
	v15 =	vmul.f32 v16, v2  }
0xb6: {  	v16 =	vmax.f32 v17, $0.0e+00  }
.Ltmp3:
0xb7: {  	v14 =	vadd.f32 v15, v14;
	v15 =	vmul.f32 v16, v4;
	(pc) =	sbr.rel @p1 .LBB2_9-.Ltmp3, $4  }
0xb8: {  	_ = 	snop  }
0xb9: {  	v14 =	vadd.f32 v15, v14  }
0xba: {  	s29 =	sadd.s32 $0x80, s29  }
0xbb: {  	s0 =	sshra.s32 s30, $0x2;
	s30 =	sadd.s32 $0x1200, s30;
	[tilespmem:s29+$0x0] =	vst v14  }
0xbc: {  	_ =	sdelay $0x3  }
0xbd: {  	v14 =	vld.idx.msk [tilespmem:v0+s0+$0x4000 ss:$0x1], $0xffff;
	_ =	sdelay $0x1  }
0xbe: {  	v15 =	vld.idx.msk [tilespmem:v0+s0+$0x4080 ss:$0x1], $0xffff;
	_ =	sdelay $0x1  }
0xbf: {  	v16 =	vld.idx.msk [tilespmem:v0+s0+$0x4100 ss:$0x1], $0xffff  }
0xc0: {  	v14 =	vmul.f32 v14, v9  }
0xc1: {  	v17 =	vld.idx.msk [tilespmem:v0+s0+$0x4180 ss:$0x1], $0xffff  }
0xc2: {  	v15 =	vmul.f32 v15, v9;
	v14 =	vadd.f32 v14, v10  }
0xc3: {  	v18 =	vld.idx.msk [tilespmem:v0+s0+$0x4200 ss:$0x1], $0xffff  }
0xc4: {  	v16 =	vmul.f32 v16, v9;
	v15 =	vadd.f32 v15, v10;
	v14 =	vmax.f32 v14, $0.0e+00  }
0xc5: {  	v19 =	vld.idx.msk [tilespmem:v0+s0+$0x4280 ss:$0x1], $0xffff;
	v12 =	vmul.f32 v14, v12  }
0xc6: {  	v61 =	vmul.f32 v17, v9;
	v14 =	vmax.f32 v15, $0.0e+00;
	v15 =	vadd.f32 v16, v10  }
0xc7: {  	v62 =	vld.idx.msk [tilespmem:v0+s0+$0x4300 ss:$0x1], $0xffff;
	v11 =	vmul.f32 v14, v11;
	v12 =	vadd.f32 v12, v13  }
0xc8: {  	v14 =	vadd.f32 v61, v10;
	v13 =	vmax.f32 v15, $0.0e+00;
	v15 =	vmul.f32 v18, v9  }
0xc9: {  	v63 =	vld.idx.msk [tilespmem:v0+s0+$0x4380 ss:$0x1], $0xffff;
	v8 =	vmul.f32 v13, v8;
	v11 =	vadd.f32 v11, v12  }
0xca: {  	v12 =	vmax.f32 v14, $0.0e+00;
	v13 =	vadd.f32 v15, v10;
	v14 =	vmul.f32 v19, v9  }
0xcb: {  	v15 =	vld.idx.msk [tilespmem:v0+s0+$0x4400 ss:$0x1], $0xffff;
	v7 =	vmul.f32 v12, v7;
	v8 =	vadd.f32 v8, v11  }
0xcc: {  	v11 =	vmax.f32 v13, $0.0e+00;
	v12 =	vadd.f32 v14, v10;
	v13 =	vmul.f32 v62, v9  }
0xcd: {  	v6 =	vmul.f32 v11, v6;
	v7 =	vadd.f32 v7, v8  }
0xce: {  	v8 =	vmax.f32 v12, $0.0e+00;
	v11 =	vadd.f32 v13, v10;
	v12 =	vmul.f32 v63, v9  }
0xcf: {  	v5 =	vmul.f32 v8, v5;
	v6 =	vadd.f32 v6, v7  }
0xd0: {  	v9 =	vmul.f32 v15, v9;
	v7 =	vmax.f32 v11, $0.0e+00;
	v8 =	vadd.f32 v12, v10  }
0xd1: {  	v3 =	vmul.f32 v7, v3;
	v5 =	vadd.f32 v5, v6  }
0xd2: {  	v7 =	vadd.f32 v9, v10;
	v6 =	vmax.f32 v8, $0.0e+00  }
0xd3: {  	v2 =	vmul.f32 v6, v2;
	v3 =	vadd.f32 v3, v5  }
0xd4: {  	v5 =	vmax.f32 v7, $0.0e+00  }
0xd5: {  	v2 =	vadd.f32 v2, v3;
	v3 =	vmul.f32 v5, v4;
	_ =	sdelay $0x1  }
0xd6: {  	v2 =	vadd.f32 v3, v2  }
0xd7: {  	s31 =	sadd.s32 $0x80, s29  }
0xd8: {  	[tilespmem:s31+$0x0] =	vst v2  }
0xd9: {  	v12 =	vld [tilespmem:$0x12010]  }
0xda: {  	v11 =	vld [tilespmem:$0x12090]  }
0xdb: {  	v10 =	vld [tilespmem:$0x12110]  }
0xdc: {  	v9 =	vld [tilespmem:$0x12190]  }
0xdd: {  	v8 =	vld [tilespmem:$0x12210]  }
0xde: {  	v6 =	vld [tilespmem:$0x12290]  }
0xdf: {  	v4 =	vld [tilespmem:$0x12310]  }
0xe0: {  	v3 =	vld [tilespmem:$0x12390]  }
0xe1: {  	v2 =	vld [tilespmem:$0x12410]  }
0xe2: {  	v7 =	vld [tilespmem:$0x12490]  }
0xe3: {  	v5 =	vld [tilespmem:$0x12510]  }
0xe4: {  	v13 =	vld [tilespmem:$0x12590]  }
0xe5: {  	s29 =	simm.s32 $0x40;
	s0 =	simm.s32 $0x240;
	v14 =	vld [tilespmem:s28+$0xFFFFFE00]  }
.LBB2_11:
0xe6: {  	p1 =	sne.s32 s0, $0x1A40  }
0xe7: {  	v15 =	vld [tilespmem:s28+$0xFFFFFE80];
	_ =	sdelay $0x1  }
0xe8: {  	v16 =	vld [tilespmem:s28+$0xFFFFFF00]  }
0xe9: {  	v14 =	vmul.f32 v14, v7  }
0xea: {  	v17 =	vld [tilespmem:s28+$0xFFFFFF80]  }
0xeb: {  	v14 =	vadd.f32 v14, v5;
	v15 =	vmul.f32 v15, v7  }
0xec: {  	v18 =	vld [tilespmem:s28+$0x0]  }
0xed: {  	v14 =	vmax.f32 v14, $0.0e+00;
	v15 =	vadd.f32 v15, v5;
	v16 =	vmul.f32 v16, v7  }
0xee: {  	v14 =	vmul.f32 v14, v12;
	v19 =	vld [tilespmem:s28+$0x80]  }
0xef: {  	v15 =	vmax.f32 v15, $0.0e+00;
	v16 =	vadd.f32 v16, v5;
	v17 =	vmul.f32 v17, v7  }
0xf0: {  	v14 =	vadd.f32 v14, v13;
	v15 =	vmul.f32 v15, v11;
	v20 =	vld [tilespmem:s28+$0x100]  }
0xf1: {  	v16 =	vmax.f32 v16, $0.0e+00;
	v17 =	vadd.f32 v17, v5;
	v18 =	vmul.f32 v18, v7  }
0xf2: {  	v14 =	vadd.f32 v15, v14;
	v15 =	vmul.f32 v16, v10;
	v16 =	vld [tilespmem:s28+$0x180]  }
0xf3: {  	v17 =	vmax.f32 v17, $0.0e+00;
	v18 =	vadd.f32 v18, v5;
	v19 =	vmul.f32 v19, v7  }
0xf4: {  	v14 =	vadd.f32 v15, v14;
	v15 =	vmul.f32 v17, v9;
	v17 =	vld [tilespmem:s28+$0x200]  }
0xf5: {  	v18 =	vmax.f32 v18, $0.0e+00;
	v19 =	vadd.f32 v19, v5;
	v20 =	vmul.f32 v20, v7  }
0xf6: {  	v14 =	vadd.f32 v15, v14;
	v15 =	vmul.f32 v18, v8  }
0xf7: {  	v18 =	vmax.f32 v19, $0.0e+00;
	v19 =	vadd.f32 v20, v5;
	v16 =	vmul.f32 v16, v7  }
0xf8: {  	v14 =	vadd.f32 v15, v14;
	v15 =	vmul.f32 v18, v6  }
0xf9: {  	v18 =	vmax.f32 v19, $0.0e+00;
	v16 =	vadd.f32 v16, v5;
	v17 =	vmul.f32 v17, v7  }
0xfa: {  	v14 =	vadd.f32 v15, v14;
	v15 =	vmul.f32 v18, v4  }
0xfb: {  	v16 =	vmax.f32 v16, $0.0e+00;
	v17 =	vadd.f32 v17, v5  }
0xfc: {  	v14 =	vadd.f32 v15, v14;
	v15 =	vmul.f32 v16, v3  }
0xfd: {  	v16 =	vmax.f32 v17, $0.0e+00  }
0xfe: {  	v14 =	vadd.f32 v15, v14;
	v15 =	vmul.f32 v16, v2  }
.Ltmp4:
0xff: {  	(pc) =	sbr.rel @p1 .LBB2_11-.Ltmp4, $4  }
0x100: {  	v14 =	vadd.f32 v15, v14  }
0x101: {  	s2 =	sshra.s32 s29, $0x2;
	s29 =	smov.u32 s0  }
0x102: {  	s28 =	sadd.s32 $0x480, s28;
	[tilespmem:v1+s2+$0x0 ss:$0x1] =	vst.idx.msk $0xffff, v14  }
0x103: {  	s0 =	sadd.s32 $0x200, s0;
	v14 =	vld [tilespmem:s28+$0xFFFFFE00]  }
0x104: {  	_ = 	snop  }
0x105: {  	v15 =	vld [tilespmem:s28+$0xFFFFFE80];
	_ =	sdelay $0x1  }
0x106: {  	v16 =	vld [tilespmem:s28+$0xFFFFFF00]  }
0x107: {  	v14 =	vmul.f32 v14, v7  }
0x108: {  	v17 =	vld [tilespmem:s28+$0xFFFFFF80]  }
0x109: {  	v15 =	vmul.f32 v15, v7;
	v14 =	vadd.f32 v14, v5  }
0x10a: {  	v18 =	vld [tilespmem:s28+$0x0]  }
0x10b: {  	v16 =	vmul.f32 v16, v7;
	v15 =	vadd.f32 v15, v5;
	v14 =	vmax.f32 v14, $0.0e+00  }
0x10c: {  	v19 =	vld [tilespmem:s28+$0x80];
	v14 =	vmul.f32 v14, v12  }
0x10d: {  	v17 =	vmul.f32 v17, v7;
	v16 =	vadd.f32 v16, v5;
	v15 =	vmax.f32 v15, $0.0e+00  }
0x10e: {  	v20 =	vld [tilespmem:s28+$0x100];
	v15 =	vmul.f32 v15, v11;
	v14 =	vadd.f32 v14, v13  }
0x10f: {  	v18 =	vmul.f32 v18, v7;
	v17 =	vadd.f32 v17, v5;
	v16 =	vmax.f32 v16, $0.0e+00  }
0x110: {  	v37 =	vld [tilespmem:s28+$0x180];
	v14 =	vadd.f32 v15, v14;
	v15 =	vmul.f32 v16, v10  }
0x111: {  	v19 =	vmul.f32 v19, v7;
	v18 =	vadd.f32 v18, v5;
	v17 =	vmax.f32 v17, $0.0e+00  }
0x112: {  	v38 =	vld [tilespmem:s28+$0x200];
	v14 =	vadd.f32 v15, v14;
	v15 =	vmul.f32 v17, v9  }
0x113: {  	v20 =	vmul.f32 v20, v7;
	v19 =	vadd.f32 v19, v5;
	v18 =	vmax.f32 v18, $0.0e+00  }
0x114: {  	v14 =	vadd.f32 v15, v14;
	v15 =	vmul.f32 v18, v8  }
0x115: {  	v40 =	vadd.f32 v20, v5;
	v39 =	vmax.f32 v19, $0.0e+00;
	v16 =	vmul.f32 v37, v7  }
0x116: {  	v14 =	vadd.f32 v15, v14;
	v15 =	vmul.f32 v39, v6  }
0x117: {  	v41 =	vmax.f32 v40, $0.0e+00;
	v16 =	vadd.f32 v16, v5;
	v17 =	vmul.f32 v38, v7  }
0x118: {  	v14 =	vadd.f32 v15, v14;
	v15 =	vmul.f32 v41, v4  }
0x119: {  	v16 =	vmax.f32 v16, $0.0e+00;
	v17 =	vadd.f32 v17, v5  }
0x11a: {  	v14 =	vadd.f32 v15, v14;
	v15 =	vmul.f32 v16, v3  }
0x11b: {  	v42 =	vmax.f32 v17, $0.0e+00  }
0x11c: {  	v14 =	vadd.f32 v15, v14;
	v15 =	vmul.f32 v42, v2;
	_ =	sdelay $0x1  }
0x11d: {  	v14 =	vadd.f32 v15, v14  }
0x11e: {  	s0 =	sshra.s32 s29, $0x2  }
0x11f: {  	s31 =	simm.s32 $0x0;
	[tilespmem:v1+s0+$0x0 ss:$0x1] =	vst.idx.msk $0xffff, v14  }
0x120: {  	v14 =	vld.idx.msk [tilespmem:v0+s31+$0x4010 ss:$0x1], $0xffff;
	_ =	sdelay $0x1  }
0x121: {  	v15 =	vld.idx.msk [tilespmem:v0+s31+$0x4090 ss:$0x1], $0xffff;
	_ =	sdelay $0x1  }
0x122: {  	v43 =	vld.idx.msk [tilespmem:v0+s31+$0x4110 ss:$0x1], $0xffff  }
0x123: {  	v14 =	vmul.f32 v14, v7  }
0x124: {  	v44 =	vld.idx.msk [tilespmem:v0+s31+$0x4190 ss:$0x1], $0xffff  }
0x125: {  	v15 =	vmul.f32 v15, v7;
	v14 =	vadd.f32 v14, v5  }
0x126: {  	v45 =	vld.idx.msk [tilespmem:v0+s31+$0x4210 ss:$0x1], $0xffff  }
0x127: {  	v16 =	vmul.f32 v43, v7;
	v15 =	vadd.f32 v15, v5;
	v14 =	vmax.f32 v14, $0.0e+00  }
0x128: {  	v46 =	vld.idx.msk [tilespmem:v0+s31+$0x4290 ss:$0x1], $0xffff;
	v14 =	vmul.f32 v14, v12  }
0x129: {  	v17 =	vmul.f32 v44, v7;
	v16 =	vadd.f32 v16, v5;
	v15 =	vmax.f32 v15, $0.0e+00  }
0x12a: {  	v47 =	vld.idx.msk [tilespmem:v0+s31+$0x4310 ss:$0x1], $0xffff;
	v15 =	vmul.f32 v15, v11;
	v14 =	vadd.f32 v14, v13  }
0x12b: {  	v18 =	vmul.f32 v45, v7;
	v17 =	vadd.f32 v17, v5;
	v16 =	vmax.f32 v16, $0.0e+00  }
0x12c: {  	v21 =	vld.idx.msk [tilespmem:v0+s31+$0x4390 ss:$0x1], $0xffff;
	v14 =	vadd.f32 v15, v14;
	v15 =	vmul.f32 v16, v10  }
0x12d: {  	v50 =	vmul.f32 v46, v7;
	v49 =	vadd.f32 v18, v5;
	v48 =	vmax.f32 v17, $0.0e+00  }
0x12e: {  	v51 =	vld.idx.msk [tilespmem:v0+s31+$0x4410 ss:$0x1], $0xffff;
	v14 =	vadd.f32 v15, v14;
	v15 =	vmul.f32 v48, v9  }
0x12f: {  	v54 =	vmul.f32 v47, v7;
	v53 =	vadd.f32 v50, v5;
	v52 =	vmax.f32 v49, $0.0e+00  }
0x130: {  	v14 =	vadd.f32 v15, v14;
	v15 =	vmul.f32 v52, v8  }
0x131: {  	v57 =	vmul.f32 v21, v7;
	v56 =	vadd.f32 v54, v5;
	v55 =	vmax.f32 v53, $0.0e+00  }
0x132: {  	v14 =	vadd.f32 v15, v14;
	v15 =	vmul.f32 v55, v6  }
0x133: {  	v60 =	vmul.f32 v51, v7;
	v59 =	vadd.f32 v57, v5;
	v58 =	vmax.f32 v56, $0.0e+00  }
0x134: {  	v14 =	vadd.f32 v15, v14;
	v15 =	vmul.f32 v58, v4  }
0x135: {  	v62 =	vadd.f32 v60, v5;
	v61 =	vmax.f32 v59, $0.0e+00  }
0x136: {  	v14 =	vadd.f32 v15, v14;
	v15 =	vmul.f32 v61, v3  }
0x137: {  	v63 =	vmax.f32 v62, $0.0e+00  }
0x138: {  	v14 =	vadd.f32 v15, v14;
	v15 =	vmul.f32 v63, v2;
	_ =	sdelay $0x1  }
0x139: {  	v14 =	vadd.f32 v15, v14  }
0x13a: {  	s28 =	sadd.s32 $0x12F10, s20  }
0x13b: {  	s29 =	simm.s32 $0x2400;
	s0 =	simm.s32 $0x480;
	[tilespmem:s28+$0x0] =	vst v14  }
.LBB2_13:
0x13c: {  	p1 =	sne.s32 s29, $0xEA00;
	v14 =	vld.idx.msk [tilespmem:v0+s0+$0x4010 ss:$0x1], $0xffff;
	_ =	sdelay $0x1  }
0x13d: {  	v15 =	vld.idx.msk [tilespmem:v0+s0+$0x4090 ss:$0x1], $0xffff;
	_ =	sdelay $0x1  }
0x13e: {  	v16 =	vld.idx.msk [tilespmem:v0+s0+$0x4110 ss:$0x1], $0xffff;
	_ =	sdelay $0x1  }
0x13f: {  	v14 =	vmul.f32 v14, v7;
	v17 =	vld.idx.msk [tilespmem:v0+s0+$0x4190 ss:$0x1], $0xffff;
	_ =	sdelay $0x1  }
0x140: {  	v14 =	vadd.f32 v14, v5;
	v15 =	vmul.f32 v15, v7;
	v18 =	vld.idx.msk [tilespmem:v0+s0+$0x4210 ss:$0x1], $0xffff;
	_ =	sdelay $0x1  }
0x141: {  	v14 =	vmax.f32 v14, $0.0e+00;
	v15 =	vadd.f32 v15, v5;
	v16 =	vmul.f32 v16, v7;
	v19 =	vld.idx.msk [tilespmem:v0+s0+$0x4290 ss:$0x1], $0xffff  }
0x142: {  	v14 =	vmul.f32 v14, v12  }
0x143: {  	v15 =	vmax.f32 v15, $0.0e+00;
	v16 =	vadd.f32 v16, v5;
	v17 =	vmul.f32 v17, v7;
	v20 =	vld.idx.msk [tilespmem:v0+s0+$0x4310 ss:$0x1], $0xffff  }
0x144: {  	v14 =	vadd.f32 v14, v13;
	v15 =	vmul.f32 v15, v11  }
0x145: {  	v16 =	vmax.f32 v16, $0.0e+00;
	v17 =	vadd.f32 v17, v5;
	v18 =	vmul.f32 v18, v7;
	v21 =	vld.idx.msk [tilespmem:v0+s0+$0x4390 ss:$0x1], $0xffff  }
0x146: {  	v14 =	vadd.f32 v15, v14;
	v15 =	vmul.f32 v16, v10  }
0x147: {  	v16 =	vmax.f32 v17, $0.0e+00;
	v17 =	vadd.f32 v18, v5;
	v18 =	vmul.f32 v19, v7;
	v19 =	vld.idx.msk [tilespmem:v0+s0+$0x4410 ss:$0x1], $0xffff  }
0x148: {  	v14 =	vadd.f32 v15, v14;
	v15 =	vmul.f32 v16, v9  }
0x149: {  	v16 =	vmax.f32 v17, $0.0e+00;
	v17 =	vadd.f32 v18, v5;
	v18 =	vmul.f32 v20, v7  }
0x14a: {  	v14 =	vadd.f32 v15, v14;
	v15 =	vmul.f32 v16, v8  }
0x14b: {  	v16 =	vmax.f32 v17, $0.0e+00;
	v17 =	vadd.f32 v18, v5;
	v18 =	vmul.f32 v21, v7  }
0x14c: {  	v14 =	vadd.f32 v15, v14;
	v15 =	vmul.f32 v16, v6  }
0x14d: {  	v16 =	vmax.f32 v17, $0.0e+00;
	v17 =	vadd.f32 v18, v5;
	v18 =	vmul.f32 v19, v7  }
0x14e: {  	v14 =	vadd.f32 v15, v14;
	v15 =	vmul.f32 v16, v4  }
0x14f: {  	v16 =	vmax.f32 v17, $0.0e+00;
	v17 =	vadd.f32 v18, v5  }
0x150: {  	v14 =	vadd.f32 v15, v14;
	v15 =	vmul.f32 v16, v3  }
0x151: {  	v16 =	vmax.f32 v17, $0.0e+00  }
.Ltmp5:
0x152: {  	v14 =	vadd.f32 v15, v14;
	v15 =	vmul.f32 v16, v2;
	(pc) =	sbr.rel @p1 .LBB2_13-.Ltmp5, $4  }
0x153: {  	_ = 	snop  }
0x154: {  	v14 =	vadd.f32 v15, v14  }
0x155: {  	s28 =	sadd.s32 $0x80, s28  }
0x156: {  	s0 =	sshra.s32 s29, $0x2;
	s29 =	sadd.s32 $0x1200, s29;
	[tilespmem:s28+$0x0] =	vst v14  }
0x157: {  	_ =	sdelay $0x3  }
0x158: {  	v14 =	vld.idx.msk [tilespmem:v0+s0+$0x4010 ss:$0x1], $0xffff;
	_ =	sdelay $0x1  }
0x159: {  	v15 =	vld.idx.msk [tilespmem:v0+s0+$0x4090 ss:$0x1], $0xffff;
	_ =	sdelay $0x1  }
0x15a: {  	v16 =	vld.idx.msk [tilespmem:v0+s0+$0x4110 ss:$0x1], $0xffff  }
0x15b: {  	v14 =	vmul.f32 v14, v7  }
0x15c: {  	v17 =	vld.idx.msk [tilespmem:v0+s0+$0x4190 ss:$0x1], $0xffff  }
0x15d: {  	v15 =	vmul.f32 v15, v7;
	v14 =	vadd.f32 v14, v5  }
0x15e: {  	v18 =	vld.idx.msk [tilespmem:v0+s0+$0x4210 ss:$0x1], $0xffff  }
0x15f: {  	v16 =	vmul.f32 v16, v7;
	v15 =	vadd.f32 v15, v5;
	v14 =	vmax.f32 v14, $0.0e+00  }
0x160: {  	v19 =	vld.idx.msk [tilespmem:v0+s0+$0x4290 ss:$0x1], $0xffff;
	v12 =	vmul.f32 v14, v12  }
0x161: {  	v61 =	vmul.f32 v17, v7;
	v14 =	vmax.f32 v15, $0.0e+00;
	v15 =	vadd.f32 v16, v5  }
0x162: {  	v62 =	vld.idx.msk [tilespmem:v0+s0+$0x4310 ss:$0x1], $0xffff;
	v11 =	vmul.f32 v14, v11;
	v12 =	vadd.f32 v12, v13  }
0x163: {  	v14 =	vadd.f32 v61, v5;
	v13 =	vmax.f32 v15, $0.0e+00;
	v15 =	vmul.f32 v18, v7  }
0x164: {  	v63 =	vld.idx.msk [tilespmem:v0+s0+$0x4390 ss:$0x1], $0xffff;
	v10 =	vmul.f32 v13, v10;
	v11 =	vadd.f32 v11, v12  }
0x165: {  	v12 =	vmax.f32 v14, $0.0e+00;
	v13 =	vadd.f32 v15, v5;
	v14 =	vmul.f32 v19, v7  }
0x166: {  	v15 =	vld.idx.msk [tilespmem:v0+s0+$0x4410 ss:$0x1], $0xffff;
	v9 =	vmul.f32 v12, v9;
	v10 =	vadd.f32 v10, v11  }
0x167: {  	v11 =	vmax.f32 v13, $0.0e+00;
	v12 =	vadd.f32 v14, v5;
	v13 =	vmul.f32 v62, v7  }
0x168: {  	v8 =	vmul.f32 v11, v8;
	v9 =	vadd.f32 v9, v10  }
0x169: {  	v10 =	vmax.f32 v12, $0.0e+00;
	v11 =	vadd.f32 v13, v5;
	v12 =	vmul.f32 v63, v7  }
0x16a: {  	v6 =	vmul.f32 v10, v6;
	v8 =	vadd.f32 v8, v9  }
0x16b: {  	v7 =	vmul.f32 v15, v7;
	v9 =	vmax.f32 v11, $0.0e+00;
	v10 =	vadd.f32 v12, v5  }
0x16c: {  	v4 =	vmul.f32 v9, v4;
	v6 =	vadd.f32 v6, v8  }
0x16d: {  	v5 =	vadd.f32 v7, v5;
	v8 =	vmax.f32 v10, $0.0e+00  }
0x16e: {  	v3 =	vmul.f32 v8, v3;
	v4 =	vadd.f32 v4, v6  }
0x16f: {  	v5 =	vmax.f32 v5, $0.0e+00  }
0x170: {  	v2 =	vmul.f32 v5, v2;
	v3 =	vadd.f32 v3, v4;
	_ =	sdelay $0x1  }
0x171: {  	v2 =	vadd.f32 v2, v3  }
0x172: {  	s31 =	sadd.s32 $0x80, s28  }
0x173: {  	[tilespmem:s31+$0x0] =	vst v2  }
0x174: {  	v12 =	vld [tilespmem:$0x12020]  }
0x175: {  	v11 =	vld [tilespmem:$0x120A0]  }
0x176: {  	v10 =	vld [tilespmem:$0x12120]  }
0x177: {  	v9 =	vld [tilespmem:$0x121A0]  }
0x178: {  	v8 =	vld [tilespmem:$0x12220]  }
0x179: {  	v6 =	vld [tilespmem:$0x122A0]  }
0x17a: {  	v4 =	vld [tilespmem:$0x12320]  }
0x17b: {  	v3 =	vld [tilespmem:$0x123A0]  }
0x17c: {  	v2 =	vld [tilespmem:$0x12420]  }
0x17d: {  	v7 =	vld [tilespmem:$0x124A0]  }
0x17e: {  	v5 =	vld [tilespmem:$0x12520]  }
0x17f: {  	v13 =	vld [tilespmem:$0x125A0]  }
0x180: {  	s28 =	simm.s32 $0x80;
	s0 =	simm.s32 $0x280;
	v14 =	vld [tilespmem:s26+$0xFFFFFE00]  }
.LBB2_15:
0x181: {  	p1 =	sne.s32 s0, $0x1A80  }
0x182: {  	v15 =	vld [tilespmem:s26+$0xFFFFFE80];
	_ =	sdelay $0x1  }
0x183: {  	v16 =	vld [tilespmem:s26+$0xFFFFFF00]  }
0x184: {  	v14 =	vmul.f32 v14, v7  }
0x185: {  	v17 =	vld [tilespmem:s26+$0xFFFFFF80]  }
0x186: {  	v14 =	vadd.f32 v14, v5;
	v15 =	vmul.f32 v15, v7  }
0x187: {  	v18 =	vld [tilespmem:s26+$0x0]  }
0x188: {  	v14 =	vmax.f32 v14, $0.0e+00;
	v15 =	vadd.f32 v15, v5;
	v16 =	vmul.f32 v16, v7  }
0x189: {  	v14 =	vmul.f32 v14, v12;
	v19 =	vld [tilespmem:s26+$0x80]  }
0x18a: {  	v15 =	vmax.f32 v15, $0.0e+00;
	v16 =	vadd.f32 v16, v5;
	v17 =	vmul.f32 v17, v7  }
0x18b: {  	v14 =	vadd.f32 v14, v13;
	v15 =	vmul.f32 v15, v11;
	v20 =	vld [tilespmem:s26+$0x100]  }
0x18c: {  	v16 =	vmax.f32 v16, $0.0e+00;
	v17 =	vadd.f32 v17, v5;
	v18 =	vmul.f32 v18, v7  }
0x18d: {  	v14 =	vadd.f32 v15, v14;
	v15 =	vmul.f32 v16, v10;
	v16 =	vld [tilespmem:s26+$0x180]  }
0x18e: {  	v17 =	vmax.f32 v17, $0.0e+00;
	v18 =	vadd.f32 v18, v5;
	v19 =	vmul.f32 v19, v7  }
0x18f: {  	v14 =	vadd.f32 v15, v14;
	v15 =	vmul.f32 v17, v9;
	v17 =	vld [tilespmem:s26+$0x200]  }
0x190: {  	v18 =	vmax.f32 v18, $0.0e+00;
	v19 =	vadd.f32 v19, v5;
	v20 =	vmul.f32 v20, v7  }
0x191: {  	v14 =	vadd.f32 v15, v14;
	v15 =	vmul.f32 v18, v8  }
0x192: {  	v18 =	vmax.f32 v19, $0.0e+00;
	v19 =	vadd.f32 v20, v5;
	v16 =	vmul.f32 v16, v7  }
0x193: {  	v14 =	vadd.f32 v15, v14;
	v15 =	vmul.f32 v18, v6  }
0x194: {  	v18 =	vmax.f32 v19, $0.0e+00;
	v16 =	vadd.f32 v16, v5;
	v17 =	vmul.f32 v17, v7  }
0x195: {  	v14 =	vadd.f32 v15, v14;
	v15 =	vmul.f32 v18, v4  }
0x196: {  	v16 =	vmax.f32 v16, $0.0e+00;
	v17 =	vadd.f32 v17, v5  }
0x197: {  	v14 =	vadd.f32 v15, v14;
	v15 =	vmul.f32 v16, v3  }
0x198: {  	v16 =	vmax.f32 v17, $0.0e+00  }
0x199: {  	v14 =	vadd.f32 v15, v14;
	v15 =	vmul.f32 v16, v2  }
.Ltmp6:
0x19a: {  	(pc) =	sbr.rel @p1 .LBB2_15-.Ltmp6, $4  }
0x19b: {  	v14 =	vadd.f32 v15, v14  }
0x19c: {  	s2 =	sshra.s32 s28, $0x2;
	s28 =	smov.u32 s0  }
0x19d: {  	s26 =	sadd.s32 $0x480, s26;
	[tilespmem:v1+s2+$0x0 ss:$0x1] =	vst.idx.msk $0xffff, v14  }
0x19e: {  	s0 =	sadd.s32 $0x200, s0;
	v14 =	vld [tilespmem:s26+$0xFFFFFE00]  }
0x19f: {  	_ = 	snop  }
0x1a0: {  	v15 =	vld [tilespmem:s26+$0xFFFFFE80];
	_ =	sdelay $0x1  }
0x1a1: {  	v16 =	vld [tilespmem:s26+$0xFFFFFF00]  }
0x1a2: {  	v14 =	vmul.f32 v14, v7  }
0x1a3: {  	v17 =	vld [tilespmem:s26+$0xFFFFFF80]  }
0x1a4: {  	v15 =	vmul.f32 v15, v7;
	v14 =	vadd.f32 v14, v5  }
0x1a5: {  	v18 =	vld [tilespmem:s26+$0x0]  }
0x1a6: {  	v16 =	vmul.f32 v16, v7;
	v15 =	vadd.f32 v15, v5;
	v14 =	vmax.f32 v14, $0.0e+00  }
0x1a7: {  	v19 =	vld [tilespmem:s26+$0x80];
	v14 =	vmul.f32 v14, v12  }
0x1a8: {  	v17 =	vmul.f32 v17, v7;
	v16 =	vadd.f32 v16, v5;
	v15 =	vmax.f32 v15, $0.0e+00  }
0x1a9: {  	v20 =	vld [tilespmem:s26+$0x100];
	v15 =	vmul.f32 v15, v11;
	v14 =	vadd.f32 v14, v13  }
0x1aa: {  	v18 =	vmul.f32 v18, v7;
	v17 =	vadd.f32 v17, v5;
	v16 =	vmax.f32 v16, $0.0e+00  }
0x1ab: {  	v37 =	vld [tilespmem:s26+$0x180];
	v14 =	vadd.f32 v15, v14;
	v15 =	vmul.f32 v16, v10  }
0x1ac: {  	v19 =	vmul.f32 v19, v7;
	v18 =	vadd.f32 v18, v5;
	v17 =	vmax.f32 v17, $0.0e+00  }
0x1ad: {  	v38 =	vld [tilespmem:s26+$0x200];
	v14 =	vadd.f32 v15, v14;
	v15 =	vmul.f32 v17, v9  }
0x1ae: {  	v20 =	vmul.f32 v20, v7;
	v19 =	vadd.f32 v19, v5;
	v18 =	vmax.f32 v18, $0.0e+00  }
0x1af: {  	v14 =	vadd.f32 v15, v14;
	v15 =	vmul.f32 v18, v8  }
0x1b0: {  	v40 =	vadd.f32 v20, v5;
	v39 =	vmax.f32 v19, $0.0e+00;
	v16 =	vmul.f32 v37, v7  }
0x1b1: {  	v14 =	vadd.f32 v15, v14;
	v15 =	vmul.f32 v39, v6  }
0x1b2: {  	v41 =	vmax.f32 v40, $0.0e+00;
	v16 =	vadd.f32 v16, v5;
	v17 =	vmul.f32 v38, v7  }
0x1b3: {  	v14 =	vadd.f32 v15, v14;
	v15 =	vmul.f32 v41, v4  }
0x1b4: {  	v16 =	vmax.f32 v16, $0.0e+00;
	v17 =	vadd.f32 v17, v5  }
0x1b5: {  	v14 =	vadd.f32 v15, v14;
	v15 =	vmul.f32 v16, v3  }
0x1b6: {  	v42 =	vmax.f32 v17, $0.0e+00  }
0x1b7: {  	v14 =	vadd.f32 v15, v14;
	v15 =	vmul.f32 v42, v2;
	_ =	sdelay $0x1  }
0x1b8: {  	v14 =	vadd.f32 v15, v14  }
0x1b9: {  	s0 =	sshra.s32 s28, $0x2  }
0x1ba: {  	s31 =	simm.s32 $0x0;
	[tilespmem:v1+s0+$0x0 ss:$0x1] =	vst.idx.msk $0xffff, v14  }
0x1bb: {  	v14 =	vld.idx.msk [tilespmem:v0+s31+$0x4020 ss:$0x1], $0xffff;
	_ =	sdelay $0x1  }
0x1bc: {  	v15 =	vld.idx.msk [tilespmem:v0+s31+$0x40A0 ss:$0x1], $0xffff;
	_ =	sdelay $0x1  }
0x1bd: {  	v43 =	vld.idx.msk [tilespmem:v0+s31+$0x4120 ss:$0x1], $0xffff  }
0x1be: {  	v14 =	vmul.f32 v14, v7  }
0x1bf: {  	v44 =	vld.idx.msk [tilespmem:v0+s31+$0x41A0 ss:$0x1], $0xffff  }
0x1c0: {  	v15 =	vmul.f32 v15, v7;
	v14 =	vadd.f32 v14, v5  }
0x1c1: {  	v45 =	vld.idx.msk [tilespmem:v0+s31+$0x4220 ss:$0x1], $0xffff  }
0x1c2: {  	v16 =	vmul.f32 v43, v7;
	v15 =	vadd.f32 v15, v5;
	v14 =	vmax.f32 v14, $0.0e+00  }
0x1c3: {  	v46 =	vld.idx.msk [tilespmem:v0+s31+$0x42A0 ss:$0x1], $0xffff;
	v14 =	vmul.f32 v14, v12  }
0x1c4: {  	v17 =	vmul.f32 v44, v7;
	v16 =	vadd.f32 v16, v5;
	v15 =	vmax.f32 v15, $0.0e+00  }
0x1c5: {  	v47 =	vld.idx.msk [tilespmem:v0+s31+$0x4320 ss:$0x1], $0xffff;
	v15 =	vmul.f32 v15, v11;
	v14 =	vadd.f32 v14, v13  }
0x1c6: {  	v18 =	vmul.f32 v45, v7;
	v17 =	vadd.f32 v17, v5;
	v16 =	vmax.f32 v16, $0.0e+00  }
0x1c7: {  	v21 =	vld.idx.msk [tilespmem:v0+s31+$0x43A0 ss:$0x1], $0xffff;
	v14 =	vadd.f32 v15, v14;
	v15 =	vmul.f32 v16, v10  }
0x1c8: {  	v50 =	vmul.f32 v46, v7;
	v49 =	vadd.f32 v18, v5;
	v48 =	vmax.f32 v17, $0.0e+00  }
0x1c9: {  	v51 =	vld.idx.msk [tilespmem:v0+s31+$0x4420 ss:$0x1], $0xffff;
	v14 =	vadd.f32 v15, v14;
	v15 =	vmul.f32 v48, v9  }
0x1ca: {  	v54 =	vmul.f32 v47, v7;
	v53 =	vadd.f32 v50, v5;
	v52 =	vmax.f32 v49, $0.0e+00  }
0x1cb: {  	v14 =	vadd.f32 v15, v14;
	v15 =	vmul.f32 v52, v8  }
0x1cc: {  	v57 =	vmul.f32 v21, v7;
	v56 =	vadd.f32 v54, v5;
	v55 =	vmax.f32 v53, $0.0e+00  }
0x1cd: {  	v14 =	vadd.f32 v15, v14;
	v15 =	vmul.f32 v55, v6  }
0x1ce: {  	v60 =	vmul.f32 v51, v7;
	v59 =	vadd.f32 v57, v5;
	v58 =	vmax.f32 v56, $0.0e+00  }
0x1cf: {  	v14 =	vadd.f32 v15, v14;
	v15 =	vmul.f32 v58, v4  }
0x1d0: {  	v62 =	vadd.f32 v60, v5;
	v61 =	vmax.f32 v59, $0.0e+00  }
0x1d1: {  	v14 =	vadd.f32 v15, v14;
	v15 =	vmul.f32 v61, v3  }
0x1d2: {  	v63 =	vmax.f32 v62, $0.0e+00  }
0x1d3: {  	v14 =	vadd.f32 v15, v14;
	v15 =	vmul.f32 v63, v2;
	_ =	sdelay $0x1  }
0x1d4: {  	v14 =	vadd.f32 v15, v14  }
0x1d5: {  	s26 =	sadd.s32 $0x12F20, s20  }
0x1d6: {  	s28 =	simm.s32 $0x2400;
	s0 =	simm.s32 $0x480;
	[tilespmem:s26+$0x0] =	vst v14  }
.LBB2_17:
0x1d7: {  	p1 =	sne.s32 s28, $0xEA00;
	v14 =	vld.idx.msk [tilespmem:v0+s0+$0x4020 ss:$0x1], $0xffff;
	_ =	sdelay $0x1  }
0x1d8: {  	v15 =	vld.idx.msk [tilespmem:v0+s0+$0x40A0 ss:$0x1], $0xffff;
	_ =	sdelay $0x1  }
0x1d9: {  	v16 =	vld.idx.msk [tilespmem:v0+s0+$0x4120 ss:$0x1], $0xffff;
	_ =	sdelay $0x1  }
0x1da: {  	v14 =	vmul.f32 v14, v7;
	v17 =	vld.idx.msk [tilespmem:v0+s0+$0x41A0 ss:$0x1], $0xffff;
	_ =	sdelay $0x1  }
0x1db: {  	v14 =	vadd.f32 v14, v5;
	v15 =	vmul.f32 v15, v7;
	v18 =	vld.idx.msk [tilespmem:v0+s0+$0x4220 ss:$0x1], $0xffff;
	_ =	sdelay $0x1  }
0x1dc: {  	v14 =	vmax.f32 v14, $0.0e+00;
	v15 =	vadd.f32 v15, v5;
	v16 =	vmul.f32 v16, v7;
	v19 =	vld.idx.msk [tilespmem:v0+s0+$0x42A0 ss:$0x1], $0xffff  }
0x1dd: {  	v14 =	vmul.f32 v14, v12  }
0x1de: {  	v15 =	vmax.f32 v15, $0.0e+00;
	v16 =	vadd.f32 v16, v5;
	v17 =	vmul.f32 v17, v7;
	v20 =	vld.idx.msk [tilespmem:v0+s0+$0x4320 ss:$0x1], $0xffff  }
0x1df: {  	v14 =	vadd.f32 v14, v13;
	v15 =	vmul.f32 v15, v11  }
0x1e0: {  	v16 =	vmax.f32 v16, $0.0e+00;
	v17 =	vadd.f32 v17, v5;
	v18 =	vmul.f32 v18, v7;
	v21 =	vld.idx.msk [tilespmem:v0+s0+$0x43A0 ss:$0x1], $0xffff  }
0x1e1: {  	v14 =	vadd.f32 v15, v14;
	v15 =	vmul.f32 v16, v10  }
0x1e2: {  	v16 =	vmax.f32 v17, $0.0e+00;
	v17 =	vadd.f32 v18, v5;
	v18 =	vmul.f32 v19, v7;
	v19 =	vld.idx.msk [tilespmem:v0+s0+$0x4420 ss:$0x1], $0xffff  }
0x1e3: {  	v14 =	vadd.f32 v15, v14;
	v15 =	vmul.f32 v16, v9  }
0x1e4: {  	v16 =	vmax.f32 v17, $0.0e+00;
	v17 =	vadd.f32 v18, v5;
	v18 =	vmul.f32 v20, v7  }
0x1e5: {  	v14 =	vadd.f32 v15, v14;
	v15 =	vmul.f32 v16, v8  }
0x1e6: {  	v16 =	vmax.f32 v17, $0.0e+00;
	v17 =	vadd.f32 v18, v5;
	v18 =	vmul.f32 v21, v7  }
0x1e7: {  	v14 =	vadd.f32 v15, v14;
	v15 =	vmul.f32 v16, v6  }
0x1e8: {  	v16 =	vmax.f32 v17, $0.0e+00;
	v17 =	vadd.f32 v18, v5;
	v18 =	vmul.f32 v19, v7  }
0x1e9: {  	v14 =	vadd.f32 v15, v14;
	v15 =	vmul.f32 v16, v4  }
0x1ea: {  	v16 =	vmax.f32 v17, $0.0e+00;
	v17 =	vadd.f32 v18, v5  }
0x1eb: {  	v14 =	vadd.f32 v15, v14;
	v15 =	vmul.f32 v16, v3  }
0x1ec: {  	v16 =	vmax.f32 v17, $0.0e+00  }
.Ltmp7:
0x1ed: {  	v14 =	vadd.f32 v15, v14;
	v15 =	vmul.f32 v16, v2;
	(pc) =	sbr.rel @p1 .LBB2_17-.Ltmp7, $4  }
0x1ee: {  	_ = 	snop  }
0x1ef: {  	v14 =	vadd.f32 v15, v14  }
0x1f0: {  	s26 =	sadd.s32 $0x80, s26  }
0x1f1: {  	s0 =	sshra.s32 s28, $0x2;
	s28 =	sadd.s32 $0x1200, s28;
	[tilespmem:s26+$0x0] =	vst v14  }
0x1f2: {  	_ =	sdelay $0x3  }
0x1f3: {  	v14 =	vld.idx.msk [tilespmem:v0+s0+$0x4020 ss:$0x1], $0xffff;
	_ =	sdelay $0x1  }
0x1f4: {  	v15 =	vld.idx.msk [tilespmem:v0+s0+$0x40A0 ss:$0x1], $0xffff;
	_ =	sdelay $0x1  }
0x1f5: {  	v16 =	vld.idx.msk [tilespmem:v0+s0+$0x4120 ss:$0x1], $0xffff  }
0x1f6: {  	v14 =	vmul.f32 v14, v7  }
0x1f7: {  	v17 =	vld.idx.msk [tilespmem:v0+s0+$0x41A0 ss:$0x1], $0xffff  }
0x1f8: {  	v15 =	vmul.f32 v15, v7;
	v14 =	vadd.f32 v14, v5  }
0x1f9: {  	v18 =	vld.idx.msk [tilespmem:v0+s0+$0x4220 ss:$0x1], $0xffff  }
0x1fa: {  	v16 =	vmul.f32 v16, v7;
	v15 =	vadd.f32 v15, v5;
	v14 =	vmax.f32 v14, $0.0e+00  }
0x1fb: {  	v19 =	vld.idx.msk [tilespmem:v0+s0+$0x42A0 ss:$0x1], $0xffff;
	v12 =	vmul.f32 v14, v12  }
0x1fc: {  	v61 =	vmul.f32 v17, v7;
	v14 =	vmax.f32 v15, $0.0e+00;
	v15 =	vadd.f32 v16, v5  }
0x1fd: {  	v62 =	vld.idx.msk [tilespmem:v0+s0+$0x4320 ss:$0x1], $0xffff;
	v11 =	vmul.f32 v14, v11;
	v12 =	vadd.f32 v12, v13  }
0x1fe: {  	v14 =	vadd.f32 v61, v5;
	v13 =	vmax.f32 v15, $0.0e+00;
	v15 =	vmul.f32 v18, v7  }
0x1ff: {  	v63 =	vld.idx.msk [tilespmem:v0+s0+$0x43A0 ss:$0x1], $0xffff;
	v10 =	vmul.f32 v13, v10;
	v11 =	vadd.f32 v11, v12  }
0x200: {  	v12 =	vmax.f32 v14, $0.0e+00;
	v13 =	vadd.f32 v15, v5;
	v14 =	vmul.f32 v19, v7  }
0x201: {  	v15 =	vld.idx.msk [tilespmem:v0+s0+$0x4420 ss:$0x1], $0xffff;
	v9 =	vmul.f32 v12, v9;
	v10 =	vadd.f32 v10, v11  }
0x202: {  	v11 =	vmax.f32 v13, $0.0e+00;
	v12 =	vadd.f32 v14, v5;
	v13 =	vmul.f32 v62, v7  }
0x203: {  	v8 =	vmul.f32 v11, v8;
	v9 =	vadd.f32 v9, v10  }
0x204: {  	v10 =	vmax.f32 v12, $0.0e+00;
	v11 =	vadd.f32 v13, v5;
	v12 =	vmul.f32 v63, v7  }
0x205: {  	v6 =	vmul.f32 v10, v6;
	v8 =	vadd.f32 v8, v9  }
0x206: {  	v7 =	vmul.f32 v15, v7;
	v9 =	vmax.f32 v11, $0.0e+00;
	v10 =	vadd.f32 v12, v5  }
0x207: {  	v4 =	vmul.f32 v9, v4;
	v6 =	vadd.f32 v6, v8  }
0x208: {  	v5 =	vadd.f32 v7, v5;
	v8 =	vmax.f32 v10, $0.0e+00  }
0x209: {  	v3 =	vmul.f32 v8, v3;
	v4 =	vadd.f32 v4, v6  }
0x20a: {  	v5 =	vmax.f32 v5, $0.0e+00  }
0x20b: {  	v2 =	vmul.f32 v5, v2;
	v3 =	vadd.f32 v3, v4;
	_ =	sdelay $0x1  }
0x20c: {  	v2 =	vadd.f32 v2, v3  }
0x20d: {  	s31 =	sadd.s32 $0x80, s26  }
0x20e: {  	[tilespmem:s31+$0x0] =	vst v2  }
0x20f: {  	v12 =	vld [tilespmem:$0x12030]  }
0x210: {  	v11 =	vld [tilespmem:$0x120B0]  }
0x211: {  	v10 =	vld [tilespmem:$0x12130]  }
0x212: {  	v9 =	vld [tilespmem:$0x121B0]  }
0x213: {  	v8 =	vld [tilespmem:$0x12230]  }
0x214: {  	v6 =	vld [tilespmem:$0x122B0]  }
0x215: {  	v4 =	vld [tilespmem:$0x12330]  }
0x216: {  	v3 =	vld [tilespmem:$0x123B0]  }
0x217: {  	v2 =	vld [tilespmem:$0x12430]  }
0x218: {  	v7 =	vld [tilespmem:$0x124B0]  }
0x219: {  	v5 =	vld [tilespmem:$0x12530]  }
0x21a: {  	v13 =	vld [tilespmem:$0x125B0]  }
0x21b: {  	s26 =	simm.s32 $0xC0;
	s0 =	simm.s32 $0x2C0;
	v14 =	vld [tilespmem:s25+$0xFFFFFE00]  }
.LBB2_19:
0x21c: {  	p1 =	sne.s32 s0, $0x1AC0  }
0x21d: {  	v15 =	vld [tilespmem:s25+$0xFFFFFE80];
	_ =	sdelay $0x1  }
0x21e: {  	v16 =	vld [tilespmem:s25+$0xFFFFFF00]  }
0x21f: {  	v14 =	vmul.f32 v14, v7  }
0x220: {  	v17 =	vld [tilespmem:s25+$0xFFFFFF80]  }
0x221: {  	v14 =	vadd.f32 v14, v5;
	v15 =	vmul.f32 v15, v7  }
0x222: {  	v18 =	vld [tilespmem:s25+$0x0]  }
0x223: {  	v14 =	vmax.f32 v14, $0.0e+00;
	v15 =	vadd.f32 v15, v5;
	v16 =	vmul.f32 v16, v7  }
0x224: {  	v14 =	vmul.f32 v14, v12;
	v19 =	vld [tilespmem:s25+$0x80]  }
0x225: {  	v15 =	vmax.f32 v15, $0.0e+00;
	v16 =	vadd.f32 v16, v5;
	v17 =	vmul.f32 v17, v7  }
0x226: {  	v14 =	vadd.f32 v14, v13;
	v15 =	vmul.f32 v15, v11;
	v20 =	vld [tilespmem:s25+$0x100]  }
0x227: {  	v16 =	vmax.f32 v16, $0.0e+00;
	v17 =	vadd.f32 v17, v5;
	v18 =	vmul.f32 v18, v7  }
0x228: {  	v14 =	vadd.f32 v15, v14;
	v15 =	vmul.f32 v16, v10;
	v16 =	vld [tilespmem:s25+$0x180]  }
0x229: {  	v17 =	vmax.f32 v17, $0.0e+00;
	v18 =	vadd.f32 v18, v5;
	v19 =	vmul.f32 v19, v7  }
0x22a: {  	v14 =	vadd.f32 v15, v14;
	v15 =	vmul.f32 v17, v9;
	v17 =	vld [tilespmem:s25+$0x200]  }
0x22b: {  	v18 =	vmax.f32 v18, $0.0e+00;
	v19 =	vadd.f32 v19, v5;
	v20 =	vmul.f32 v20, v7  }
0x22c: {  	v14 =	vadd.f32 v15, v14;
	v15 =	vmul.f32 v18, v8  }
0x22d: {  	v18 =	vmax.f32 v19, $0.0e+00;
	v19 =	vadd.f32 v20, v5;
	v16 =	vmul.f32 v16, v7  }
0x22e: {  	v14 =	vadd.f32 v15, v14;
	v15 =	vmul.f32 v18, v6  }
0x22f: {  	v18 =	vmax.f32 v19, $0.0e+00;
	v16 =	vadd.f32 v16, v5;
	v17 =	vmul.f32 v17, v7  }
0x230: {  	v14 =	vadd.f32 v15, v14;
	v15 =	vmul.f32 v18, v4  }
0x231: {  	v16 =	vmax.f32 v16, $0.0e+00;
	v17 =	vadd.f32 v17, v5  }
0x232: {  	v14 =	vadd.f32 v15, v14;
	v15 =	vmul.f32 v16, v3  }
0x233: {  	v16 =	vmax.f32 v17, $0.0e+00  }
0x234: {  	v14 =	vadd.f32 v15, v14;
	v15 =	vmul.f32 v16, v2  }
.Ltmp8:
0x235: {  	(pc) =	sbr.rel @p1 .LBB2_19-.Ltmp8, $4  }
0x236: {  	v14 =	vadd.f32 v15, v14  }
0x237: {  	s2 =	sshra.s32 s26, $0x2;
	s26 =	smov.u32 s0  }
0x238: {  	s25 =	sadd.s32 $0x480, s25;
	[tilespmem:v1+s2+$0x0 ss:$0x1] =	vst.idx.msk $0xffff, v14  }
0x239: {  	s0 =	sadd.s32 $0x200, s0;
	v14 =	vld [tilespmem:s25+$0xFFFFFE00]  }
0x23a: {  	_ = 	snop  }
0x23b: {  	v15 =	vld [tilespmem:s25+$0xFFFFFE80];
	_ =	sdelay $0x1  }
0x23c: {  	v16 =	vld [tilespmem:s25+$0xFFFFFF00]  }
0x23d: {  	v14 =	vmul.f32 v14, v7  }
0x23e: {  	v17 =	vld [tilespmem:s25+$0xFFFFFF80]  }
0x23f: {  	v15 =	vmul.f32 v15, v7;
	v14 =	vadd.f32 v14, v5  }
0x240: {  	v18 =	vld [tilespmem:s25+$0x0]  }
0x241: {  	v16 =	vmul.f32 v16, v7;
	v15 =	vadd.f32 v15, v5;
	v14 =	vmax.f32 v14, $0.0e+00  }
0x242: {  	v19 =	vld [tilespmem:s25+$0x80];
	v14 =	vmul.f32 v14, v12  }
0x243: {  	v17 =	vmul.f32 v17, v7;
	v16 =	vadd.f32 v16, v5;
	v15 =	vmax.f32 v15, $0.0e+00  }
0x244: {  	v20 =	vld [tilespmem:s25+$0x100];
	v15 =	vmul.f32 v15, v11;
	v14 =	vadd.f32 v14, v13  }
0x245: {  	v18 =	vmul.f32 v18, v7;
	v17 =	vadd.f32 v17, v5;
	v16 =	vmax.f32 v16, $0.0e+00  }
0x246: {  	v37 =	vld [tilespmem:s25+$0x180];
	v14 =	vadd.f32 v15, v14;
	v15 =	vmul.f32 v16, v10  }
0x247: {  	v19 =	vmul.f32 v19, v7;
	v18 =	vadd.f32 v18, v5;
	v17 =	vmax.f32 v17, $0.0e+00  }
0x248: {  	v38 =	vld [tilespmem:s25+$0x200];
	v14 =	vadd.f32 v15, v14;
	v15 =	vmul.f32 v17, v9  }
0x249: {  	v20 =	vmul.f32 v20, v7;
	v19 =	vadd.f32 v19, v5;
	v18 =	vmax.f32 v18, $0.0e+00  }
0x24a: {  	v14 =	vadd.f32 v15, v14;
	v15 =	vmul.f32 v18, v8  }
0x24b: {  	v40 =	vadd.f32 v20, v5;
	v39 =	vmax.f32 v19, $0.0e+00;
	v16 =	vmul.f32 v37, v7  }
0x24c: {  	v14 =	vadd.f32 v15, v14;
	v15 =	vmul.f32 v39, v6  }
0x24d: {  	v41 =	vmax.f32 v40, $0.0e+00;
	v16 =	vadd.f32 v16, v5;
	v17 =	vmul.f32 v38, v7  }
0x24e: {  	v14 =	vadd.f32 v15, v14;
	v15 =	vmul.f32 v41, v4  }
0x24f: {  	v16 =	vmax.f32 v16, $0.0e+00;
	v17 =	vadd.f32 v17, v5  }
0x250: {  	v14 =	vadd.f32 v15, v14;
	v15 =	vmul.f32 v16, v3  }
0x251: {  	v42 =	vmax.f32 v17, $0.0e+00  }
0x252: {  	v14 =	vadd.f32 v15, v14;
	v15 =	vmul.f32 v42, v2;
	_ =	sdelay $0x1  }
0x253: {  	v14 =	vadd.f32 v15, v14  }
0x254: {  	s0 =	sshra.s32 s26, $0x2  }
0x255: {  	s31 =	simm.s32 $0x0;
	[tilespmem:v1+s0+$0x0 ss:$0x1] =	vst.idx.msk $0xffff, v14  }
0x256: {  	v14 =	vld.idx.msk [tilespmem:v0+s31+$0x4030 ss:$0x1], $0xffff;
	_ =	sdelay $0x1  }
0x257: {  	v15 =	vld.idx.msk [tilespmem:v0+s31+$0x40B0 ss:$0x1], $0xffff;
	_ =	sdelay $0x1  }
0x258: {  	v43 =	vld.idx.msk [tilespmem:v0+s31+$0x4130 ss:$0x1], $0xffff  }
0x259: {  	v14 =	vmul.f32 v14, v7  }
0x25a: {  	v44 =	vld.idx.msk [tilespmem:v0+s31+$0x41B0 ss:$0x1], $0xffff  }
0x25b: {  	v15 =	vmul.f32 v15, v7;
	v14 =	vadd.f32 v14, v5  }
0x25c: {  	v45 =	vld.idx.msk [tilespmem:v0+s31+$0x4230 ss:$0x1], $0xffff  }
0x25d: {  	v16 =	vmul.f32 v43, v7;
	v15 =	vadd.f32 v15, v5;
	v14 =	vmax.f32 v14, $0.0e+00  }
0x25e: {  	v46 =	vld.idx.msk [tilespmem:v0+s31+$0x42B0 ss:$0x1], $0xffff;
	v14 =	vmul.f32 v14, v12  }
0x25f: {  	v17 =	vmul.f32 v44, v7;
	v16 =	vadd.f32 v16, v5;
	v15 =	vmax.f32 v15, $0.0e+00  }
0x260: {  	v47 =	vld.idx.msk [tilespmem:v0+s31+$0x4330 ss:$0x1], $0xffff;
	v15 =	vmul.f32 v15, v11;
	v14 =	vadd.f32 v14, v13  }
0x261: {  	v18 =	vmul.f32 v45, v7;
	v17 =	vadd.f32 v17, v5;
	v16 =	vmax.f32 v16, $0.0e+00  }
0x262: {  	v21 =	vld.idx.msk [tilespmem:v0+s31+$0x43B0 ss:$0x1], $0xffff;
	v14 =	vadd.f32 v15, v14;
	v15 =	vmul.f32 v16, v10  }
0x263: {  	v50 =	vmul.f32 v46, v7;
	v49 =	vadd.f32 v18, v5;
	v48 =	vmax.f32 v17, $0.0e+00  }
0x264: {  	v51 =	vld.idx.msk [tilespmem:v0+s31+$0x4430 ss:$0x1], $0xffff;
	v14 =	vadd.f32 v15, v14;
	v15 =	vmul.f32 v48, v9  }
0x265: {  	v54 =	vmul.f32 v47, v7;
	v53 =	vadd.f32 v50, v5;
	v52 =	vmax.f32 v49, $0.0e+00  }
0x266: {  	v14 =	vadd.f32 v15, v14;
	v15 =	vmul.f32 v52, v8  }
0x267: {  	v57 =	vmul.f32 v21, v7;
	v56 =	vadd.f32 v54, v5;
	v55 =	vmax.f32 v53, $0.0e+00  }
0x268: {  	v14 =	vadd.f32 v15, v14;
	v15 =	vmul.f32 v55, v6  }
0x269: {  	v60 =	vmul.f32 v51, v7;
	v59 =	vadd.f32 v57, v5;
	v58 =	vmax.f32 v56, $0.0e+00  }
0x26a: {  	v14 =	vadd.f32 v15, v14;
	v15 =	vmul.f32 v58, v4  }
0x26b: {  	v62 =	vadd.f32 v60, v5;
	v61 =	vmax.f32 v59, $0.0e+00  }
0x26c: {  	v14 =	vadd.f32 v15, v14;
	v15 =	vmul.f32 v61, v3  }
0x26d: {  	v63 =	vmax.f32 v62, $0.0e+00  }
0x26e: {  	v14 =	vadd.f32 v15, v14;
	v15 =	vmul.f32 v63, v2;
	_ =	sdelay $0x1  }
0x26f: {  	v14 =	vadd.f32 v15, v14  }
0x270: {  	s25 =	sadd.s32 $0x12F30, s20  }
0x271: {  	s26 =	simm.s32 $0x2400;
	s0 =	simm.s32 $0x480;
	[tilespmem:s25+$0x0] =	vst v14  }
.LBB2_21:
0x272: {  	p1 =	sne.s32 s26, $0xEA00;
	v14 =	vld.idx.msk [tilespmem:v0+s0+$0x4030 ss:$0x1], $0xffff;
	_ =	sdelay $0x1  }
0x273: {  	v15 =	vld.idx.msk [tilespmem:v0+s0+$0x40B0 ss:$0x1], $0xffff;
	_ =	sdelay $0x1  }
0x274: {  	v16 =	vld.idx.msk [tilespmem:v0+s0+$0x4130 ss:$0x1], $0xffff;
	_ =	sdelay $0x1  }
0x275: {  	v14 =	vmul.f32 v14, v7;
	v17 =	vld.idx.msk [tilespmem:v0+s0+$0x41B0 ss:$0x1], $0xffff;
	_ =	sdelay $0x1  }
0x276: {  	v14 =	vadd.f32 v14, v5;
	v15 =	vmul.f32 v15, v7;
	v18 =	vld.idx.msk [tilespmem:v0+s0+$0x4230 ss:$0x1], $0xffff;
	_ =	sdelay $0x1  }
0x277: {  	v14 =	vmax.f32 v14, $0.0e+00;
	v15 =	vadd.f32 v15, v5;
	v16 =	vmul.f32 v16, v7;
	v19 =	vld.idx.msk [tilespmem:v0+s0+$0x42B0 ss:$0x1], $0xffff  }
0x278: {  	v14 =	vmul.f32 v14, v12  }
0x279: {  	v15 =	vmax.f32 v15, $0.0e+00;
	v16 =	vadd.f32 v16, v5;
	v17 =	vmul.f32 v17, v7;
	v20 =	vld.idx.msk [tilespmem:v0+s0+$0x4330 ss:$0x1], $0xffff  }
0x27a: {  	v14 =	vadd.f32 v14, v13;
	v15 =	vmul.f32 v15, v11  }
0x27b: {  	v16 =	vmax.f32 v16, $0.0e+00;
	v17 =	vadd.f32 v17, v5;
	v18 =	vmul.f32 v18, v7;
	v21 =	vld.idx.msk [tilespmem:v0+s0+$0x43B0 ss:$0x1], $0xffff  }
0x27c: {  	v14 =	vadd.f32 v15, v14;
	v15 =	vmul.f32 v16, v10  }
0x27d: {  	v16 =	vmax.f32 v17, $0.0e+00;
	v17 =	vadd.f32 v18, v5;
	v18 =	vmul.f32 v19, v7;
	v19 =	vld.idx.msk [tilespmem:v0+s0+$0x4430 ss:$0x1], $0xffff  }
0x27e: {  	v14 =	vadd.f32 v15, v14;
	v15 =	vmul.f32 v16, v9  }
0x27f: {  	v16 =	vmax.f32 v17, $0.0e+00;
	v17 =	vadd.f32 v18, v5;
	v18 =	vmul.f32 v20, v7  }
0x280: {  	v14 =	vadd.f32 v15, v14;
	v15 =	vmul.f32 v16, v8  }
0x281: {  	v16 =	vmax.f32 v17, $0.0e+00;
	v17 =	vadd.f32 v18, v5;
	v18 =	vmul.f32 v21, v7  }
0x282: {  	v14 =	vadd.f32 v15, v14;
	v15 =	vmul.f32 v16, v6  }
0x283: {  	v16 =	vmax.f32 v17, $0.0e+00;
	v17 =	vadd.f32 v18, v5;
	v18 =	vmul.f32 v19, v7  }
0x284: {  	v14 =	vadd.f32 v15, v14;
	v15 =	vmul.f32 v16, v4  }
0x285: {  	v16 =	vmax.f32 v17, $0.0e+00;
	v17 =	vadd.f32 v18, v5  }
0x286: {  	v14 =	vadd.f32 v15, v14;
	v15 =	vmul.f32 v16, v3  }
0x287: {  	v16 =	vmax.f32 v17, $0.0e+00  }
.Ltmp9:
0x288: {  	v14 =	vadd.f32 v15, v14;
	v15 =	vmul.f32 v16, v2;
	(pc) =	sbr.rel @p1 .LBB2_21-.Ltmp9, $4  }
0x289: {  	_ = 	snop  }
0x28a: {  	v14 =	vadd.f32 v15, v14  }
0x28b: {  	s25 =	sadd.s32 $0x80, s25  }
0x28c: {  	s0 =	sshra.s32 s26, $0x2;
	s26 =	sadd.s32 $0x1200, s26;
	[tilespmem:s25+$0x0] =	vst v14  }
0x28d: {  	_ =	sdelay $0x3  }
0x28e: {  	v14 =	vld.idx.msk [tilespmem:v0+s0+$0x4030 ss:$0x1], $0xffff;
	_ =	sdelay $0x1  }
0x28f: {  	v15 =	vld.idx.msk [tilespmem:v0+s0+$0x40B0 ss:$0x1], $0xffff;
	_ =	sdelay $0x1  }
0x290: {  	v16 =	vld.idx.msk [tilespmem:v0+s0+$0x4130 ss:$0x1], $0xffff  }
0x291: {  	v14 =	vmul.f32 v14, v7  }
0x292: {  	v17 =	vld.idx.msk [tilespmem:v0+s0+$0x41B0 ss:$0x1], $0xffff  }
0x293: {  	v15 =	vmul.f32 v15, v7;
	v14 =	vadd.f32 v14, v5  }
0x294: {  	v18 =	vld.idx.msk [tilespmem:v0+s0+$0x4230 ss:$0x1], $0xffff  }
0x295: {  	v16 =	vmul.f32 v16, v7;
	v15 =	vadd.f32 v15, v5;
	v14 =	vmax.f32 v14, $0.0e+00  }
0x296: {  	v19 =	vld.idx.msk [tilespmem:v0+s0+$0x42B0 ss:$0x1], $0xffff;
	v12 =	vmul.f32 v14, v12  }
0x297: {  	v61 =	vmul.f32 v17, v7;
	v14 =	vmax.f32 v15, $0.0e+00;
	v15 =	vadd.f32 v16, v5  }
0x298: {  	v62 =	vld.idx.msk [tilespmem:v0+s0+$0x4330 ss:$0x1], $0xffff;
	v11 =	vmul.f32 v14, v11;
	v12 =	vadd.f32 v12, v13  }
0x299: {  	v14 =	vadd.f32 v61, v5;
	v13 =	vmax.f32 v15, $0.0e+00;
	v15 =	vmul.f32 v18, v7  }
0x29a: {  	v63 =	vld.idx.msk [tilespmem:v0+s0+$0x43B0 ss:$0x1], $0xffff;
	v10 =	vmul.f32 v13, v10;
	v11 =	vadd.f32 v11, v12  }
0x29b: {  	v12 =	vmax.f32 v14, $0.0e+00;
	v13 =	vadd.f32 v15, v5;
	v14 =	vmul.f32 v19, v7  }
0x29c: {  	v15 =	vld.idx.msk [tilespmem:v0+s0+$0x4430 ss:$0x1], $0xffff;
	v9 =	vmul.f32 v12, v9;
	v10 =	vadd.f32 v10, v11  }
0x29d: {  	v11 =	vmax.f32 v13, $0.0e+00;
	v12 =	vadd.f32 v14, v5;
	v13 =	vmul.f32 v62, v7  }
0x29e: {  	v8 =	vmul.f32 v11, v8;
	v9 =	vadd.f32 v9, v10  }
0x29f: {  	v10 =	vmax.f32 v12, $0.0e+00;
	v11 =	vadd.f32 v13, v5;
	v12 =	vmul.f32 v63, v7  }
0x2a0: {  	v6 =	vmul.f32 v10, v6;
	v8 =	vadd.f32 v8, v9  }
0x2a1: {  	v7 =	vmul.f32 v15, v7;
	v9 =	vmax.f32 v11, $0.0e+00;
	v10 =	vadd.f32 v12, v5  }
0x2a2: {  	v4 =	vmul.f32 v9, v4;
	v6 =	vadd.f32 v6, v8  }
0x2a3: {  	v5 =	vadd.f32 v7, v5;
	v8 =	vmax.f32 v10, $0.0e+00  }
0x2a4: {  	v3 =	vmul.f32 v8, v3;
	v4 =	vadd.f32 v4, v6  }
0x2a5: {  	v5 =	vmax.f32 v5, $0.0e+00  }
0x2a6: {  	v2 =	vmul.f32 v5, v2;
	v3 =	vadd.f32 v3, v4;
	_ =	sdelay $0x1  }
0x2a7: {  	v2 =	vadd.f32 v2, v3  }
0x2a8: {  	s31 =	sadd.s32 $0x80, s25  }
0x2a9: {  	[tilespmem:s31+$0x0] =	vst v2  }
0x2aa: {  	v12 =	vld [tilespmem:$0x12040]  }
0x2ab: {  	v11 =	vld [tilespmem:$0x120C0]  }
0x2ac: {  	v10 =	vld [tilespmem:$0x12140]  }
0x2ad: {  	v9 =	vld [tilespmem:$0x121C0]  }
0x2ae: {  	v8 =	vld [tilespmem:$0x12240]  }
0x2af: {  	v6 =	vld [tilespmem:$0x122C0]  }
0x2b0: {  	v4 =	vld [tilespmem:$0x12340]  }
0x2b1: {  	v3 =	vld [tilespmem:$0x123C0]  }
0x2b2: {  	v2 =	vld [tilespmem:$0x12440]  }
0x2b3: {  	v7 =	vld [tilespmem:$0x124C0]  }
0x2b4: {  	v5 =	vld [tilespmem:$0x12540]  }
0x2b5: {  	v13 =	vld [tilespmem:$0x125C0]  }
0x2b6: {  	s25 =	simm.s32 $0x100;
	s0 =	simm.s32 $0x300;
	v14 =	vld [tilespmem:s24+$0xFFFFFE00]  }
.LBB2_23:
0x2b7: {  	p1 =	sne.s32 s0, $0x1B00  }
0x2b8: {  	v15 =	vld [tilespmem:s24+$0xFFFFFE80];
	_ =	sdelay $0x1  }
0x2b9: {  	v16 =	vld [tilespmem:s24+$0xFFFFFF00]  }
0x2ba: {  	v14 =	vmul.f32 v14, v7  }
0x2bb: {  	v17 =	vld [tilespmem:s24+$0xFFFFFF80]  }
0x2bc: {  	v14 =	vadd.f32 v14, v5;
	v15 =	vmul.f32 v15, v7  }
0x2bd: {  	v18 =	vld [tilespmem:s24+$0x0]  }
0x2be: {  	v14 =	vmax.f32 v14, $0.0e+00;
	v15 =	vadd.f32 v15, v5;
	v16 =	vmul.f32 v16, v7  }
0x2bf: {  	v14 =	vmul.f32 v14, v12;
	v19 =	vld [tilespmem:s24+$0x80]  }
0x2c0: {  	v15 =	vmax.f32 v15, $0.0e+00;
	v16 =	vadd.f32 v16, v5;
	v17 =	vmul.f32 v17, v7  }
0x2c1: {  	v14 =	vadd.f32 v14, v13;
	v15 =	vmul.f32 v15, v11;
	v20 =	vld [tilespmem:s24+$0x100]  }
0x2c2: {  	v16 =	vmax.f32 v16, $0.0e+00;
	v17 =	vadd.f32 v17, v5;
	v18 =	vmul.f32 v18, v7  }
0x2c3: {  	v14 =	vadd.f32 v15, v14;
	v15 =	vmul.f32 v16, v10;
	v16 =	vld [tilespmem:s24+$0x180]  }
0x2c4: {  	v17 =	vmax.f32 v17, $0.0e+00;
	v18 =	vadd.f32 v18, v5;
	v19 =	vmul.f32 v19, v7  }
0x2c5: {  	v14 =	vadd.f32 v15, v14;
	v15 =	vmul.f32 v17, v9;
	v17 =	vld [tilespmem:s24+$0x200]  }
0x2c6: {  	v18 =	vmax.f32 v18, $0.0e+00;
	v19 =	vadd.f32 v19, v5;
	v20 =	vmul.f32 v20, v7  }
0x2c7: {  	v14 =	vadd.f32 v15, v14;
	v15 =	vmul.f32 v18, v8  }
0x2c8: {  	v18 =	vmax.f32 v19, $0.0e+00;
	v19 =	vadd.f32 v20, v5;
	v16 =	vmul.f32 v16, v7  }
0x2c9: {  	v14 =	vadd.f32 v15, v14;
	v15 =	vmul.f32 v18, v6  }
0x2ca: {  	v18 =	vmax.f32 v19, $0.0e+00;
	v16 =	vadd.f32 v16, v5;
	v17 =	vmul.f32 v17, v7  }
0x2cb: {  	v14 =	vadd.f32 v15, v14;
	v15 =	vmul.f32 v18, v4  }
0x2cc: {  	v16 =	vmax.f32 v16, $0.0e+00;
	v17 =	vadd.f32 v17, v5  }
0x2cd: {  	v14 =	vadd.f32 v15, v14;
	v15 =	vmul.f32 v16, v3  }
0x2ce: {  	v16 =	vmax.f32 v17, $0.0e+00  }
0x2cf: {  	v14 =	vadd.f32 v15, v14;
	v15 =	vmul.f32 v16, v2  }
.Ltmp10:
0x2d0: {  	(pc) =	sbr.rel @p1 .LBB2_23-.Ltmp10, $4  }
0x2d1: {  	v14 =	vadd.f32 v15, v14  }
0x2d2: {  	s2 =	sshra.s32 s25, $0x2;
	s25 =	smov.u32 s0  }
0x2d3: {  	s24 =	sadd.s32 $0x480, s24;
	[tilespmem:v1+s2+$0x0 ss:$0x1] =	vst.idx.msk $0xffff, v14  }
0x2d4: {  	s0 =	sadd.s32 $0x200, s0;
	v14 =	vld [tilespmem:s24+$0xFFFFFE00]  }
0x2d5: {  	_ = 	snop  }
0x2d6: {  	v15 =	vld [tilespmem:s24+$0xFFFFFE80];
	_ =	sdelay $0x1  }
0x2d7: {  	v16 =	vld [tilespmem:s24+$0xFFFFFF00]  }
0x2d8: {  	v14 =	vmul.f32 v14, v7  }
0x2d9: {  	v17 =	vld [tilespmem:s24+$0xFFFFFF80]  }
0x2da: {  	v15 =	vmul.f32 v15, v7;
	v14 =	vadd.f32 v14, v5  }
0x2db: {  	v18 =	vld [tilespmem:s24+$0x0]  }
0x2dc: {  	v16 =	vmul.f32 v16, v7;
	v15 =	vadd.f32 v15, v5;
	v14 =	vmax.f32 v14, $0.0e+00  }
0x2dd: {  	v19 =	vld [tilespmem:s24+$0x80];
	v14 =	vmul.f32 v14, v12  }
0x2de: {  	v17 =	vmul.f32 v17, v7;
	v16 =	vadd.f32 v16, v5;
	v15 =	vmax.f32 v15, $0.0e+00  }
0x2df: {  	v20 =	vld [tilespmem:s24+$0x100];
	v15 =	vmul.f32 v15, v11;
	v14 =	vadd.f32 v14, v13  }
0x2e0: {  	v18 =	vmul.f32 v18, v7;
	v17 =	vadd.f32 v17, v5;
	v16 =	vmax.f32 v16, $0.0e+00  }
0x2e1: {  	v37 =	vld [tilespmem:s24+$0x180];
	v14 =	vadd.f32 v15, v14;
	v15 =	vmul.f32 v16, v10  }
0x2e2: {  	v19 =	vmul.f32 v19, v7;
	v18 =	vadd.f32 v18, v5;
	v17 =	vmax.f32 v17, $0.0e+00  }
0x2e3: {  	v38 =	vld [tilespmem:s24+$0x200];
	v14 =	vadd.f32 v15, v14;
	v15 =	vmul.f32 v17, v9  }
0x2e4: {  	v20 =	vmul.f32 v20, v7;
	v19 =	vadd.f32 v19, v5;
	v18 =	vmax.f32 v18, $0.0e+00  }
0x2e5: {  	v14 =	vadd.f32 v15, v14;
	v15 =	vmul.f32 v18, v8  }
0x2e6: {  	v40 =	vadd.f32 v20, v5;
	v39 =	vmax.f32 v19, $0.0e+00;
	v16 =	vmul.f32 v37, v7  }
0x2e7: {  	v14 =	vadd.f32 v15, v14;
	v15 =	vmul.f32 v39, v6  }
0x2e8: {  	v41 =	vmax.f32 v40, $0.0e+00;
	v16 =	vadd.f32 v16, v5;
	v17 =	vmul.f32 v38, v7  }
0x2e9: {  	v14 =	vadd.f32 v15, v14;
	v15 =	vmul.f32 v41, v4  }
0x2ea: {  	v16 =	vmax.f32 v16, $0.0e+00;
	v17 =	vadd.f32 v17, v5  }
0x2eb: {  	v14 =	vadd.f32 v15, v14;
	v15 =	vmul.f32 v16, v3  }
0x2ec: {  	v42 =	vmax.f32 v17, $0.0e+00  }
0x2ed: {  	v14 =	vadd.f32 v15, v14;
	v15 =	vmul.f32 v42, v2;
	_ =	sdelay $0x1  }
0x2ee: {  	v14 =	vadd.f32 v15, v14  }
0x2ef: {  	s0 =	sshra.s32 s25, $0x2  }
0x2f0: {  	s31 =	simm.s32 $0x0;
	[tilespmem:v1+s0+$0x0 ss:$0x1] =	vst.idx.msk $0xffff, v14  }
0x2f1: {  	v14 =	vld.idx.msk [tilespmem:v0+s31+$0x4040 ss:$0x1], $0xffff;
	_ =	sdelay $0x1  }
0x2f2: {  	v15 =	vld.idx.msk [tilespmem:v0+s31+$0x40C0 ss:$0x1], $0xffff;
	_ =	sdelay $0x1  }
0x2f3: {  	v43 =	vld.idx.msk [tilespmem:v0+s31+$0x4140 ss:$0x1], $0xffff  }
0x2f4: {  	v14 =	vmul.f32 v14, v7  }
0x2f5: {  	v44 =	vld.idx.msk [tilespmem:v0+s31+$0x41C0 ss:$0x1], $0xffff  }
0x2f6: {  	v15 =	vmul.f32 v15, v7;
	v14 =	vadd.f32 v14, v5  }
0x2f7: {  	v45 =	vld.idx.msk [tilespmem:v0+s31+$0x4240 ss:$0x1], $0xffff  }
0x2f8: {  	v16 =	vmul.f32 v43, v7;
	v15 =	vadd.f32 v15, v5;
	v14 =	vmax.f32 v14, $0.0e+00  }
0x2f9: {  	v46 =	vld.idx.msk [tilespmem:v0+s31+$0x42C0 ss:$0x1], $0xffff;
	v14 =	vmul.f32 v14, v12  }
0x2fa: {  	v17 =	vmul.f32 v44, v7;
	v16 =	vadd.f32 v16, v5;
	v15 =	vmax.f32 v15, $0.0e+00  }
0x2fb: {  	v47 =	vld.idx.msk [tilespmem:v0+s31+$0x4340 ss:$0x1], $0xffff;
	v15 =	vmul.f32 v15, v11;
	v14 =	vadd.f32 v14, v13  }
0x2fc: {  	v18 =	vmul.f32 v45, v7;
	v17 =	vadd.f32 v17, v5;
	v16 =	vmax.f32 v16, $0.0e+00  }
0x2fd: {  	v21 =	vld.idx.msk [tilespmem:v0+s31+$0x43C0 ss:$0x1], $0xffff;
	v14 =	vadd.f32 v15, v14;
	v15 =	vmul.f32 v16, v10  }
0x2fe: {  	v50 =	vmul.f32 v46, v7;
	v49 =	vadd.f32 v18, v5;
	v48 =	vmax.f32 v17, $0.0e+00  }
0x2ff: {  	v51 =	vld.idx.msk [tilespmem:v0+s31+$0x4440 ss:$0x1], $0xffff;
	v14 =	vadd.f32 v15, v14;
	v15 =	vmul.f32 v48, v9  }
0x300: {  	v54 =	vmul.f32 v47, v7;
	v53 =	vadd.f32 v50, v5;
	v52 =	vmax.f32 v49, $0.0e+00  }
0x301: {  	v14 =	vadd.f32 v15, v14;
	v15 =	vmul.f32 v52, v8  }
0x302: {  	v57 =	vmul.f32 v21, v7;
	v56 =	vadd.f32 v54, v5;
	v55 =	vmax.f32 v53, $0.0e+00  }
0x303: {  	v14 =	vadd.f32 v15, v14;
	v15 =	vmul.f32 v55, v6  }
0x304: {  	v60 =	vmul.f32 v51, v7;
	v59 =	vadd.f32 v57, v5;
	v58 =	vmax.f32 v56, $0.0e+00  }
0x305: {  	v14 =	vadd.f32 v15, v14;
	v15 =	vmul.f32 v58, v4  }
0x306: {  	v62 =	vadd.f32 v60, v5;
	v61 =	vmax.f32 v59, $0.0e+00  }
0x307: {  	v14 =	vadd.f32 v15, v14;
	v15 =	vmul.f32 v61, v3  }
0x308: {  	v63 =	vmax.f32 v62, $0.0e+00  }
0x309: {  	v14 =	vadd.f32 v15, v14;
	v15 =	vmul.f32 v63, v2;
	_ =	sdelay $0x1  }
0x30a: {  	v14 =	vadd.f32 v15, v14  }
0x30b: {  	s24 =	sadd.s32 $0x12F40, s20  }
0x30c: {  	s25 =	simm.s32 $0x2400;
	s0 =	simm.s32 $0x480;
	[tilespmem:s24+$0x0] =	vst v14  }
.LBB2_25:
0x30d: {  	p1 =	sne.s32 s25, $0xEA00;
	v14 =	vld.idx.msk [tilespmem:v0+s0+$0x4040 ss:$0x1], $0xffff;
	_ =	sdelay $0x1  }
0x30e: {  	v15 =	vld.idx.msk [tilespmem:v0+s0+$0x40C0 ss:$0x1], $0xffff;
	_ =	sdelay $0x1  }
0x30f: {  	v16 =	vld.idx.msk [tilespmem:v0+s0+$0x4140 ss:$0x1], $0xffff;
	_ =	sdelay $0x1  }
0x310: {  	v14 =	vmul.f32 v14, v7;
	v17 =	vld.idx.msk [tilespmem:v0+s0+$0x41C0 ss:$0x1], $0xffff;
	_ =	sdelay $0x1  }
0x311: {  	v14 =	vadd.f32 v14, v5;
	v15 =	vmul.f32 v15, v7;
	v18 =	vld.idx.msk [tilespmem:v0+s0+$0x4240 ss:$0x1], $0xffff;
	_ =	sdelay $0x1  }
0x312: {  	v14 =	vmax.f32 v14, $0.0e+00;
	v15 =	vadd.f32 v15, v5;
	v16 =	vmul.f32 v16, v7;
	v19 =	vld.idx.msk [tilespmem:v0+s0+$0x42C0 ss:$0x1], $0xffff  }
0x313: {  	v14 =	vmul.f32 v14, v12  }
0x314: {  	v15 =	vmax.f32 v15, $0.0e+00;
	v16 =	vadd.f32 v16, v5;
	v17 =	vmul.f32 v17, v7;
	v20 =	vld.idx.msk [tilespmem:v0+s0+$0x4340 ss:$0x1], $0xffff  }
0x315: {  	v14 =	vadd.f32 v14, v13;
	v15 =	vmul.f32 v15, v11  }
0x316: {  	v16 =	vmax.f32 v16, $0.0e+00;
	v17 =	vadd.f32 v17, v5;
	v18 =	vmul.f32 v18, v7;
	v21 =	vld.idx.msk [tilespmem:v0+s0+$0x43C0 ss:$0x1], $0xffff  }
0x317: {  	v14 =	vadd.f32 v15, v14;
	v15 =	vmul.f32 v16, v10  }
0x318: {  	v16 =	vmax.f32 v17, $0.0e+00;
	v17 =	vadd.f32 v18, v5;
	v18 =	vmul.f32 v19, v7;
	v19 =	vld.idx.msk [tilespmem:v0+s0+$0x4440 ss:$0x1], $0xffff  }
0x319: {  	v14 =	vadd.f32 v15, v14;
	v15 =	vmul.f32 v16, v9  }
0x31a: {  	v16 =	vmax.f32 v17, $0.0e+00;
	v17 =	vadd.f32 v18, v5;
	v18 =	vmul.f32 v20, v7  }
0x31b: {  	v14 =	vadd.f32 v15, v14;
	v15 =	vmul.f32 v16, v8  }
0x31c: {  	v16 =	vmax.f32 v17, $0.0e+00;
	v17 =	vadd.f32 v18, v5;
	v18 =	vmul.f32 v21, v7  }
0x31d: {  	v14 =	vadd.f32 v15, v14;
	v15 =	vmul.f32 v16, v6  }
0x31e: {  	v16 =	vmax.f32 v17, $0.0e+00;
	v17 =	vadd.f32 v18, v5;
	v18 =	vmul.f32 v19, v7  }
0x31f: {  	v14 =	vadd.f32 v15, v14;
	v15 =	vmul.f32 v16, v4  }
0x320: {  	v16 =	vmax.f32 v17, $0.0e+00;
	v17 =	vadd.f32 v18, v5  }
0x321: {  	v14 =	vadd.f32 v15, v14;
	v15 =	vmul.f32 v16, v3  }
0x322: {  	v16 =	vmax.f32 v17, $0.0e+00  }
.Ltmp11:
0x323: {  	v14 =	vadd.f32 v15, v14;
	v15 =	vmul.f32 v16, v2;
	(pc) =	sbr.rel @p1 .LBB2_25-.Ltmp11, $4  }
0x324: {  	_ = 	snop  }
0x325: {  	v14 =	vadd.f32 v15, v14  }
0x326: {  	s24 =	sadd.s32 $0x80, s24  }
0x327: {  	s0 =	sshra.s32 s25, $0x2;
	s25 =	sadd.s32 $0x1200, s25;
	[tilespmem:s24+$0x0] =	vst v14  }
0x328: {  	_ =	sdelay $0x3  }
0x329: {  	v14 =	vld.idx.msk [tilespmem:v0+s0+$0x4040 ss:$0x1], $0xffff;
	_ =	sdelay $0x1  }
0x32a: {  	v15 =	vld.idx.msk [tilespmem:v0+s0+$0x40C0 ss:$0x1], $0xffff;
	_ =	sdelay $0x1  }
0x32b: {  	v16 =	vld.idx.msk [tilespmem:v0+s0+$0x4140 ss:$0x1], $0xffff  }
0x32c: {  	v14 =	vmul.f32 v14, v7  }
0x32d: {  	v17 =	vld.idx.msk [tilespmem:v0+s0+$0x41C0 ss:$0x1], $0xffff  }
0x32e: {  	v15 =	vmul.f32 v15, v7;
	v14 =	vadd.f32 v14, v5  }
0x32f: {  	v18 =	vld.idx.msk [tilespmem:v0+s0+$0x4240 ss:$0x1], $0xffff  }
0x330: {  	v16 =	vmul.f32 v16, v7;
	v15 =	vadd.f32 v15, v5;
	v14 =	vmax.f32 v14, $0.0e+00  }
0x331: {  	v19 =	vld.idx.msk [tilespmem:v0+s0+$0x42C0 ss:$0x1], $0xffff;
	v12 =	vmul.f32 v14, v12  }
0x332: {  	v61 =	vmul.f32 v17, v7;
	v14 =	vmax.f32 v15, $0.0e+00;
	v15 =	vadd.f32 v16, v5  }
0x333: {  	v62 =	vld.idx.msk [tilespmem:v0+s0+$0x4340 ss:$0x1], $0xffff;
	v11 =	vmul.f32 v14, v11;
	v12 =	vadd.f32 v12, v13  }
0x334: {  	v14 =	vadd.f32 v61, v5;
	v13 =	vmax.f32 v15, $0.0e+00;
	v15 =	vmul.f32 v18, v7  }
0x335: {  	v63 =	vld.idx.msk [tilespmem:v0+s0+$0x43C0 ss:$0x1], $0xffff;
	v10 =	vmul.f32 v13, v10;
	v11 =	vadd.f32 v11, v12  }
0x336: {  	v12 =	vmax.f32 v14, $0.0e+00;
	v13 =	vadd.f32 v15, v5;
	v14 =	vmul.f32 v19, v7  }
0x337: {  	v15 =	vld.idx.msk [tilespmem:v0+s0+$0x4440 ss:$0x1], $0xffff;
	v9 =	vmul.f32 v12, v9;
	v10 =	vadd.f32 v10, v11  }
0x338: {  	v11 =	vmax.f32 v13, $0.0e+00;
	v12 =	vadd.f32 v14, v5;
	v13 =	vmul.f32 v62, v7  }
0x339: {  	v8 =	vmul.f32 v11, v8;
	v9 =	vadd.f32 v9, v10  }
0x33a: {  	v10 =	vmax.f32 v12, $0.0e+00;
	v11 =	vadd.f32 v13, v5;
	v12 =	vmul.f32 v63, v7  }
0x33b: {  	v6 =	vmul.f32 v10, v6;
	v8 =	vadd.f32 v8, v9  }
0x33c: {  	v7 =	vmul.f32 v15, v7;
	v9 =	vmax.f32 v11, $0.0e+00;
	v10 =	vadd.f32 v12, v5  }
0x33d: {  	v4 =	vmul.f32 v9, v4;
	v6 =	vadd.f32 v6, v8  }
0x33e: {  	v5 =	vadd.f32 v7, v5;
	v8 =	vmax.f32 v10, $0.0e+00  }
0x33f: {  	v3 =	vmul.f32 v8, v3;
	v4 =	vadd.f32 v4, v6  }
0x340: {  	v5 =	vmax.f32 v5, $0.0e+00  }
0x341: {  	v2 =	vmul.f32 v5, v2;
	v3 =	vadd.f32 v3, v4;
	_ =	sdelay $0x1  }
0x342: {  	v2 =	vadd.f32 v2, v3  }
0x343: {  	s31 =	sadd.s32 $0x80, s24  }
0x344: {  	[tilespmem:s31+$0x0] =	vst v2  }
0x345: {  	v12 =	vld [tilespmem:$0x12050]  }
0x346: {  	v11 =	vld [tilespmem:$0x120D0]  }
0x347: {  	v10 =	vld [tilespmem:$0x12150]  }
0x348: {  	v9 =	vld [tilespmem:$0x121D0]  }
0x349: {  	v8 =	vld [tilespmem:$0x12250]  }
0x34a: {  	v6 =	vld [tilespmem:$0x122D0]  }
0x34b: {  	v4 =	vld [tilespmem:$0x12350]  }
0x34c: {  	v3 =	vld [tilespmem:$0x123D0]  }
0x34d: {  	v2 =	vld [tilespmem:$0x12450]  }
0x34e: {  	v7 =	vld [tilespmem:$0x124D0]  }
0x34f: {  	v5 =	vld [tilespmem:$0x12550]  }
0x350: {  	v13 =	vld [tilespmem:$0x125D0]  }
0x351: {  	s24 =	simm.s32 $0x140;
	s0 =	simm.s32 $0x340;
	v14 =	vld [tilespmem:s23+$0xFFFFFE00]  }
.LBB2_27:
0x352: {  	p1 =	sne.s32 s0, $0x1B40  }
0x353: {  	v15 =	vld [tilespmem:s23+$0xFFFFFE80];
	_ =	sdelay $0x1  }
0x354: {  	v16 =	vld [tilespmem:s23+$0xFFFFFF00]  }
0x355: {  	v14 =	vmul.f32 v14, v7  }
0x356: {  	v17 =	vld [tilespmem:s23+$0xFFFFFF80]  }
0x357: {  	v14 =	vadd.f32 v14, v5;
	v15 =	vmul.f32 v15, v7  }
0x358: {  	v18 =	vld [tilespmem:s23+$0x0]  }
0x359: {  	v14 =	vmax.f32 v14, $0.0e+00;
	v15 =	vadd.f32 v15, v5;
	v16 =	vmul.f32 v16, v7  }
0x35a: {  	v14 =	vmul.f32 v14, v12;
	v19 =	vld [tilespmem:s23+$0x80]  }
0x35b: {  	v15 =	vmax.f32 v15, $0.0e+00;
	v16 =	vadd.f32 v16, v5;
	v17 =	vmul.f32 v17, v7  }
0x35c: {  	v14 =	vadd.f32 v14, v13;
	v15 =	vmul.f32 v15, v11;
	v20 =	vld [tilespmem:s23+$0x100]  }
0x35d: {  	v16 =	vmax.f32 v16, $0.0e+00;
	v17 =	vadd.f32 v17, v5;
	v18 =	vmul.f32 v18, v7  }
0x35e: {  	v14 =	vadd.f32 v15, v14;
	v15 =	vmul.f32 v16, v10;
	v16 =	vld [tilespmem:s23+$0x180]  }
0x35f: {  	v17 =	vmax.f32 v17, $0.0e+00;
	v18 =	vadd.f32 v18, v5;
	v19 =	vmul.f32 v19, v7  }
0x360: {  	v14 =	vadd.f32 v15, v14;
	v15 =	vmul.f32 v17, v9;
	v17 =	vld [tilespmem:s23+$0x200]  }
0x361: {  	v18 =	vmax.f32 v18, $0.0e+00;
	v19 =	vadd.f32 v19, v5;
	v20 =	vmul.f32 v20, v7  }
0x362: {  	v14 =	vadd.f32 v15, v14;
	v15 =	vmul.f32 v18, v8  }
0x363: {  	v18 =	vmax.f32 v19, $0.0e+00;
	v19 =	vadd.f32 v20, v5;
	v16 =	vmul.f32 v16, v7  }
0x364: {  	v14 =	vadd.f32 v15, v14;
	v15 =	vmul.f32 v18, v6  }
0x365: {  	v18 =	vmax.f32 v19, $0.0e+00;
	v16 =	vadd.f32 v16, v5;
	v17 =	vmul.f32 v17, v7  }
0x366: {  	v14 =	vadd.f32 v15, v14;
	v15 =	vmul.f32 v18, v4  }
0x367: {  	v16 =	vmax.f32 v16, $0.0e+00;
	v17 =	vadd.f32 v17, v5  }
0x368: {  	v14 =	vadd.f32 v15, v14;
	v15 =	vmul.f32 v16, v3  }
0x369: {  	v16 =	vmax.f32 v17, $0.0e+00  }
0x36a: {  	v14 =	vadd.f32 v15, v14;
	v15 =	vmul.f32 v16, v2  }
.Ltmp12:
0x36b: {  	(pc) =	sbr.rel @p1 .LBB2_27-.Ltmp12, $4  }
0x36c: {  	v14 =	vadd.f32 v15, v14  }
0x36d: {  	s2 =	sshra.s32 s24, $0x2;
	s24 =	smov.u32 s0  }
0x36e: {  	s23 =	sadd.s32 $0x480, s23;
	[tilespmem:v1+s2+$0x0 ss:$0x1] =	vst.idx.msk $0xffff, v14  }
0x36f: {  	s0 =	sadd.s32 $0x200, s0;
	v14 =	vld [tilespmem:s23+$0xFFFFFE00]  }
0x370: {  	_ = 	snop  }
0x371: {  	v15 =	vld [tilespmem:s23+$0xFFFFFE80];
	_ =	sdelay $0x1  }
0x372: {  	v16 =	vld [tilespmem:s23+$0xFFFFFF00]  }
0x373: {  	v14 =	vmul.f32 v14, v7  }
0x374: {  	v17 =	vld [tilespmem:s23+$0xFFFFFF80]  }
0x375: {  	v15 =	vmul.f32 v15, v7;
	v14 =	vadd.f32 v14, v5  }
0x376: {  	v18 =	vld [tilespmem:s23+$0x0]  }
0x377: {  	v16 =	vmul.f32 v16, v7;
	v15 =	vadd.f32 v15, v5;
	v14 =	vmax.f32 v14, $0.0e+00  }
0x378: {  	v19 =	vld [tilespmem:s23+$0x80];
	v14 =	vmul.f32 v14, v12  }
0x379: {  	v17 =	vmul.f32 v17, v7;
	v16 =	vadd.f32 v16, v5;
	v15 =	vmax.f32 v15, $0.0e+00  }
0x37a: {  	v20 =	vld [tilespmem:s23+$0x100];
	v15 =	vmul.f32 v15, v11;
	v14 =	vadd.f32 v14, v13  }
0x37b: {  	v18 =	vmul.f32 v18, v7;
	v17 =	vadd.f32 v17, v5;
	v16 =	vmax.f32 v16, $0.0e+00  }
0x37c: {  	v37 =	vld [tilespmem:s23+$0x180];
	v14 =	vadd.f32 v15, v14;
	v15 =	vmul.f32 v16, v10  }
0x37d: {  	v19 =	vmul.f32 v19, v7;
	v18 =	vadd.f32 v18, v5;
	v17 =	vmax.f32 v17, $0.0e+00  }
0x37e: {  	v38 =	vld [tilespmem:s23+$0x200];
	v14 =	vadd.f32 v15, v14;
	v15 =	vmul.f32 v17, v9  }
0x37f: {  	v20 =	vmul.f32 v20, v7;
	v19 =	vadd.f32 v19, v5;
	v18 =	vmax.f32 v18, $0.0e+00  }
0x380: {  	v14 =	vadd.f32 v15, v14;
	v15 =	vmul.f32 v18, v8  }
0x381: {  	v40 =	vadd.f32 v20, v5;
	v39 =	vmax.f32 v19, $0.0e+00;
	v16 =	vmul.f32 v37, v7  }
0x382: {  	v14 =	vadd.f32 v15, v14;
	v15 =	vmul.f32 v39, v6  }
0x383: {  	v41 =	vmax.f32 v40, $0.0e+00;
	v16 =	vadd.f32 v16, v5;
	v17 =	vmul.f32 v38, v7  }
0x384: {  	v14 =	vadd.f32 v15, v14;
	v15 =	vmul.f32 v41, v4  }
0x385: {  	v16 =	vmax.f32 v16, $0.0e+00;
	v17 =	vadd.f32 v17, v5  }
0x386: {  	v14 =	vadd.f32 v15, v14;
	v15 =	vmul.f32 v16, v3  }
0x387: {  	v42 =	vmax.f32 v17, $0.0e+00  }
0x388: {  	v14 =	vadd.f32 v15, v14;
	v15 =	vmul.f32 v42, v2;
	_ =	sdelay $0x1  }
0x389: {  	v14 =	vadd.f32 v15, v14  }
0x38a: {  	s0 =	sshra.s32 s24, $0x2  }
0x38b: {  	s31 =	simm.s32 $0x0;
	[tilespmem:v1+s0+$0x0 ss:$0x1] =	vst.idx.msk $0xffff, v14  }
0x38c: {  	v14 =	vld.idx.msk [tilespmem:v0+s31+$0x4050 ss:$0x1], $0xffff;
	_ =	sdelay $0x1  }
0x38d: {  	v15 =	vld.idx.msk [tilespmem:v0+s31+$0x40D0 ss:$0x1], $0xffff;
	_ =	sdelay $0x1  }
0x38e: {  	v43 =	vld.idx.msk [tilespmem:v0+s31+$0x4150 ss:$0x1], $0xffff  }
0x38f: {  	v14 =	vmul.f32 v14, v7  }
0x390: {  	v44 =	vld.idx.msk [tilespmem:v0+s31+$0x41D0 ss:$0x1], $0xffff  }
0x391: {  	v15 =	vmul.f32 v15, v7;
	v14 =	vadd.f32 v14, v5  }
0x392: {  	v45 =	vld.idx.msk [tilespmem:v0+s31+$0x4250 ss:$0x1], $0xffff  }
0x393: {  	v16 =	vmul.f32 v43, v7;
	v15 =	vadd.f32 v15, v5;
	v14 =	vmax.f32 v14, $0.0e+00  }
0x394: {  	v46 =	vld.idx.msk [tilespmem:v0+s31+$0x42D0 ss:$0x1], $0xffff;
	v14 =	vmul.f32 v14, v12  }
0x395: {  	v17 =	vmul.f32 v44, v7;
	v16 =	vadd.f32 v16, v5;
	v15 =	vmax.f32 v15, $0.0e+00  }
0x396: {  	v47 =	vld.idx.msk [tilespmem:v0+s31+$0x4350 ss:$0x1], $0xffff;
	v15 =	vmul.f32 v15, v11;
	v14 =	vadd.f32 v14, v13  }
0x397: {  	v18 =	vmul.f32 v45, v7;
	v17 =	vadd.f32 v17, v5;
	v16 =	vmax.f32 v16, $0.0e+00  }
0x398: {  	v21 =	vld.idx.msk [tilespmem:v0+s31+$0x43D0 ss:$0x1], $0xffff;
	v14 =	vadd.f32 v15, v14;
	v15 =	vmul.f32 v16, v10  }
0x399: {  	v50 =	vmul.f32 v46, v7;
	v49 =	vadd.f32 v18, v5;
	v48 =	vmax.f32 v17, $0.0e+00  }
0x39a: {  	v51 =	vld.idx.msk [tilespmem:v0+s31+$0x4450 ss:$0x1], $0xffff;
	v14 =	vadd.f32 v15, v14;
	v15 =	vmul.f32 v48, v9  }
0x39b: {  	v54 =	vmul.f32 v47, v7;
	v53 =	vadd.f32 v50, v5;
	v52 =	vmax.f32 v49, $0.0e+00  }
0x39c: {  	v14 =	vadd.f32 v15, v14;
	v15 =	vmul.f32 v52, v8  }
0x39d: {  	v57 =	vmul.f32 v21, v7;
	v56 =	vadd.f32 v54, v5;
	v55 =	vmax.f32 v53, $0.0e+00  }
0x39e: {  	v14 =	vadd.f32 v15, v14;
	v15 =	vmul.f32 v55, v6  }
0x39f: {  	v60 =	vmul.f32 v51, v7;
	v59 =	vadd.f32 v57, v5;
	v58 =	vmax.f32 v56, $0.0e+00  }
0x3a0: {  	v14 =	vadd.f32 v15, v14;
	v15 =	vmul.f32 v58, v4  }
0x3a1: {  	v62 =	vadd.f32 v60, v5;
	v61 =	vmax.f32 v59, $0.0e+00  }
0x3a2: {  	v14 =	vadd.f32 v15, v14;
	v15 =	vmul.f32 v61, v3  }
0x3a3: {  	v63 =	vmax.f32 v62, $0.0e+00  }
0x3a4: {  	v14 =	vadd.f32 v15, v14;
	v15 =	vmul.f32 v63, v2;
	_ =	sdelay $0x1  }
0x3a5: {  	v14 =	vadd.f32 v15, v14  }
0x3a6: {  	s23 =	sadd.s32 $0x12F50, s20  }
0x3a7: {  	s24 =	simm.s32 $0x2400;
	s0 =	simm.s32 $0x480;
	[tilespmem:s23+$0x0] =	vst v14  }
.LBB2_29:
0x3a8: {  	p1 =	sne.s32 s24, $0xEA00;
	v14 =	vld.idx.msk [tilespmem:v0+s0+$0x4050 ss:$0x1], $0xffff;
	_ =	sdelay $0x1  }
0x3a9: {  	v15 =	vld.idx.msk [tilespmem:v0+s0+$0x40D0 ss:$0x1], $0xffff;
	_ =	sdelay $0x1  }
0x3aa: {  	v16 =	vld.idx.msk [tilespmem:v0+s0+$0x4150 ss:$0x1], $0xffff;
	_ =	sdelay $0x1  }
0x3ab: {  	v14 =	vmul.f32 v14, v7;
	v17 =	vld.idx.msk [tilespmem:v0+s0+$0x41D0 ss:$0x1], $0xffff;
	_ =	sdelay $0x1  }
0x3ac: {  	v14 =	vadd.f32 v14, v5;
	v15 =	vmul.f32 v15, v7;
	v18 =	vld.idx.msk [tilespmem:v0+s0+$0x4250 ss:$0x1], $0xffff;
	_ =	sdelay $0x1  }
0x3ad: {  	v14 =	vmax.f32 v14, $0.0e+00;
	v15 =	vadd.f32 v15, v5;
	v16 =	vmul.f32 v16, v7;
	v19 =	vld.idx.msk [tilespmem:v0+s0+$0x42D0 ss:$0x1], $0xffff  }
0x3ae: {  	v14 =	vmul.f32 v14, v12  }
0x3af: {  	v15 =	vmax.f32 v15, $0.0e+00;
	v16 =	vadd.f32 v16, v5;
	v17 =	vmul.f32 v17, v7;
	v20 =	vld.idx.msk [tilespmem:v0+s0+$0x4350 ss:$0x1], $0xffff  }
0x3b0: {  	v14 =	vadd.f32 v14, v13;
	v15 =	vmul.f32 v15, v11  }
0x3b1: {  	v16 =	vmax.f32 v16, $0.0e+00;
	v17 =	vadd.f32 v17, v5;
	v18 =	vmul.f32 v18, v7;
	v21 =	vld.idx.msk [tilespmem:v0+s0+$0x43D0 ss:$0x1], $0xffff  }
0x3b2: {  	v14 =	vadd.f32 v15, v14;
	v15 =	vmul.f32 v16, v10  }
0x3b3: {  	v16 =	vmax.f32 v17, $0.0e+00;
	v17 =	vadd.f32 v18, v5;
	v18 =	vmul.f32 v19, v7;
	v19 =	vld.idx.msk [tilespmem:v0+s0+$0x4450 ss:$0x1], $0xffff  }
0x3b4: {  	v14 =	vadd.f32 v15, v14;
	v15 =	vmul.f32 v16, v9  }
0x3b5: {  	v16 =	vmax.f32 v17, $0.0e+00;
	v17 =	vadd.f32 v18, v5;
	v18 =	vmul.f32 v20, v7  }
0x3b6: {  	v14 =	vadd.f32 v15, v14;
	v15 =	vmul.f32 v16, v8  }
0x3b7: {  	v16 =	vmax.f32 v17, $0.0e+00;
	v17 =	vadd.f32 v18, v5;
	v18 =	vmul.f32 v21, v7  }
0x3b8: {  	v14 =	vadd.f32 v15, v14;
	v15 =	vmul.f32 v16, v6  }
0x3b9: {  	v16 =	vmax.f32 v17, $0.0e+00;
	v17 =	vadd.f32 v18, v5;
	v18 =	vmul.f32 v19, v7  }
0x3ba: {  	v14 =	vadd.f32 v15, v14;
	v15 =	vmul.f32 v16, v4  }
0x3bb: {  	v16 =	vmax.f32 v17, $0.0e+00;
	v17 =	vadd.f32 v18, v5  }
0x3bc: {  	v14 =	vadd.f32 v15, v14;
	v15 =	vmul.f32 v16, v3  }
0x3bd: {  	v16 =	vmax.f32 v17, $0.0e+00  }
.Ltmp13:
0x3be: {  	v14 =	vadd.f32 v15, v14;
	v15 =	vmul.f32 v16, v2;
	(pc) =	sbr.rel @p1 .LBB2_29-.Ltmp13, $4  }
0x3bf: {  	_ = 	snop  }
0x3c0: {  	v14 =	vadd.f32 v15, v14  }
0x3c1: {  	s23 =	sadd.s32 $0x80, s23  }
0x3c2: {  	s0 =	sshra.s32 s24, $0x2;
	s24 =	sadd.s32 $0x1200, s24;
	[tilespmem:s23+$0x0] =	vst v14  }
0x3c3: {  	_ =	sdelay $0x3  }
0x3c4: {  	v14 =	vld.idx.msk [tilespmem:v0+s0+$0x4050 ss:$0x1], $0xffff;
	_ =	sdelay $0x1  }
0x3c5: {  	v15 =	vld.idx.msk [tilespmem:v0+s0+$0x40D0 ss:$0x1], $0xffff;
	_ =	sdelay $0x1  }
0x3c6: {  	v16 =	vld.idx.msk [tilespmem:v0+s0+$0x4150 ss:$0x1], $0xffff  }
0x3c7: {  	v14 =	vmul.f32 v14, v7  }
0x3c8: {  	v17 =	vld.idx.msk [tilespmem:v0+s0+$0x41D0 ss:$0x1], $0xffff  }
0x3c9: {  	v15 =	vmul.f32 v15, v7;
	v14 =	vadd.f32 v14, v5  }
0x3ca: {  	v18 =	vld.idx.msk [tilespmem:v0+s0+$0x4250 ss:$0x1], $0xffff  }
0x3cb: {  	v16 =	vmul.f32 v16, v7;
	v15 =	vadd.f32 v15, v5;
	v14 =	vmax.f32 v14, $0.0e+00  }
0x3cc: {  	v19 =	vld.idx.msk [tilespmem:v0+s0+$0x42D0 ss:$0x1], $0xffff;
	v12 =	vmul.f32 v14, v12  }
0x3cd: {  	v61 =	vmul.f32 v17, v7;
	v14 =	vmax.f32 v15, $0.0e+00;
	v15 =	vadd.f32 v16, v5  }
0x3ce: {  	v62 =	vld.idx.msk [tilespmem:v0+s0+$0x4350 ss:$0x1], $0xffff;
	v11 =	vmul.f32 v14, v11;
	v12 =	vadd.f32 v12, v13  }
0x3cf: {  	v14 =	vadd.f32 v61, v5;
	v13 =	vmax.f32 v15, $0.0e+00;
	v15 =	vmul.f32 v18, v7  }
0x3d0: {  	v63 =	vld.idx.msk [tilespmem:v0+s0+$0x43D0 ss:$0x1], $0xffff;
	v10 =	vmul.f32 v13, v10;
	v11 =	vadd.f32 v11, v12  }
0x3d1: {  	v12 =	vmax.f32 v14, $0.0e+00;
	v13 =	vadd.f32 v15, v5;
	v14 =	vmul.f32 v19, v7  }
0x3d2: {  	v15 =	vld.idx.msk [tilespmem:v0+s0+$0x4450 ss:$0x1], $0xffff;
	v9 =	vmul.f32 v12, v9;
	v10 =	vadd.f32 v10, v11  }
0x3d3: {  	v11 =	vmax.f32 v13, $0.0e+00;
	v12 =	vadd.f32 v14, v5;
	v13 =	vmul.f32 v62, v7  }
0x3d4: {  	v8 =	vmul.f32 v11, v8;
	v9 =	vadd.f32 v9, v10  }
0x3d5: {  	v10 =	vmax.f32 v12, $0.0e+00;
	v11 =	vadd.f32 v13, v5;
	v12 =	vmul.f32 v63, v7  }
0x3d6: {  	v6 =	vmul.f32 v10, v6;
	v8 =	vadd.f32 v8, v9  }
0x3d7: {  	v7 =	vmul.f32 v15, v7;
	v9 =	vmax.f32 v11, $0.0e+00;
	v10 =	vadd.f32 v12, v5  }
0x3d8: {  	v4 =	vmul.f32 v9, v4;
	v6 =	vadd.f32 v6, v8  }
0x3d9: {  	v5 =	vadd.f32 v7, v5;
	v8 =	vmax.f32 v10, $0.0e+00  }
0x3da: {  	v3 =	vmul.f32 v8, v3;
	v4 =	vadd.f32 v4, v6  }
0x3db: {  	v5 =	vmax.f32 v5, $0.0e+00  }
0x3dc: {  	v2 =	vmul.f32 v5, v2;
	v3 =	vadd.f32 v3, v4;
	_ =	sdelay $0x1  }
0x3dd: {  	v2 =	vadd.f32 v2, v3  }
0x3de: {  	s31 =	sadd.s32 $0x80, s23  }
0x3df: {  	[tilespmem:s31+$0x0] =	vst v2  }
0x3e0: {  	v12 =	vld [tilespmem:$0x12060]  }
0x3e1: {  	v11 =	vld [tilespmem:$0x120E0]  }
0x3e2: {  	v10 =	vld [tilespmem:$0x12160]  }
0x3e3: {  	v9 =	vld [tilespmem:$0x121E0]  }
0x3e4: {  	v8 =	vld [tilespmem:$0x12260]  }
0x3e5: {  	v6 =	vld [tilespmem:$0x122E0]  }
0x3e6: {  	v4 =	vld [tilespmem:$0x12360]  }
0x3e7: {  	v3 =	vld [tilespmem:$0x123E0]  }
0x3e8: {  	v2 =	vld [tilespmem:$0x12460]  }
0x3e9: {  	v7 =	vld [tilespmem:$0x124E0]  }
0x3ea: {  	v5 =	vld [tilespmem:$0x12560]  }
0x3eb: {  	v13 =	vld [tilespmem:$0x125E0]  }
0x3ec: {  	s23 =	simm.s32 $0x180;
	s0 =	simm.s32 $0x380;
	v14 =	vld [tilespmem:s22+$0xFFFFFE00]  }
.LBB2_31:
0x3ed: {  	p1 =	sne.s32 s0, $0x1B80  }
0x3ee: {  	v15 =	vld [tilespmem:s22+$0xFFFFFE80];
	_ =	sdelay $0x1  }
0x3ef: {  	v16 =	vld [tilespmem:s22+$0xFFFFFF00]  }
0x3f0: {  	v14 =	vmul.f32 v14, v7  }
0x3f1: {  	v17 =	vld [tilespmem:s22+$0xFFFFFF80]  }
0x3f2: {  	v14 =	vadd.f32 v14, v5;
	v15 =	vmul.f32 v15, v7  }
0x3f3: {  	v18 =	vld [tilespmem:s22+$0x0]  }
0x3f4: {  	v14 =	vmax.f32 v14, $0.0e+00;
	v15 =	vadd.f32 v15, v5;
	v16 =	vmul.f32 v16, v7  }
0x3f5: {  	v14 =	vmul.f32 v14, v12;
	v19 =	vld [tilespmem:s22+$0x80]  }
0x3f6: {  	v15 =	vmax.f32 v15, $0.0e+00;
	v16 =	vadd.f32 v16, v5;
	v17 =	vmul.f32 v17, v7  }
0x3f7: {  	v14 =	vadd.f32 v14, v13;
	v15 =	vmul.f32 v15, v11;
	v20 =	vld [tilespmem:s22+$0x100]  }
0x3f8: {  	v16 =	vmax.f32 v16, $0.0e+00;
	v17 =	vadd.f32 v17, v5;
	v18 =	vmul.f32 v18, v7  }
0x3f9: {  	v14 =	vadd.f32 v15, v14;
	v15 =	vmul.f32 v16, v10;
	v16 =	vld [tilespmem:s22+$0x180]  }
0x3fa: {  	v17 =	vmax.f32 v17, $0.0e+00;
	v18 =	vadd.f32 v18, v5;
	v19 =	vmul.f32 v19, v7  }
0x3fb: {  	v14 =	vadd.f32 v15, v14;
	v15 =	vmul.f32 v17, v9;
	v17 =	vld [tilespmem:s22+$0x200]  }
0x3fc: {  	v18 =	vmax.f32 v18, $0.0e+00;
	v19 =	vadd.f32 v19, v5;
	v20 =	vmul.f32 v20, v7  }
0x3fd: {  	v14 =	vadd.f32 v15, v14;
	v15 =	vmul.f32 v18, v8  }
0x3fe: {  	v18 =	vmax.f32 v19, $0.0e+00;
	v19 =	vadd.f32 v20, v5;
	v16 =	vmul.f32 v16, v7  }
0x3ff: {  	v14 =	vadd.f32 v15, v14;
	v15 =	vmul.f32 v18, v6  }
0x400: {  	v18 =	vmax.f32 v19, $0.0e+00;
	v16 =	vadd.f32 v16, v5;
	v17 =	vmul.f32 v17, v7  }
0x401: {  	v14 =	vadd.f32 v15, v14;
	v15 =	vmul.f32 v18, v4  }
0x402: {  	v16 =	vmax.f32 v16, $0.0e+00;
	v17 =	vadd.f32 v17, v5  }
0x403: {  	v14 =	vadd.f32 v15, v14;
	v15 =	vmul.f32 v16, v3  }
0x404: {  	v16 =	vmax.f32 v17, $0.0e+00  }
0x405: {  	v14 =	vadd.f32 v15, v14;
	v15 =	vmul.f32 v16, v2  }
.Ltmp14:
0x406: {  	(pc) =	sbr.rel @p1 .LBB2_31-.Ltmp14, $4  }
0x407: {  	v14 =	vadd.f32 v15, v14  }
0x408: {  	s2 =	sshra.s32 s23, $0x2;
	s23 =	smov.u32 s0  }
0x409: {  	s22 =	sadd.s32 $0x480, s22;
	[tilespmem:v1+s2+$0x0 ss:$0x1] =	vst.idx.msk $0xffff, v14  }
0x40a: {  	s0 =	sadd.s32 $0x200, s0;
	v14 =	vld [tilespmem:s22+$0xFFFFFE00]  }
0x40b: {  	_ = 	snop  }
0x40c: {  	v15 =	vld [tilespmem:s22+$0xFFFFFE80];
	_ =	sdelay $0x1  }
0x40d: {  	v16 =	vld [tilespmem:s22+$0xFFFFFF00]  }
0x40e: {  	v14 =	vmul.f32 v14, v7  }
0x40f: {  	v17 =	vld [tilespmem:s22+$0xFFFFFF80]  }
0x410: {  	v15 =	vmul.f32 v15, v7;
	v14 =	vadd.f32 v14, v5  }
0x411: {  	v18 =	vld [tilespmem:s22+$0x0]  }
0x412: {  	v16 =	vmul.f32 v16, v7;
	v15 =	vadd.f32 v15, v5;
	v14 =	vmax.f32 v14, $0.0e+00  }
0x413: {  	v19 =	vld [tilespmem:s22+$0x80];
	v14 =	vmul.f32 v14, v12  }
0x414: {  	v17 =	vmul.f32 v17, v7;
	v16 =	vadd.f32 v16, v5;
	v15 =	vmax.f32 v15, $0.0e+00  }
0x415: {  	v20 =	vld [tilespmem:s22+$0x100];
	v15 =	vmul.f32 v15, v11;
	v14 =	vadd.f32 v14, v13  }
0x416: {  	v18 =	vmul.f32 v18, v7;
	v17 =	vadd.f32 v17, v5;
	v16 =	vmax.f32 v16, $0.0e+00  }
0x417: {  	v37 =	vld [tilespmem:s22+$0x180];
	v14 =	vadd.f32 v15, v14;
	v15 =	vmul.f32 v16, v10  }
0x418: {  	v19 =	vmul.f32 v19, v7;
	v18 =	vadd.f32 v18, v5;
	v17 =	vmax.f32 v17, $0.0e+00  }
0x419: {  	v38 =	vld [tilespmem:s22+$0x200];
	v14 =	vadd.f32 v15, v14;
	v15 =	vmul.f32 v17, v9  }
0x41a: {  	v20 =	vmul.f32 v20, v7;
	v19 =	vadd.f32 v19, v5;
	v18 =	vmax.f32 v18, $0.0e+00  }
0x41b: {  	v14 =	vadd.f32 v15, v14;
	v15 =	vmul.f32 v18, v8  }
0x41c: {  	v40 =	vadd.f32 v20, v5;
	v39 =	vmax.f32 v19, $0.0e+00;
	v16 =	vmul.f32 v37, v7  }
0x41d: {  	v14 =	vadd.f32 v15, v14;
	v15 =	vmul.f32 v39, v6  }
0x41e: {  	v41 =	vmax.f32 v40, $0.0e+00;
	v16 =	vadd.f32 v16, v5;
	v17 =	vmul.f32 v38, v7  }
0x41f: {  	v14 =	vadd.f32 v15, v14;
	v15 =	vmul.f32 v41, v4  }
0x420: {  	v16 =	vmax.f32 v16, $0.0e+00;
	v17 =	vadd.f32 v17, v5  }
0x421: {  	v14 =	vadd.f32 v15, v14;
	v15 =	vmul.f32 v16, v3  }
0x422: {  	v42 =	vmax.f32 v17, $0.0e+00  }
0x423: {  	v14 =	vadd.f32 v15, v14;
	v15 =	vmul.f32 v42, v2;
	_ =	sdelay $0x1  }
0x424: {  	v14 =	vadd.f32 v15, v14  }
0x425: {  	s0 =	sshra.s32 s23, $0x2  }
0x426: {  	s31 =	simm.s32 $0x0;
	[tilespmem:v1+s0+$0x0 ss:$0x1] =	vst.idx.msk $0xffff, v14  }
0x427: {  	v14 =	vld.idx.msk [tilespmem:v0+s31+$0x4060 ss:$0x1], $0xffff;
	_ =	sdelay $0x1  }
0x428: {  	v15 =	vld.idx.msk [tilespmem:v0+s31+$0x40E0 ss:$0x1], $0xffff;
	_ =	sdelay $0x1  }
0x429: {  	v43 =	vld.idx.msk [tilespmem:v0+s31+$0x4160 ss:$0x1], $0xffff  }
0x42a: {  	v14 =	vmul.f32 v14, v7  }
0x42b: {  	v44 =	vld.idx.msk [tilespmem:v0+s31+$0x41E0 ss:$0x1], $0xffff  }
0x42c: {  	v15 =	vmul.f32 v15, v7;
	v14 =	vadd.f32 v14, v5  }
0x42d: {  	v45 =	vld.idx.msk [tilespmem:v0+s31+$0x4260 ss:$0x1], $0xffff  }
0x42e: {  	v16 =	vmul.f32 v43, v7;
	v15 =	vadd.f32 v15, v5;
	v14 =	vmax.f32 v14, $0.0e+00  }
0x42f: {  	v46 =	vld.idx.msk [tilespmem:v0+s31+$0x42E0 ss:$0x1], $0xffff;
	v14 =	vmul.f32 v14, v12  }
0x430: {  	v17 =	vmul.f32 v44, v7;
	v16 =	vadd.f32 v16, v5;
	v15 =	vmax.f32 v15, $0.0e+00  }
0x431: {  	v47 =	vld.idx.msk [tilespmem:v0+s31+$0x4360 ss:$0x1], $0xffff;
	v15 =	vmul.f32 v15, v11;
	v14 =	vadd.f32 v14, v13  }
0x432: {  	v18 =	vmul.f32 v45, v7;
	v17 =	vadd.f32 v17, v5;
	v16 =	vmax.f32 v16, $0.0e+00  }
0x433: {  	v21 =	vld.idx.msk [tilespmem:v0+s31+$0x43E0 ss:$0x1], $0xffff;
	v14 =	vadd.f32 v15, v14;
	v15 =	vmul.f32 v16, v10  }
0x434: {  	v50 =	vmul.f32 v46, v7;
	v49 =	vadd.f32 v18, v5;
	v48 =	vmax.f32 v17, $0.0e+00  }
0x435: {  	v51 =	vld.idx.msk [tilespmem:v0+s31+$0x4460 ss:$0x1], $0xffff;
	v14 =	vadd.f32 v15, v14;
	v15 =	vmul.f32 v48, v9  }
0x436: {  	v54 =	vmul.f32 v47, v7;
	v53 =	vadd.f32 v50, v5;
	v52 =	vmax.f32 v49, $0.0e+00  }
0x437: {  	v14 =	vadd.f32 v15, v14;
	v15 =	vmul.f32 v52, v8  }
0x438: {  	v57 =	vmul.f32 v21, v7;
	v56 =	vadd.f32 v54, v5;
	v55 =	vmax.f32 v53, $0.0e+00  }
0x439: {  	v14 =	vadd.f32 v15, v14;
	v15 =	vmul.f32 v55, v6  }
0x43a: {  	v60 =	vmul.f32 v51, v7;
	v59 =	vadd.f32 v57, v5;
	v58 =	vmax.f32 v56, $0.0e+00  }
0x43b: {  	v14 =	vadd.f32 v15, v14;
	v15 =	vmul.f32 v58, v4  }
0x43c: {  	v62 =	vadd.f32 v60, v5;
	v61 =	vmax.f32 v59, $0.0e+00  }
0x43d: {  	v14 =	vadd.f32 v15, v14;
	v15 =	vmul.f32 v61, v3  }
0x43e: {  	v63 =	vmax.f32 v62, $0.0e+00  }
0x43f: {  	v14 =	vadd.f32 v15, v14;
	v15 =	vmul.f32 v63, v2;
	_ =	sdelay $0x1  }
0x440: {  	v14 =	vadd.f32 v15, v14  }
0x441: {  	s22 =	sadd.s32 $0x12F60, s20  }
0x442: {  	s23 =	simm.s32 $0x2400;
	s0 =	simm.s32 $0x480;
	[tilespmem:s22+$0x0] =	vst v14  }
.LBB2_33:
0x443: {  	p1 =	sne.s32 s23, $0xEA00;
	v14 =	vld.idx.msk [tilespmem:v0+s0+$0x4060 ss:$0x1], $0xffff;
	_ =	sdelay $0x1  }
0x444: {  	v15 =	vld.idx.msk [tilespmem:v0+s0+$0x40E0 ss:$0x1], $0xffff;
	_ =	sdelay $0x1  }
0x445: {  	v16 =	vld.idx.msk [tilespmem:v0+s0+$0x4160 ss:$0x1], $0xffff;
	_ =	sdelay $0x1  }
0x446: {  	v14 =	vmul.f32 v14, v7;
	v17 =	vld.idx.msk [tilespmem:v0+s0+$0x41E0 ss:$0x1], $0xffff;
	_ =	sdelay $0x1  }
0x447: {  	v14 =	vadd.f32 v14, v5;
	v15 =	vmul.f32 v15, v7;
	v18 =	vld.idx.msk [tilespmem:v0+s0+$0x4260 ss:$0x1], $0xffff;
	_ =	sdelay $0x1  }
0x448: {  	v14 =	vmax.f32 v14, $0.0e+00;
	v15 =	vadd.f32 v15, v5;
	v16 =	vmul.f32 v16, v7;
	v19 =	vld.idx.msk [tilespmem:v0+s0+$0x42E0 ss:$0x1], $0xffff  }
0x449: {  	v14 =	vmul.f32 v14, v12  }
0x44a: {  	v15 =	vmax.f32 v15, $0.0e+00;
	v16 =	vadd.f32 v16, v5;
	v17 =	vmul.f32 v17, v7;
	v20 =	vld.idx.msk [tilespmem:v0+s0+$0x4360 ss:$0x1], $0xffff  }
0x44b: {  	v14 =	vadd.f32 v14, v13;
	v15 =	vmul.f32 v15, v11  }
0x44c: {  	v16 =	vmax.f32 v16, $0.0e+00;
	v17 =	vadd.f32 v17, v5;
	v18 =	vmul.f32 v18, v7;
	v21 =	vld.idx.msk [tilespmem:v0+s0+$0x43E0 ss:$0x1], $0xffff  }
0x44d: {  	v14 =	vadd.f32 v15, v14;
	v15 =	vmul.f32 v16, v10  }
0x44e: {  	v16 =	vmax.f32 v17, $0.0e+00;
	v17 =	vadd.f32 v18, v5;
	v18 =	vmul.f32 v19, v7;
	v19 =	vld.idx.msk [tilespmem:v0+s0+$0x4460 ss:$0x1], $0xffff  }
0x44f: {  	v14 =	vadd.f32 v15, v14;
	v15 =	vmul.f32 v16, v9  }
0x450: {  	v16 =	vmax.f32 v17, $0.0e+00;
	v17 =	vadd.f32 v18, v5;
	v18 =	vmul.f32 v20, v7  }
0x451: {  	v14 =	vadd.f32 v15, v14;
	v15 =	vmul.f32 v16, v8  }
0x452: {  	v16 =	vmax.f32 v17, $0.0e+00;
	v17 =	vadd.f32 v18, v5;
	v18 =	vmul.f32 v21, v7  }
0x453: {  	v14 =	vadd.f32 v15, v14;
	v15 =	vmul.f32 v16, v6  }
0x454: {  	v16 =	vmax.f32 v17, $0.0e+00;
	v17 =	vadd.f32 v18, v5;
	v18 =	vmul.f32 v19, v7  }
0x455: {  	v14 =	vadd.f32 v15, v14;
	v15 =	vmul.f32 v16, v4  }
0x456: {  	v16 =	vmax.f32 v17, $0.0e+00;
	v17 =	vadd.f32 v18, v5  }
0x457: {  	v14 =	vadd.f32 v15, v14;
	v15 =	vmul.f32 v16, v3  }
0x458: {  	v16 =	vmax.f32 v17, $0.0e+00  }
.Ltmp15:
0x459: {  	v14 =	vadd.f32 v15, v14;
	v15 =	vmul.f32 v16, v2;
	(pc) =	sbr.rel @p1 .LBB2_33-.Ltmp15, $4  }
0x45a: {  	_ = 	snop  }
0x45b: {  	v14 =	vadd.f32 v15, v14  }
0x45c: {  	s22 =	sadd.s32 $0x80, s22  }
0x45d: {  	s0 =	sshra.s32 s23, $0x2;
	s23 =	sadd.s32 $0x1200, s23;
	[tilespmem:s22+$0x0] =	vst v14  }
0x45e: {  	_ =	sdelay $0x3  }
0x45f: {  	v14 =	vld.idx.msk [tilespmem:v0+s0+$0x4060 ss:$0x1], $0xffff;
	_ =	sdelay $0x1  }
0x460: {  	v15 =	vld.idx.msk [tilespmem:v0+s0+$0x40E0 ss:$0x1], $0xffff;
	_ =	sdelay $0x1  }
0x461: {  	v16 =	vld.idx.msk [tilespmem:v0+s0+$0x4160 ss:$0x1], $0xffff  }
0x462: {  	v14 =	vmul.f32 v14, v7  }
0x463: {  	v17 =	vld.idx.msk [tilespmem:v0+s0+$0x41E0 ss:$0x1], $0xffff  }
0x464: {  	v15 =	vmul.f32 v15, v7;
	v14 =	vadd.f32 v14, v5  }
0x465: {  	v18 =	vld.idx.msk [tilespmem:v0+s0+$0x4260 ss:$0x1], $0xffff  }
0x466: {  	v16 =	vmul.f32 v16, v7;
	v15 =	vadd.f32 v15, v5;
	v14 =	vmax.f32 v14, $0.0e+00  }
0x467: {  	v19 =	vld.idx.msk [tilespmem:v0+s0+$0x42E0 ss:$0x1], $0xffff;
	v12 =	vmul.f32 v14, v12  }
0x468: {  	v61 =	vmul.f32 v17, v7;
	v14 =	vmax.f32 v15, $0.0e+00;
	v15 =	vadd.f32 v16, v5  }
0x469: {  	v62 =	vld.idx.msk [tilespmem:v0+s0+$0x4360 ss:$0x1], $0xffff;
	v11 =	vmul.f32 v14, v11;
	v12 =	vadd.f32 v12, v13  }
0x46a: {  	v14 =	vadd.f32 v61, v5;
	v13 =	vmax.f32 v15, $0.0e+00;
	v15 =	vmul.f32 v18, v7  }
0x46b: {  	v63 =	vld.idx.msk [tilespmem:v0+s0+$0x43E0 ss:$0x1], $0xffff;
	v10 =	vmul.f32 v13, v10;
	v11 =	vadd.f32 v11, v12  }
0x46c: {  	v12 =	vmax.f32 v14, $0.0e+00;
	v13 =	vadd.f32 v15, v5;
	v14 =	vmul.f32 v19, v7  }
0x46d: {  	v15 =	vld.idx.msk [tilespmem:v0+s0+$0x4460 ss:$0x1], $0xffff;
	v9 =	vmul.f32 v12, v9;
	v10 =	vadd.f32 v10, v11  }
0x46e: {  	v11 =	vmax.f32 v13, $0.0e+00;
	v12 =	vadd.f32 v14, v5;
	v13 =	vmul.f32 v62, v7  }
0x46f: {  	v8 =	vmul.f32 v11, v8;
	v9 =	vadd.f32 v9, v10  }
0x470: {  	v10 =	vmax.f32 v12, $0.0e+00;
	v11 =	vadd.f32 v13, v5;
	v12 =	vmul.f32 v63, v7  }
0x471: {  	v6 =	vmul.f32 v10, v6;
	v8 =	vadd.f32 v8, v9  }
0x472: {  	v7 =	vmul.f32 v15, v7;
	v9 =	vmax.f32 v11, $0.0e+00;
	v10 =	vadd.f32 v12, v5  }
0x473: {  	v4 =	vmul.f32 v9, v4;
	v6 =	vadd.f32 v6, v8  }
0x474: {  	v5 =	vadd.f32 v7, v5;
	v8 =	vmax.f32 v10, $0.0e+00  }
0x475: {  	v3 =	vmul.f32 v8, v3;
	v4 =	vadd.f32 v4, v6  }
0x476: {  	v5 =	vmax.f32 v5, $0.0e+00  }
0x477: {  	v2 =	vmul.f32 v5, v2;
	v3 =	vadd.f32 v3, v4;
	_ =	sdelay $0x1  }
0x478: {  	v2 =	vadd.f32 v2, v3  }
0x479: {  	s31 =	sadd.s32 $0x80, s22  }
0x47a: {  	[tilespmem:s31+$0x0] =	vst v2  }
0x47b: {  	v12 =	vld [tilespmem:$0x12070]  }
0x47c: {  	v11 =	vld [tilespmem:$0x120F0]  }
0x47d: {  	v10 =	vld [tilespmem:$0x12170]  }
0x47e: {  	v9 =	vld [tilespmem:$0x121F0]  }
0x47f: {  	v8 =	vld [tilespmem:$0x12270]  }
0x480: {  	v6 =	vld [tilespmem:$0x122F0]  }
0x481: {  	v4 =	vld [tilespmem:$0x12370]  }
0x482: {  	v3 =	vld [tilespmem:$0x123F0]  }
0x483: {  	v2 =	vld [tilespmem:$0x12470]  }
0x484: {  	v7 =	vld [tilespmem:$0x124F0]  }
0x485: {  	v5 =	vld [tilespmem:$0x12570]  }
0x486: {  	v13 =	vld [tilespmem:$0x125F0]  }
0x487: {  	s22 =	simm.s32 $0x1C0;
	s0 =	simm.s32 $0x3C0;
	v14 =	vld [tilespmem:s21+$0xFFFFFE00]  }
.LBB2_35:
0x488: {  	p1 =	sne.s32 s0, $0x1BC0  }
0x489: {  	v15 =	vld [tilespmem:s21+$0xFFFFFE80];
	_ =	sdelay $0x1  }
0x48a: {  	v16 =	vld [tilespmem:s21+$0xFFFFFF00]  }
0x48b: {  	v14 =	vmul.f32 v14, v7  }
0x48c: {  	v17 =	vld [tilespmem:s21+$0xFFFFFF80]  }
0x48d: {  	v14 =	vadd.f32 v14, v5;
	v15 =	vmul.f32 v15, v7  }
0x48e: {  	v18 =	vld [tilespmem:s21+$0x0]  }
0x48f: {  	v14 =	vmax.f32 v14, $0.0e+00;
	v15 =	vadd.f32 v15, v5;
	v16 =	vmul.f32 v16, v7  }
0x490: {  	v14 =	vmul.f32 v14, v12;
	v19 =	vld [tilespmem:s21+$0x80]  }
0x491: {  	v15 =	vmax.f32 v15, $0.0e+00;
	v16 =	vadd.f32 v16, v5;
	v17 =	vmul.f32 v17, v7  }
0x492: {  	v14 =	vadd.f32 v14, v13;
	v15 =	vmul.f32 v15, v11;
	v20 =	vld [tilespmem:s21+$0x100]  }
0x493: {  	v16 =	vmax.f32 v16, $0.0e+00;
	v17 =	vadd.f32 v17, v5;
	v18 =	vmul.f32 v18, v7  }
0x494: {  	v14 =	vadd.f32 v15, v14;
	v15 =	vmul.f32 v16, v10;
	v16 =	vld [tilespmem:s21+$0x180]  }
0x495: {  	v17 =	vmax.f32 v17, $0.0e+00;
	v18 =	vadd.f32 v18, v5;
	v19 =	vmul.f32 v19, v7  }
0x496: {  	v14 =	vadd.f32 v15, v14;
	v15 =	vmul.f32 v17, v9;
	v17 =	vld [tilespmem:s21+$0x200]  }
0x497: {  	v18 =	vmax.f32 v18, $0.0e+00;
	v19 =	vadd.f32 v19, v5;
	v20 =	vmul.f32 v20, v7  }
0x498: {  	v14 =	vadd.f32 v15, v14;
	v15 =	vmul.f32 v18, v8  }
0x499: {  	v18 =	vmax.f32 v19, $0.0e+00;
	v19 =	vadd.f32 v20, v5;
	v16 =	vmul.f32 v16, v7  }
0x49a: {  	v14 =	vadd.f32 v15, v14;
	v15 =	vmul.f32 v18, v6  }
0x49b: {  	v18 =	vmax.f32 v19, $0.0e+00;
	v16 =	vadd.f32 v16, v5;
	v17 =	vmul.f32 v17, v7  }
0x49c: {  	v14 =	vadd.f32 v15, v14;
	v15 =	vmul.f32 v18, v4  }
0x49d: {  	v16 =	vmax.f32 v16, $0.0e+00;
	v17 =	vadd.f32 v17, v5  }
0x49e: {  	v14 =	vadd.f32 v15, v14;
	v15 =	vmul.f32 v16, v3  }
0x49f: {  	v16 =	vmax.f32 v17, $0.0e+00  }
0x4a0: {  	v14 =	vadd.f32 v15, v14;
	v15 =	vmul.f32 v16, v2  }
.Ltmp16:
0x4a1: {  	(pc) =	sbr.rel @p1 .LBB2_35-.Ltmp16, $4  }
0x4a2: {  	v14 =	vadd.f32 v15, v14  }
0x4a3: {  	s2 =	sshra.s32 s22, $0x2;
	s22 =	smov.u32 s0  }
0x4a4: {  	s21 =	sadd.s32 $0x480, s21;
	[tilespmem:v1+s2+$0x0 ss:$0x1] =	vst.idx.msk $0xffff, v14  }
0x4a5: {  	s0 =	sadd.s32 $0x200, s0;
	v14 =	vld [tilespmem:s21+$0xFFFFFE00]  }
0x4a6: {  	_ = 	snop  }
0x4a7: {  	v15 =	vld [tilespmem:s21+$0xFFFFFE80];
	_ =	sdelay $0x1  }
0x4a8: {  	v16 =	vld [tilespmem:s21+$0xFFFFFF00]  }
0x4a9: {  	v14 =	vmul.f32 v14, v7  }
0x4aa: {  	v17 =	vld [tilespmem:s21+$0xFFFFFF80]  }
0x4ab: {  	v15 =	vmul.f32 v15, v7;
	v14 =	vadd.f32 v14, v5  }
0x4ac: {  	v18 =	vld [tilespmem:s21+$0x0]  }
0x4ad: {  	v16 =	vmul.f32 v16, v7;
	v15 =	vadd.f32 v15, v5;
	v14 =	vmax.f32 v14, $0.0e+00  }
0x4ae: {  	v19 =	vld [tilespmem:s21+$0x80];
	v14 =	vmul.f32 v14, v12  }
0x4af: {  	v17 =	vmul.f32 v17, v7;
	v16 =	vadd.f32 v16, v5;
	v15 =	vmax.f32 v15, $0.0e+00  }
0x4b0: {  	v20 =	vld [tilespmem:s21+$0x100];
	v15 =	vmul.f32 v15, v11;
	v14 =	vadd.f32 v14, v13  }
0x4b1: {  	v18 =	vmul.f32 v18, v7;
	v17 =	vadd.f32 v17, v5;
	v16 =	vmax.f32 v16, $0.0e+00  }
0x4b2: {  	v43 =	vld [tilespmem:s21+$0x180];
	v14 =	vadd.f32 v15, v14;
	v15 =	vmul.f32 v16, v10  }
0x4b3: {  	v19 =	vmul.f32 v19, v7;
	v18 =	vadd.f32 v18, v5;
	v17 =	vmax.f32 v17, $0.0e+00  }
0x4b4: {  	v44 =	vld [tilespmem:s21+$0x200];
	v14 =	vadd.f32 v15, v14;
	v15 =	vmul.f32 v17, v9  }
0x4b5: {  	v20 =	vmul.f32 v20, v7;
	v19 =	vadd.f32 v19, v5;
	v18 =	vmax.f32 v18, $0.0e+00  }
0x4b6: {  	v14 =	vadd.f32 v15, v14;
	v15 =	vmul.f32 v18, v8  }
0x4b7: {  	v46 =	vadd.f32 v20, v5;
	v45 =	vmax.f32 v19, $0.0e+00;
	v16 =	vmul.f32 v43, v7  }
0x4b8: {  	v14 =	vadd.f32 v15, v14;
	v15 =	vmul.f32 v45, v6  }
0x4b9: {  	v47 =	vmax.f32 v46, $0.0e+00;
	v16 =	vadd.f32 v16, v5;
	v17 =	vmul.f32 v44, v7  }
0x4ba: {  	v14 =	vadd.f32 v15, v14;
	v15 =	vmul.f32 v47, v4  }
0x4bb: {  	v16 =	vmax.f32 v16, $0.0e+00;
	v17 =	vadd.f32 v17, v5  }
0x4bc: {  	v14 =	vadd.f32 v15, v14;
	v15 =	vmul.f32 v16, v3  }
0x4bd: {  	v48 =	vmax.f32 v17, $0.0e+00  }
0x4be: {  	v14 =	vadd.f32 v15, v14;
	v15 =	vmul.f32 v48, v2;
	_ =	sdelay $0x1  }
0x4bf: {  	v14 =	vadd.f32 v15, v14  }
0x4c0: {  	s0 =	sshra.s32 s22, $0x2  }
0x4c1: {  	s31 =	simm.s32 $0x0;
	[tilespmem:v1+s0+$0x0 ss:$0x1] =	vst.idx.msk $0xffff, v14  }
0x4c2: {  	v1 =	vld.idx.msk [tilespmem:v0+s31+$0x4070 ss:$0x1], $0xffff;
	_ =	sdelay $0x1  }
0x4c3: {  	v14 =	vld.idx.msk [tilespmem:v0+s31+$0x40F0 ss:$0x1], $0xffff;
	_ =	sdelay $0x1  }
0x4c4: {  	v15 =	vld.idx.msk [tilespmem:v0+s31+$0x4170 ss:$0x1], $0xffff  }
0x4c5: {  	v1 =	vmul.f32 v1, v7  }
0x4c6: {  	v49 =	vld.idx.msk [tilespmem:v0+s31+$0x41F0 ss:$0x1], $0xffff  }
0x4c7: {  	v14 =	vmul.f32 v14, v7;
	v1 =	vadd.f32 v1, v5  }
0x4c8: {  	v50 =	vld.idx.msk [tilespmem:v0+s31+$0x4270 ss:$0x1], $0xffff  }
0x4c9: {  	v15 =	vmul.f32 v15, v7;
	v14 =	vadd.f32 v14, v5;
	v1 =	vmax.f32 v1, $0.0e+00  }
0x4ca: {  	v51 =	vld.idx.msk [tilespmem:v0+s31+$0x42F0 ss:$0x1], $0xffff;
	v1 =	vmul.f32 v1, v12  }
0x4cb: {  	v16 =	vmul.f32 v49, v7;
	v15 =	vadd.f32 v15, v5;
	v14 =	vmax.f32 v14, $0.0e+00  }
0x4cc: {  	v52 =	vld.idx.msk [tilespmem:v0+s31+$0x4370 ss:$0x1], $0xffff;
	v14 =	vmul.f32 v14, v11;
	v1 =	vadd.f32 v1, v13  }
0x4cd: {  	v17 =	vmul.f32 v50, v7;
	v16 =	vadd.f32 v16, v5;
	v15 =	vmax.f32 v15, $0.0e+00  }
0x4ce: {  	v53 =	vld.idx.msk [tilespmem:v0+s31+$0x43F0 ss:$0x1], $0xffff;
	v1 =	vadd.f32 v14, v1;
	v14 =	vmul.f32 v15, v10  }
0x4cf: {  	v55 =	vmul.f32 v51, v7;
	v54 =	vadd.f32 v17, v5;
	v15 =	vmax.f32 v16, $0.0e+00  }
0x4d0: {  	v56 =	vld.idx.msk [tilespmem:v0+s31+$0x4470 ss:$0x1], $0xffff;
	v1 =	vadd.f32 v14, v1;
	v14 =	vmul.f32 v15, v9  }
0x4d1: {  	v58 =	vmul.f32 v52, v7;
	v57 =	vadd.f32 v55, v5;
	v15 =	vmax.f32 v54, $0.0e+00  }
0x4d2: {  	v1 =	vadd.f32 v14, v1;
	v14 =	vmul.f32 v15, v8  }
0x4d3: {  	v60 =	vmul.f32 v53, v7;
	v59 =	vadd.f32 v58, v5;
	v15 =	vmax.f32 v57, $0.0e+00  }
0x4d4: {  	v1 =	vadd.f32 v14, v1;
	v14 =	vmul.f32 v15, v6  }
0x4d5: {  	v62 =	vmul.f32 v56, v7;
	v61 =	vadd.f32 v60, v5;
	v15 =	vmax.f32 v59, $0.0e+00  }
0x4d6: {  	v1 =	vadd.f32 v14, v1;
	v14 =	vmul.f32 v15, v4  }
0x4d7: {  	v63 =	vadd.f32 v62, v5;
	v15 =	vmax.f32 v61, $0.0e+00  }
0x4d8: {  	v1 =	vadd.f32 v14, v1;
	v14 =	vmul.f32 v15, v3  }
0x4d9: {  	v15 =	vmax.f32 v63, $0.0e+00  }
0x4da: {  	v1 =	vadd.f32 v14, v1;
	v14 =	vmul.f32 v15, v2;
	_ =	sdelay $0x1  }
0x4db: {  	v1 =	vadd.f32 v14, v1  }
0x4dc: {  	s20 =	sadd.s32 $0x12F70, s20  }
0x4dd: {  	s21 =	simm.s32 $0x2400;
	s0 =	simm.s32 $0x480;
	[tilespmem:s20+$0x0] =	vst v1  }
.LBB2_37:
0x4de: {  	p1 =	sne.s32 s21, $0xEA00;
	v1 =	vld.idx.msk [tilespmem:v0+s0+$0x4070 ss:$0x1], $0xffff;
	_ =	sdelay $0x1  }
0x4df: {  	v14 =	vld.idx.msk [tilespmem:v0+s0+$0x40F0 ss:$0x1], $0xffff;
	_ =	sdelay $0x1  }
0x4e0: {  	v15 =	vld.idx.msk [tilespmem:v0+s0+$0x4170 ss:$0x1], $0xffff;
	_ =	sdelay $0x1  }
0x4e1: {  	v1 =	vmul.f32 v1, v7;
	v16 =	vld.idx.msk [tilespmem:v0+s0+$0x41F0 ss:$0x1], $0xffff;
	_ =	sdelay $0x1  }
0x4e2: {  	v1 =	vadd.f32 v1, v5;
	v14 =	vmul.f32 v14, v7;
	v17 =	vld.idx.msk [tilespmem:v0+s0+$0x4270 ss:$0x1], $0xffff;
	_ =	sdelay $0x1  }
0x4e3: {  	v1 =	vmax.f32 v1, $0.0e+00;
	v14 =	vadd.f32 v14, v5;
	v15 =	vmul.f32 v15, v7;
	v18 =	vld.idx.msk [tilespmem:v0+s0+$0x42F0 ss:$0x1], $0xffff  }
0x4e4: {  	v1 =	vmul.f32 v1, v12  }
0x4e5: {  	v14 =	vmax.f32 v14, $0.0e+00;
	v15 =	vadd.f32 v15, v5;
	v16 =	vmul.f32 v16, v7;
	v19 =	vld.idx.msk [tilespmem:v0+s0+$0x4370 ss:$0x1], $0xffff  }
0x4e6: {  	v1 =	vadd.f32 v1, v13;
	v14 =	vmul.f32 v14, v11  }
0x4e7: {  	v15 =	vmax.f32 v15, $0.0e+00;
	v16 =	vadd.f32 v16, v5;
	v17 =	vmul.f32 v17, v7;
	v20 =	vld.idx.msk [tilespmem:v0+s0+$0x43F0 ss:$0x1], $0xffff  }
0x4e8: {  	v1 =	vadd.f32 v14, v1;
	v14 =	vmul.f32 v15, v10  }
0x4e9: {  	v15 =	vmax.f32 v16, $0.0e+00;
	v16 =	vadd.f32 v17, v5;
	v17 =	vmul.f32 v18, v7;
	v18 =	vld.idx.msk [tilespmem:v0+s0+$0x4470 ss:$0x1], $0xffff  }
0x4ea: {  	v1 =	vadd.f32 v14, v1;
	v14 =	vmul.f32 v15, v9  }
0x4eb: {  	v15 =	vmax.f32 v16, $0.0e+00;
	v16 =	vadd.f32 v17, v5;
	v17 =	vmul.f32 v19, v7  }
0x4ec: {  	v1 =	vadd.f32 v14, v1;
	v14 =	vmul.f32 v15, v8  }
0x4ed: {  	v15 =	vmax.f32 v16, $0.0e+00;
	v16 =	vadd.f32 v17, v5;
	v17 =	vmul.f32 v20, v7  }
0x4ee: {  	v1 =	vadd.f32 v14, v1;
	v14 =	vmul.f32 v15, v6  }
0x4ef: {  	v15 =	vmax.f32 v16, $0.0e+00;
	v16 =	vadd.f32 v17, v5;
	v17 =	vmul.f32 v18, v7  }
0x4f0: {  	v1 =	vadd.f32 v14, v1;
	v14 =	vmul.f32 v15, v4  }
0x4f1: {  	v15 =	vmax.f32 v16, $0.0e+00;
	v16 =	vadd.f32 v17, v5  }
0x4f2: {  	v1 =	vadd.f32 v14, v1;
	v14 =	vmul.f32 v15, v3  }
0x4f3: {  	v15 =	vmax.f32 v16, $0.0e+00  }
.Ltmp17:
0x4f4: {  	v1 =	vadd.f32 v14, v1;
	v14 =	vmul.f32 v15, v2;
	(pc) =	sbr.rel @p1 .LBB2_37-.Ltmp17, $4  }
0x4f5: {  	_ = 	snop  }
0x4f6: {  	v1 =	vadd.f32 v14, v1  }
0x4f7: {  	s20 =	sadd.s32 $0x80, s20  }
0x4f8: {  	s0 =	sshra.s32 s21, $0x2;
	s21 =	sadd.s32 $0x1200, s21;
	[tilespmem:s20+$0x0] =	vst v1  }
0x4f9: {  	_ =	sdelay $0x3  }
0x4fa: {  	v1 =	vld.idx.msk [tilespmem:v0+s0+$0x4070 ss:$0x1], $0xffff;
	_ =	sdelay $0x1  }
0x4fb: {  	v14 =	vld.idx.msk [tilespmem:v0+s0+$0x40F0 ss:$0x1], $0xffff;
	_ =	sdelay $0x1  }
0x4fc: {  	v15 =	vld.idx.msk [tilespmem:v0+s0+$0x4170 ss:$0x1], $0xffff  }
0x4fd: {  	v1 =	vmul.f32 v1, v7  }
0x4fe: {  	v16 =	vld.idx.msk [tilespmem:v0+s0+$0x41F0 ss:$0x1], $0xffff  }
0x4ff: {  	v14 =	vmul.f32 v14, v7;
	v1 =	vadd.f32 v1, v5  }
0x500: {  	v17 =	vld.idx.msk [tilespmem:v0+s0+$0x4270 ss:$0x1], $0xffff  }
0x501: {  	v15 =	vmul.f32 v15, v7;
	v14 =	vadd.f32 v14, v5;
	v1 =	vmax.f32 v1, $0.0e+00  }
0x502: {  	v18 =	vld.idx.msk [tilespmem:v0+s0+$0x42F0 ss:$0x1], $0xffff;
	v1 =	vmul.f32 v1, v12  }
0x503: {  	v45 =	vmul.f32 v16, v7;
	v44 =	vadd.f32 v15, v5;
	v43 =	vmax.f32 v14, $0.0e+00  }
0x504: {  	v46 =	vld.idx.msk [tilespmem:v0+s0+$0x4370 ss:$0x1], $0xffff;
	v11 =	vmul.f32 v43, v11;
	v1 =	vadd.f32 v1, v13  }
0x505: {  	v49 =	vmul.f32 v17, v7;
	v48 =	vadd.f32 v45, v5;
	v47 =	vmax.f32 v44, $0.0e+00  }
0x506: {  	v50 =	vld.idx.msk [tilespmem:v0+s0+$0x43F0 ss:$0x1], $0xffff;
	v10 =	vmul.f32 v47, v10;
	v1 =	vadd.f32 v11, v1  }
0x507: {  	v53 =	vmul.f32 v18, v7;
	v52 =	vadd.f32 v49, v5;
	v51 =	vmax.f32 v48, $0.0e+00  }
0x508: {  	v54 =	vld.idx.msk [tilespmem:v0+s0+$0x4470 ss:$0x1], $0xffff;
	v9 =	vmul.f32 v51, v9;
	v1 =	vadd.f32 v10, v1  }
0x509: {  	v57 =	vmul.f32 v46, v7;
	v56 =	vadd.f32 v53, v5;
	v55 =	vmax.f32 v52, $0.0e+00  }
0x50a: {  	v8 =	vmul.f32 v55, v8;
	v1 =	vadd.f32 v9, v1  }
0x50b: {  	v60 =	vmul.f32 v50, v7;
	v59 =	vadd.f32 v57, v5;
	v58 =	vmax.f32 v56, $0.0e+00  }
0x50c: {  	v6 =	vmul.f32 v58, v6;
	v1 =	vadd.f32 v8, v1  }
0x50d: {  	p1 =	seq.s32 s19, $0x3;
	v0 =	vmul.f32 v54, v7;
	v62 =	vadd.f32 v60, v5;
	v61 =	vmax.f32 v59, $0.0e+00  }
0x50e: {  	s0 =	smul.u32 @p1 $0x1C, s18;
	v4 =	vmul.f32 v61, v4;
	v1 =	vadd.f32 v6, v1  }
0x50f: {  	v0 =	vadd.f32 v0, v5;
	v63 =	vmax.f32 v62, $0.0e+00  }
0x510: {  	s0 =	sadd.s32 @p1 $0xFFFFFFE4, s0;
	v3 =	vmul.f32 v63, v3;
	v1 =	vadd.f32 v4, v1  }
0x511: {  	s2 =	sadd.s32 @p1 s6, s0;
	v0 =	vmax.f32 v0, $0.0e+00  }
0x512: {  	s0 =	sshll.u32 @p1 s0, $0x7;
	s2 =	sshll.u32 @p1 s2, $0x7;
	v0 =	vmul.f32 v0, v2;
	v1 =	vadd.f32 v3, v1  }
0x513: {  	s0 =	sand.u32 @p1 $0x200, s0;
	s2 =	sand.u32 @p1 $0x7FFFFC00, s2  }
0x514: {  	s31 =	sadd.s32 $0x80, s20;
	p2 =	sne.s32 @!p1 s19, $0x1;
	s0 =	sor.u32 @p1 s0, s2;
	v0 =	vadd.f32 v0, v1  }
0x515: {  	s19 =	simm.s32 @p1 $0x14400;
	p2 =	por p2, p1;
	s0 =	sshrl.u32 @p1 s0, $0x3  }
0x516: {  	s20 =	smul.u32 @!p2 $0x1C, s18;
	s2 =	simm.s32 @p1 $0x0;
	s0 =	sadd.s32 @p1 s5, s0;
	[tilespmem:s31+$0x0] =	vst v0  }
0x517: {  	[hbm4b:s0+s2] =	stream.linear.scatter @p1 [tilespmem:s19], [sflag:$0x4], $0x1C00, $0x38;
	[tilespmem:$0x16000] =	vst v63  }
0x518: {  	s0 =	sadd.s32 @!p2 $0xFFFFFFE4, s20  }
0x519: {  	s18 =	sadd.s32 $0x1, s18;
	s2 =	sadd.s32 @!p2 s6, s0  }
0x51a: {  	p1 =	sne.s32 s18, $0x20;
	s0 =	sshll.u32 @!p2 s0, $0x7;
	s2 =	sshll.u32 @!p2 s2, $0x7  }
.Ltmp18:
0x51b: {  	s0 =	sand.u32 @!p2 $0x200, s0;
	s2 =	sand.u32 @!p2 $0x7FFFFC00, s2;
	(pc) =	sbr.rel @p1 .LBB2_2-.Ltmp18, $4  }
0x51c: {  	s0 =	sor.u32 @!p2 s0, s2  }
0x51d: {  	p0 =	por !p0, !p0;
	s0 =	sshrl.u32 @!p2 s0, $0x3  }
0x51e: {  	s19 =	simm.s32 @!p2 $0x12800;
	s2 =	simm.s32 @!p2 $0x0;
	s0 =	sadd.s32 @!p2 s5, s0  }
0x51f: {  	[hbm4b:s0+s2] =	stream.linear.scatter @!p2 [tilespmem:s19], [sflag:$0x3], $0x1C00, $0x38;
	[tilespmem:$0x16000] =	vst v63  }
0x520: {  	s17 =	sadd.s32 $0x1, s17  }
0x521: {  	_ =	swait.ge [sflag:s14], $0x1C00;
	p0 =	sne.s32 s17, s8  }
.Ltmp19:
0x522: {  	[sflag:s14] =	ssyncset.done $0x0;
	(pc) =	sbr.rel @p0 .LBB2_1-.Ltmp19, $4  }
0x523: {  	[sflag:s14] =	ssyncadd.s32 $0xFFFFE400  }
0x524: {  	_ =	swait.ge [sflag:s15], $0x1C00  }
0x525: {  	[sflag:s15] =	ssyncset.done $0x0  }
0x526: {  	[sflag:s15] =	ssyncadd.s32 $0xFFFFE400  }
0x527: {  	_ =	sfence.sel $0x180000  }
0x528: {  	[bflag:$0x0] =	sbarrier.arrive $0xFFFF  }
0x529: {  	_ =	strace $0x90000047  }
0x52a: {  	s0 =	stileid.u32;
	[bflag:$0x2] =	sbarrier.arrive $0xFFFF  }
0x52b: {  	p0 =	sne.s32 s0, $0x0;
	s0 =	rddreg [dreg:$0x3]  }
0x52c: {  	s0 =	sadd.s32 @!p0 $0x100000, s0  }
0x52d: {  	[sflag:s0] =	ssyncadd.tile.s32 @!p0 $0x1;
	_ =	shalt  }
.Lfunc_end2:
_tile_overlayer_lowered:
.L_overlay_start_2:
0x52e: {  	(tag) =	ssettag $0x2  }
0x52f: {  	s0 =	rddreg [dreg:$0x0];
	s2 =	stileid.u32  }
0x530: {  	s1 =	rddreg [dreg:$0x1];
	p0 =	sne.s32 s2, $0x0  }
0x531: {  	s3 =	rddreg [dreg:$0x2];
	[bflag:$0x3] =	sbarrier.arrive $0xFFFF;
	s2 =	simm.s32 @!p0 $0x1C05  }
0x532: {  	[timem:s3], [sflag:s2] =	dma.local @!p0 [hbm:s0], s1  }
0x533: {  	s0 =	simm.s32 @!p0 $0x5  }
0x534: {  	_ =	swait.ge @!p0 [sflag:s0], s1  }
0x535: {  	s1 =	ssub.s32 @!p0 $0x0, s1;
	[sflag:s0] =	ssyncset.done @!p0 $0x0  }
0x536: {  	[sflag:s0] =	ssyncadd.s32 @!p0 s1  }
0x537: {  	[bflag:$0x3] =	sbarrier.arrive $0xFFFF  }
0x538: {  	_ =	shalt  }

</sc_bundles>
